<compile_context>
chip_gen: v7x
topology: tpu7x:2x2x1
jax: 0.10.2.dev20260603
libtpu: 0.0.44.dev20260713+nightly
codegen_flags: <defaults>
</compile_context>

<pallas_src>
import functools

import jax
import jax.numpy as jnp
from jax import lax
from jax.experimental import pallas as pl
from jax.experimental.pallas import tpu as pltpu
from jax.experimental.pallas import tpu_sc as plsc

_NC = 2
_NS = 16
_NW = _NC * _NS
_L = 16


def _index_fill_sc(m_rows: int, d: int, b_idx: int):
    ch = 128
    cs = 16
    nfull = m_rows // ch
    kfull = nfull // _NW
    extra = nfull - kfull * _NW
    tail = m_rows - nfull * ch
    tail_owner = nfull % _NW
    nbuf = 4
    nvec = b_idx // _L
    lane_cap = nvec + cs
    scan_per_k = -(-nvec // kfull)
    chw = ch * d
    mesh = plsc.VectorSubcoreMesh(core_axis_name="c", subcore_axis_name="s")

    @functools.partial(
        pl.kernel,
        out_type=jax.ShapeDtypeStruct((m_rows, d), jnp.float32),
        mesh=mesh,
        scratch_types=(
            [pltpu.VMEM((ch, d), jnp.float32) for _ in range(nbuf)]
            + [
                pltpu.VMEM((b_idx,), jnp.int32),
                pltpu.VMEM((_L * lane_cap,), jnp.int32),
                pltpu.VMEM((cs, d), jnp.float32),
            ]
            + [pltpu.SemaphoreType.DMA for _ in range(2 * nbuf + 1)]
        ),
        compiler_params=pltpu.CompilerParams(needs_layout_passes=False),
    )
    def fill_kernel(x_hbm, idx_hbm, val_hbm, out_hbm, *rest):
        bufs = rest[:nbuf]
        idx_v, list_v, val_v = rest[nbuf:nbuf + 3]
        sems_in = rest[nbuf + 3:nbuf + 3 + nbuf]
        sems_out = rest[nbuf + 3 + nbuf:nbuf + 3 + 2 * nbuf]
        scat_sem = rest[-1]
        wid = lax.axis_index("s") * _NC + lax.axis_index("c")

        pltpu.sync_copy(idx_hbm, idx_v)
        pltpu.sync_copy(val_hbm, val_v)

        lane_base = lax.iota(jnp.int32, _L) * lane_cap

        def row0(k):
            return (wid + k * _NW) * ch

        def scan_body(i, carry):
            cnt_l, lastv = carry
            v = idx_v[pl.ds(i * _L, _L)]
            g = lax.shift_right_logical(v, 7)
            m = (g & (_NW - 1)) == wid
            plsc.store_scatter(list_v, (lane_base + cnt_l,), v, mask=m)
            return cnt_l + m.astype(jnp.int32), jnp.where(m, v, lastv)

        carry = (jnp.zeros((_L,), jnp.int32), jnp.full((_L,), -1, jnp.int32))

        out_d = [None] * kfull
        for k in range(kfull):
            b = k % nbuf
            if k >= nbuf:
                out_d[k - nbuf].wait()
            pltpu.sync_copy(x_hbm.at[pl.ds(row0(k), ch)], bufs[b])
            c = pltpu.make_async_copy(
                bufs[b], out_hbm.at[pl.ds(row0(k), ch)], sems_out[b])
            c.start()
            out_d[k] = c
            lo = min(k * scan_per_k, nvec)
            hi = min((k + 1) * scan_per_k, nvec)
            if lo < hi:
                carry = lax.fori_loop(lo, hi, scan_body, carry)
        for k in range(max(0, kfull - nbuf), kfull):
            out_d[k].wait()

        if extra > 0:
            @pl.when(wid < extra)
            def _extra_chunk():
                r = (kfull * _NW + wid) * ch
                pltpu.sync_copy(x_hbm.at[pl.ds(r, ch)], bufs[0])
                pltpu.sync_copy(bufs[0], out_hbm.at[pl.ds(r, ch)])

        if tail > 0:
            @pl.when(wid == tail_owner)
            def _tail_chunk():
                r = nfull * ch
                pltpu.sync_copy(x_hbm.at[pl.ds(r, tail)],
                                bufs[1].at[pl.ds(0, tail)])
                pltpu.sync_copy(bufs[1].at[pl.ds(0, tail)],
                                out_hbm.at[pl.ds(r, tail)])

        cnt_l, lastv = carry
        lane_iota = lax.iota(jnp.int32, _L)
        n_grp_l = []
        for lane in range(_L):
            cnt = cnt_l[lane]
            pad = jnp.broadcast_to(lastv[lane], (_L,))
            plsc.store_scatter(
                list_v, (lane * lane_cap + cnt + lane_iota,), pad)
            n_grp = lax.shift_right_logical(cnt + (cs - 1), 4)
            n_grp_l.append(n_grp)

            def fire(q, c, _lane=lane):
                pltpu.sync_copy(
                    val_v,
                    out_hbm.at[list_v.at[pl.ds(_lane * lane_cap + q * cs, cs)]])
                return c

            lax.fori_loop(0, n_grp, fire, 0)
        del n_grp_l

    return fill_kernel


def kernel(x, dim, index, value):
    m_rows, d = x.shape
    b_idx = index.shape[0]
    idx32 = index.astype(jnp.int32)
    val_arr = jnp.full((16, d), value, dtype=jnp.float32)
    fn = _index_fill_sc(m_rows, d, b_idx)
    return fn(x, idx32, val_arr)

# --- scband reference (transcript-rebuilt; emitter-appended) ---
"""Pipeline reference for scband-torch-ops-aten-index-fill-dimname-scalar-module-53987738910796 (READ-ONLY COPY).

The authoritative reference and input builder live on the scoring server;
editing this copy changes nothing except your own understanding.
"""

import jax, jax.numpy as jnp
import numpy as np

M = 100000
D = 128
B = 16384

def setup_inputs(seed: int = 0) -> dict:
    key = jax.random.key(seed)
    k1, k2 = jax.random.split(key)
    x = jax.random.normal(k1, (M, D), dtype=jnp.float32)
    index = jax.random.randint(k2, (B,), 0, M, dtype=jnp.int64)
    return {"x": x, "dim": 0, "index": index, "value": 0}

def reference(x, dim, index, value):
    # torch.ops.aten.index_fill_.Dimname_Scalar with dim=0:
    # overwrite rows of x selected by index with scalar value.
    # dim is fixed to 0 (the named dim) in this configuration.
    return x.at[index].set(jnp.float32(value))

if __name__ == "__main__":
    import jax
    _d = setup_inputs()
    print(jax.jit(kernel)(*tuple(_d.values())))

</pallas_src>

<mosaic_0001>
#map = affine_map<(d0, d1) -> (0, 0)>
#map1 = affine_map<(d0, d1) -> (0)>
module attributes {stable_mosaic.version = 14 : i64} {
  func.func @fill_kernel(%arg0: i32, %arg1: i32, %arg2: memref<100000x128xf32, #tpu.memory_space<hbm>>, %arg3: memref<16384xi32, #tpu.memory_space<hbm>>, %arg4: memref<16x128xf32, #tpu.memory_space<hbm>>, %arg5: memref<100000x128xf32, #tpu.memory_space<hbm>>, %arg6: memref<128x128xf32, #tpu.memory_space<vmem>>, %arg7: memref<128x128xf32, #tpu.memory_space<vmem>>, %arg8: memref<128x128xf32, #tpu.memory_space<vmem>>, %arg9: memref<128x128xf32, #tpu.memory_space<vmem>>, %arg10: memref<16384xi32, #tpu.memory_space<vmem>>, %arg11: memref<16640xi32, #tpu.memory_space<vmem>>, %arg12: memref<16x128xf32, #tpu.memory_space<vmem>>, %arg13: memref<!tpu.dma_semaphore, #tpu.memory_space<semaphore_mem>>, %arg14: memref<!tpu.dma_semaphore, #tpu.memory_space<semaphore_mem>>, %arg15: memref<!tpu.dma_semaphore, #tpu.memory_space<semaphore_mem>>, %arg16: memref<!tpu.dma_semaphore, #tpu.memory_space<semaphore_mem>>, %arg17: memref<!tpu.dma_semaphore, #tpu.memory_space<semaphore_mem>>, %arg18: memref<!tpu.dma_semaphore, #tpu.memory_space<semaphore_mem>>, %arg19: memref<!tpu.dma_semaphore, #tpu.memory_space<semaphore_mem>>, %arg20: memref<!tpu.dma_semaphore, #tpu.memory_space<semaphore_mem>>, %arg21: memref<!tpu.dma_semaphore, #tpu.memory_space<semaphore_mem>>) attributes {dimension_semantics = [#tpu.dimension_semantics<core_parallel>, #tpu.dimension_semantics<subcore_parallel>], iteration_bounds = array<i64: 2, 16>, scalar_prefetch = 0 : i64, scratch_operands = 16 : i64, tpu.core_type = #tpu.core_type<sc_vector_subcore>, window_params = [{transform_indices = #map}, {transform_indices = #map1}, {transform_indices = #map}, {transform_indices = #map}]} {
    %mul3A = arith.constant 2 : i32
    %mul3A_0 = arith.muli %arg1, %mul3A : i32
    %add3A = arith.addi %mul3A_0, %arg0 : i32
    "tpu.region"() ({
      %run_scoped3A = tpu.sem_alloc : memref<!tpu.dma_semaphore, #tpu.memory_space<semaphore_mem>>
      tpu.enqueue_dma source(%arg3 : memref<16384xi32, #tpu.memory_space<hbm>>) target(%arg10 : memref<16384xi32, #tpu.memory_space<vmem>>) target_semaphore(%run_scoped3A : memref<!tpu.dma_semaphore, #tpu.memory_space<semaphore_mem>>)
      tpu.wait_dma2 semaphore(%run_scoped3A : memref<!tpu.dma_semaphore, #tpu.memory_space<semaphore_mem>>) src(%arg3 : memref<16384xi32, #tpu.memory_space<hbm>>) dst(%arg10 : memref<16384xi32, #tpu.memory_space<vmem>>)
      tpu.yield
    }) : () -> ()
    "tpu.region"() ({
      %run_scoped3A = tpu.sem_alloc : memref<!tpu.dma_semaphore, #tpu.memory_space<semaphore_mem>>
      tpu.enqueue_dma source(%arg4 : memref<16x128xf32, #tpu.memory_space<hbm>>) target(%arg12 : memref<16x128xf32, #tpu.memory_space<vmem>>) target_semaphore(%run_scoped3A : memref<!tpu.dma_semaphore, #tpu.memory_space<semaphore_mem>>)
      tpu.wait_dma2 semaphore(%run_scoped3A : memref<!tpu.dma_semaphore, #tpu.memory_space<semaphore_mem>>) src(%arg4 : memref<16x128xf32, #tpu.memory_space<hbm>>) dst(%arg12 : memref<16x128xf32, #tpu.memory_space<vmem>>)
      tpu.yield
    }) : () -> ()
    %iota3A = tpu.iota {dimensions = array<i32: 0>} : vector<16xi32>
    %mul3A_1 = arith.constant 1040 : i32
    %mul3A_2 = vector.broadcast %mul3A_1 : i32 to vector<16xi32>
    %mul3A_3 = arith.muli %iota3A, %mul3A_2 : vector<16xi32>
    %broadcast_in_dim3A = arith.constant 0 : i32
    %broadcast_in_dim3A_4 = vector.broadcast %broadcast_in_dim3A : i32 to vector<16xi32>
    %broadcast_in_dim3A_5 = arith.constant -1 : i32
    %broadcast_in_dim3A_6 = vector.broadcast %broadcast_in_dim3A_5 : i32 to vector<16xi32>
    %add3A_7 = arith.constant 0 : i32
    %add3A_8 = arith.addi %add3A, %add3A_7 : i32
    %mul3A_9 = arith.constant 128 : i32
    %mul3A_10 = arith.muli %add3A_8, %mul3A_9 : i32
    "tpu.region"() ({
      %run_scoped3A = tpu.sem_alloc : memref<!tpu.dma_semaphore, #tpu.memory_space<semaphore_mem>>
      %dma_start3A_903 = arith.constant 0 : i32
      %dma_start3A_904 = tpu.memref_slice %arg2[%mul3A_10, %dma_start3A_903] : memref<100000x128xf32, #tpu.memory_space<hbm>> -> memref<128x128xf32, #tpu.memory_space<hbm>>
      %dma_start3A_905 = arith.constant 0 : i32
      %dma_start3A_906 = tpu.memref_slice %arg2[%mul3A_10, %dma_start3A_905] : memref<100000x128xf32, #tpu.memory_space<hbm>> -> memref<128x128xf32, #tpu.memory_space<hbm>>
      tpu.enqueue_dma source(%dma_start3A_906 : memref<128x128xf32, #tpu.memory_space<hbm>>) target(%arg6 : memref<128x128xf32, #tpu.memory_space<vmem>>) target_semaphore(%run_scoped3A : memref<!tpu.dma_semaphore, #tpu.memory_space<semaphore_mem>>)
      %dma_wait3A_907 = arith.constant 0 : i32
      %dma_wait3A_908 = tpu.memref_slice %arg2[%mul3A_10, %dma_wait3A_907] : memref<100000x128xf32, #tpu.memory_space<hbm>> -> memref<128x128xf32, #tpu.memory_space<hbm>>
      %dma_wait3A_909 = arith.constant 0 : i32
      %dma_wait3A_910 = tpu.memref_slice %arg2[%mul3A_10, %dma_wait3A_909] : memref<100000x128xf32, #tpu.memory_space<hbm>> -> memref<128x128xf32, #tpu.memory_space<hbm>>
      tpu.wait_dma2 semaphore(%run_scoped3A : memref<!tpu.dma_semaphore, #tpu.memory_space<semaphore_mem>>) src(%dma_wait3A_910 : memref<128x128xf32, #tpu.memory_space<hbm>>) dst(%arg6 : memref<128x128xf32, #tpu.memory_space<vmem>>)
      tpu.yield
    }) : () -> ()
    %add3A_11 = arith.constant 0 : i32
    %add3A_12 = arith.addi %add3A, %add3A_11 : i32
    %mul3A_13 = arith.constant 128 : i32
    %mul3A_14 = arith.muli %add3A_12, %mul3A_13 : i32
    %dma_start3A = arith.constant 0 : i32
    %dma_start3A_15 = tpu.memref_slice %arg5[%mul3A_14, %dma_start3A] : memref<100000x128xf32, #tpu.memory_space<hbm>> -> memref<128x128xf32, #tpu.memory_space<hbm>>
    %dma_start3A_16 = arith.constant 0 : i32
    %dma_start3A_17 = tpu.memref_slice %arg5[%mul3A_14, %dma_start3A_16] : memref<100000x128xf32, #tpu.memory_space<hbm>> -> memref<128x128xf32, #tpu.memory_space<hbm>>
    tpu.enqueue_dma source(%arg6 : memref<128x128xf32, #tpu.memory_space<vmem>>) target(%dma_start3A_17 : memref<128x128xf32, #tpu.memory_space<hbm>>) target_semaphore(%arg17 : memref<!tpu.dma_semaphore, #tpu.memory_space<semaphore_mem>>)
    %scan3A = arith.constant 0 : i32
    %scan3A_18 = arith.constant 43 : i32
    %scan3A_19 = arith.addi %scan3A, %scan3A_18 : i32
    %scan3A_20 = arith.constant 1 : i32
    %scan3A_21:2 = scf.for %scan3A_903 = %scan3A to %scan3A_19 step %scan3A_20 iter_args(%scan3A_904 = %broadcast_in_dim3A_4, %scan3A_905 = %broadcast_in_dim3A_6) -> (vector<16xi32>, vector<16xi32>)  : i32 {
      %mul3A_906 = arith.constant 16 : i32
      %mul3A_907 = arith.muli %scan3A_903, %mul3A_906 : i32
      %get3A = arith.index_cast %mul3A_907 : i32 to index
      %get3A_908 = tpu.vector_load %arg10[%get3A] {strides = array<i32>} : memref<16384xi32, #tpu.memory_space<vmem>>, vector<16xi32>,
      %shift_right_logical3A_909 = arith.constant 7 : i32
      %shift_right_logical3A_910 = vector.broadcast %shift_right_logical3A_909 : i32 to vector<16xi32>
      %shift_right_logical3A_911 = arith.shrui %get3A_908, %shift_right_logical3A_910 : vector<16xi32>
      %and3A = arith.constant 31 : i32
      %and3A_912 = vector.broadcast %and3A : i32 to vector<16xi32>
      %and3A_913 = arith.andi %shift_right_logical3A_911, %and3A_912 : vector<16xi32>
      %eq3A_914 = vector.broadcast %add3A : i32 to vector<16xi32>
      %eq3A_915 = arith.cmpi eq, %and3A_913, %eq3A_914 : vector<16xi32>
      %add3A_916 = arith.addi %mul3A_3, %scan3A_904 : vector<16xi32>
      tpu.vector_store_idx %arg11[%add3A_916], %get3A_908 masked %eq3A_915 : memref<16640xi32, #tpu.memory_space<vmem>>[vector<16xi32>], vector<16xi32>, vector<16xi1>
      %convert_element_type3A_917 = arith.extui %eq3A_915 : vector<16xi1> to vector<16xi32>
      %add3A_918 = arith.addi %scan3A_904, %convert_element_type3A_917 : vector<16xi32>
      %select_n3A = arith.select %eq3A_915, %get3A_908, %scan3A_905 : vector<16xi1>, vector<16xi32>
      scf.yield %add3A_918, %select_n3A : vector<16xi32>, vector<16xi32>
    }
    %scan3A_22 = arith.constant 43 : i32
    %add3A_23 = arith.constant 32 : i32
    %add3A_24 = arith.addi %add3A, %add3A_23 : i32
    %mul3A_25 = arith.constant 128 : i32
    %mul3A_26 = arith.muli %add3A_24, %mul3A_25 : i32
    "tpu.region"() ({
      %run_scoped3A = tpu.sem_alloc : memref<!tpu.dma_semaphore, #tpu.memory_space<semaphore_mem>>
      %dma_start3A_903 = arith.constant 0 : i32
      %dma_start3A_904 = tpu.memref_slice %arg2[%mul3A_26, %dma_start3A_903] : memref<100000x128xf32, #tpu.memory_space<hbm>> -> memref<128x128xf32, #tpu.memory_space<hbm>>
      %dma_start3A_905 = arith.constant 0 : i32
      %dma_start3A_906 = tpu.memref_slice %arg2[%mul3A_26, %dma_start3A_905] : memref<100000x128xf32, #tpu.memory_space<hbm>> -> memref<128x128xf32, #tpu.memory_space<hbm>>
      tpu.enqueue_dma source(%dma_start3A_906 : memref<128x128xf32, #tpu.memory_space<hbm>>) target(%arg7 : memref<128x128xf32, #tpu.memory_space<vmem>>) target_semaphore(%run_scoped3A : memref<!tpu.dma_semaphore, #tpu.memory_space<semaphore_mem>>)
      %dma_wait3A_907 = arith.constant 0 : i32
      %dma_wait3A_908 = tpu.memref_slice %arg2[%mul3A_26, %dma_wait3A_907] : memref<100000x128xf32, #tpu.memory_space<hbm>> -> memref<128x128xf32, #tpu.memory_space<hbm>>
      %dma_wait3A_909 = arith.constant 0 : i32
      %dma_wait3A_910 = tpu.memref_slice %arg2[%mul3A_26, %dma_wait3A_909] : memref<100000x128xf32, #tpu.memory_space<hbm>> -> memref<128x128xf32, #tpu.memory_space<hbm>>
      tpu.wait_dma2 semaphore(%run_scoped3A : memref<!tpu.dma_semaphore, #tpu.memory_space<semaphore_mem>>) src(%dma_wait3A_910 : memref<128x128xf32, #tpu.memory_space<hbm>>) dst(%arg7 : memref<128x128xf32, #tpu.memory_space<vmem>>)
      tpu.yield
    }) : () -> ()
    %add3A_27 = arith.constant 32 : i32
    %add3A_28 = arith.addi %add3A, %add3A_27 : i32
    %mul3A_29 = arith.constant 128 : i32
    %mul3A_30 = arith.muli %add3A_28, %mul3A_29 : i32
    %dma_start3A_31 = arith.constant 0 : i32
    %dma_start3A_32 = tpu.memref_slice %arg5[%mul3A_30, %dma_start3A_31] : memref<100000x128xf32, #tpu.memory_space<hbm>> -> memref<128x128xf32, #tpu.memory_space<hbm>>
    %dma_start3A_33 = arith.constant 0 : i32
    %dma_start3A_34 = tpu.memref_slice %arg5[%mul3A_30, %dma_start3A_33] : memref<100000x128xf32, #tpu.memory_space<hbm>> -> memref<128x128xf32, #tpu.memory_space<hbm>>
    tpu.enqueue_dma source(%arg7 : memref<128x128xf32, #tpu.memory_space<vmem>>) target(%dma_start3A_34 : memref<128x128xf32, #tpu.memory_space<hbm>>) target_semaphore(%arg18 : memref<!tpu.dma_semaphore, #tpu.memory_space<semaphore_mem>>)
    %scan3A_35 = arith.constant 43 : i32
    %scan3A_36 = arith.constant 43 : i32
    %scan3A_37 = arith.addi %scan3A_35, %scan3A_36 : i32
    %scan3A_38 = arith.constant 1 : i32
    %scan3A_39:2 = scf.for %scan3A_903 = %scan3A_35 to %scan3A_37 step %scan3A_38 iter_args(%scan3A_904 = %scan3A_21#0, %scan3A_905 = %scan3A_21#1) -> (vector<16xi32>, vector<16xi32>)  : i32 {
      %mul3A_906 = arith.constant 16 : i32
      %mul3A_907 = arith.muli %scan3A_903, %mul3A_906 : i32
      %get3A = arith.index_cast %mul3A_907 : i32 to index
      %get3A_908 = tpu.vector_load %arg10[%get3A] {strides = array<i32>} : memref<16384xi32, #tpu.memory_space<vmem>>, vector<16xi32>,
      %shift_right_logical3A_909 = arith.constant 7 : i32
      %shift_right_logical3A_910 = vector.broadcast %shift_right_logical3A_909 : i32 to vector<16xi32>
      %shift_right_logical3A_911 = arith.shrui %get3A_908, %shift_right_logical3A_910 : vector<16xi32>
      %and3A = arith.constant 31 : i32
      %and3A_912 = vector.broadcast %and3A : i32 to vector<16xi32>
      %and3A_913 = arith.andi %shift_right_logical3A_911, %and3A_912 : vector<16xi32>
      %eq3A_914 = vector.broadcast %add3A : i32 to vector<16xi32>
      %eq3A_915 = arith.cmpi eq, %and3A_913, %eq3A_914 : vector<16xi32>
      %add3A_916 = arith.addi %mul3A_3, %scan3A_904 : vector<16xi32>
      tpu.vector_store_idx %arg11[%add3A_916], %get3A_908 masked %eq3A_915 : memref<16640xi32, #tpu.memory_space<vmem>>[vector<16xi32>], vector<16xi32>, vector<16xi1>
      %convert_element_type3A_917 = arith.extui %eq3A_915 : vector<16xi1> to vector<16xi32>
      %add3A_918 = arith.addi %scan3A_904, %convert_element_type3A_917 : vector<16xi32>
      %select_n3A = arith.select %eq3A_915, %get3A_908, %scan3A_905 : vector<16xi1>, vector<16xi32>
      scf.yield %add3A_918, %select_n3A : vector<16xi32>, vector<16xi32>
    }
    %scan3A_40 = arith.constant 43 : i32
    %add3A_41 = arith.constant 64 : i32
    %add3A_42 = arith.addi %add3A, %add3A_41 : i32
    %mul3A_43 = arith.constant 128 : i32
    %mul3A_44 = arith.muli %add3A_42, %mul3A_43 : i32
    "tpu.region"() ({
      %run_scoped3A = tpu.sem_alloc : memref<!tpu.dma_semaphore, #tpu.memory_space<semaphore_mem>>
      %dma_start3A_903 = arith.constant 0 : i32
      %dma_start3A_904 = tpu.memref_slice %arg2[%mul3A_44, %dma_start3A_903] : memref<100000x128xf32, #tpu.memory_space<hbm>> -> memref<128x128xf32, #tpu.memory_space<hbm>>
      %dma_start3A_905 = arith.constant 0 : i32
      %dma_start3A_906 = tpu.memref_slice %arg2[%mul3A_44, %dma_start3A_905] : memref<100000x128xf32, #tpu.memory_space<hbm>> -> memref<128x128xf32, #tpu.memory_space<hbm>>
      tpu.enqueue_dma source(%dma_start3A_906 : memref<128x128xf32, #tpu.memory_space<hbm>>) target(%arg8 : memref<128x128xf32, #tpu.memory_space<vmem>>) target_semaphore(%run_scoped3A : memref<!tpu.dma_semaphore, #tpu.memory_space<semaphore_mem>>)
      %dma_wait3A_907 = arith.constant 0 : i32
      %dma_wait3A_908 = tpu.memref_slice %arg2[%mul3A_44, %dma_wait3A_907] : memref<100000x128xf32, #tpu.memory_space<hbm>> -> memref<128x128xf32, #tpu.memory_space<hbm>>
      %dma_wait3A_909 = arith.constant 0 : i32
      %dma_wait3A_910 = tpu.memref_slice %arg2[%mul3A_44, %dma_wait3A_909] : memref<100000x128xf32, #tpu.memory_space<hbm>> -> memref<128x128xf32, #tpu.memory_space<hbm>>
      tpu.wait_dma2 semaphore(%run_scoped3A : memref<!tpu.dma_semaphore, #tpu.memory_space<semaphore_mem>>) src(%dma_wait3A_910 : memref<128x128xf32, #tpu.memory_space<hbm>>) dst(%arg8 : memref<128x128xf32, #tpu.memory_space<vmem>>)
      tpu.yield
    }) : () -> ()
    %add3A_45 = arith.constant 64 : i32
    %add3A_46 = arith.addi %add3A, %add3A_45 : i32
    %mul3A_47 = arith.constant 128 : i32
    %mul3A_48 = arith.muli %add3A_46, %mul3A_47 : i32
    %dma_start3A_49 = arith.constant 0 : i32
    %dma_start3A_50 = tpu.memref_slice %arg5[%mul3A_48, %dma_start3A_49] : memref<100000x128xf32, #tpu.memory_space<hbm>> -> memref<128x128xf32, #tpu.memory_space<hbm>>
    %dma_start3A_51 = arith.constant 0 : i32
    %dma_start3A_52 = tpu.memref_slice %arg5[%mul3A_48, %dma_start3A_51] : memref<100000x128xf32, #tpu.memory_space<hbm>> -> memref<128x128xf32, #tpu.memory_space<hbm>>
    tpu.enqueue_dma source(%arg8 : memref<128x128xf32, #tpu.memory_space<vmem>>) target(%dma_start3A_52 : memref<128x128xf32, #tpu.memory_space<hbm>>) target_semaphore(%arg19 : memref<!tpu.dma_semaphore, #tpu.memory_space<semaphore_mem>>)
    %scan3A_53 = arith.constant 86 : i32
    %scan3A_54 = arith.constant 43 : i32
    %scan3A_55 = arith.addi %scan3A_53, %scan3A_54 : i32
    %scan3A_56 = arith.constant 1 : i32
    %scan3A_57:2 = scf.for %scan3A_903 = %scan3A_53 to %scan3A_55 step %scan3A_56 iter_args(%scan3A_904 = %scan3A_39#0, %scan3A_905 = %scan3A_39#1) -> (vector<16xi32>, vector<16xi32>)  : i32 {
      %mul3A_906 = arith.constant 16 : i32
      %mul3A_907 = arith.muli %scan3A_903, %mul3A_906 : i32
      %get3A = arith.index_cast %mul3A_907 : i32 to index
      %get3A_908 = tpu.vector_load %arg10[%get3A] {strides = array<i32>} : memref<16384xi32, #tpu.memory_space<vmem>>, vector<16xi32>,
      %shift_right_logical3A_909 = arith.constant 7 : i32
      %shift_right_logical3A_910 = vector.broadcast %shift_right_logical3A_909 : i32 to vector<16xi32>
      %shift_right_logical3A_911 = arith.shrui %get3A_908, %shift_right_logical3A_910 : vector<16xi32>
      %and3A = arith.constant 31 : i32
      %and3A_912 = vector.broadcast %and3A : i32 to vector<16xi32>
      %and3A_913 = arith.andi %shift_right_logical3A_911, %and3A_912 : vector<16xi32>
      %eq3A_914 = vector.broadcast %add3A : i32 to vector<16xi32>
      %eq3A_915 = arith.cmpi eq, %and3A_913, %eq3A_914 : vector<16xi32>
      %add3A_916 = arith.addi %mul3A_3, %scan3A_904 : vector<16xi32>
      tpu.vector_store_idx %arg11[%add3A_916], %get3A_908 masked %eq3A_915 : memref<16640xi32, #tpu.memory_space<vmem>>[vector<16xi32>], vector<16xi32>, vector<16xi1>
      %convert_element_type3A_917 = arith.extui %eq3A_915 : vector<16xi1> to vector<16xi32>
      %add3A_918 = arith.addi %scan3A_904, %convert_element_type3A_917 : vector<16xi32>
      %select_n3A = arith.select %eq3A_915, %get3A_908, %scan3A_905 : vector<16xi1>, vector<16xi32>
      scf.yield %add3A_918, %select_n3A : vector<16xi32>, vector<16xi32>
    }
    %scan3A_58 = arith.constant 43 : i32
    %add3A_59 = arith.constant 96 : i32
    %add3A_60 = arith.addi %add3A, %add3A_59 : i32
    %mul3A_61 = arith.constant 128 : i32
    %mul3A_62 = arith.muli %add3A_60, %mul3A_61 : i32
    "tpu.region"() ({
      %run_scoped3A = tpu.sem_alloc : memref<!tpu.dma_semaphore, #tpu.memory_space<semaphore_mem>>
      %dma_start3A_903 = arith.constant 0 : i32
      %dma_start3A_904 = tpu.memref_slice %arg2[%mul3A_62, %dma_start3A_903] : memref<100000x128xf32, #tpu.memory_space<hbm>> -> memref<128x128xf32, #tpu.memory_space<hbm>>
      %dma_start3A_905 = arith.constant 0 : i32
      %dma_start3A_906 = tpu.memref_slice %arg2[%mul3A_62, %dma_start3A_905] : memref<100000x128xf32, #tpu.memory_space<hbm>> -> memref<128x128xf32, #tpu.memory_space<hbm>>
      tpu.enqueue_dma source(%dma_start3A_906 : memref<128x128xf32, #tpu.memory_space<hbm>>) target(%arg9 : memref<128x128xf32, #tpu.memory_space<vmem>>) target_semaphore(%run_scoped3A : memref<!tpu.dma_semaphore, #tpu.memory_space<semaphore_mem>>)
      %dma_wait3A_907 = arith.constant 0 : i32
      %dma_wait3A_908 = tpu.memref_slice %arg2[%mul3A_62, %dma_wait3A_907] : memref<100000x128xf32, #tpu.memory_space<hbm>> -> memref<128x128xf32, #tpu.memory_space<hbm>>
      %dma_wait3A_909 = arith.constant 0 : i32
      %dma_wait3A_910 = tpu.memref_slice %arg2[%mul3A_62, %dma_wait3A_909] : memref<100000x128xf32, #tpu.memory_space<hbm>> -> memref<128x128xf32, #tpu.memory_space<hbm>>
      tpu.wait_dma2 semaphore(%run_scoped3A : memref<!tpu.dma_semaphore, #tpu.memory_space<semaphore_mem>>) src(%dma_wait3A_910 : memref<128x128xf32, #tpu.memory_space<hbm>>) dst(%arg9 : memref<128x128xf32, #tpu.memory_space<vmem>>)
      tpu.yield
    }) : () -> ()
    %add3A_63 = arith.constant 96 : i32
    %add3A_64 = arith.addi %add3A, %add3A_63 : i32
    %mul3A_65 = arith.constant 128 : i32
    %mul3A_66 = arith.muli %add3A_64, %mul3A_65 : i32
    %dma_start3A_67 = arith.constant 0 : i32
    %dma_start3A_68 = tpu.memref_slice %arg5[%mul3A_66, %dma_start3A_67] : memref<100000x128xf32, #tpu.memory_space<hbm>> -> memref<128x128xf32, #tpu.memory_space<hbm>>
    %dma_start3A_69 = arith.constant 0 : i32
    %dma_start3A_70 = tpu.memref_slice %arg5[%mul3A_66, %dma_start3A_69] : memref<100000x128xf32, #tpu.memory_space<hbm>> -> memref<128x128xf32, #tpu.memory_space<hbm>>
    tpu.enqueue_dma source(%arg9 : memref<128x128xf32, #tpu.memory_space<vmem>>) target(%dma_start3A_70 : memref<128x128xf32, #tpu.memory_space<hbm>>) target_semaphore(%arg20 : memref<!tpu.dma_semaphore, #tpu.memory_space<semaphore_mem>>)
    %scan3A_71 = arith.constant 129 : i32
    %scan3A_72 = arith.constant 43 : i32
    %scan3A_73 = arith.addi %scan3A_71, %scan3A_72 : i32
    %scan3A_74 = arith.constant 1 : i32
    %scan3A_75:2 = scf.for %scan3A_903 = %scan3A_71 to %scan3A_73 step %scan3A_74 iter_args(%scan3A_904 = %scan3A_57#0, %scan3A_905 = %scan3A_57#1) -> (vector<16xi32>, vector<16xi32>)  : i32 {
      %mul3A_906 = arith.constant 16 : i32
      %mul3A_907 = arith.muli %scan3A_903, %mul3A_906 : i32
      %get3A = arith.index_cast %mul3A_907 : i32 to index
      %get3A_908 = tpu.vector_load %arg10[%get3A] {strides = array<i32>} : memref<16384xi32, #tpu.memory_space<vmem>>, vector<16xi32>,
      %shift_right_logical3A_909 = arith.constant 7 : i32
      %shift_right_logical3A_910 = vector.broadcast %shift_right_logical3A_909 : i32 to vector<16xi32>
      %shift_right_logical3A_911 = arith.shrui %get3A_908, %shift_right_logical3A_910 : vector<16xi32>
      %and3A = arith.constant 31 : i32
      %and3A_912 = vector.broadcast %and3A : i32 to vector<16xi32>
      %and3A_913 = arith.andi %shift_right_logical3A_911, %and3A_912 : vector<16xi32>
      %eq3A_914 = vector.broadcast %add3A : i32 to vector<16xi32>
      %eq3A_915 = arith.cmpi eq, %and3A_913, %eq3A_914 : vector<16xi32>
      %add3A_916 = arith.addi %mul3A_3, %scan3A_904 : vector<16xi32>
      tpu.vector_store_idx %arg11[%add3A_916], %get3A_908 masked %eq3A_915 : memref<16640xi32, #tpu.memory_space<vmem>>[vector<16xi32>], vector<16xi32>, vector<16xi1>
      %convert_element_type3A_917 = arith.extui %eq3A_915 : vector<16xi1> to vector<16xi32>
      %add3A_918 = arith.addi %scan3A_904, %convert_element_type3A_917 : vector<16xi32>
      %select_n3A = arith.select %eq3A_915, %get3A_908, %scan3A_905 : vector<16xi1>, vector<16xi32>
      scf.yield %add3A_918, %select_n3A : vector<16xi32>, vector<16xi32>
    }
    %scan3A_76 = arith.constant 43 : i32
    %dma_wait3A = arith.constant 0 : i32
    %dma_wait3A_77 = tpu.memref_slice %arg5[%mul3A_14, %dma_wait3A] : memref<100000x128xf32, #tpu.memory_space<hbm>> -> memref<128x128xf32, #tpu.memory_space<hbm>>
    %dma_wait3A_78 = arith.constant 0 : i32
    %dma_wait3A_79 = tpu.memref_slice %arg5[%mul3A_14, %dma_wait3A_78] : memref<100000x128xf32, #tpu.memory_space<hbm>> -> memref<128x128xf32, #tpu.memory_space<hbm>>
    tpu.wait_dma2 semaphore(%arg17 : memref<!tpu.dma_semaphore, #tpu.memory_space<semaphore_mem>>) src(%arg6 : memref<128x128xf32, #tpu.memory_space<vmem>>) dst(%dma_wait3A_79 : memref<128x128xf32, #tpu.memory_space<hbm>>)
    %add3A_80 = arith.constant 128 : i32
    %add3A_81 = arith.addi %add3A, %add3A_80 : i32
    %mul3A_82 = arith.constant 128 : i32
    %mul3A_83 = arith.muli %add3A_81, %mul3A_82 : i32
    "tpu.region"() ({
      %run_scoped3A = tpu.sem_alloc : memref<!tpu.dma_semaphore, #tpu.memory_space<semaphore_mem>>
      %dma_start3A_903 = arith.constant 0 : i32
      %dma_start3A_904 = tpu.memref_slice %arg2[%mul3A_83, %dma_start3A_903] : memref<100000x128xf32, #tpu.memory_space<hbm>> -> memref<128x128xf32, #tpu.memory_space<hbm>>
      %dma_start3A_905 = arith.constant 0 : i32
      %dma_start3A_906 = tpu.memref_slice %arg2[%mul3A_83, %dma_start3A_905] : memref<100000x128xf32, #tpu.memory_space<hbm>> -> memref<128x128xf32, #tpu.memory_space<hbm>>
      tpu.enqueue_dma source(%dma_start3A_906 : memref<128x128xf32, #tpu.memory_space<hbm>>) target(%arg6 : memref<128x128xf32, #tpu.memory_space<vmem>>) target_semaphore(%run_scoped3A : memref<!tpu.dma_semaphore, #tpu.memory_space<semaphore_mem>>)
      %dma_wait3A_907 = arith.constant 0 : i32
      %dma_wait3A_908 = tpu.memref_slice %arg2[%mul3A_83, %dma_wait3A_907] : memref<100000x128xf32, #tpu.memory_space<hbm>> -> memref<128x128xf32, #tpu.memory_space<hbm>>
      %dma_wait3A_909 = arith.constant 0 : i32
      %dma_wait3A_910 = tpu.memref_slice %arg2[%mul3A_83, %dma_wait3A_909] : memref<100000x128xf32, #tpu.memory_space<hbm>> -> memref<128x128xf32, #tpu.memory_space<hbm>>
      tpu.wait_dma2 semaphore(%run_scoped3A : memref<!tpu.dma_semaphore, #tpu.memory_space<semaphore_mem>>) src(%dma_wait3A_910 : memref<128x128xf32, #tpu.memory_space<hbm>>) dst(%arg6 : memref<128x128xf32, #tpu.memory_space<vmem>>)
      tpu.yield
    }) : () -> ()
    %add3A_84 = arith.constant 128 : i32
    %add3A_85 = arith.addi %add3A, %add3A_84 : i32
    %mul3A_86 = arith.constant 128 : i32
    %mul3A_87 = arith.muli %add3A_85, %mul3A_86 : i32
    %dma_start3A_88 = arith.constant 0 : i32
    %dma_start3A_89 = tpu.memref_slice %arg5[%mul3A_87, %dma_start3A_88] : memref<100000x128xf32, #tpu.memory_space<hbm>> -> memref<128x128xf32, #tpu.memory_space<hbm>>
    %dma_start3A_90 = arith.constant 0 : i32
    %dma_start3A_91 = tpu.memref_slice %arg5[%mul3A_87, %dma_start3A_90] : memref<100000x128xf32, #tpu.memory_space<hbm>> -> memref<128x128xf32, #tpu.memory_space<hbm>>
    tpu.enqueue_dma source(%arg6 : memref<128x128xf32, #tpu.memory_space<vmem>>) target(%dma_start3A_91 : memref<128x128xf32, #tpu.memory_space<hbm>>) target_semaphore(%arg17 : memref<!tpu.dma_semaphore, #tpu.memory_space<semaphore_mem>>)
    %scan3A_92 = arith.constant 172 : i32
    %scan3A_93 = arith.constant 43 : i32
    %scan3A_94 = arith.addi %scan3A_92, %scan3A_93 : i32
    %scan3A_95 = arith.constant 1 : i32
    %scan3A_96:2 = scf.for %scan3A_903 = %scan3A_92 to %scan3A_94 step %scan3A_95 iter_args(%scan3A_904 = %scan3A_75#0, %scan3A_905 = %scan3A_75#1) -> (vector<16xi32>, vector<16xi32>)  : i32 {
      %mul3A_906 = arith.constant 16 : i32
      %mul3A_907 = arith.muli %scan3A_903, %mul3A_906 : i32
      %get3A = arith.index_cast %mul3A_907 : i32 to index
      %get3A_908 = tpu.vector_load %arg10[%get3A] {strides = array<i32>} : memref<16384xi32, #tpu.memory_space<vmem>>, vector<16xi32>,
      %shift_right_logical3A_909 = arith.constant 7 : i32
      %shift_right_logical3A_910 = vector.broadcast %shift_right_logical3A_909 : i32 to vector<16xi32>
      %shift_right_logical3A_911 = arith.shrui %get3A_908, %shift_right_logical3A_910 : vector<16xi32>
      %and3A = arith.constant 31 : i32
      %and3A_912 = vector.broadcast %and3A : i32 to vector<16xi32>
      %and3A_913 = arith.andi %shift_right_logical3A_911, %and3A_912 : vector<16xi32>
      %eq3A_914 = vector.broadcast %add3A : i32 to vector<16xi32>
      %eq3A_915 = arith.cmpi eq, %and3A_913, %eq3A_914 : vector<16xi32>
      %add3A_916 = arith.addi %mul3A_3, %scan3A_904 : vector<16xi32>
      tpu.vector_store_idx %arg11[%add3A_916], %get3A_908 masked %eq3A_915 : memref<16640xi32, #tpu.memory_space<vmem>>[vector<16xi32>], vector<16xi32>, vector<16xi1>
      %convert_element_type3A_917 = arith.extui %eq3A_915 : vector<16xi1> to vector<16xi32>
      %add3A_918 = arith.addi %scan3A_904, %convert_element_type3A_917 : vector<16xi32>
      %select_n3A = arith.select %eq3A_915, %get3A_908, %scan3A_905 : vector<16xi1>, vector<16xi32>
      scf.yield %add3A_918, %select_n3A : vector<16xi32>, vector<16xi32>
    }
    %scan3A_97 = arith.constant 43 : i32
    %dma_wait3A_98 = arith.constant 0 : i32
    %dma_wait3A_99 = tpu.memref_slice %arg5[%mul3A_30, %dma_wait3A_98] : memref<100000x128xf32, #tpu.memory_space<hbm>> -> memref<128x128xf32, #tpu.memory_space<hbm>>
    %dma_wait3A_100 = arith.constant 0 : i32
    %dma_wait3A_101 = tpu.memref_slice %arg5[%mul3A_30, %dma_wait3A_100] : memref<100000x128xf32, #tpu.memory_space<hbm>> -> memref<128x128xf32, #tpu.memory_space<hbm>>
    tpu.wait_dma2 semaphore(%arg18 : memref<!tpu.dma_semaphore, #tpu.memory_space<semaphore_mem>>) src(%arg7 : memref<128x128xf32, #tpu.memory_space<vmem>>) dst(%dma_wait3A_101 : memref<128x128xf32, #tpu.memory_space<hbm>>)
    %add3A_102 = arith.constant 160 : i32
    %add3A_103 = arith.addi %add3A, %add3A_102 : i32
    %mul3A_104 = arith.constant 128 : i32
    %mul3A_105 = arith.muli %add3A_103, %mul3A_104 : i32
    "tpu.region"() ({
      %run_scoped3A = tpu.sem_alloc : memref<!tpu.dma_semaphore, #tpu.memory_space<semaphore_mem>>
      %dma_start3A_903 = arith.constant 0 : i32
      %dma_start3A_904 = tpu.memref_slice %arg2[%mul3A_105, %dma_start3A_903] : memref<100000x128xf32, #tpu.memory_space<hbm>> -> memref<128x128xf32, #tpu.memory_space<hbm>>
      %dma_start3A_905 = arith.constant 0 : i32
      %dma_start3A_906 = tpu.memref_slice %arg2[%mul3A_105, %dma_start3A_905] : memref<100000x128xf32, #tpu.memory_space<hbm>> -> memref<128x128xf32, #tpu.memory_space<hbm>>
      tpu.enqueue_dma source(%dma_start3A_906 : memref<128x128xf32, #tpu.memory_space<hbm>>) target(%arg7 : memref<128x128xf32, #tpu.memory_space<vmem>>) target_semaphore(%run_scoped3A : memref<!tpu.dma_semaphore, #tpu.memory_space<semaphore_mem>>)
      %dma_wait3A_907 = arith.constant 0 : i32
      %dma_wait3A_908 = tpu.memref_slice %arg2[%mul3A_105, %dma_wait3A_907] : memref<100000x128xf32, #tpu.memory_space<hbm>> -> memref<128x128xf32, #tpu.memory_space<hbm>>
      %dma_wait3A_909 = arith.constant 0 : i32
      %dma_wait3A_910 = tpu.memref_slice %arg2[%mul3A_105, %dma_wait3A_909] : memref<100000x128xf32, #tpu.memory_space<hbm>> -> memref<128x128xf32, #tpu.memory_space<hbm>>
      tpu.wait_dma2 semaphore(%run_scoped3A : memref<!tpu.dma_semaphore, #tpu.memory_space<semaphore_mem>>) src(%dma_wait3A_910 : memref<128x128xf32, #tpu.memory_space<hbm>>) dst(%arg7 : memref<128x128xf32, #tpu.memory_space<vmem>>)
      tpu.yield
    }) : () -> ()
    %add3A_106 = arith.constant 160 : i32
    %add3A_107 = arith.addi %add3A, %add3A_106 : i32
    %mul3A_108 = arith.constant 128 : i32
    %mul3A_109 = arith.muli %add3A_107, %mul3A_108 : i32
    %dma_start3A_110 = arith.constant 0 : i32
    %dma_start3A_111 = tpu.memref_slice %arg5[%mul3A_109, %dma_start3A_110] : memref<100000x128xf32, #tpu.memory_space<hbm>> -> memref<128x128xf32, #tpu.memory_space<hbm>>
    %dma_start3A_112 = arith.constant 0 : i32
    %dma_start3A_113 = tpu.memref_slice %arg5[%mul3A_109, %dma_start3A_112] : memref<100000x128xf32, #tpu.memory_space<hbm>> -> memref<128x128xf32, #tpu.memory_space<hbm>>
    tpu.enqueue_dma source(%arg7 : memref<128x128xf32, #tpu.memory_space<vmem>>) target(%dma_start3A_113 : memref<128x128xf32, #tpu.memory_space<hbm>>) target_semaphore(%arg18 : memref<!tpu.dma_semaphore, #tpu.memory_space<semaphore_mem>>)
    %scan3A_114 = arith.constant 215 : i32
    %scan3A_115 = arith.constant 43 : i32
    %scan3A_116 = arith.addi %scan3A_114, %scan3A_115 : i32
    %scan3A_117 = arith.constant 1 : i32
    %scan3A_118:2 = scf.for %scan3A_903 = %scan3A_114 to %scan3A_116 step %scan3A_117 iter_args(%scan3A_904 = %scan3A_96#0, %scan3A_905 = %scan3A_96#1) -> (vector<16xi32>, vector<16xi32>)  : i32 {
      %mul3A_906 = arith.constant 16 : i32
      %mul3A_907 = arith.muli %scan3A_903, %mul3A_906 : i32
      %get3A = arith.index_cast %mul3A_907 : i32 to index
      %get3A_908 = tpu.vector_load %arg10[%get3A] {strides = array<i32>} : memref<16384xi32, #tpu.memory_space<vmem>>, vector<16xi32>,
      %shift_right_logical3A_909 = arith.constant 7 : i32
      %shift_right_logical3A_910 = vector.broadcast %shift_right_logical3A_909 : i32 to vector<16xi32>
      %shift_right_logical3A_911 = arith.shrui %get3A_908, %shift_right_logical3A_910 : vector<16xi32>
      %and3A = arith.constant 31 : i32
      %and3A_912 = vector.broadcast %and3A : i32 to vector<16xi32>
      %and3A_913 = arith.andi %shift_right_logical3A_911, %and3A_912 : vector<16xi32>
      %eq3A_914 = vector.broadcast %add3A : i32 to vector<16xi32>
      %eq3A_915 = arith.cmpi eq, %and3A_913, %eq3A_914 : vector<16xi32>
      %add3A_916 = arith.addi %mul3A_3, %scan3A_904 : vector<16xi32>
      tpu.vector_store_idx %arg11[%add3A_916], %get3A_908 masked %eq3A_915 : memref<16640xi32, #tpu.memory_space<vmem>>[vector<16xi32>], vector<16xi32>, vector<16xi1>
      %convert_element_type3A_917 = arith.extui %eq3A_915 : vector<16xi1> to vector<16xi32>
      %add3A_918 = arith.addi %scan3A_904, %convert_element_type3A_917 : vector<16xi32>
      %select_n3A = arith.select %eq3A_915, %get3A_908, %scan3A_905 : vector<16xi1>, vector<16xi32>
      scf.yield %add3A_918, %select_n3A : vector<16xi32>, vector<16xi32>
    }
    %scan3A_119 = arith.constant 43 : i32
    %dma_wait3A_120 = arith.constant 0 : i32
    %dma_wait3A_121 = tpu.memref_slice %arg5[%mul3A_48, %dma_wait3A_120] : memref<100000x128xf32, #tpu.memory_space<hbm>> -> memref<128x128xf32, #tpu.memory_space<hbm>>
    %dma_wait3A_122 = arith.constant 0 : i32
    %dma_wait3A_123 = tpu.memref_slice %arg5[%mul3A_48, %dma_wait3A_122] : memref<100000x128xf32, #tpu.memory_space<hbm>> -> memref<128x128xf32, #tpu.memory_space<hbm>>
    tpu.wait_dma2 semaphore(%arg19 : memref<!tpu.dma_semaphore, #tpu.memory_space<semaphore_mem>>) src(%arg8 : memref<128x128xf32, #tpu.memory_space<vmem>>) dst(%dma_wait3A_123 : memref<128x128xf32, #tpu.memory_space<hbm>>)
    %add3A_124 = arith.constant 192 : i32
    %add3A_125 = arith.addi %add3A, %add3A_124 : i32
    %mul3A_126 = arith.constant 128 : i32
    %mul3A_127 = arith.muli %add3A_125, %mul3A_126 : i32
    "tpu.region"() ({
      %run_scoped3A = tpu.sem_alloc : memref<!tpu.dma_semaphore, #tpu.memory_space<semaphore_mem>>
      %dma_start3A_903 = arith.constant 0 : i32
      %dma_start3A_904 = tpu.memref_slice %arg2[%mul3A_127, %dma_start3A_903] : memref<100000x128xf32, #tpu.memory_space<hbm>> -> memref<128x128xf32, #tpu.memory_space<hbm>>
      %dma_start3A_905 = arith.constant 0 : i32
      %dma_start3A_906 = tpu.memref_slice %arg2[%mul3A_127, %dma_start3A_905] : memref<100000x128xf32, #tpu.memory_space<hbm>> -> memref<128x128xf32, #tpu.memory_space<hbm>>
      tpu.enqueue_dma source(%dma_start3A_906 : memref<128x128xf32, #tpu.memory_space<hbm>>) target(%arg8 : memref<128x128xf32, #tpu.memory_space<vmem>>) target_semaphore(%run_scoped3A : memref<!tpu.dma_semaphore, #tpu.memory_space<semaphore_mem>>)
      %dma_wait3A_907 = arith.constant 0 : i32
      %dma_wait3A_908 = tpu.memref_slice %arg2[%mul3A_127, %dma_wait3A_907] : memref<100000x128xf32, #tpu.memory_space<hbm>> -> memref<128x128xf32, #tpu.memory_space<hbm>>
      %dma_wait3A_909 = arith.constant 0 : i32
      %dma_wait3A_910 = tpu.memref_slice %arg2[%mul3A_127, %dma_wait3A_909] : memref<100000x128xf32, #tpu.memory_space<hbm>> -> memref<128x128xf32, #tpu.memory_space<hbm>>
      tpu.wait_dma2 semaphore(%run_scoped3A : memref<!tpu.dma_semaphore, #tpu.memory_space<semaphore_mem>>) src(%dma_wait3A_910 : memref<128x128xf32, #tpu.memory_space<hbm>>) dst(%arg8 : memref<128x128xf32, #tpu.memory_space<vmem>>)
      tpu.yield
    }) : () -> ()
    %add3A_128 = arith.constant 192 : i32
    %add3A_129 = arith.addi %add3A, %add3A_128 : i32
    %mul3A_130 = arith.constant 128 : i32
    %mul3A_131 = arith.muli %add3A_129, %mul3A_130 : i32
    %dma_start3A_132 = arith.constant 0 : i32
    %dma_start3A_133 = tpu.memref_slice %arg5[%mul3A_131, %dma_start3A_132] : memref<100000x128xf32, #tpu.memory_space<hbm>> -> memref<128x128xf32, #tpu.memory_space<hbm>>
    %dma_start3A_134 = arith.constant 0 : i32
    %dma_start3A_135 = tpu.memref_slice %arg5[%mul3A_131, %dma_start3A_134] : memref<100000x128xf32, #tpu.memory_space<hbm>> -> memref<128x128xf32, #tpu.memory_space<hbm>>
    tpu.enqueue_dma source(%arg8 : memref<128x128xf32, #tpu.memory_space<vmem>>) target(%dma_start3A_135 : memref<128x128xf32, #tpu.memory_space<hbm>>) target_semaphore(%arg19 : memref<!tpu.dma_semaphore, #tpu.memory_space<semaphore_mem>>)
    %scan3A_136 = arith.constant 258 : i32
    %scan3A_137 = arith.constant 43 : i32
    %scan3A_138 = arith.addi %scan3A_136, %scan3A_137 : i32
    %scan3A_139 = arith.constant 1 : i32
    %scan3A_140:2 = scf.for %scan3A_903 = %scan3A_136 to %scan3A_138 step %scan3A_139 iter_args(%scan3A_904 = %scan3A_118#0, %scan3A_905 = %scan3A_118#1) -> (vector<16xi32>, vector<16xi32>)  : i32 {
      %mul3A_906 = arith.constant 16 : i32
      %mul3A_907 = arith.muli %scan3A_903, %mul3A_906 : i32
      %get3A = arith.index_cast %mul3A_907 : i32 to index
      %get3A_908 = tpu.vector_load %arg10[%get3A] {strides = array<i32>} : memref<16384xi32, #tpu.memory_space<vmem>>, vector<16xi32>,
      %shift_right_logical3A_909 = arith.constant 7 : i32
      %shift_right_logical3A_910 = vector.broadcast %shift_right_logical3A_909 : i32 to vector<16xi32>
      %shift_right_logical3A_911 = arith.shrui %get3A_908, %shift_right_logical3A_910 : vector<16xi32>
      %and3A = arith.constant 31 : i32
      %and3A_912 = vector.broadcast %and3A : i32 to vector<16xi32>
      %and3A_913 = arith.andi %shift_right_logical3A_911, %and3A_912 : vector<16xi32>
      %eq3A_914 = vector.broadcast %add3A : i32 to vector<16xi32>
      %eq3A_915 = arith.cmpi eq, %and3A_913, %eq3A_914 : vector<16xi32>
      %add3A_916 = arith.addi %mul3A_3, %scan3A_904 : vector<16xi32>
      tpu.vector_store_idx %arg11[%add3A_916], %get3A_908 masked %eq3A_915 : memref<16640xi32, #tpu.memory_space<vmem>>[vector<16xi32>], vector<16xi32>, vector<16xi1>
      %convert_element_type3A_917 = arith.extui %eq3A_915 : vector<16xi1> to vector<16xi32>
      %add3A_918 = arith.addi %scan3A_904, %convert_element_type3A_917 : vector<16xi32>
      %select_n3A = arith.select %eq3A_915, %get3A_908, %scan3A_905 : vector<16xi1>, vector<16xi32>
      scf.yield %add3A_918, %select_n3A : vector<16xi32>, vector<16xi32>
    }
    %scan3A_141 = arith.constant 43 : i32
    %dma_wait3A_142 = arith.constant 0 : i32
    %dma_wait3A_143 = tpu.memref_slice %arg5[%mul3A_66, %dma_wait3A_142] : memref<100000x128xf32, #tpu.memory_space<hbm>> -> memref<128x128xf32, #tpu.memory_space<hbm>>
    %dma_wait3A_144 = arith.constant 0 : i32
    %dma_wait3A_145 = tpu.memref_slice %arg5[%mul3A_66, %dma_wait3A_144] : memref<100000x128xf32, #tpu.memory_space<hbm>> -> memref<128x128xf32, #tpu.memory_space<hbm>>
    tpu.wait_dma2 semaphore(%arg20 : memref<!tpu.dma_semaphore, #tpu.memory_space<semaphore_mem>>) src(%arg9 : memref<128x128xf32, #tpu.memory_space<vmem>>) dst(%dma_wait3A_145 : memref<128x128xf32, #tpu.memory_space<hbm>>)
    %add3A_146 = arith.constant 224 : i32
    %add3A_147 = arith.addi %add3A, %add3A_146 : i32
    %mul3A_148 = arith.constant 128 : i32
    %mul3A_149 = arith.muli %add3A_147, %mul3A_148 : i32
    "tpu.region"() ({
      %run_scoped3A = tpu.sem_alloc : memref<!tpu.dma_semaphore, #tpu.memory_space<semaphore_mem>>
      %dma_start3A_903 = arith.constant 0 : i32
      %dma_start3A_904 = tpu.memref_slice %arg2[%mul3A_149, %dma_start3A_903] : memref<100000x128xf32, #tpu.memory_space<hbm>> -> memref<128x128xf32, #tpu.memory_space<hbm>>
      %dma_start3A_905 = arith.constant 0 : i32
      %dma_start3A_906 = tpu.memref_slice %arg2[%mul3A_149, %dma_start3A_905] : memref<100000x128xf32, #tpu.memory_space<hbm>> -> memref<128x128xf32, #tpu.memory_space<hbm>>
      tpu.enqueue_dma source(%dma_start3A_906 : memref<128x128xf32, #tpu.memory_space<hbm>>) target(%arg9 : memref<128x128xf32, #tpu.memory_space<vmem>>) target_semaphore(%run_scoped3A : memref<!tpu.dma_semaphore, #tpu.memory_space<semaphore_mem>>)
      %dma_wait3A_907 = arith.constant 0 : i32
      %dma_wait3A_908 = tpu.memref_slice %arg2[%mul3A_149, %dma_wait3A_907] : memref<100000x128xf32, #tpu.memory_space<hbm>> -> memref<128x128xf32, #tpu.memory_space<hbm>>
      %dma_wait3A_909 = arith.constant 0 : i32
      %dma_wait3A_910 = tpu.memref_slice %arg2[%mul3A_149, %dma_wait3A_909] : memref<100000x128xf32, #tpu.memory_space<hbm>> -> memref<128x128xf32, #tpu.memory_space<hbm>>
      tpu.wait_dma2 semaphore(%run_scoped3A : memref<!tpu.dma_semaphore, #tpu.memory_space<semaphore_mem>>) src(%dma_wait3A_910 : memref<128x128xf32, #tpu.memory_space<hbm>>) dst(%arg9 : memref<128x128xf32, #tpu.memory_space<vmem>>)
      tpu.yield
    }) : () -> ()
    %add3A_150 = arith.constant 224 : i32
    %add3A_151 = arith.addi %add3A, %add3A_150 : i32
    %mul3A_152 = arith.constant 128 : i32
    %mul3A_153 = arith.muli %add3A_151, %mul3A_152 : i32
    %dma_start3A_154 = arith.constant 0 : i32
    %dma_start3A_155 = tpu.memref_slice %arg5[%mul3A_153, %dma_start3A_154] : memref<100000x128xf32, #tpu.memory_space<hbm>> -> memref<128x128xf32, #tpu.memory_space<hbm>>
    %dma_start3A_156 = arith.constant 0 : i32
    %dma_start3A_157 = tpu.memref_slice %arg5[%mul3A_153, %dma_start3A_156] : memref<100000x128xf32, #tpu.memory_space<hbm>> -> memref<128x128xf32, #tpu.memory_space<hbm>>
    tpu.enqueue_dma source(%arg9 : memref<128x128xf32, #tpu.memory_space<vmem>>) target(%dma_start3A_157 : memref<128x128xf32, #tpu.memory_space<hbm>>) target_semaphore(%arg20 : memref<!tpu.dma_semaphore, #tpu.memory_space<semaphore_mem>>)
    %scan3A_158 = arith.constant 301 : i32
    %scan3A_159 = arith.constant 43 : i32
    %scan3A_160 = arith.addi %scan3A_158, %scan3A_159 : i32
    %scan3A_161 = arith.constant 1 : i32
    %scan3A_162:2 = scf.for %scan3A_903 = %scan3A_158 to %scan3A_160 step %scan3A_161 iter_args(%scan3A_904 = %scan3A_140#0, %scan3A_905 = %scan3A_140#1) -> (vector<16xi32>, vector<16xi32>)  : i32 {
      %mul3A_906 = arith.constant 16 : i32
      %mul3A_907 = arith.muli %scan3A_903, %mul3A_906 : i32
      %get3A = arith.index_cast %mul3A_907 : i32 to index
      %get3A_908 = tpu.vector_load %arg10[%get3A] {strides = array<i32>} : memref<16384xi32, #tpu.memory_space<vmem>>, vector<16xi32>,
      %shift_right_logical3A_909 = arith.constant 7 : i32
      %shift_right_logical3A_910 = vector.broadcast %shift_right_logical3A_909 : i32 to vector<16xi32>
      %shift_right_logical3A_911 = arith.shrui %get3A_908, %shift_right_logical3A_910 : vector<16xi32>
      %and3A = arith.constant 31 : i32
      %and3A_912 = vector.broadcast %and3A : i32 to vector<16xi32>
      %and3A_913 = arith.andi %shift_right_logical3A_911, %and3A_912 : vector<16xi32>
      %eq3A_914 = vector.broadcast %add3A : i32 to vector<16xi32>
      %eq3A_915 = arith.cmpi eq, %and3A_913, %eq3A_914 : vector<16xi32>
      %add3A_916 = arith.addi %mul3A_3, %scan3A_904 : vector<16xi32>
      tpu.vector_store_idx %arg11[%add3A_916], %get3A_908 masked %eq3A_915 : memref<16640xi32, #tpu.memory_space<vmem>>[vector<16xi32>], vector<16xi32>, vector<16xi1>
      %convert_element_type3A_917 = arith.extui %eq3A_915 : vector<16xi1> to vector<16xi32>
      %add3A_918 = arith.addi %scan3A_904, %convert_element_type3A_917 : vector<16xi32>
      %select_n3A = arith.select %eq3A_915, %get3A_908, %scan3A_905 : vector<16xi1>, vector<16xi32>
      scf.yield %add3A_918, %select_n3A : vector<16xi32>, vector<16xi32>
    }
    %scan3A_163 = arith.constant 43 : i32
    %dma_wait3A_164 = arith.constant 0 : i32
    %dma_wait3A_165 = tpu.memref_slice %arg5[%mul3A_87, %dma_wait3A_164] : memref<100000x128xf32, #tpu.memory_space<hbm>> -> memref<128x128xf32, #tpu.memory_space<hbm>>
    %dma_wait3A_166 = arith.constant 0 : i32
    %dma_wait3A_167 = tpu.memref_slice %arg5[%mul3A_87, %dma_wait3A_166] : memref<100000x128xf32, #tpu.memory_space<hbm>> -> memref<128x128xf32, #tpu.memory_space<hbm>>
    tpu.wait_dma2 semaphore(%arg17 : memref<!tpu.dma_semaphore, #tpu.memory_space<semaphore_mem>>) src(%arg6 : memref<128x128xf32, #tpu.memory_space<vmem>>) dst(%dma_wait3A_167 : memref<128x128xf32, #tpu.memory_space<hbm>>)
    %add3A_168 = arith.constant 256 : i32
    %add3A_169 = arith.addi %add3A, %add3A_168 : i32
    %mul3A_170 = arith.constant 128 : i32
    %mul3A_171 = arith.muli %add3A_169, %mul3A_170 : i32
    "tpu.region"() ({
      %run_scoped3A = tpu.sem_alloc : memref<!tpu.dma_semaphore, #tpu.memory_space<semaphore_mem>>
      %dma_start3A_903 = arith.constant 0 : i32
      %dma_start3A_904 = tpu.memref_slice %arg2[%mul3A_171, %dma_start3A_903] : memref<100000x128xf32, #tpu.memory_space<hbm>> -> memref<128x128xf32, #tpu.memory_space<hbm>>
      %dma_start3A_905 = arith.constant 0 : i32
      %dma_start3A_906 = tpu.memref_slice %arg2[%mul3A_171, %dma_start3A_905] : memref<100000x128xf32, #tpu.memory_space<hbm>> -> memref<128x128xf32, #tpu.memory_space<hbm>>
      tpu.enqueue_dma source(%dma_start3A_906 : memref<128x128xf32, #tpu.memory_space<hbm>>) target(%arg6 : memref<128x128xf32, #tpu.memory_space<vmem>>) target_semaphore(%run_scoped3A : memref<!tpu.dma_semaphore, #tpu.memory_space<semaphore_mem>>)
      %dma_wait3A_907 = arith.constant 0 : i32
      %dma_wait3A_908 = tpu.memref_slice %arg2[%mul3A_171, %dma_wait3A_907] : memref<100000x128xf32, #tpu.memory_space<hbm>> -> memref<128x128xf32, #tpu.memory_space<hbm>>
      %dma_wait3A_909 = arith.constant 0 : i32
      %dma_wait3A_910 = tpu.memref_slice %arg2[%mul3A_171, %dma_wait3A_909] : memref<100000x128xf32, #tpu.memory_space<hbm>> -> memref<128x128xf32, #tpu.memory_space<hbm>>
      tpu.wait_dma2 semaphore(%run_scoped3A : memref<!tpu.dma_semaphore, #tpu.memory_space<semaphore_mem>>) src(%dma_wait3A_910 : memref<128x128xf32, #tpu.memory_space<hbm>>) dst(%arg6 : memref<128x128xf32, #tpu.memory_space<vmem>>)
      tpu.yield
    }) : () -> ()
    %add3A_172 = arith.constant 256 : i32
    %add3A_173 = arith.addi %add3A, %add3A_172 : i32
    %mul3A_174 = arith.constant 128 : i32
    %mul3A_175 = arith.muli %add3A_173, %mul3A_174 : i32
    %dma_start3A_176 = arith.constant 0 : i32
    %dma_start3A_177 = tpu.memref_slice %arg5[%mul3A_175, %dma_start3A_176] : memref<100000x128xf32, #tpu.memory_space<hbm>> -> memref<128x128xf32, #tpu.memory_space<hbm>>
    %dma_start3A_178 = arith.constant 0 : i32
    %dma_start3A_179 = tpu.memref_slice %arg5[%mul3A_175, %dma_start3A_178] : memref<100000x128xf32, #tpu.memory_space<hbm>> -> memref<128x128xf32, #tpu.memory_space<hbm>>
    tpu.enqueue_dma source(%arg6 : memref<128x128xf32, #tpu.memory_space<vmem>>) target(%dma_start3A_179 : memref<128x128xf32, #tpu.memory_space<hbm>>) target_semaphore(%arg17 : memref<!tpu.dma_semaphore, #tpu.memory_space<semaphore_mem>>)
    %scan3A_180 = arith.constant 344 : i32
    %scan3A_181 = arith.constant 43 : i32
    %scan3A_182 = arith.addi %scan3A_180, %scan3A_181 : i32
    %scan3A_183 = arith.constant 1 : i32
    %scan3A_184:2 = scf.for %scan3A_903 = %scan3A_180 to %scan3A_182 step %scan3A_183 iter_args(%scan3A_904 = %scan3A_162#0, %scan3A_905 = %scan3A_162#1) -> (vector<16xi32>, vector<16xi32>)  : i32 {
      %mul3A_906 = arith.constant 16 : i32
      %mul3A_907 = arith.muli %scan3A_903, %mul3A_906 : i32
      %get3A = arith.index_cast %mul3A_907 : i32 to index
      %get3A_908 = tpu.vector_load %arg10[%get3A] {strides = array<i32>} : memref<16384xi32, #tpu.memory_space<vmem>>, vector<16xi32>,
      %shift_right_logical3A_909 = arith.constant 7 : i32
      %shift_right_logical3A_910 = vector.broadcast %shift_right_logical3A_909 : i32 to vector<16xi32>
      %shift_right_logical3A_911 = arith.shrui %get3A_908, %shift_right_logical3A_910 : vector<16xi32>
      %and3A = arith.constant 31 : i32
      %and3A_912 = vector.broadcast %and3A : i32 to vector<16xi32>
      %and3A_913 = arith.andi %shift_right_logical3A_911, %and3A_912 : vector<16xi32>
      %eq3A_914 = vector.broadcast %add3A : i32 to vector<16xi32>
      %eq3A_915 = arith.cmpi eq, %and3A_913, %eq3A_914 : vector<16xi32>
      %add3A_916 = arith.addi %mul3A_3, %scan3A_904 : vector<16xi32>
      tpu.vector_store_idx %arg11[%add3A_916], %get3A_908 masked %eq3A_915 : memref<16640xi32, #tpu.memory_space<vmem>>[vector<16xi32>], vector<16xi32>, vector<16xi1>
      %convert_element_type3A_917 = arith.extui %eq3A_915 : vector<16xi1> to vector<16xi32>
      %add3A_918 = arith.addi %scan3A_904, %convert_element_type3A_917 : vector<16xi32>
      %select_n3A = arith.select %eq3A_915, %get3A_908, %scan3A_905 : vector<16xi1>, vector<16xi32>
      scf.yield %add3A_918, %select_n3A : vector<16xi32>, vector<16xi32>
    }
    %scan3A_185 = arith.constant 43 : i32
    %dma_wait3A_186 = arith.constant 0 : i32
    %dma_wait3A_187 = tpu.memref_slice %arg5[%mul3A_109, %dma_wait3A_186] : memref<100000x128xf32, #tpu.memory_space<hbm>> -> memref<128x128xf32, #tpu.memory_space<hbm>>
    %dma_wait3A_188 = arith.constant 0 : i32
    %dma_wait3A_189 = tpu.memref_slice %arg5[%mul3A_109, %dma_wait3A_188] : memref<100000x128xf32, #tpu.memory_space<hbm>> -> memref<128x128xf32, #tpu.memory_space<hbm>>
    tpu.wait_dma2 semaphore(%arg18 : memref<!tpu.dma_semaphore, #tpu.memory_space<semaphore_mem>>) src(%arg7 : memref<128x128xf32, #tpu.memory_space<vmem>>) dst(%dma_wait3A_189 : memref<128x128xf32, #tpu.memory_space<hbm>>)
    %add3A_190 = arith.constant 288 : i32
    %add3A_191 = arith.addi %add3A, %add3A_190 : i32
    %mul3A_192 = arith.constant 128 : i32
    %mul3A_193 = arith.muli %add3A_191, %mul3A_192 : i32
    "tpu.region"() ({
      %run_scoped3A = tpu.sem_alloc : memref<!tpu.dma_semaphore, #tpu.memory_space<semaphore_mem>>
      %dma_start3A_903 = arith.constant 0 : i32
      %dma_start3A_904 = tpu.memref_slice %arg2[%mul3A_193, %dma_start3A_903] : memref<100000x128xf32, #tpu.memory_space<hbm>> -> memref<128x128xf32, #tpu.memory_space<hbm>>
      %dma_start3A_905 = arith.constant 0 : i32
      %dma_start3A_906 = tpu.memref_slice %arg2[%mul3A_193, %dma_start3A_905] : memref<100000x128xf32, #tpu.memory_space<hbm>> -> memref<128x128xf32, #tpu.memory_space<hbm>>
      tpu.enqueue_dma source(%dma_start3A_906 : memref<128x128xf32, #tpu.memory_space<hbm>>) target(%arg7 : memref<128x128xf32, #tpu.memory_space<vmem>>) target_semaphore(%run_scoped3A : memref<!tpu.dma_semaphore, #tpu.memory_space<semaphore_mem>>)
      %dma_wait3A_907 = arith.constant 0 : i32
      %dma_wait3A_908 = tpu.memref_slice %arg2[%mul3A_193, %dma_wait3A_907] : memref<100000x128xf32, #tpu.memory_space<hbm>> -> memref<128x128xf32, #tpu.memory_space<hbm>>
      %dma_wait3A_909 = arith.constant 0 : i32
      %dma_wait3A_910 = tpu.memref_slice %arg2[%mul3A_193, %dma_wait3A_909] : memref<100000x128xf32, #tpu.memory_space<hbm>> -> memref<128x128xf32, #tpu.memory_space<hbm>>
      tpu.wait_dma2 semaphore(%run_scoped3A : memref<!tpu.dma_semaphore, #tpu.memory_space<semaphore_mem>>) src(%dma_wait3A_910 : memref<128x128xf32, #tpu.memory_space<hbm>>) dst(%arg7 : memref<128x128xf32, #tpu.memory_space<vmem>>)
      tpu.yield
    }) : () -> ()
    %add3A_194 = arith.constant 288 : i32
    %add3A_195 = arith.addi %add3A, %add3A_194 : i32
    %mul3A_196 = arith.constant 128 : i32
    %mul3A_197 = arith.muli %add3A_195, %mul3A_196 : i32
    %dma_start3A_198 = arith.constant 0 : i32
    %dma_start3A_199 = tpu.memref_slice %arg5[%mul3A_197, %dma_start3A_198] : memref<100000x128xf32, #tpu.memory_space<hbm>> -> memref<128x128xf32, #tpu.memory_space<hbm>>
    %dma_start3A_200 = arith.constant 0 : i32
    %dma_start3A_201 = tpu.memref_slice %arg5[%mul3A_197, %dma_start3A_200] : memref<100000x128xf32, #tpu.memory_space<hbm>> -> memref<128x128xf32, #tpu.memory_space<hbm>>
    tpu.enqueue_dma source(%arg7 : memref<128x128xf32, #tpu.memory_space<vmem>>) target(%dma_start3A_201 : memref<128x128xf32, #tpu.memory_space<hbm>>) target_semaphore(%arg18 : memref<!tpu.dma_semaphore, #tpu.memory_space<semaphore_mem>>)
    %scan3A_202 = arith.constant 387 : i32
    %scan3A_203 = arith.constant 43 : i32
    %scan3A_204 = arith.addi %scan3A_202, %scan3A_203 : i32
    %scan3A_205 = arith.constant 1 : i32
    %scan3A_206:2 = scf.for %scan3A_903 = %scan3A_202 to %scan3A_204 step %scan3A_205 iter_args(%scan3A_904 = %scan3A_184#0, %scan3A_905 = %scan3A_184#1) -> (vector<16xi32>, vector<16xi32>)  : i32 {
      %mul3A_906 = arith.constant 16 : i32
      %mul3A_907 = arith.muli %scan3A_903, %mul3A_906 : i32
      %get3A = arith.index_cast %mul3A_907 : i32 to index
      %get3A_908 = tpu.vector_load %arg10[%get3A] {strides = array<i32>} : memref<16384xi32, #tpu.memory_space<vmem>>, vector<16xi32>,
      %shift_right_logical3A_909 = arith.constant 7 : i32
      %shift_right_logical3A_910 = vector.broadcast %shift_right_logical3A_909 : i32 to vector<16xi32>
      %shift_right_logical3A_911 = arith.shrui %get3A_908, %shift_right_logical3A_910 : vector<16xi32>
      %and3A = arith.constant 31 : i32
      %and3A_912 = vector.broadcast %and3A : i32 to vector<16xi32>
      %and3A_913 = arith.andi %shift_right_logical3A_911, %and3A_912 : vector<16xi32>
      %eq3A_914 = vector.broadcast %add3A : i32 to vector<16xi32>
      %eq3A_915 = arith.cmpi eq, %and3A_913, %eq3A_914 : vector<16xi32>
      %add3A_916 = arith.addi %mul3A_3, %scan3A_904 : vector<16xi32>
      tpu.vector_store_idx %arg11[%add3A_916], %get3A_908 masked %eq3A_915 : memref<16640xi32, #tpu.memory_space<vmem>>[vector<16xi32>], vector<16xi32>, vector<16xi1>
      %convert_element_type3A_917 = arith.extui %eq3A_915 : vector<16xi1> to vector<16xi32>
      %add3A_918 = arith.addi %scan3A_904, %convert_element_type3A_917 : vector<16xi32>
      %select_n3A = arith.select %eq3A_915, %get3A_908, %scan3A_905 : vector<16xi1>, vector<16xi32>
      scf.yield %add3A_918, %select_n3A : vector<16xi32>, vector<16xi32>
    }
    %scan3A_207 = arith.constant 43 : i32
    %dma_wait3A_208 = arith.constant 0 : i32
    %dma_wait3A_209 = tpu.memref_slice %arg5[%mul3A_131, %dma_wait3A_208] : memref<100000x128xf32, #tpu.memory_space<hbm>> -> memref<128x128xf32, #tpu.memory_space<hbm>>
    %dma_wait3A_210 = arith.constant 0 : i32
    %dma_wait3A_211 = tpu.memref_slice %arg5[%mul3A_131, %dma_wait3A_210] : memref<100000x128xf32, #tpu.memory_space<hbm>> -> memref<128x128xf32, #tpu.memory_space<hbm>>
    tpu.wait_dma2 semaphore(%arg19 : memref<!tpu.dma_semaphore, #tpu.memory_space<semaphore_mem>>) src(%arg8 : memref<128x128xf32, #tpu.memory_space<vmem>>) dst(%dma_wait3A_211 : memref<128x128xf32, #tpu.memory_space<hbm>>)
    %add3A_212 = arith.constant 320 : i32
    %add3A_213 = arith.addi %add3A, %add3A_212 : i32
    %mul3A_214 = arith.constant 128 : i32
    %mul3A_215 = arith.muli %add3A_213, %mul3A_214 : i32
    "tpu.region"() ({
      %run_scoped3A = tpu.sem_alloc : memref<!tpu.dma_semaphore, #tpu.memory_space<semaphore_mem>>
      %dma_start3A_903 = arith.constant 0 : i32
      %dma_start3A_904 = tpu.memref_slice %arg2[%mul3A_215, %dma_start3A_903] : memref<100000x128xf32, #tpu.memory_space<hbm>> -> memref<128x128xf32, #tpu.memory_space<hbm>>
      %dma_start3A_905 = arith.constant 0 : i32
      %dma_start3A_906 = tpu.memref_slice %arg2[%mul3A_215, %dma_start3A_905] : memref<100000x128xf32, #tpu.memory_space<hbm>> -> memref<128x128xf32, #tpu.memory_space<hbm>>
      tpu.enqueue_dma source(%dma_start3A_906 : memref<128x128xf32, #tpu.memory_space<hbm>>) target(%arg8 : memref<128x128xf32, #tpu.memory_space<vmem>>) target_semaphore(%run_scoped3A : memref<!tpu.dma_semaphore, #tpu.memory_space<semaphore_mem>>)
      %dma_wait3A_907 = arith.constant 0 : i32
      %dma_wait3A_908 = tpu.memref_slice %arg2[%mul3A_215, %dma_wait3A_907] : memref<100000x128xf32, #tpu.memory_space<hbm>> -> memref<128x128xf32, #tpu.memory_space<hbm>>
      %dma_wait3A_909 = arith.constant 0 : i32
      %dma_wait3A_910 = tpu.memref_slice %arg2[%mul3A_215, %dma_wait3A_909] : memref<100000x128xf32, #tpu.memory_space<hbm>> -> memref<128x128xf32, #tpu.memory_space<hbm>>
      tpu.wait_dma2 semaphore(%run_scoped3A : memref<!tpu.dma_semaphore, #tpu.memory_space<semaphore_mem>>) src(%dma_wait3A_910 : memref<128x128xf32, #tpu.memory_space<hbm>>) dst(%arg8 : memref<128x128xf32, #tpu.memory_space<vmem>>)
      tpu.yield
    }) : () -> ()
    %add3A_216 = arith.constant 320 : i32
    %add3A_217 = arith.addi %add3A, %add3A_216 : i32
    %mul3A_218 = arith.constant 128 : i32
    %mul3A_219 = arith.muli %add3A_217, %mul3A_218 : i32
    %dma_start3A_220 = arith.constant 0 : i32
    %dma_start3A_221 = tpu.memref_slice %arg5[%mul3A_219, %dma_start3A_220] : memref<100000x128xf32, #tpu.memory_space<hbm>> -> memref<128x128xf32, #tpu.memory_space<hbm>>
    %dma_start3A_222 = arith.constant 0 : i32
    %dma_start3A_223 = tpu.memref_slice %arg5[%mul3A_219, %dma_start3A_222] : memref<100000x128xf32, #tpu.memory_space<hbm>> -> memref<128x128xf32, #tpu.memory_space<hbm>>
    tpu.enqueue_dma source(%arg8 : memref<128x128xf32, #tpu.memory_space<vmem>>) target(%dma_start3A_223 : memref<128x128xf32, #tpu.memory_space<hbm>>) target_semaphore(%arg19 : memref<!tpu.dma_semaphore, #tpu.memory_space<semaphore_mem>>)
    %scan3A_224 = arith.constant 430 : i32
    %scan3A_225 = arith.constant 43 : i32
    %scan3A_226 = arith.addi %scan3A_224, %scan3A_225 : i32
    %scan3A_227 = arith.constant 1 : i32
    %scan3A_228:2 = scf.for %scan3A_903 = %scan3A_224 to %scan3A_226 step %scan3A_227 iter_args(%scan3A_904 = %scan3A_206#0, %scan3A_905 = %scan3A_206#1) -> (vector<16xi32>, vector<16xi32>)  : i32 {
      %mul3A_906 = arith.constant 16 : i32
      %mul3A_907 = arith.muli %scan3A_903, %mul3A_906 : i32
      %get3A = arith.index_cast %mul3A_907 : i32 to index
      %get3A_908 = tpu.vector_load %arg10[%get3A] {strides = array<i32>} : memref<16384xi32, #tpu.memory_space<vmem>>, vector<16xi32>,
      %shift_right_logical3A_909 = arith.constant 7 : i32
      %shift_right_logical3A_910 = vector.broadcast %shift_right_logical3A_909 : i32 to vector<16xi32>
      %shift_right_logical3A_911 = arith.shrui %get3A_908, %shift_right_logical3A_910 : vector<16xi32>
      %and3A = arith.constant 31 : i32
      %and3A_912 = vector.broadcast %and3A : i32 to vector<16xi32>
      %and3A_913 = arith.andi %shift_right_logical3A_911, %and3A_912 : vector<16xi32>
      %eq3A_914 = vector.broadcast %add3A : i32 to vector<16xi32>
      %eq3A_915 = arith.cmpi eq, %and3A_913, %eq3A_914 : vector<16xi32>
      %add3A_916 = arith.addi %mul3A_3, %scan3A_904 : vector<16xi32>
      tpu.vector_store_idx %arg11[%add3A_916], %get3A_908 masked %eq3A_915 : memref<16640xi32, #tpu.memory_space<vmem>>[vector<16xi32>], vector<16xi32>, vector<16xi1>
      %convert_element_type3A_917 = arith.extui %eq3A_915 : vector<16xi1> to vector<16xi32>
      %add3A_918 = arith.addi %scan3A_904, %convert_element_type3A_917 : vector<16xi32>
      %select_n3A = arith.select %eq3A_915, %get3A_908, %scan3A_905 : vector<16xi1>, vector<16xi32>
      scf.yield %add3A_918, %select_n3A : vector<16xi32>, vector<16xi32>
    }
    %scan3A_229 = arith.constant 43 : i32
    %dma_wait3A_230 = arith.constant 0 : i32
    %dma_wait3A_231 = tpu.memref_slice %arg5[%mul3A_153, %dma_wait3A_230] : memref<100000x128xf32, #tpu.memory_space<hbm>> -> memref<128x128xf32, #tpu.memory_space<hbm>>
    %dma_wait3A_232 = arith.constant 0 : i32
    %dma_wait3A_233 = tpu.memref_slice %arg5[%mul3A_153, %dma_wait3A_232] : memref<100000x128xf32, #tpu.memory_space<hbm>> -> memref<128x128xf32, #tpu.memory_space<hbm>>
    tpu.wait_dma2 semaphore(%arg20 : memref<!tpu.dma_semaphore, #tpu.memory_space<semaphore_mem>>) src(%arg9 : memref<128x128xf32, #tpu.memory_space<vmem>>) dst(%dma_wait3A_233 : memref<128x128xf32, #tpu.memory_space<hbm>>)
    %add3A_234 = arith.constant 352 : i32
    %add3A_235 = arith.addi %add3A, %add3A_234 : i32
    %mul3A_236 = arith.constant 128 : i32
    %mul3A_237 = arith.muli %add3A_235, %mul3A_236 : i32
    "tpu.region"() ({
      %run_scoped3A = tpu.sem_alloc : memref<!tpu.dma_semaphore, #tpu.memory_space<semaphore_mem>>
      %dma_start3A_903 = arith.constant 0 : i32
      %dma_start3A_904 = tpu.memref_slice %arg2[%mul3A_237, %dma_start3A_903] : memref<100000x128xf32, #tpu.memory_space<hbm>> -> memref<128x128xf32, #tpu.memory_space<hbm>>
      %dma_start3A_905 = arith.constant 0 : i32
      %dma_start3A_906 = tpu.memref_slice %arg2[%mul3A_237, %dma_start3A_905] : memref<100000x128xf32, #tpu.memory_space<hbm>> -> memref<128x128xf32, #tpu.memory_space<hbm>>
      tpu.enqueue_dma source(%dma_start3A_906 : memref<128x128xf32, #tpu.memory_space<hbm>>) target(%arg9 : memref<128x128xf32, #tpu.memory_space<vmem>>) target_semaphore(%run_scoped3A : memref<!tpu.dma_semaphore, #tpu.memory_space<semaphore_mem>>)
      %dma_wait3A_907 = arith.constant 0 : i32
      %dma_wait3A_908 = tpu.memref_slice %arg2[%mul3A_237, %dma_wait3A_907] : memref<100000x128xf32, #tpu.memory_space<hbm>> -> memref<128x128xf32, #tpu.memory_space<hbm>>
      %dma_wait3A_909 = arith.constant 0 : i32
      %dma_wait3A_910 = tpu.memref_slice %arg2[%mul3A_237, %dma_wait3A_909] : memref<100000x128xf32, #tpu.memory_space<hbm>> -> memref<128x128xf32, #tpu.memory_space<hbm>>
      tpu.wait_dma2 semaphore(%run_scoped3A : memref<!tpu.dma_semaphore, #tpu.memory_space<semaphore_mem>>) src(%dma_wait3A_910 : memref<128x128xf32, #tpu.memory_space<hbm>>) dst(%arg9 : memref<128x128xf32, #tpu.memory_space<vmem>>)
      tpu.yield
    }) : () -> ()
    %add3A_238 = arith.constant 352 : i32
    %add3A_239 = arith.addi %add3A, %add3A_238 : i32
    %mul3A_240 = arith.constant 128 : i32
    %mul3A_241 = arith.muli %add3A_239, %mul3A_240 : i32
    %dma_start3A_242 = arith.constant 0 : i32
    %dma_start3A_243 = tpu.memref_slice %arg5[%mul3A_241, %dma_start3A_242] : memref<100000x128xf32, #tpu.memory_space<hbm>> -> memref<128x128xf32, #tpu.memory_space<hbm>>
    %dma_start3A_244 = arith.constant 0 : i32
    %dma_start3A_245 = tpu.memref_slice %arg5[%mul3A_241, %dma_start3A_244] : memref<100000x128xf32, #tpu.memory_space<hbm>> -> memref<128x128xf32, #tpu.memory_space<hbm>>
    tpu.enqueue_dma source(%arg9 : memref<128x128xf32, #tpu.memory_space<vmem>>) target(%dma_start3A_245 : memref<128x128xf32, #tpu.memory_space<hbm>>) target_semaphore(%arg20 : memref<!tpu.dma_semaphore, #tpu.memory_space<semaphore_mem>>)
    %scan3A_246 = arith.constant 473 : i32
    %scan3A_247 = arith.constant 43 : i32
    %scan3A_248 = arith.addi %scan3A_246, %scan3A_247 : i32
    %scan3A_249 = arith.constant 1 : i32
    %scan3A_250:2 = scf.for %scan3A_903 = %scan3A_246 to %scan3A_248 step %scan3A_249 iter_args(%scan3A_904 = %scan3A_228#0, %scan3A_905 = %scan3A_228#1) -> (vector<16xi32>, vector<16xi32>)  : i32 {
      %mul3A_906 = arith.constant 16 : i32
      %mul3A_907 = arith.muli %scan3A_903, %mul3A_906 : i32
      %get3A = arith.index_cast %mul3A_907 : i32 to index
      %get3A_908 = tpu.vector_load %arg10[%get3A] {strides = array<i32>} : memref<16384xi32, #tpu.memory_space<vmem>>, vector<16xi32>,
      %shift_right_logical3A_909 = arith.constant 7 : i32
      %shift_right_logical3A_910 = vector.broadcast %shift_right_logical3A_909 : i32 to vector<16xi32>
      %shift_right_logical3A_911 = arith.shrui %get3A_908, %shift_right_logical3A_910 : vector<16xi32>
      %and3A = arith.constant 31 : i32
      %and3A_912 = vector.broadcast %and3A : i32 to vector<16xi32>
      %and3A_913 = arith.andi %shift_right_logical3A_911, %and3A_912 : vector<16xi32>
      %eq3A_914 = vector.broadcast %add3A : i32 to vector<16xi32>
      %eq3A_915 = arith.cmpi eq, %and3A_913, %eq3A_914 : vector<16xi32>
      %add3A_916 = arith.addi %mul3A_3, %scan3A_904 : vector<16xi32>
      tpu.vector_store_idx %arg11[%add3A_916], %get3A_908 masked %eq3A_915 : memref<16640xi32, #tpu.memory_space<vmem>>[vector<16xi32>], vector<16xi32>, vector<16xi1>
      %convert_element_type3A_917 = arith.extui %eq3A_915 : vector<16xi1> to vector<16xi32>
      %add3A_918 = arith.addi %scan3A_904, %convert_element_type3A_917 : vector<16xi32>
      %select_n3A = arith.select %eq3A_915, %get3A_908, %scan3A_905 : vector<16xi1>, vector<16xi32>
      scf.yield %add3A_918, %select_n3A : vector<16xi32>, vector<16xi32>
    }
    %scan3A_251 = arith.constant 43 : i32
    %dma_wait3A_252 = arith.constant 0 : i32
    %dma_wait3A_253 = tpu.memref_slice %arg5[%mul3A_175, %dma_wait3A_252] : memref<100000x128xf32, #tpu.memory_space<hbm>> -> memref<128x128xf32, #tpu.memory_space<hbm>>
    %dma_wait3A_254 = arith.constant 0 : i32
    %dma_wait3A_255 = tpu.memref_slice %arg5[%mul3A_175, %dma_wait3A_254] : memref<100000x128xf32, #tpu.memory_space<hbm>> -> memref<128x128xf32, #tpu.memory_space<hbm>>
    tpu.wait_dma2 semaphore(%arg17 : memref<!tpu.dma_semaphore, #tpu.memory_space<semaphore_mem>>) src(%arg6 : memref<128x128xf32, #tpu.memory_space<vmem>>) dst(%dma_wait3A_255 : memref<128x128xf32, #tpu.memory_space<hbm>>)
    %add3A_256 = arith.constant 384 : i32
    %add3A_257 = arith.addi %add3A, %add3A_256 : i32
    %mul3A_258 = arith.constant 128 : i32
    %mul3A_259 = arith.muli %add3A_257, %mul3A_258 : i32
    "tpu.region"() ({
      %run_scoped3A = tpu.sem_alloc : memref<!tpu.dma_semaphore, #tpu.memory_space<semaphore_mem>>
      %dma_start3A_903 = arith.constant 0 : i32
      %dma_start3A_904 = tpu.memref_slice %arg2[%mul3A_259, %dma_start3A_903] : memref<100000x128xf32, #tpu.memory_space<hbm>> -> memref<128x128xf32, #tpu.memory_space<hbm>>
      %dma_start3A_905 = arith.constant 0 : i32
      %dma_start3A_906 = tpu.memref_slice %arg2[%mul3A_259, %dma_start3A_905] : memref<100000x128xf32, #tpu.memory_space<hbm>> -> memref<128x128xf32, #tpu.memory_space<hbm>>
      tpu.enqueue_dma source(%dma_start3A_906 : memref<128x128xf32, #tpu.memory_space<hbm>>) target(%arg6 : memref<128x128xf32, #tpu.memory_space<vmem>>) target_semaphore(%run_scoped3A : memref<!tpu.dma_semaphore, #tpu.memory_space<semaphore_mem>>)
      %dma_wait3A_907 = arith.constant 0 : i32
      %dma_wait3A_908 = tpu.memref_slice %arg2[%mul3A_259, %dma_wait3A_907] : memref<100000x128xf32, #tpu.memory_space<hbm>> -> memref<128x128xf32, #tpu.memory_space<hbm>>
      %dma_wait3A_909 = arith.constant 0 : i32
      %dma_wait3A_910 = tpu.memref_slice %arg2[%mul3A_259, %dma_wait3A_909] : memref<100000x128xf32, #tpu.memory_space<hbm>> -> memref<128x128xf32, #tpu.memory_space<hbm>>
      tpu.wait_dma2 semaphore(%run_scoped3A : memref<!tpu.dma_semaphore, #tpu.memory_space<semaphore_mem>>) src(%dma_wait3A_910 : memref<128x128xf32, #tpu.memory_space<hbm>>) dst(%arg6 : memref<128x128xf32, #tpu.memory_space<vmem>>)
      tpu.yield
    }) : () -> ()
    %add3A_260 = arith.constant 384 : i32
    %add3A_261 = arith.addi %add3A, %add3A_260 : i32
    %mul3A_262 = arith.constant 128 : i32
    %mul3A_263 = arith.muli %add3A_261, %mul3A_262 : i32
    %dma_start3A_264 = arith.constant 0 : i32
    %dma_start3A_265 = tpu.memref_slice %arg5[%mul3A_263, %dma_start3A_264] : memref<100000x128xf32, #tpu.memory_space<hbm>> -> memref<128x128xf32, #tpu.memory_space<hbm>>
    %dma_start3A_266 = arith.constant 0 : i32
    %dma_start3A_267 = tpu.memref_slice %arg5[%mul3A_263, %dma_start3A_266] : memref<100000x128xf32, #tpu.memory_space<hbm>> -> memref<128x128xf32, #tpu.memory_space<hbm>>
    tpu.enqueue_dma source(%arg6 : memref<128x128xf32, #tpu.memory_space<vmem>>) target(%dma_start3A_267 : memref<128x128xf32, #tpu.memory_space<hbm>>) target_semaphore(%arg17 : memref<!tpu.dma_semaphore, #tpu.memory_space<semaphore_mem>>)
    %scan3A_268 = arith.constant 516 : i32
    %scan3A_269 = arith.constant 43 : i32
    %scan3A_270 = arith.addi %scan3A_268, %scan3A_269 : i32
    %scan3A_271 = arith.constant 1 : i32
    %scan3A_272:2 = scf.for %scan3A_903 = %scan3A_268 to %scan3A_270 step %scan3A_271 iter_args(%scan3A_904 = %scan3A_250#0, %scan3A_905 = %scan3A_250#1) -> (vector<16xi32>, vector<16xi32>)  : i32 {
      %mul3A_906 = arith.constant 16 : i32
      %mul3A_907 = arith.muli %scan3A_903, %mul3A_906 : i32
      %get3A = arith.index_cast %mul3A_907 : i32 to index
      %get3A_908 = tpu.vector_load %arg10[%get3A] {strides = array<i32>} : memref<16384xi32, #tpu.memory_space<vmem>>, vector<16xi32>,
      %shift_right_logical3A_909 = arith.constant 7 : i32
      %shift_right_logical3A_910 = vector.broadcast %shift_right_logical3A_909 : i32 to vector<16xi32>
      %shift_right_logical3A_911 = arith.shrui %get3A_908, %shift_right_logical3A_910 : vector<16xi32>
      %and3A = arith.constant 31 : i32
      %and3A_912 = vector.broadcast %and3A : i32 to vector<16xi32>
      %and3A_913 = arith.andi %shift_right_logical3A_911, %and3A_912 : vector<16xi32>
      %eq3A_914 = vector.broadcast %add3A : i32 to vector<16xi32>
      %eq3A_915 = arith.cmpi eq, %and3A_913, %eq3A_914 : vector<16xi32>
      %add3A_916 = arith.addi %mul3A_3, %scan3A_904 : vector<16xi32>
      tpu.vector_store_idx %arg11[%add3A_916], %get3A_908 masked %eq3A_915 : memref<16640xi32, #tpu.memory_space<vmem>>[vector<16xi32>], vector<16xi32>, vector<16xi1>
      %convert_element_type3A_917 = arith.extui %eq3A_915 : vector<16xi1> to vector<16xi32>
      %add3A_918 = arith.addi %scan3A_904, %convert_element_type3A_917 : vector<16xi32>
      %select_n3A = arith.select %eq3A_915, %get3A_908, %scan3A_905 : vector<16xi1>, vector<16xi32>
      scf.yield %add3A_918, %select_n3A : vector<16xi32>, vector<16xi32>
    }
    %scan3A_273 = arith.constant 43 : i32
    %dma_wait3A_274 = arith.constant 0 : i32
    %dma_wait3A_275 = tpu.memref_slice %arg5[%mul3A_197, %dma_wait3A_274] : memref<100000x128xf32, #tpu.memory_space<hbm>> -> memref<128x128xf32, #tpu.memory_space<hbm>>
    %dma_wait3A_276 = arith.constant 0 : i32
    %dma_wait3A_277 = tpu.memref_slice %arg5[%mul3A_197, %dma_wait3A_276] : memref<100000x128xf32, #tpu.memory_space<hbm>> -> memref<128x128xf32, #tpu.memory_space<hbm>>
    tpu.wait_dma2 semaphore(%arg18 : memref<!tpu.dma_semaphore, #tpu.memory_space<semaphore_mem>>) src(%arg7 : memref<128x128xf32, #tpu.memory_space<vmem>>) dst(%dma_wait3A_277 : memref<128x128xf32, #tpu.memory_space<hbm>>)
    %add3A_278 = arith.constant 416 : i32
    %add3A_279 = arith.addi %add3A, %add3A_278 : i32
    %mul3A_280 = arith.constant 128 : i32
    %mul3A_281 = arith.muli %add3A_279, %mul3A_280 : i32
    "tpu.region"() ({
      %run_scoped3A = tpu.sem_alloc : memref<!tpu.dma_semaphore, #tpu.memory_space<semaphore_mem>>
      %dma_start3A_903 = arith.constant 0 : i32
      %dma_start3A_904 = tpu.memref_slice %arg2[%mul3A_281, %dma_start3A_903] : memref<100000x128xf32, #tpu.memory_space<hbm>> -> memref<128x128xf32, #tpu.memory_space<hbm>>
      %dma_start3A_905 = arith.constant 0 : i32
      %dma_start3A_906 = tpu.memref_slice %arg2[%mul3A_281, %dma_start3A_905] : memref<100000x128xf32, #tpu.memory_space<hbm>> -> memref<128x128xf32, #tpu.memory_space<hbm>>
      tpu.enqueue_dma source(%dma_start3A_906 : memref<128x128xf32, #tpu.memory_space<hbm>>) target(%arg7 : memref<128x128xf32, #tpu.memory_space<vmem>>) target_semaphore(%run_scoped3A : memref<!tpu.dma_semaphore, #tpu.memory_space<semaphore_mem>>)
      %dma_wait3A_907 = arith.constant 0 : i32
      %dma_wait3A_908 = tpu.memref_slice %arg2[%mul3A_281, %dma_wait3A_907] : memref<100000x128xf32, #tpu.memory_space<hbm>> -> memref<128x128xf32, #tpu.memory_space<hbm>>
      %dma_wait3A_909 = arith.constant 0 : i32
      %dma_wait3A_910 = tpu.memref_slice %arg2[%mul3A_281, %dma_wait3A_909] : memref<100000x128xf32, #tpu.memory_space<hbm>> -> memref<128x128xf32, #tpu.memory_space<hbm>>
      tpu.wait_dma2 semaphore(%run_scoped3A : memref<!tpu.dma_semaphore, #tpu.memory_space<semaphore_mem>>) src(%dma_wait3A_910 : memref<128x128xf32, #tpu.memory_space<hbm>>) dst(%arg7 : memref<128x128xf32, #tpu.memory_space<vmem>>)
      tpu.yield
    }) : () -> ()
    %add3A_282 = arith.constant 416 : i32
    %add3A_283 = arith.addi %add3A, %add3A_282 : i32
    %mul3A_284 = arith.constant 128 : i32
    %mul3A_285 = arith.muli %add3A_283, %mul3A_284 : i32
    %dma_start3A_286 = arith.constant 0 : i32
    %dma_start3A_287 = tpu.memref_slice %arg5[%mul3A_285, %dma_start3A_286] : memref<100000x128xf32, #tpu.memory_space<hbm>> -> memref<128x128xf32, #tpu.memory_space<hbm>>
    %dma_start3A_288 = arith.constant 0 : i32
    %dma_start3A_289 = tpu.memref_slice %arg5[%mul3A_285, %dma_start3A_288] : memref<100000x128xf32, #tpu.memory_space<hbm>> -> memref<128x128xf32, #tpu.memory_space<hbm>>
    tpu.enqueue_dma source(%arg7 : memref<128x128xf32, #tpu.memory_space<vmem>>) target(%dma_start3A_289 : memref<128x128xf32, #tpu.memory_space<hbm>>) target_semaphore(%arg18 : memref<!tpu.dma_semaphore, #tpu.memory_space<semaphore_mem>>)
    %scan3A_290 = arith.constant 559 : i32
    %scan3A_291 = arith.constant 43 : i32
    %scan3A_292 = arith.addi %scan3A_290, %scan3A_291 : i32
    %scan3A_293 = arith.constant 1 : i32
    %scan3A_294:2 = scf.for %scan3A_903 = %scan3A_290 to %scan3A_292 step %scan3A_293 iter_args(%scan3A_904 = %scan3A_272#0, %scan3A_905 = %scan3A_272#1) -> (vector<16xi32>, vector<16xi32>)  : i32 {
      %mul3A_906 = arith.constant 16 : i32
      %mul3A_907 = arith.muli %scan3A_903, %mul3A_906 : i32
      %get3A = arith.index_cast %mul3A_907 : i32 to index
      %get3A_908 = tpu.vector_load %arg10[%get3A] {strides = array<i32>} : memref<16384xi32, #tpu.memory_space<vmem>>, vector<16xi32>,
      %shift_right_logical3A_909 = arith.constant 7 : i32
      %shift_right_logical3A_910 = vector.broadcast %shift_right_logical3A_909 : i32 to vector<16xi32>
      %shift_right_logical3A_911 = arith.shrui %get3A_908, %shift_right_logical3A_910 : vector<16xi32>
      %and3A = arith.constant 31 : i32
      %and3A_912 = vector.broadcast %and3A : i32 to vector<16xi32>
      %and3A_913 = arith.andi %shift_right_logical3A_911, %and3A_912 : vector<16xi32>
      %eq3A_914 = vector.broadcast %add3A : i32 to vector<16xi32>
      %eq3A_915 = arith.cmpi eq, %and3A_913, %eq3A_914 : vector<16xi32>
      %add3A_916 = arith.addi %mul3A_3, %scan3A_904 : vector<16xi32>
      tpu.vector_store_idx %arg11[%add3A_916], %get3A_908 masked %eq3A_915 : memref<16640xi32, #tpu.memory_space<vmem>>[vector<16xi32>], vector<16xi32>, vector<16xi1>
      %convert_element_type3A_917 = arith.extui %eq3A_915 : vector<16xi1> to vector<16xi32>
      %add3A_918 = arith.addi %scan3A_904, %convert_element_type3A_917 : vector<16xi32>
      %select_n3A = arith.select %eq3A_915, %get3A_908, %scan3A_905 : vector<16xi1>, vector<16xi32>
      scf.yield %add3A_918, %select_n3A : vector<16xi32>, vector<16xi32>
    }
    %scan3A_295 = arith.constant 43 : i32
    %dma_wait3A_296 = arith.constant 0 : i32
    %dma_wait3A_297 = tpu.memref_slice %arg5[%mul3A_219, %dma_wait3A_296] : memref<100000x128xf32, #tpu.memory_space<hbm>> -> memref<128x128xf32, #tpu.memory_space<hbm>>
    %dma_wait3A_298 = arith.constant 0 : i32
    %dma_wait3A_299 = tpu.memref_slice %arg5[%mul3A_219, %dma_wait3A_298] : memref<100000x128xf32, #tpu.memory_space<hbm>> -> memref<128x128xf32, #tpu.memory_space<hbm>>
    tpu.wait_dma2 semaphore(%arg19 : memref<!tpu.dma_semaphore, #tpu.memory_space<semaphore_mem>>) src(%arg8 : memref<128x128xf32, #tpu.memory_space<vmem>>) dst(%dma_wait3A_299 : memref<128x128xf32, #tpu.memory_space<hbm>>)
    %add3A_300 = arith.constant 448 : i32
    %add3A_301 = arith.addi %add3A, %add3A_300 : i32
    %mul3A_302 = arith.constant 128 : i32
    %mul3A_303 = arith.muli %add3A_301, %mul3A_302 : i32
    "tpu.region"() ({
      %run_scoped3A = tpu.sem_alloc : memref<!tpu.dma_semaphore, #tpu.memory_space<semaphore_mem>>
      %dma_start3A_903 = arith.constant 0 : i32
      %dma_start3A_904 = tpu.memref_slice %arg2[%mul3A_303, %dma_start3A_903] : memref<100000x128xf32, #tpu.memory_space<hbm>> -> memref<128x128xf32, #tpu.memory_space<hbm>>
      %dma_start3A_905 = arith.constant 0 : i32
      %dma_start3A_906 = tpu.memref_slice %arg2[%mul3A_303, %dma_start3A_905] : memref<100000x128xf32, #tpu.memory_space<hbm>> -> memref<128x128xf32, #tpu.memory_space<hbm>>
      tpu.enqueue_dma source(%dma_start3A_906 : memref<128x128xf32, #tpu.memory_space<hbm>>) target(%arg8 : memref<128x128xf32, #tpu.memory_space<vmem>>) target_semaphore(%run_scoped3A : memref<!tpu.dma_semaphore, #tpu.memory_space<semaphore_mem>>)
      %dma_wait3A_907 = arith.constant 0 : i32
      %dma_wait3A_908 = tpu.memref_slice %arg2[%mul3A_303, %dma_wait3A_907] : memref<100000x128xf32, #tpu.memory_space<hbm>> -> memref<128x128xf32, #tpu.memory_space<hbm>>
      %dma_wait3A_909 = arith.constant 0 : i32
      %dma_wait3A_910 = tpu.memref_slice %arg2[%mul3A_303, %dma_wait3A_909] : memref<100000x128xf32, #tpu.memory_space<hbm>> -> memref<128x128xf32, #tpu.memory_space<hbm>>
      tpu.wait_dma2 semaphore(%run_scoped3A : memref<!tpu.dma_semaphore, #tpu.memory_space<semaphore_mem>>) src(%dma_wait3A_910 : memref<128x128xf32, #tpu.memory_space<hbm>>) dst(%arg8 : memref<128x128xf32, #tpu.memory_space<vmem>>)
      tpu.yield
    }) : () -> ()
    %add3A_304 = arith.constant 448 : i32
    %add3A_305 = arith.addi %add3A, %add3A_304 : i32
    %mul3A_306 = arith.constant 128 : i32
    %mul3A_307 = arith.muli %add3A_305, %mul3A_306 : i32
    %dma_start3A_308 = arith.constant 0 : i32
    %dma_start3A_309 = tpu.memref_slice %arg5[%mul3A_307, %dma_start3A_308] : memref<100000x128xf32, #tpu.memory_space<hbm>> -> memref<128x128xf32, #tpu.memory_space<hbm>>
    %dma_start3A_310 = arith.constant 0 : i32
    %dma_start3A_311 = tpu.memref_slice %arg5[%mul3A_307, %dma_start3A_310] : memref<100000x128xf32, #tpu.memory_space<hbm>> -> memref<128x128xf32, #tpu.memory_space<hbm>>
    tpu.enqueue_dma source(%arg8 : memref<128x128xf32, #tpu.memory_space<vmem>>) target(%dma_start3A_311 : memref<128x128xf32, #tpu.memory_space<hbm>>) target_semaphore(%arg19 : memref<!tpu.dma_semaphore, #tpu.memory_space<semaphore_mem>>)
    %scan3A_312 = arith.constant 602 : i32
    %scan3A_313 = arith.constant 43 : i32
    %scan3A_314 = arith.addi %scan3A_312, %scan3A_313 : i32
    %scan3A_315 = arith.constant 1 : i32
    %scan3A_316:2 = scf.for %scan3A_903 = %scan3A_312 to %scan3A_314 step %scan3A_315 iter_args(%scan3A_904 = %scan3A_294#0, %scan3A_905 = %scan3A_294#1) -> (vector<16xi32>, vector<16xi32>)  : i32 {
      %mul3A_906 = arith.constant 16 : i32
      %mul3A_907 = arith.muli %scan3A_903, %mul3A_906 : i32
      %get3A = arith.index_cast %mul3A_907 : i32 to index
      %get3A_908 = tpu.vector_load %arg10[%get3A] {strides = array<i32>} : memref<16384xi32, #tpu.memory_space<vmem>>, vector<16xi32>,
      %shift_right_logical3A_909 = arith.constant 7 : i32
      %shift_right_logical3A_910 = vector.broadcast %shift_right_logical3A_909 : i32 to vector<16xi32>
      %shift_right_logical3A_911 = arith.shrui %get3A_908, %shift_right_logical3A_910 : vector<16xi32>
      %and3A = arith.constant 31 : i32
      %and3A_912 = vector.broadcast %and3A : i32 to vector<16xi32>
      %and3A_913 = arith.andi %shift_right_logical3A_911, %and3A_912 : vector<16xi32>
      %eq3A_914 = vector.broadcast %add3A : i32 to vector<16xi32>
      %eq3A_915 = arith.cmpi eq, %and3A_913, %eq3A_914 : vector<16xi32>
      %add3A_916 = arith.addi %mul3A_3, %scan3A_904 : vector<16xi32>
      tpu.vector_store_idx %arg11[%add3A_916], %get3A_908 masked %eq3A_915 : memref<16640xi32, #tpu.memory_space<vmem>>[vector<16xi32>], vector<16xi32>, vector<16xi1>
      %convert_element_type3A_917 = arith.extui %eq3A_915 : vector<16xi1> to vector<16xi32>
      %add3A_918 = arith.addi %scan3A_904, %convert_element_type3A_917 : vector<16xi32>
      %select_n3A = arith.select %eq3A_915, %get3A_908, %scan3A_905 : vector<16xi1>, vector<16xi32>
      scf.yield %add3A_918, %select_n3A : vector<16xi32>, vector<16xi32>
    }
    %scan3A_317 = arith.constant 43 : i32
    %dma_wait3A_318 = arith.constant 0 : i32
    %dma_wait3A_319 = tpu.memref_slice %arg5[%mul3A_241, %dma_wait3A_318] : memref<100000x128xf32, #tpu.memory_space<hbm>> -> memref<128x128xf32, #tpu.memory_space<hbm>>
    %dma_wait3A_320 = arith.constant 0 : i32
    %dma_wait3A_321 = tpu.memref_slice %arg5[%mul3A_241, %dma_wait3A_320] : memref<100000x128xf32, #tpu.memory_space<hbm>> -> memref<128x128xf32, #tpu.memory_space<hbm>>
    tpu.wait_dma2 semaphore(%arg20 : memref<!tpu.dma_semaphore, #tpu.memory_space<semaphore_mem>>) src(%arg9 : memref<128x128xf32, #tpu.memory_space<vmem>>) dst(%dma_wait3A_321 : memref<128x128xf32, #tpu.memory_space<hbm>>)
    %add3A_322 = arith.constant 480 : i32
    %add3A_323 = arith.addi %add3A, %add3A_322 : i32
    %mul3A_324 = arith.constant 128 : i32
    %mul3A_325 = arith.muli %add3A_323, %mul3A_324 : i32
    "tpu.region"() ({
      %run_scoped3A = tpu.sem_alloc : memref<!tpu.dma_semaphore, #tpu.memory_space<semaphore_mem>>
      %dma_start3A_903 = arith.constant 0 : i32
      %dma_start3A_904 = tpu.memref_slice %arg2[%mul3A_325, %dma_start3A_903] : memref<100000x128xf32, #tpu.memory_space<hbm>> -> memref<128x128xf32, #tpu.memory_space<hbm>>
      %dma_start3A_905 = arith.constant 0 : i32
      %dma_start3A_906 = tpu.memref_slice %arg2[%mul3A_325, %dma_start3A_905] : memref<100000x128xf32, #tpu.memory_space<hbm>> -> memref<128x128xf32, #tpu.memory_space<hbm>>
      tpu.enqueue_dma source(%dma_start3A_906 : memref<128x128xf32, #tpu.memory_space<hbm>>) target(%arg9 : memref<128x128xf32, #tpu.memory_space<vmem>>) target_semaphore(%run_scoped3A : memref<!tpu.dma_semaphore, #tpu.memory_space<semaphore_mem>>)
      %dma_wait3A_907 = arith.constant 0 : i32
      %dma_wait3A_908 = tpu.memref_slice %arg2[%mul3A_325, %dma_wait3A_907] : memref<100000x128xf32, #tpu.memory_space<hbm>> -> memref<128x128xf32, #tpu.memory_space<hbm>>
      %dma_wait3A_909 = arith.constant 0 : i32
      %dma_wait3A_910 = tpu.memref_slice %arg2[%mul3A_325, %dma_wait3A_909] : memref<100000x128xf32, #tpu.memory_space<hbm>> -> memref<128x128xf32, #tpu.memory_space<hbm>>
      tpu.wait_dma2 semaphore(%run_scoped3A : memref<!tpu.dma_semaphore, #tpu.memory_space<semaphore_mem>>) src(%dma_wait3A_910 : memref<128x128xf32, #tpu.memory_space<hbm>>) dst(%arg9 : memref<128x128xf32, #tpu.memory_space<vmem>>)
      tpu.yield
    }) : () -> ()
    %add3A_326 = arith.constant 480 : i32
    %add3A_327 = arith.addi %add3A, %add3A_326 : i32
    %mul3A_328 = arith.constant 128 : i32
    %mul3A_329 = arith.muli %add3A_327, %mul3A_328 : i32
    %dma_start3A_330 = arith.constant 0 : i32
    %dma_start3A_331 = tpu.memref_slice %arg5[%mul3A_329, %dma_start3A_330] : memref<100000x128xf32, #tpu.memory_space<hbm>> -> memref<128x128xf32, #tpu.memory_space<hbm>>
    %dma_start3A_332 = arith.constant 0 : i32
    %dma_start3A_333 = tpu.memref_slice %arg5[%mul3A_329, %dma_start3A_332] : memref<100000x128xf32, #tpu.memory_space<hbm>> -> memref<128x128xf32, #tpu.memory_space<hbm>>
    tpu.enqueue_dma source(%arg9 : memref<128x128xf32, #tpu.memory_space<vmem>>) target(%dma_start3A_333 : memref<128x128xf32, #tpu.memory_space<hbm>>) target_semaphore(%arg20 : memref<!tpu.dma_semaphore, #tpu.memory_space<semaphore_mem>>)
    %scan3A_334 = arith.constant 645 : i32
    %scan3A_335 = arith.constant 43 : i32
    %scan3A_336 = arith.addi %scan3A_334, %scan3A_335 : i32
    %scan3A_337 = arith.constant 1 : i32
    %scan3A_338:2 = scf.for %scan3A_903 = %scan3A_334 to %scan3A_336 step %scan3A_337 iter_args(%scan3A_904 = %scan3A_316#0, %scan3A_905 = %scan3A_316#1) -> (vector<16xi32>, vector<16xi32>)  : i32 {
      %mul3A_906 = arith.constant 16 : i32
      %mul3A_907 = arith.muli %scan3A_903, %mul3A_906 : i32
      %get3A = arith.index_cast %mul3A_907 : i32 to index
      %get3A_908 = tpu.vector_load %arg10[%get3A] {strides = array<i32>} : memref<16384xi32, #tpu.memory_space<vmem>>, vector<16xi32>,
      %shift_right_logical3A_909 = arith.constant 7 : i32
      %shift_right_logical3A_910 = vector.broadcast %shift_right_logical3A_909 : i32 to vector<16xi32>
      %shift_right_logical3A_911 = arith.shrui %get3A_908, %shift_right_logical3A_910 : vector<16xi32>
      %and3A = arith.constant 31 : i32
      %and3A_912 = vector.broadcast %and3A : i32 to vector<16xi32>
      %and3A_913 = arith.andi %shift_right_logical3A_911, %and3A_912 : vector<16xi32>
      %eq3A_914 = vector.broadcast %add3A : i32 to vector<16xi32>
      %eq3A_915 = arith.cmpi eq, %and3A_913, %eq3A_914 : vector<16xi32>
      %add3A_916 = arith.addi %mul3A_3, %scan3A_904 : vector<16xi32>
      tpu.vector_store_idx %arg11[%add3A_916], %get3A_908 masked %eq3A_915 : memref<16640xi32, #tpu.memory_space<vmem>>[vector<16xi32>], vector<16xi32>, vector<16xi1>
      %convert_element_type3A_917 = arith.extui %eq3A_915 : vector<16xi1> to vector<16xi32>
      %add3A_918 = arith.addi %scan3A_904, %convert_element_type3A_917 : vector<16xi32>
      %select_n3A = arith.select %eq3A_915, %get3A_908, %scan3A_905 : vector<16xi1>, vector<16xi32>
      scf.yield %add3A_918, %select_n3A : vector<16xi32>, vector<16xi32>
    }
    %scan3A_339 = arith.constant 43 : i32
    %dma_wait3A_340 = arith.constant 0 : i32
    %dma_wait3A_341 = tpu.memref_slice %arg5[%mul3A_263, %dma_wait3A_340] : memref<100000x128xf32, #tpu.memory_space<hbm>> -> memref<128x128xf32, #tpu.memory_space<hbm>>
    %dma_wait3A_342 = arith.constant 0 : i32
    %dma_wait3A_343 = tpu.memref_slice %arg5[%mul3A_263, %dma_wait3A_342] : memref<100000x128xf32, #tpu.memory_space<hbm>> -> memref<128x128xf32, #tpu.memory_space<hbm>>
    tpu.wait_dma2 semaphore(%arg17 : memref<!tpu.dma_semaphore, #tpu.memory_space<semaphore_mem>>) src(%arg6 : memref<128x128xf32, #tpu.memory_space<vmem>>) dst(%dma_wait3A_343 : memref<128x128xf32, #tpu.memory_space<hbm>>)
    %add3A_344 = arith.constant 512 : i32
    %add3A_345 = arith.addi %add3A, %add3A_344 : i32
    %mul3A_346 = arith.constant 128 : i32
    %mul3A_347 = arith.muli %add3A_345, %mul3A_346 : i32
    "tpu.region"() ({
      %run_scoped3A = tpu.sem_alloc : memref<!tpu.dma_semaphore, #tpu.memory_space<semaphore_mem>>
      %dma_start3A_903 = arith.constant 0 : i32
      %dma_start3A_904 = tpu.memref_slice %arg2[%mul3A_347, %dma_start3A_903] : memref<100000x128xf32, #tpu.memory_space<hbm>> -> memref<128x128xf32, #tpu.memory_space<hbm>>
      %dma_start3A_905 = arith.constant 0 : i32
      %dma_start3A_906 = tpu.memref_slice %arg2[%mul3A_347, %dma_start3A_905] : memref<100000x128xf32, #tpu.memory_space<hbm>> -> memref<128x128xf32, #tpu.memory_space<hbm>>
      tpu.enqueue_dma source(%dma_start3A_906 : memref<128x128xf32, #tpu.memory_space<hbm>>) target(%arg6 : memref<128x128xf32, #tpu.memory_space<vmem>>) target_semaphore(%run_scoped3A : memref<!tpu.dma_semaphore, #tpu.memory_space<semaphore_mem>>)
      %dma_wait3A_907 = arith.constant 0 : i32
      %dma_wait3A_908 = tpu.memref_slice %arg2[%mul3A_347, %dma_wait3A_907] : memref<100000x128xf32, #tpu.memory_space<hbm>> -> memref<128x128xf32, #tpu.memory_space<hbm>>
      %dma_wait3A_909 = arith.constant 0 : i32
      %dma_wait3A_910 = tpu.memref_slice %arg2[%mul3A_347, %dma_wait3A_909] : memref<100000x128xf32, #tpu.memory_space<hbm>> -> memref<128x128xf32, #tpu.memory_space<hbm>>
      tpu.wait_dma2 semaphore(%run_scoped3A : memref<!tpu.dma_semaphore, #tpu.memory_space<semaphore_mem>>) src(%dma_wait3A_910 : memref<128x128xf32, #tpu.memory_space<hbm>>) dst(%arg6 : memref<128x128xf32, #tpu.memory_space<vmem>>)
      tpu.yield
    }) : () -> ()
    %add3A_348 = arith.constant 512 : i32
    %add3A_349 = arith.addi %add3A, %add3A_348 : i32
    %mul3A_350 = arith.constant 128 : i32
    %mul3A_351 = arith.muli %add3A_349, %mul3A_350 : i32
    %dma_start3A_352 = arith.constant 0 : i32
    %dma_start3A_353 = tpu.memref_slice %arg5[%mul3A_351, %dma_start3A_352] : memref<100000x128xf32, #tpu.memory_space<hbm>> -> memref<128x128xf32, #tpu.memory_space<hbm>>
    %dma_start3A_354 = arith.constant 0 : i32
    %dma_start3A_355 = tpu.memref_slice %arg5[%mul3A_351, %dma_start3A_354] : memref<100000x128xf32, #tpu.memory_space<hbm>> -> memref<128x128xf32, #tpu.memory_space<hbm>>
    tpu.enqueue_dma source(%arg6 : memref<128x128xf32, #tpu.memory_space<vmem>>) target(%dma_start3A_355 : memref<128x128xf32, #tpu.memory_space<hbm>>) target_semaphore(%arg17 : memref<!tpu.dma_semaphore, #tpu.memory_space<semaphore_mem>>)
    %scan3A_356 = arith.constant 688 : i32
    %scan3A_357 = arith.constant 43 : i32
    %scan3A_358 = arith.addi %scan3A_356, %scan3A_357 : i32
    %scan3A_359 = arith.constant 1 : i32
    %scan3A_360:2 = scf.for %scan3A_903 = %scan3A_356 to %scan3A_358 step %scan3A_359 iter_args(%scan3A_904 = %scan3A_338#0, %scan3A_905 = %scan3A_338#1) -> (vector<16xi32>, vector<16xi32>)  : i32 {
      %mul3A_906 = arith.constant 16 : i32
      %mul3A_907 = arith.muli %scan3A_903, %mul3A_906 : i32
      %get3A = arith.index_cast %mul3A_907 : i32 to index
      %get3A_908 = tpu.vector_load %arg10[%get3A] {strides = array<i32>} : memref<16384xi32, #tpu.memory_space<vmem>>, vector<16xi32>,
      %shift_right_logical3A_909 = arith.constant 7 : i32
      %shift_right_logical3A_910 = vector.broadcast %shift_right_logical3A_909 : i32 to vector<16xi32>
      %shift_right_logical3A_911 = arith.shrui %get3A_908, %shift_right_logical3A_910 : vector<16xi32>
      %and3A = arith.constant 31 : i32
      %and3A_912 = vector.broadcast %and3A : i32 to vector<16xi32>
      %and3A_913 = arith.andi %shift_right_logical3A_911, %and3A_912 : vector<16xi32>
      %eq3A_914 = vector.broadcast %add3A : i32 to vector<16xi32>
      %eq3A_915 = arith.cmpi eq, %and3A_913, %eq3A_914 : vector<16xi32>
      %add3A_916 = arith.addi %mul3A_3, %scan3A_904 : vector<16xi32>
      tpu.vector_store_idx %arg11[%add3A_916], %get3A_908 masked %eq3A_915 : memref<16640xi32, #tpu.memory_space<vmem>>[vector<16xi32>], vector<16xi32>, vector<16xi1>
      %convert_element_type3A_917 = arith.extui %eq3A_915 : vector<16xi1> to vector<16xi32>
      %add3A_918 = arith.addi %scan3A_904, %convert_element_type3A_917 : vector<16xi32>
      %select_n3A = arith.select %eq3A_915, %get3A_908, %scan3A_905 : vector<16xi1>, vector<16xi32>
      scf.yield %add3A_918, %select_n3A : vector<16xi32>, vector<16xi32>
    }
    %scan3A_361 = arith.constant 43 : i32
    %dma_wait3A_362 = arith.constant 0 : i32
    %dma_wait3A_363 = tpu.memref_slice %arg5[%mul3A_285, %dma_wait3A_362] : memref<100000x128xf32, #tpu.memory_space<hbm>> -> memref<128x128xf32, #tpu.memory_space<hbm>>
    %dma_wait3A_364 = arith.constant 0 : i32
    %dma_wait3A_365 = tpu.memref_slice %arg5[%mul3A_285, %dma_wait3A_364] : memref<100000x128xf32, #tpu.memory_space<hbm>> -> memref<128x128xf32, #tpu.memory_space<hbm>>
    tpu.wait_dma2 semaphore(%arg18 : memref<!tpu.dma_semaphore, #tpu.memory_space<semaphore_mem>>) src(%arg7 : memref<128x128xf32, #tpu.memory_space<vmem>>) dst(%dma_wait3A_365 : memref<128x128xf32, #tpu.memory_space<hbm>>)
    %add3A_366 = arith.constant 544 : i32
    %add3A_367 = arith.addi %add3A, %add3A_366 : i32
    %mul3A_368 = arith.constant 128 : i32
    %mul3A_369 = arith.muli %add3A_367, %mul3A_368 : i32
    "tpu.region"() ({
      %run_scoped3A = tpu.sem_alloc : memref<!tpu.dma_semaphore, #tpu.memory_space<semaphore_mem>>
      %dma_start3A_903 = arith.constant 0 : i32
      %dma_start3A_904 = tpu.memref_slice %arg2[%mul3A_369, %dma_start3A_903] : memref<100000x128xf32, #tpu.memory_space<hbm>> -> memref<128x128xf32, #tpu.memory_space<hbm>>
      %dma_start3A_905 = arith.constant 0 : i32
      %dma_start3A_906 = tpu.memref_slice %arg2[%mul3A_369, %dma_start3A_905] : memref<100000x128xf32, #tpu.memory_space<hbm>> -> memref<128x128xf32, #tpu.memory_space<hbm>>
      tpu.enqueue_dma source(%dma_start3A_906 : memref<128x128xf32, #tpu.memory_space<hbm>>) target(%arg7 : memref<128x128xf32, #tpu.memory_space<vmem>>) target_semaphore(%run_scoped3A : memref<!tpu.dma_semaphore, #tpu.memory_space<semaphore_mem>>)
      %dma_wait3A_907 = arith.constant 0 : i32
      %dma_wait3A_908 = tpu.memref_slice %arg2[%mul3A_369, %dma_wait3A_907] : memref<100000x128xf32, #tpu.memory_space<hbm>> -> memref<128x128xf32, #tpu.memory_space<hbm>>
      %dma_wait3A_909 = arith.constant 0 : i32
      %dma_wait3A_910 = tpu.memref_slice %arg2[%mul3A_369, %dma_wait3A_909] : memref<100000x128xf32, #tpu.memory_space<hbm>> -> memref<128x128xf32, #tpu.memory_space<hbm>>
      tpu.wait_dma2 semaphore(%run_scoped3A : memref<!tpu.dma_semaphore, #tpu.memory_space<semaphore_mem>>) src(%dma_wait3A_910 : memref<128x128xf32, #tpu.memory_space<hbm>>) dst(%arg7 : memref<128x128xf32, #tpu.memory_space<vmem>>)
      tpu.yield
    }) : () -> ()
    %add3A_370 = arith.constant 544 : i32
    %add3A_371 = arith.addi %add3A, %add3A_370 : i32
    %mul3A_372 = arith.constant 128 : i32
    %mul3A_373 = arith.muli %add3A_371, %mul3A_372 : i32
    %dma_start3A_374 = arith.constant 0 : i32
    %dma_start3A_375 = tpu.memref_slice %arg5[%mul3A_373, %dma_start3A_374] : memref<100000x128xf32, #tpu.memory_space<hbm>> -> memref<128x128xf32, #tpu.memory_space<hbm>>
    %dma_start3A_376 = arith.constant 0 : i32
    %dma_start3A_377 = tpu.memref_slice %arg5[%mul3A_373, %dma_start3A_376] : memref<100000x128xf32, #tpu.memory_space<hbm>> -> memref<128x128xf32, #tpu.memory_space<hbm>>
    tpu.enqueue_dma source(%arg7 : memref<128x128xf32, #tpu.memory_space<vmem>>) target(%dma_start3A_377 : memref<128x128xf32, #tpu.memory_space<hbm>>) target_semaphore(%arg18 : memref<!tpu.dma_semaphore, #tpu.memory_space<semaphore_mem>>)
    %scan3A_378 = arith.constant 731 : i32
    %scan3A_379 = arith.constant 43 : i32
    %scan3A_380 = arith.addi %scan3A_378, %scan3A_379 : i32
    %scan3A_381 = arith.constant 1 : i32
    %scan3A_382:2 = scf.for %scan3A_903 = %scan3A_378 to %scan3A_380 step %scan3A_381 iter_args(%scan3A_904 = %scan3A_360#0, %scan3A_905 = %scan3A_360#1) -> (vector<16xi32>, vector<16xi32>)  : i32 {
      %mul3A_906 = arith.constant 16 : i32
      %mul3A_907 = arith.muli %scan3A_903, %mul3A_906 : i32
      %get3A = arith.index_cast %mul3A_907 : i32 to index
      %get3A_908 = tpu.vector_load %arg10[%get3A] {strides = array<i32>} : memref<16384xi32, #tpu.memory_space<vmem>>, vector<16xi32>,
      %shift_right_logical3A_909 = arith.constant 7 : i32
      %shift_right_logical3A_910 = vector.broadcast %shift_right_logical3A_909 : i32 to vector<16xi32>
      %shift_right_logical3A_911 = arith.shrui %get3A_908, %shift_right_logical3A_910 : vector<16xi32>
      %and3A = arith.constant 31 : i32
      %and3A_912 = vector.broadcast %and3A : i32 to vector<16xi32>
      %and3A_913 = arith.andi %shift_right_logical3A_911, %and3A_912 : vector<16xi32>
      %eq3A_914 = vector.broadcast %add3A : i32 to vector<16xi32>
      %eq3A_915 = arith.cmpi eq, %and3A_913, %eq3A_914 : vector<16xi32>
      %add3A_916 = arith.addi %mul3A_3, %scan3A_904 : vector<16xi32>
      tpu.vector_store_idx %arg11[%add3A_916], %get3A_908 masked %eq3A_915 : memref<16640xi32, #tpu.memory_space<vmem>>[vector<16xi32>], vector<16xi32>, vector<16xi1>
      %convert_element_type3A_917 = arith.extui %eq3A_915 : vector<16xi1> to vector<16xi32>
      %add3A_918 = arith.addi %scan3A_904, %convert_element_type3A_917 : vector<16xi32>
      %select_n3A = arith.select %eq3A_915, %get3A_908, %scan3A_905 : vector<16xi1>, vector<16xi32>
      scf.yield %add3A_918, %select_n3A : vector<16xi32>, vector<16xi32>
    }
    %scan3A_383 = arith.constant 43 : i32
    %dma_wait3A_384 = arith.constant 0 : i32
    %dma_wait3A_385 = tpu.memref_slice %arg5[%mul3A_307, %dma_wait3A_384] : memref<100000x128xf32, #tpu.memory_space<hbm>> -> memref<128x128xf32, #tpu.memory_space<hbm>>
    %dma_wait3A_386 = arith.constant 0 : i32
    %dma_wait3A_387 = tpu.memref_slice %arg5[%mul3A_307, %dma_wait3A_386] : memref<100000x128xf32, #tpu.memory_space<hbm>> -> memref<128x128xf32, #tpu.memory_space<hbm>>
    tpu.wait_dma2 semaphore(%arg19 : memref<!tpu.dma_semaphore, #tpu.memory_space<semaphore_mem>>) src(%arg8 : memref<128x128xf32, #tpu.memory_space<vmem>>) dst(%dma_wait3A_387 : memref<128x128xf32, #tpu.memory_space<hbm>>)
    %add3A_388 = arith.constant 576 : i32
    %add3A_389 = arith.addi %add3A, %add3A_388 : i32
    %mul3A_390 = arith.constant 128 : i32
    %mul3A_391 = arith.muli %add3A_389, %mul3A_390 : i32
    "tpu.region"() ({
      %run_scoped3A = tpu.sem_alloc : memref<!tpu.dma_semaphore, #tpu.memory_space<semaphore_mem>>
      %dma_start3A_903 = arith.constant 0 : i32
      %dma_start3A_904 = tpu.memref_slice %arg2[%mul3A_391, %dma_start3A_903] : memref<100000x128xf32, #tpu.memory_space<hbm>> -> memref<128x128xf32, #tpu.memory_space<hbm>>
      %dma_start3A_905 = arith.constant 0 : i32
      %dma_start3A_906 = tpu.memref_slice %arg2[%mul3A_391, %dma_start3A_905] : memref<100000x128xf32, #tpu.memory_space<hbm>> -> memref<128x128xf32, #tpu.memory_space<hbm>>
      tpu.enqueue_dma source(%dma_start3A_906 : memref<128x128xf32, #tpu.memory_space<hbm>>) target(%arg8 : memref<128x128xf32, #tpu.memory_space<vmem>>) target_semaphore(%run_scoped3A : memref<!tpu.dma_semaphore, #tpu.memory_space<semaphore_mem>>)
      %dma_wait3A_907 = arith.constant 0 : i32
      %dma_wait3A_908 = tpu.memref_slice %arg2[%mul3A_391, %dma_wait3A_907] : memref<100000x128xf32, #tpu.memory_space<hbm>> -> memref<128x128xf32, #tpu.memory_space<hbm>>
      %dma_wait3A_909 = arith.constant 0 : i32
      %dma_wait3A_910 = tpu.memref_slice %arg2[%mul3A_391, %dma_wait3A_909] : memref<100000x128xf32, #tpu.memory_space<hbm>> -> memref<128x128xf32, #tpu.memory_space<hbm>>
      tpu.wait_dma2 semaphore(%run_scoped3A : memref<!tpu.dma_semaphore, #tpu.memory_space<semaphore_mem>>) src(%dma_wait3A_910 : memref<128x128xf32, #tpu.memory_space<hbm>>) dst(%arg8 : memref<128x128xf32, #tpu.memory_space<vmem>>)
      tpu.yield
    }) : () -> ()
    %add3A_392 = arith.constant 576 : i32
    %add3A_393 = arith.addi %add3A, %add3A_392 : i32
    %mul3A_394 = arith.constant 128 : i32
    %mul3A_395 = arith.muli %add3A_393, %mul3A_394 : i32
    %dma_start3A_396 = arith.constant 0 : i32
    %dma_start3A_397 = tpu.memref_slice %arg5[%mul3A_395, %dma_start3A_396] : memref<100000x128xf32, #tpu.memory_space<hbm>> -> memref<128x128xf32, #tpu.memory_space<hbm>>
    %dma_start3A_398 = arith.constant 0 : i32
    %dma_start3A_399 = tpu.memref_slice %arg5[%mul3A_395, %dma_start3A_398] : memref<100000x128xf32, #tpu.memory_space<hbm>> -> memref<128x128xf32, #tpu.memory_space<hbm>>
    tpu.enqueue_dma source(%arg8 : memref<128x128xf32, #tpu.memory_space<vmem>>) target(%dma_start3A_399 : memref<128x128xf32, #tpu.memory_space<hbm>>) target_semaphore(%arg19 : memref<!tpu.dma_semaphore, #tpu.memory_space<semaphore_mem>>)
    %scan3A_400 = arith.constant 774 : i32
    %scan3A_401 = arith.constant 43 : i32
    %scan3A_402 = arith.addi %scan3A_400, %scan3A_401 : i32
    %scan3A_403 = arith.constant 1 : i32
    %scan3A_404:2 = scf.for %scan3A_903 = %scan3A_400 to %scan3A_402 step %scan3A_403 iter_args(%scan3A_904 = %scan3A_382#0, %scan3A_905 = %scan3A_382#1) -> (vector<16xi32>, vector<16xi32>)  : i32 {
      %mul3A_906 = arith.constant 16 : i32
      %mul3A_907 = arith.muli %scan3A_903, %mul3A_906 : i32
      %get3A = arith.index_cast %mul3A_907 : i32 to index
      %get3A_908 = tpu.vector_load %arg10[%get3A] {strides = array<i32>} : memref<16384xi32, #tpu.memory_space<vmem>>, vector<16xi32>,
      %shift_right_logical3A_909 = arith.constant 7 : i32
      %shift_right_logical3A_910 = vector.broadcast %shift_right_logical3A_909 : i32 to vector<16xi32>
      %shift_right_logical3A_911 = arith.shrui %get3A_908, %shift_right_logical3A_910 : vector<16xi32>
      %and3A = arith.constant 31 : i32
      %and3A_912 = vector.broadcast %and3A : i32 to vector<16xi32>
      %and3A_913 = arith.andi %shift_right_logical3A_911, %and3A_912 : vector<16xi32>
      %eq3A_914 = vector.broadcast %add3A : i32 to vector<16xi32>
      %eq3A_915 = arith.cmpi eq, %and3A_913, %eq3A_914 : vector<16xi32>
      %add3A_916 = arith.addi %mul3A_3, %scan3A_904 : vector<16xi32>
      tpu.vector_store_idx %arg11[%add3A_916], %get3A_908 masked %eq3A_915 : memref<16640xi32, #tpu.memory_space<vmem>>[vector<16xi32>], vector<16xi32>, vector<16xi1>
      %convert_element_type3A_917 = arith.extui %eq3A_915 : vector<16xi1> to vector<16xi32>
      %add3A_918 = arith.addi %scan3A_904, %convert_element_type3A_917 : vector<16xi32>
      %select_n3A = arith.select %eq3A_915, %get3A_908, %scan3A_905 : vector<16xi1>, vector<16xi32>
      scf.yield %add3A_918, %select_n3A : vector<16xi32>, vector<16xi32>
    }
    %scan3A_405 = arith.constant 43 : i32
    %dma_wait3A_406 = arith.constant 0 : i32
    %dma_wait3A_407 = tpu.memref_slice %arg5[%mul3A_329, %dma_wait3A_406] : memref<100000x128xf32, #tpu.memory_space<hbm>> -> memref<128x128xf32, #tpu.memory_space<hbm>>
    %dma_wait3A_408 = arith.constant 0 : i32
    %dma_wait3A_409 = tpu.memref_slice %arg5[%mul3A_329, %dma_wait3A_408] : memref<100000x128xf32, #tpu.memory_space<hbm>> -> memref<128x128xf32, #tpu.memory_space<hbm>>
    tpu.wait_dma2 semaphore(%arg20 : memref<!tpu.dma_semaphore, #tpu.memory_space<semaphore_mem>>) src(%arg9 : memref<128x128xf32, #tpu.memory_space<vmem>>) dst(%dma_wait3A_409 : memref<128x128xf32, #tpu.memory_space<hbm>>)
    %add3A_410 = arith.constant 608 : i32
    %add3A_411 = arith.addi %add3A, %add3A_410 : i32
    %mul3A_412 = arith.constant 128 : i32
    %mul3A_413 = arith.muli %add3A_411, %mul3A_412 : i32
    "tpu.region"() ({
      %run_scoped3A = tpu.sem_alloc : memref<!tpu.dma_semaphore, #tpu.memory_space<semaphore_mem>>
      %dma_start3A_903 = arith.constant 0 : i32
      %dma_start3A_904 = tpu.memref_slice %arg2[%mul3A_413, %dma_start3A_903] : memref<100000x128xf32, #tpu.memory_space<hbm>> -> memref<128x128xf32, #tpu.memory_space<hbm>>
      %dma_start3A_905 = arith.constant 0 : i32
      %dma_start3A_906 = tpu.memref_slice %arg2[%mul3A_413, %dma_start3A_905] : memref<100000x128xf32, #tpu.memory_space<hbm>> -> memref<128x128xf32, #tpu.memory_space<hbm>>
      tpu.enqueue_dma source(%dma_start3A_906 : memref<128x128xf32, #tpu.memory_space<hbm>>) target(%arg9 : memref<128x128xf32, #tpu.memory_space<vmem>>) target_semaphore(%run_scoped3A : memref<!tpu.dma_semaphore, #tpu.memory_space<semaphore_mem>>)
      %dma_wait3A_907 = arith.constant 0 : i32
      %dma_wait3A_908 = tpu.memref_slice %arg2[%mul3A_413, %dma_wait3A_907] : memref<100000x128xf32, #tpu.memory_space<hbm>> -> memref<128x128xf32, #tpu.memory_space<hbm>>
      %dma_wait3A_909 = arith.constant 0 : i32
      %dma_wait3A_910 = tpu.memref_slice %arg2[%mul3A_413, %dma_wait3A_909] : memref<100000x128xf32, #tpu.memory_space<hbm>> -> memref<128x128xf32, #tpu.memory_space<hbm>>
      tpu.wait_dma2 semaphore(%run_scoped3A : memref<!tpu.dma_semaphore, #tpu.memory_space<semaphore_mem>>) src(%dma_wait3A_910 : memref<128x128xf32, #tpu.memory_space<hbm>>) dst(%arg9 : memref<128x128xf32, #tpu.memory_space<vmem>>)
      tpu.yield
    }) : () -> ()
    %add3A_414 = arith.constant 608 : i32
    %add3A_415 = arith.addi %add3A, %add3A_414 : i32
    %mul3A_416 = arith.constant 128 : i32
    %mul3A_417 = arith.muli %add3A_415, %mul3A_416 : i32
    %dma_start3A_418 = arith.constant 0 : i32
    %dma_start3A_419 = tpu.memref_slice %arg5[%mul3A_417, %dma_start3A_418] : memref<100000x128xf32, #tpu.memory_space<hbm>> -> memref<128x128xf32, #tpu.memory_space<hbm>>
    %dma_start3A_420 = arith.constant 0 : i32
    %dma_start3A_421 = tpu.memref_slice %arg5[%mul3A_417, %dma_start3A_420] : memref<100000x128xf32, #tpu.memory_space<hbm>> -> memref<128x128xf32, #tpu.memory_space<hbm>>
    tpu.enqueue_dma source(%arg9 : memref<128x128xf32, #tpu.memory_space<vmem>>) target(%dma_start3A_421 : memref<128x128xf32, #tpu.memory_space<hbm>>) target_semaphore(%arg20 : memref<!tpu.dma_semaphore, #tpu.memory_space<semaphore_mem>>)
    %scan3A_422 = arith.constant 817 : i32
    %scan3A_423 = arith.constant 43 : i32
    %scan3A_424 = arith.addi %scan3A_422, %scan3A_423 : i32
    %scan3A_425 = arith.constant 1 : i32
    %scan3A_426:2 = scf.for %scan3A_903 = %scan3A_422 to %scan3A_424 step %scan3A_425 iter_args(%scan3A_904 = %scan3A_404#0, %scan3A_905 = %scan3A_404#1) -> (vector<16xi32>, vector<16xi32>)  : i32 {
      %mul3A_906 = arith.constant 16 : i32
      %mul3A_907 = arith.muli %scan3A_903, %mul3A_906 : i32
      %get3A = arith.index_cast %mul3A_907 : i32 to index
      %get3A_908 = tpu.vector_load %arg10[%get3A] {strides = array<i32>} : memref<16384xi32, #tpu.memory_space<vmem>>, vector<16xi32>,
      %shift_right_logical3A_909 = arith.constant 7 : i32
      %shift_right_logical3A_910 = vector.broadcast %shift_right_logical3A_909 : i32 to vector<16xi32>
      %shift_right_logical3A_911 = arith.shrui %get3A_908, %shift_right_logical3A_910 : vector<16xi32>
      %and3A = arith.constant 31 : i32
      %and3A_912 = vector.broadcast %and3A : i32 to vector<16xi32>
      %and3A_913 = arith.andi %shift_right_logical3A_911, %and3A_912 : vector<16xi32>
      %eq3A_914 = vector.broadcast %add3A : i32 to vector<16xi32>
      %eq3A_915 = arith.cmpi eq, %and3A_913, %eq3A_914 : vector<16xi32>
      %add3A_916 = arith.addi %mul3A_3, %scan3A_904 : vector<16xi32>
      tpu.vector_store_idx %arg11[%add3A_916], %get3A_908 masked %eq3A_915 : memref<16640xi32, #tpu.memory_space<vmem>>[vector<16xi32>], vector<16xi32>, vector<16xi1>
      %convert_element_type3A_917 = arith.extui %eq3A_915 : vector<16xi1> to vector<16xi32>
      %add3A_918 = arith.addi %scan3A_904, %convert_element_type3A_917 : vector<16xi32>
      %select_n3A = arith.select %eq3A_915, %get3A_908, %scan3A_905 : vector<16xi1>, vector<16xi32>
      scf.yield %add3A_918, %select_n3A : vector<16xi32>, vector<16xi32>
    }
    %scan3A_427 = arith.constant 43 : i32
    %dma_wait3A_428 = arith.constant 0 : i32
    %dma_wait3A_429 = tpu.memref_slice %arg5[%mul3A_351, %dma_wait3A_428] : memref<100000x128xf32, #tpu.memory_space<hbm>> -> memref<128x128xf32, #tpu.memory_space<hbm>>
    %dma_wait3A_430 = arith.constant 0 : i32
    %dma_wait3A_431 = tpu.memref_slice %arg5[%mul3A_351, %dma_wait3A_430] : memref<100000x128xf32, #tpu.memory_space<hbm>> -> memref<128x128xf32, #tpu.memory_space<hbm>>
    tpu.wait_dma2 semaphore(%arg17 : memref<!tpu.dma_semaphore, #tpu.memory_space<semaphore_mem>>) src(%arg6 : memref<128x128xf32, #tpu.memory_space<vmem>>) dst(%dma_wait3A_431 : memref<128x128xf32, #tpu.memory_space<hbm>>)
    %add3A_432 = arith.constant 640 : i32
    %add3A_433 = arith.addi %add3A, %add3A_432 : i32
    %mul3A_434 = arith.constant 128 : i32
    %mul3A_435 = arith.muli %add3A_433, %mul3A_434 : i32
    "tpu.region"() ({
      %run_scoped3A = tpu.sem_alloc : memref<!tpu.dma_semaphore, #tpu.memory_space<semaphore_mem>>
      %dma_start3A_903 = arith.constant 0 : i32
      %dma_start3A_904 = tpu.memref_slice %arg2[%mul3A_435, %dma_start3A_903] : memref<100000x128xf32, #tpu.memory_space<hbm>> -> memref<128x128xf32, #tpu.memory_space<hbm>>
      %dma_start3A_905 = arith.constant 0 : i32
      %dma_start3A_906 = tpu.memref_slice %arg2[%mul3A_435, %dma_start3A_905] : memref<100000x128xf32, #tpu.memory_space<hbm>> -> memref<128x128xf32, #tpu.memory_space<hbm>>
      tpu.enqueue_dma source(%dma_start3A_906 : memref<128x128xf32, #tpu.memory_space<hbm>>) target(%arg6 : memref<128x128xf32, #tpu.memory_space<vmem>>) target_semaphore(%run_scoped3A : memref<!tpu.dma_semaphore, #tpu.memory_space<semaphore_mem>>)
      %dma_wait3A_907 = arith.constant 0 : i32
      %dma_wait3A_908 = tpu.memref_slice %arg2[%mul3A_435, %dma_wait3A_907] : memref<100000x128xf32, #tpu.memory_space<hbm>> -> memref<128x128xf32, #tpu.memory_space<hbm>>
      %dma_wait3A_909 = arith.constant 0 : i32
      %dma_wait3A_910 = tpu.memref_slice %arg2[%mul3A_435, %dma_wait3A_909] : memref<100000x128xf32, #tpu.memory_space<hbm>> -> memref<128x128xf32, #tpu.memory_space<hbm>>
      tpu.wait_dma2 semaphore(%run_scoped3A : memref<!tpu.dma_semaphore, #tpu.memory_space<semaphore_mem>>) src(%dma_wait3A_910 : memref<128x128xf32, #tpu.memory_space<hbm>>) dst(%arg6 : memref<128x128xf32, #tpu.memory_space<vmem>>)
      tpu.yield
    }) : () -> ()
    %add3A_436 = arith.constant 640 : i32
    %add3A_437 = arith.addi %add3A, %add3A_436 : i32
    %mul3A_438 = arith.constant 128 : i32
    %mul3A_439 = arith.muli %add3A_437, %mul3A_438 : i32
    %dma_start3A_440 = arith.constant 0 : i32
    %dma_start3A_441 = tpu.memref_slice %arg5[%mul3A_439, %dma_start3A_440] : memref<100000x128xf32, #tpu.memory_space<hbm>> -> memref<128x128xf32, #tpu.memory_space<hbm>>
    %dma_start3A_442 = arith.constant 0 : i32
    %dma_start3A_443 = tpu.memref_slice %arg5[%mul3A_439, %dma_start3A_442] : memref<100000x128xf32, #tpu.memory_space<hbm>> -> memref<128x128xf32, #tpu.memory_space<hbm>>
    tpu.enqueue_dma source(%arg6 : memref<128x128xf32, #tpu.memory_space<vmem>>) target(%dma_start3A_443 : memref<128x128xf32, #tpu.memory_space<hbm>>) target_semaphore(%arg17 : memref<!tpu.dma_semaphore, #tpu.memory_space<semaphore_mem>>)
    %scan3A_444 = arith.constant 860 : i32
    %scan3A_445 = arith.constant 43 : i32
    %scan3A_446 = arith.addi %scan3A_444, %scan3A_445 : i32
    %scan3A_447 = arith.constant 1 : i32
    %scan3A_448:2 = scf.for %scan3A_903 = %scan3A_444 to %scan3A_446 step %scan3A_447 iter_args(%scan3A_904 = %scan3A_426#0, %scan3A_905 = %scan3A_426#1) -> (vector<16xi32>, vector<16xi32>)  : i32 {
      %mul3A_906 = arith.constant 16 : i32
      %mul3A_907 = arith.muli %scan3A_903, %mul3A_906 : i32
      %get3A = arith.index_cast %mul3A_907 : i32 to index
      %get3A_908 = tpu.vector_load %arg10[%get3A] {strides = array<i32>} : memref<16384xi32, #tpu.memory_space<vmem>>, vector<16xi32>,
      %shift_right_logical3A_909 = arith.constant 7 : i32
      %shift_right_logical3A_910 = vector.broadcast %shift_right_logical3A_909 : i32 to vector<16xi32>
      %shift_right_logical3A_911 = arith.shrui %get3A_908, %shift_right_logical3A_910 : vector<16xi32>
      %and3A = arith.constant 31 : i32
      %and3A_912 = vector.broadcast %and3A : i32 to vector<16xi32>
      %and3A_913 = arith.andi %shift_right_logical3A_911, %and3A_912 : vector<16xi32>
      %eq3A_914 = vector.broadcast %add3A : i32 to vector<16xi32>
      %eq3A_915 = arith.cmpi eq, %and3A_913, %eq3A_914 : vector<16xi32>
      %add3A_916 = arith.addi %mul3A_3, %scan3A_904 : vector<16xi32>
      tpu.vector_store_idx %arg11[%add3A_916], %get3A_908 masked %eq3A_915 : memref<16640xi32, #tpu.memory_space<vmem>>[vector<16xi32>], vector<16xi32>, vector<16xi1>
      %convert_element_type3A_917 = arith.extui %eq3A_915 : vector<16xi1> to vector<16xi32>
      %add3A_918 = arith.addi %scan3A_904, %convert_element_type3A_917 : vector<16xi32>
      %select_n3A = arith.select %eq3A_915, %get3A_908, %scan3A_905 : vector<16xi1>, vector<16xi32>
      scf.yield %add3A_918, %select_n3A : vector<16xi32>, vector<16xi32>
    }
    %scan3A_449 = arith.constant 43 : i32
    %dma_wait3A_450 = arith.constant 0 : i32
    %dma_wait3A_451 = tpu.memref_slice %arg5[%mul3A_373, %dma_wait3A_450] : memref<100000x128xf32, #tpu.memory_space<hbm>> -> memref<128x128xf32, #tpu.memory_space<hbm>>
    %dma_wait3A_452 = arith.constant 0 : i32
    %dma_wait3A_453 = tpu.memref_slice %arg5[%mul3A_373, %dma_wait3A_452] : memref<100000x128xf32, #tpu.memory_space<hbm>> -> memref<128x128xf32, #tpu.memory_space<hbm>>
    tpu.wait_dma2 semaphore(%arg18 : memref<!tpu.dma_semaphore, #tpu.memory_space<semaphore_mem>>) src(%arg7 : memref<128x128xf32, #tpu.memory_space<vmem>>) dst(%dma_wait3A_453 : memref<128x128xf32, #tpu.memory_space<hbm>>)
    %add3A_454 = arith.constant 672 : i32
    %add3A_455 = arith.addi %add3A, %add3A_454 : i32
    %mul3A_456 = arith.constant 128 : i32
    %mul3A_457 = arith.muli %add3A_455, %mul3A_456 : i32
    "tpu.region"() ({
      %run_scoped3A = tpu.sem_alloc : memref<!tpu.dma_semaphore, #tpu.memory_space<semaphore_mem>>
      %dma_start3A_903 = arith.constant 0 : i32
      %dma_start3A_904 = tpu.memref_slice %arg2[%mul3A_457, %dma_start3A_903] : memref<100000x128xf32, #tpu.memory_space<hbm>> -> memref<128x128xf32, #tpu.memory_space<hbm>>
      %dma_start3A_905 = arith.constant 0 : i32
      %dma_start3A_906 = tpu.memref_slice %arg2[%mul3A_457, %dma_start3A_905] : memref<100000x128xf32, #tpu.memory_space<hbm>> -> memref<128x128xf32, #tpu.memory_space<hbm>>
      tpu.enqueue_dma source(%dma_start3A_906 : memref<128x128xf32, #tpu.memory_space<hbm>>) target(%arg7 : memref<128x128xf32, #tpu.memory_space<vmem>>) target_semaphore(%run_scoped3A : memref<!tpu.dma_semaphore, #tpu.memory_space<semaphore_mem>>)
      %dma_wait3A_907 = arith.constant 0 : i32
      %dma_wait3A_908 = tpu.memref_slice %arg2[%mul3A_457, %dma_wait3A_907] : memref<100000x128xf32, #tpu.memory_space<hbm>> -> memref<128x128xf32, #tpu.memory_space<hbm>>
      %dma_wait3A_909 = arith.constant 0 : i32
      %dma_wait3A_910 = tpu.memref_slice %arg2[%mul3A_457, %dma_wait3A_909] : memref<100000x128xf32, #tpu.memory_space<hbm>> -> memref<128x128xf32, #tpu.memory_space<hbm>>
      tpu.wait_dma2 semaphore(%run_scoped3A : memref<!tpu.dma_semaphore, #tpu.memory_space<semaphore_mem>>) src(%dma_wait3A_910 : memref<128x128xf32, #tpu.memory_space<hbm>>) dst(%arg7 : memref<128x128xf32, #tpu.memory_space<vmem>>)
      tpu.yield
    }) : () -> ()
    %add3A_458 = arith.constant 672 : i32
    %add3A_459 = arith.addi %add3A, %add3A_458 : i32
    %mul3A_460 = arith.constant 128 : i32
    %mul3A_461 = arith.muli %add3A_459, %mul3A_460 : i32
    %dma_start3A_462 = arith.constant 0 : i32
    %dma_start3A_463 = tpu.memref_slice %arg5[%mul3A_461, %dma_start3A_462] : memref<100000x128xf32, #tpu.memory_space<hbm>> -> memref<128x128xf32, #tpu.memory_space<hbm>>
    %dma_start3A_464 = arith.constant 0 : i32
    %dma_start3A_465 = tpu.memref_slice %arg5[%mul3A_461, %dma_start3A_464] : memref<100000x128xf32, #tpu.memory_space<hbm>> -> memref<128x128xf32, #tpu.memory_space<hbm>>
    tpu.enqueue_dma source(%arg7 : memref<128x128xf32, #tpu.memory_space<vmem>>) target(%dma_start3A_465 : memref<128x128xf32, #tpu.memory_space<hbm>>) target_semaphore(%arg18 : memref<!tpu.dma_semaphore, #tpu.memory_space<semaphore_mem>>)
    %scan3A_466 = arith.constant 903 : i32
    %scan3A_467 = arith.constant 43 : i32
    %scan3A_468 = arith.addi %scan3A_466, %scan3A_467 : i32
    %scan3A_469 = arith.constant 1 : i32
    %scan3A_470:2 = scf.for %scan3A_903 = %scan3A_466 to %scan3A_468 step %scan3A_469 iter_args(%scan3A_904 = %scan3A_448#0, %scan3A_905 = %scan3A_448#1) -> (vector<16xi32>, vector<16xi32>)  : i32 {
      %mul3A_906 = arith.constant 16 : i32
      %mul3A_907 = arith.muli %scan3A_903, %mul3A_906 : i32
      %get3A = arith.index_cast %mul3A_907 : i32 to index
      %get3A_908 = tpu.vector_load %arg10[%get3A] {strides = array<i32>} : memref<16384xi32, #tpu.memory_space<vmem>>, vector<16xi32>,
      %shift_right_logical3A_909 = arith.constant 7 : i32
      %shift_right_logical3A_910 = vector.broadcast %shift_right_logical3A_909 : i32 to vector<16xi32>
      %shift_right_logical3A_911 = arith.shrui %get3A_908, %shift_right_logical3A_910 : vector<16xi32>
      %and3A = arith.constant 31 : i32
      %and3A_912 = vector.broadcast %and3A : i32 to vector<16xi32>
      %and3A_913 = arith.andi %shift_right_logical3A_911, %and3A_912 : vector<16xi32>
      %eq3A_914 = vector.broadcast %add3A : i32 to vector<16xi32>
      %eq3A_915 = arith.cmpi eq, %and3A_913, %eq3A_914 : vector<16xi32>
      %add3A_916 = arith.addi %mul3A_3, %scan3A_904 : vector<16xi32>
      tpu.vector_store_idx %arg11[%add3A_916], %get3A_908 masked %eq3A_915 : memref<16640xi32, #tpu.memory_space<vmem>>[vector<16xi32>], vector<16xi32>, vector<16xi1>
      %convert_element_type3A_917 = arith.extui %eq3A_915 : vector<16xi1> to vector<16xi32>
      %add3A_918 = arith.addi %scan3A_904, %convert_element_type3A_917 : vector<16xi32>
      %select_n3A = arith.select %eq3A_915, %get3A_908, %scan3A_905 : vector<16xi1>, vector<16xi32>
      scf.yield %add3A_918, %select_n3A : vector<16xi32>, vector<16xi32>
    }
    %scan3A_471 = arith.constant 43 : i32
    %dma_wait3A_472 = arith.constant 0 : i32
    %dma_wait3A_473 = tpu.memref_slice %arg5[%mul3A_395, %dma_wait3A_472] : memref<100000x128xf32, #tpu.memory_space<hbm>> -> memref<128x128xf32, #tpu.memory_space<hbm>>
    %dma_wait3A_474 = arith.constant 0 : i32
    %dma_wait3A_475 = tpu.memref_slice %arg5[%mul3A_395, %dma_wait3A_474] : memref<100000x128xf32, #tpu.memory_space<hbm>> -> memref<128x128xf32, #tpu.memory_space<hbm>>
    tpu.wait_dma2 semaphore(%arg19 : memref<!tpu.dma_semaphore, #tpu.memory_space<semaphore_mem>>) src(%arg8 : memref<128x128xf32, #tpu.memory_space<vmem>>) dst(%dma_wait3A_475 : memref<128x128xf32, #tpu.memory_space<hbm>>)
    %add3A_476 = arith.constant 704 : i32
    %add3A_477 = arith.addi %add3A, %add3A_476 : i32
    %mul3A_478 = arith.constant 128 : i32
    %mul3A_479 = arith.muli %add3A_477, %mul3A_478 : i32
    "tpu.region"() ({
      %run_scoped3A = tpu.sem_alloc : memref<!tpu.dma_semaphore, #tpu.memory_space<semaphore_mem>>
      %dma_start3A_903 = arith.constant 0 : i32
      %dma_start3A_904 = tpu.memref_slice %arg2[%mul3A_479, %dma_start3A_903] : memref<100000x128xf32, #tpu.memory_space<hbm>> -> memref<128x128xf32, #tpu.memory_space<hbm>>
      %dma_start3A_905 = arith.constant 0 : i32
      %dma_start3A_906 = tpu.memref_slice %arg2[%mul3A_479, %dma_start3A_905] : memref<100000x128xf32, #tpu.memory_space<hbm>> -> memref<128x128xf32, #tpu.memory_space<hbm>>
      tpu.enqueue_dma source(%dma_start3A_906 : memref<128x128xf32, #tpu.memory_space<hbm>>) target(%arg8 : memref<128x128xf32, #tpu.memory_space<vmem>>) target_semaphore(%run_scoped3A : memref<!tpu.dma_semaphore, #tpu.memory_space<semaphore_mem>>)
      %dma_wait3A_907 = arith.constant 0 : i32
      %dma_wait3A_908 = tpu.memref_slice %arg2[%mul3A_479, %dma_wait3A_907] : memref<100000x128xf32, #tpu.memory_space<hbm>> -> memref<128x128xf32, #tpu.memory_space<hbm>>
      %dma_wait3A_909 = arith.constant 0 : i32
      %dma_wait3A_910 = tpu.memref_slice %arg2[%mul3A_479, %dma_wait3A_909] : memref<100000x128xf32, #tpu.memory_space<hbm>> -> memref<128x128xf32, #tpu.memory_space<hbm>>
      tpu.wait_dma2 semaphore(%run_scoped3A : memref<!tpu.dma_semaphore, #tpu.memory_space<semaphore_mem>>) src(%dma_wait3A_910 : memref<128x128xf32, #tpu.memory_space<hbm>>) dst(%arg8 : memref<128x128xf32, #tpu.memory_space<vmem>>)
      tpu.yield
    }) : () -> ()
    %add3A_480 = arith.constant 704 : i32
    %add3A_481 = arith.addi %add3A, %add3A_480 : i32
    %mul3A_482 = arith.constant 128 : i32
    %mul3A_483 = arith.muli %add3A_481, %mul3A_482 : i32
    %dma_start3A_484 = arith.constant 0 : i32
    %dma_start3A_485 = tpu.memref_slice %arg5[%mul3A_483, %dma_start3A_484] : memref<100000x128xf32, #tpu.memory_space<hbm>> -> memref<128x128xf32, #tpu.memory_space<hbm>>
    %dma_start3A_486 = arith.constant 0 : i32
    %dma_start3A_487 = tpu.memref_slice %arg5[%mul3A_483, %dma_start3A_486] : memref<100000x128xf32, #tpu.memory_space<hbm>> -> memref<128x128xf32, #tpu.memory_space<hbm>>
    tpu.enqueue_dma source(%arg8 : memref<128x128xf32, #tpu.memory_space<vmem>>) target(%dma_start3A_487 : memref<128x128xf32, #tpu.memory_space<hbm>>) target_semaphore(%arg19 : memref<!tpu.dma_semaphore, #tpu.memory_space<semaphore_mem>>)
    %scan3A_488 = arith.constant 946 : i32
    %scan3A_489 = arith.constant 43 : i32
    %scan3A_490 = arith.addi %scan3A_488, %scan3A_489 : i32
    %scan3A_491 = arith.constant 1 : i32
    %scan3A_492:2 = scf.for %scan3A_903 = %scan3A_488 to %scan3A_490 step %scan3A_491 iter_args(%scan3A_904 = %scan3A_470#0, %scan3A_905 = %scan3A_470#1) -> (vector<16xi32>, vector<16xi32>)  : i32 {
      %mul3A_906 = arith.constant 16 : i32
      %mul3A_907 = arith.muli %scan3A_903, %mul3A_906 : i32
      %get3A = arith.index_cast %mul3A_907 : i32 to index
      %get3A_908 = tpu.vector_load %arg10[%get3A] {strides = array<i32>} : memref<16384xi32, #tpu.memory_space<vmem>>, vector<16xi32>,
      %shift_right_logical3A_909 = arith.constant 7 : i32
      %shift_right_logical3A_910 = vector.broadcast %shift_right_logical3A_909 : i32 to vector<16xi32>
      %shift_right_logical3A_911 = arith.shrui %get3A_908, %shift_right_logical3A_910 : vector<16xi32>
      %and3A = arith.constant 31 : i32
      %and3A_912 = vector.broadcast %and3A : i32 to vector<16xi32>
      %and3A_913 = arith.andi %shift_right_logical3A_911, %and3A_912 : vector<16xi32>
      %eq3A_914 = vector.broadcast %add3A : i32 to vector<16xi32>
      %eq3A_915 = arith.cmpi eq, %and3A_913, %eq3A_914 : vector<16xi32>
      %add3A_916 = arith.addi %mul3A_3, %scan3A_904 : vector<16xi32>
      tpu.vector_store_idx %arg11[%add3A_916], %get3A_908 masked %eq3A_915 : memref<16640xi32, #tpu.memory_space<vmem>>[vector<16xi32>], vector<16xi32>, vector<16xi1>
      %convert_element_type3A_917 = arith.extui %eq3A_915 : vector<16xi1> to vector<16xi32>
      %add3A_918 = arith.addi %scan3A_904, %convert_element_type3A_917 : vector<16xi32>
      %select_n3A = arith.select %eq3A_915, %get3A_908, %scan3A_905 : vector<16xi1>, vector<16xi32>
      scf.yield %add3A_918, %select_n3A : vector<16xi32>, vector<16xi32>
    }
    %scan3A_493 = arith.constant 43 : i32
    %dma_wait3A_494 = arith.constant 0 : i32
    %dma_wait3A_495 = tpu.memref_slice %arg5[%mul3A_417, %dma_wait3A_494] : memref<100000x128xf32, #tpu.memory_space<hbm>> -> memref<128x128xf32, #tpu.memory_space<hbm>>
    %dma_wait3A_496 = arith.constant 0 : i32
    %dma_wait3A_497 = tpu.memref_slice %arg5[%mul3A_417, %dma_wait3A_496] : memref<100000x128xf32, #tpu.memory_space<hbm>> -> memref<128x128xf32, #tpu.memory_space<hbm>>
    tpu.wait_dma2 semaphore(%arg20 : memref<!tpu.dma_semaphore, #tpu.memory_space<semaphore_mem>>) src(%arg9 : memref<128x128xf32, #tpu.memory_space<vmem>>) dst(%dma_wait3A_497 : memref<128x128xf32, #tpu.memory_space<hbm>>)
    %add3A_498 = arith.constant 736 : i32
    %add3A_499 = arith.addi %add3A, %add3A_498 : i32
    %mul3A_500 = arith.constant 128 : i32
    %mul3A_501 = arith.muli %add3A_499, %mul3A_500 : i32
    "tpu.region"() ({
      %run_scoped3A = tpu.sem_alloc : memref<!tpu.dma_semaphore, #tpu.memory_space<semaphore_mem>>
      %dma_start3A_903 = arith.constant 0 : i32
      %dma_start3A_904 = tpu.memref_slice %arg2[%mul3A_501, %dma_start3A_903] : memref<100000x128xf32, #tpu.memory_space<hbm>> -> memref<128x128xf32, #tpu.memory_space<hbm>>
      %dma_start3A_905 = arith.constant 0 : i32
      %dma_start3A_906 = tpu.memref_slice %arg2[%mul3A_501, %dma_start3A_905] : memref<100000x128xf32, #tpu.memory_space<hbm>> -> memref<128x128xf32, #tpu.memory_space<hbm>>
      tpu.enqueue_dma source(%dma_start3A_906 : memref<128x128xf32, #tpu.memory_space<hbm>>) target(%arg9 : memref<128x128xf32, #tpu.memory_space<vmem>>) target_semaphore(%run_scoped3A : memref<!tpu.dma_semaphore, #tpu.memory_space<semaphore_mem>>)
      %dma_wait3A_907 = arith.constant 0 : i32
      %dma_wait3A_908 = tpu.memref_slice %arg2[%mul3A_501, %dma_wait3A_907] : memref<100000x128xf32, #tpu.memory_space<hbm>> -> memref<128x128xf32, #tpu.memory_space<hbm>>
      %dma_wait3A_909 = arith.constant 0 : i32
      %dma_wait3A_910 = tpu.memref_slice %arg2[%mul3A_501, %dma_wait3A_909] : memref<100000x128xf32, #tpu.memory_space<hbm>> -> memref<128x128xf32, #tpu.memory_space<hbm>>
      tpu.wait_dma2 semaphore(%run_scoped3A : memref<!tpu.dma_semaphore, #tpu.memory_space<semaphore_mem>>) src(%dma_wait3A_910 : memref<128x128xf32, #tpu.memory_space<hbm>>) dst(%arg9 : memref<128x128xf32, #tpu.memory_space<vmem>>)
      tpu.yield
    }) : () -> ()
    %add3A_502 = arith.constant 736 : i32
    %add3A_503 = arith.addi %add3A, %add3A_502 : i32
    %mul3A_504 = arith.constant 128 : i32
    %mul3A_505 = arith.muli %add3A_503, %mul3A_504 : i32
    %dma_start3A_506 = arith.constant 0 : i32
    %dma_start3A_507 = tpu.memref_slice %arg5[%mul3A_505, %dma_start3A_506] : memref<100000x128xf32, #tpu.memory_space<hbm>> -> memref<128x128xf32, #tpu.memory_space<hbm>>
    %dma_start3A_508 = arith.constant 0 : i32
    %dma_start3A_509 = tpu.memref_slice %arg5[%mul3A_505, %dma_start3A_508] : memref<100000x128xf32, #tpu.memory_space<hbm>> -> memref<128x128xf32, #tpu.memory_space<hbm>>
    tpu.enqueue_dma source(%arg9 : memref<128x128xf32, #tpu.memory_space<vmem>>) target(%dma_start3A_509 : memref<128x128xf32, #tpu.memory_space<hbm>>) target_semaphore(%arg20 : memref<!tpu.dma_semaphore, #tpu.memory_space<semaphore_mem>>)
    %scan3A_510 = arith.constant 989 : i32
    %scan3A_511 = arith.constant 35 : i32
    %scan3A_512 = arith.addi %scan3A_510, %scan3A_511 : i32
    %scan3A_513 = arith.constant 1 : i32
    %scan3A_514:2 = scf.for %scan3A_903 = %scan3A_510 to %scan3A_512 step %scan3A_513 iter_args(%scan3A_904 = %scan3A_492#0, %scan3A_905 = %scan3A_492#1) -> (vector<16xi32>, vector<16xi32>)  : i32 {
      %mul3A_906 = arith.constant 16 : i32
      %mul3A_907 = arith.muli %scan3A_903, %mul3A_906 : i32
      %get3A = arith.index_cast %mul3A_907 : i32 to index
      %get3A_908 = tpu.vector_load %arg10[%get3A] {strides = array<i32>} : memref<16384xi32, #tpu.memory_space<vmem>>, vector<16xi32>,
      %shift_right_logical3A_909 = arith.constant 7 : i32
      %shift_right_logical3A_910 = vector.broadcast %shift_right_logical3A_909 : i32 to vector<16xi32>
      %shift_right_logical3A_911 = arith.shrui %get3A_908, %shift_right_logical3A_910 : vector<16xi32>
      %and3A = arith.constant 31 : i32
      %and3A_912 = vector.broadcast %and3A : i32 to vector<16xi32>
      %and3A_913 = arith.andi %shift_right_logical3A_911, %and3A_912 : vector<16xi32>
      %eq3A_914 = vector.broadcast %add3A : i32 to vector<16xi32>
      %eq3A_915 = arith.cmpi eq, %and3A_913, %eq3A_914 : vector<16xi32>
      %add3A_916 = arith.addi %mul3A_3, %scan3A_904 : vector<16xi32>
      tpu.vector_store_idx %arg11[%add3A_916], %get3A_908 masked %eq3A_915 : memref<16640xi32, #tpu.memory_space<vmem>>[vector<16xi32>], vector<16xi32>, vector<16xi1>
      %convert_element_type3A_917 = arith.extui %eq3A_915 : vector<16xi1> to vector<16xi32>
      %add3A_918 = arith.addi %scan3A_904, %convert_element_type3A_917 : vector<16xi32>
      %select_n3A = arith.select %eq3A_915, %get3A_908, %scan3A_905 : vector<16xi1>, vector<16xi32>
      scf.yield %add3A_918, %select_n3A : vector<16xi32>, vector<16xi32>
    }
    %scan3A_515 = arith.constant 35 : i32
    %dma_wait3A_516 = arith.constant 0 : i32
    %dma_wait3A_517 = tpu.memref_slice %arg5[%mul3A_439, %dma_wait3A_516] : memref<100000x128xf32, #tpu.memory_space<hbm>> -> memref<128x128xf32, #tpu.memory_space<hbm>>
    %dma_wait3A_518 = arith.constant 0 : i32
    %dma_wait3A_519 = tpu.memref_slice %arg5[%mul3A_439, %dma_wait3A_518] : memref<100000x128xf32, #tpu.memory_space<hbm>> -> memref<128x128xf32, #tpu.memory_space<hbm>>
    tpu.wait_dma2 semaphore(%arg17 : memref<!tpu.dma_semaphore, #tpu.memory_space<semaphore_mem>>) src(%arg6 : memref<128x128xf32, #tpu.memory_space<vmem>>) dst(%dma_wait3A_519 : memref<128x128xf32, #tpu.memory_space<hbm>>)
    %dma_wait3A_520 = arith.constant 0 : i32
    %dma_wait3A_521 = tpu.memref_slice %arg5[%mul3A_461, %dma_wait3A_520] : memref<100000x128xf32, #tpu.memory_space<hbm>> -> memref<128x128xf32, #tpu.memory_space<hbm>>
    %dma_wait3A_522 = arith.constant 0 : i32
    %dma_wait3A_523 = tpu.memref_slice %arg5[%mul3A_461, %dma_wait3A_522] : memref<100000x128xf32, #tpu.memory_space<hbm>> -> memref<128x128xf32, #tpu.memory_space<hbm>>
    tpu.wait_dma2 semaphore(%arg18 : memref<!tpu.dma_semaphore, #tpu.memory_space<semaphore_mem>>) src(%arg7 : memref<128x128xf32, #tpu.memory_space<vmem>>) dst(%dma_wait3A_523 : memref<128x128xf32, #tpu.memory_space<hbm>>)
    %dma_wait3A_524 = arith.constant 0 : i32
    %dma_wait3A_525 = tpu.memref_slice %arg5[%mul3A_483, %dma_wait3A_524] : memref<100000x128xf32, #tpu.memory_space<hbm>> -> memref<128x128xf32, #tpu.memory_space<hbm>>
    %dma_wait3A_526 = arith.constant 0 : i32
    %dma_wait3A_527 = tpu.memref_slice %arg5[%mul3A_483, %dma_wait3A_526] : memref<100000x128xf32, #tpu.memory_space<hbm>> -> memref<128x128xf32, #tpu.memory_space<hbm>>
    tpu.wait_dma2 semaphore(%arg19 : memref<!tpu.dma_semaphore, #tpu.memory_space<semaphore_mem>>) src(%arg8 : memref<128x128xf32, #tpu.memory_space<vmem>>) dst(%dma_wait3A_527 : memref<128x128xf32, #tpu.memory_space<hbm>>)
    %dma_wait3A_528 = arith.constant 0 : i32
    %dma_wait3A_529 = tpu.memref_slice %arg5[%mul3A_505, %dma_wait3A_528] : memref<100000x128xf32, #tpu.memory_space<hbm>> -> memref<128x128xf32, #tpu.memory_space<hbm>>
    %dma_wait3A_530 = arith.constant 0 : i32
    %dma_wait3A_531 = tpu.memref_slice %arg5[%mul3A_505, %dma_wait3A_530] : memref<100000x128xf32, #tpu.memory_space<hbm>> -> memref<128x128xf32, #tpu.memory_space<hbm>>
    tpu.wait_dma2 semaphore(%arg20 : memref<!tpu.dma_semaphore, #tpu.memory_space<semaphore_mem>>) src(%arg9 : memref<128x128xf32, #tpu.memory_space<vmem>>) dst(%dma_wait3A_531 : memref<128x128xf32, #tpu.memory_space<hbm>>)
    %lt3A = arith.constant 13 : i32
    %lt3A_532 = arith.cmpi slt, %add3A, %lt3A : i32
    %convert_element_type3A = arith.extui %lt3A_532 : i1 to i32
    %cond3A = arith.constant 0 : i32
    %cond3A_533 = arith.cmpi ne, %convert_element_type3A, %cond3A : i32
    scf.if %cond3A_533 {
      %add3A_903 = arith.constant 768 : i32
      %add3A_904 = arith.addi %add3A_903, %add3A : i32
      %mul3A_905 = arith.constant 128 : i32
      %mul3A_906 = arith.muli %add3A_904, %mul3A_905 : i32
      "tpu.region"() ({
        %run_scoped3A = tpu.sem_alloc : memref<!tpu.dma_semaphore, #tpu.memory_space<semaphore_mem>>
        %dma_start3A_907 = arith.constant 0 : i32
        %dma_start3A_908 = tpu.memref_slice %arg2[%mul3A_906, %dma_start3A_907] : memref<100000x128xf32, #tpu.memory_space<hbm>> -> memref<128x128xf32, #tpu.memory_space<hbm>>
        %dma_start3A_909 = arith.constant 0 : i32
        %dma_start3A_910 = tpu.memref_slice %arg2[%mul3A_906, %dma_start3A_909] : memref<100000x128xf32, #tpu.memory_space<hbm>> -> memref<128x128xf32, #tpu.memory_space<hbm>>
        tpu.enqueue_dma source(%dma_start3A_910 : memref<128x128xf32, #tpu.memory_space<hbm>>) target(%arg6 : memref<128x128xf32, #tpu.memory_space<vmem>>) target_semaphore(%run_scoped3A : memref<!tpu.dma_semaphore, #tpu.memory_space<semaphore_mem>>)
        %dma_wait3A_911 = arith.constant 0 : i32
        %dma_wait3A_912 = tpu.memref_slice %arg2[%mul3A_906, %dma_wait3A_911] : memref<100000x128xf32, #tpu.memory_space<hbm>> -> memref<128x128xf32, #tpu.memory_space<hbm>>
        %dma_wait3A_913 = arith.constant 0 : i32
        %dma_wait3A_914 = tpu.memref_slice %arg2[%mul3A_906, %dma_wait3A_913] : memref<100000x128xf32, #tpu.memory_space<hbm>> -> memref<128x128xf32, #tpu.memory_space<hbm>>
        tpu.wait_dma2 semaphore(%run_scoped3A : memref<!tpu.dma_semaphore, #tpu.memory_space<semaphore_mem>>) src(%dma_wait3A_914 : memref<128x128xf32, #tpu.memory_space<hbm>>) dst(%arg6 : memref<128x128xf32, #tpu.memory_space<vmem>>)
        tpu.yield
      }) : () -> ()
      "tpu.region"() ({
        %run_scoped3A = tpu.sem_alloc : memref<!tpu.dma_semaphore, #tpu.memory_space<semaphore_mem>>
        %dma_start3A_907 = arith.constant 0 : i32
        %dma_start3A_908 = tpu.memref_slice %arg5[%mul3A_906, %dma_start3A_907] : memref<100000x128xf32, #tpu.memory_space<hbm>> -> memref<128x128xf32, #tpu.memory_space<hbm>>
        %dma_start3A_909 = arith.constant 0 : i32
        %dma_start3A_910 = tpu.memref_slice %arg5[%mul3A_906, %dma_start3A_909] : memref<100000x128xf32, #tpu.memory_space<hbm>> -> memref<128x128xf32, #tpu.memory_space<hbm>>
        tpu.enqueue_dma source(%arg6 : memref<128x128xf32, #tpu.memory_space<vmem>>) target(%dma_start3A_910 : memref<128x128xf32, #tpu.memory_space<hbm>>) target_semaphore(%run_scoped3A : memref<!tpu.dma_semaphore, #tpu.memory_space<semaphore_mem>>)
        %dma_wait3A_911 = arith.constant 0 : i32
        %dma_wait3A_912 = tpu.memref_slice %arg5[%mul3A_906, %dma_wait3A_911] : memref<100000x128xf32, #tpu.memory_space<hbm>> -> memref<128x128xf32, #tpu.memory_space<hbm>>
        %dma_wait3A_913 = arith.constant 0 : i32
        %dma_wait3A_914 = tpu.memref_slice %arg5[%mul3A_906, %dma_wait3A_913] : memref<100000x128xf32, #tpu.memory_space<hbm>> -> memref<128x128xf32, #tpu.memory_space<hbm>>
        tpu.wait_dma2 semaphore(%run_scoped3A : memref<!tpu.dma_semaphore, #tpu.memory_space<semaphore_mem>>) src(%arg6 : memref<128x128xf32, #tpu.memory_space<vmem>>) dst(%dma_wait3A_914 : memref<128x128xf32, #tpu.memory_space<hbm>>)
        tpu.yield
      }) : () -> ()
    } else {
    }
    %eq3A = arith.constant 13 : i32
    %eq3A_534 = arith.cmpi eq, %add3A, %eq3A : i32
    %convert_element_type3A_535 = arith.extui %eq3A_534 : i1 to i32
    %cond3A_536 = arith.constant 0 : i32
    %cond3A_537 = arith.cmpi ne, %convert_element_type3A_535, %cond3A_536 : i32
    scf.if %cond3A_537 {
      "tpu.region"() ({
        %run_scoped3A = tpu.sem_alloc : memref<!tpu.dma_semaphore, #tpu.memory_space<semaphore_mem>>
        %dma_start3A_903 = arith.constant 0 : i32
        %dma_start3A_904 = arith.constant 0 : i32
        %dma_start3A_905 = tpu.memref_slice %arg7[%dma_start3A_903, %dma_start3A_904] : memref<128x128xf32, #tpu.memory_space<vmem>> -> memref<32x128xf32, #tpu.memory_space<vmem>>
        %dma_start3A_906 = arith.constant 99968 : i32
        %dma_start3A_907 = arith.constant 0 : i32
        %dma_start3A_908 = tpu.memref_slice %arg2[%dma_start3A_906, %dma_start3A_907] : memref<100000x128xf32, #tpu.memory_space<hbm>> -> memref<32x128xf32, #tpu.memory_space<hbm>>
        %dma_start3A_909 = arith.constant 0 : i32
        %dma_start3A_910 = arith.constant 0 : i32
        %dma_start3A_911 = tpu.memref_slice %arg7[%dma_start3A_909, %dma_start3A_910] : memref<128x128xf32, #tpu.memory_space<vmem>> -> memref<32x128xf32, #tpu.memory_space<vmem>>
        %dma_start3A_912 = arith.constant 99968 : i32
        %dma_start3A_913 = arith.constant 0 : i32
        %dma_start3A_914 = tpu.memref_slice %arg2[%dma_start3A_912, %dma_start3A_913] : memref<100000x128xf32, #tpu.memory_space<hbm>> -> memref<32x128xf32, #tpu.memory_space<hbm>>
        tpu.enqueue_dma source(%dma_start3A_914 : memref<32x128xf32, #tpu.memory_space<hbm>>) target(%dma_start3A_911 : memref<32x128xf32, #tpu.memory_space<vmem>>) target_semaphore(%run_scoped3A : memref<!tpu.dma_semaphore, #tpu.memory_space<semaphore_mem>>)
        %dma_wait3A_915 = arith.constant 0 : i32
        %dma_wait3A_916 = arith.constant 0 : i32
        %dma_wait3A_917 = tpu.memref_slice %arg7[%dma_wait3A_915, %dma_wait3A_916] : memref<128x128xf32, #tpu.memory_space<vmem>> -> memref<32x128xf32, #tpu.memory_space<vmem>>
        %dma_wait3A_918 = arith.constant 99968 : i32
        %dma_wait3A_919 = arith.constant 0 : i32
        %dma_wait3A_920 = tpu.memref_slice %arg2[%dma_wait3A_918, %dma_wait3A_919] : memref<100000x128xf32, #tpu.memory_space<hbm>> -> memref<32x128xf32, #tpu.memory_space<hbm>>
        %dma_wait3A_921 = arith.constant 0 : i32
        %dma_wait3A_922 = arith.constant 0 : i32
        %dma_wait3A_923 = tpu.memref_slice %arg7[%dma_wait3A_921, %dma_wait3A_922] : memref<128x128xf32, #tpu.memory_space<vmem>> -> memref<32x128xf32, #tpu.memory_space<vmem>>
        %dma_wait3A_924 = arith.constant 99968 : i32
        %dma_wait3A_925 = arith.constant 0 : i32
        %dma_wait3A_926 = tpu.memref_slice %arg2[%dma_wait3A_924, %dma_wait3A_925] : memref<100000x128xf32, #tpu.memory_space<hbm>> -> memref<32x128xf32, #tpu.memory_space<hbm>>
        tpu.wait_dma2 semaphore(%run_scoped3A : memref<!tpu.dma_semaphore, #tpu.memory_space<semaphore_mem>>) src(%dma_wait3A_926 : memref<32x128xf32, #tpu.memory_space<hbm>>) dst(%dma_wait3A_923 : memref<32x128xf32, #tpu.memory_space<vmem>>)
        tpu.yield
      }) : () -> ()
      "tpu.region"() ({
        %run_scoped3A = tpu.sem_alloc : memref<!tpu.dma_semaphore, #tpu.memory_space<semaphore_mem>>
        %dma_start3A_903 = arith.constant 0 : i32
        %dma_start3A_904 = arith.constant 0 : i32
        %dma_start3A_905 = tpu.memref_slice %arg7[%dma_start3A_903, %dma_start3A_904] : memref<128x128xf32, #tpu.memory_space<vmem>> -> memref<32x128xf32, #tpu.memory_space<vmem>>
        %dma_start3A_906 = arith.constant 99968 : i32
        %dma_start3A_907 = arith.constant 0 : i32
        %dma_start3A_908 = tpu.memref_slice %arg5[%dma_start3A_906, %dma_start3A_907] : memref<100000x128xf32, #tpu.memory_space<hbm>> -> memref<32x128xf32, #tpu.memory_space<hbm>>
        %dma_start3A_909 = arith.constant 99968 : i32
        %dma_start3A_910 = arith.constant 0 : i32
        %dma_start3A_911 = tpu.memref_slice %arg5[%dma_start3A_909, %dma_start3A_910] : memref<100000x128xf32, #tpu.memory_space<hbm>> -> memref<32x128xf32, #tpu.memory_space<hbm>>
        %dma_start3A_912 = arith.constant 0 : i32
        %dma_start3A_913 = arith.constant 0 : i32
        %dma_start3A_914 = tpu.memref_slice %arg7[%dma_start3A_912, %dma_start3A_913] : memref<128x128xf32, #tpu.memory_space<vmem>> -> memref<32x128xf32, #tpu.memory_space<vmem>>
        tpu.enqueue_dma source(%dma_start3A_914 : memref<32x128xf32, #tpu.memory_space<vmem>>) target(%dma_start3A_911 : memref<32x128xf32, #tpu.memory_space<hbm>>) target_semaphore(%run_scoped3A : memref<!tpu.dma_semaphore, #tpu.memory_space<semaphore_mem>>)
        %dma_wait3A_915 = arith.constant 0 : i32
        %dma_wait3A_916 = arith.constant 0 : i32
        %dma_wait3A_917 = tpu.memref_slice %arg7[%dma_wait3A_915, %dma_wait3A_916] : memref<128x128xf32, #tpu.memory_space<vmem>> -> memref<32x128xf32, #tpu.memory_space<vmem>>
        %dma_wait3A_918 = arith.constant 99968 : i32
        %dma_wait3A_919 = arith.constant 0 : i32
        %dma_wait3A_920 = tpu.memref_slice %arg5[%dma_wait3A_918, %dma_wait3A_919] : memref<100000x128xf32, #tpu.memory_space<hbm>> -> memref<32x128xf32, #tpu.memory_space<hbm>>
        %dma_wait3A_921 = arith.constant 99968 : i32
        %dma_wait3A_922 = arith.constant 0 : i32
        %dma_wait3A_923 = tpu.memref_slice %arg5[%dma_wait3A_921, %dma_wait3A_922] : memref<100000x128xf32, #tpu.memory_space<hbm>> -> memref<32x128xf32, #tpu.memory_space<hbm>>
        %dma_wait3A_924 = arith.constant 0 : i32
        %dma_wait3A_925 = arith.constant 0 : i32
        %dma_wait3A_926 = tpu.memref_slice %arg7[%dma_wait3A_924, %dma_wait3A_925] : memref<128x128xf32, #tpu.memory_space<vmem>> -> memref<32x128xf32, #tpu.memory_space<vmem>>
        tpu.wait_dma2 semaphore(%run_scoped3A : memref<!tpu.dma_semaphore, #tpu.memory_space<semaphore_mem>>) src(%dma_wait3A_926 : memref<32x128xf32, #tpu.memory_space<vmem>>) dst(%dma_wait3A_923 : memref<32x128xf32, #tpu.memory_space<hbm>>)
        tpu.yield
      }) : () -> ()
    } else {
    }
    %iota3A_538 = tpu.iota {dimensions = array<i32: 0>} : vector<16xi32>
    %slice3A = vector.extract_strided_slice %scan3A_514#0 {offsets = [0], sizes = [1], strides = [1]} : vector<16xi32> to vector<1xi32>
    %squeeze3A = vector.extract %slice3A[0] : i32 from vector<1xi32>
    %slice3A_539 = vector.extract_strided_slice %scan3A_514#1 {offsets = [0], sizes = [1], strides = [1]} : vector<16xi32> to vector<1xi32>
    %squeeze3A_540 = vector.extract %slice3A_539[0] : i32 from vector<1xi32>
    %broadcast_in_dim3A_541 = vector.broadcast %squeeze3A_540 : i32 to vector<16xi32>
    %add3A_542 = arith.constant 0 : i32
    %add3A_543 = arith.addi %add3A_542, %squeeze3A : i32
    %add3A_544 = vector.broadcast %add3A_543 : i32 to vector<16xi32>
    %add3A_545 = arith.addi %add3A_544, %iota3A_538 : vector<16xi32>
    tpu.vector_store_idx %arg11[%add3A_545], %broadcast_in_dim3A_541 : memref<16640xi32, #tpu.memory_space<vmem>>[vector<16xi32>], vector<16xi32>,
    %add3A_546 = arith.constant 15 : i32
    %add3A_547 = arith.addi %squeeze3A, %add3A_546 : i32
    %shift_right_logical3A = arith.constant 4 : i32
    %shift_right_logical3A_548 = arith.shrui %add3A_547, %shift_right_logical3A : i32
    %while3A = arith.constant 0 : i32
    %while3A_549 = arith.constant 0 : i32
    %while3A_550 = arith.subi %shift_right_logical3A_548, %while3A_549 : i32
    %while3A_551 = arith.addi %while3A_549, %while3A_550 : i32
    %while3A_552 = arith.constant 1 : i32
    %while3A_553 = arith.divsi %while3A_550, %while3A_552 : i32
    %while3A_554 = arith.muli %while3A_553, %while3A_552 : i32
    %while3A_555 = arith.addi %while3A_549, %while3A_554 : i32
    %while3A_556 = arith.constant 1 : i32
    scf.for %while3A_903 = %while3A_549 to %while3A_555 step %while3A_556  : i32 {
      %mul3A_904 = arith.constant 16 : i32
      %mul3A_905 = arith.muli %while3A_903, %mul3A_904 : i32
      %add3A_906 = arith.constant 0 : i32
      %add3A_907 = arith.addi %add3A_906, %mul3A_905 : i32
      "tpu.region"() ({
        %run_scoped3A = tpu.sem_alloc : memref<!tpu.dma_semaphore, #tpu.memory_space<semaphore_mem>>
        %dma_start3A_908 = tpu.memref_slice %arg11[%add3A_907] : memref<16640xi32, #tpu.memory_space<vmem>> -> memref<16xi32, #tpu.memory_space<vmem>>
        %dma_start3A_909 = arith.constant 0 : i32
        %dma_start3A_910 = arith.constant 0 : i32
        %dma_start3A_911 = tpu.memref_slice %arg5[%dma_start3A_909, %dma_start3A_910] : memref<100000x128xf32, #tpu.memory_space<hbm>> -> memref<100000x128xf32, #tpu.memory_space<hbm>>
        tpu.enqueue_indirect_dma source(%arg12 : memref<16x128xf32, #tpu.memory_space<vmem>>) target(%dma_start3A_911 : memref<100000x128xf32, #tpu.memory_space<hbm>>) offsets(%dma_start3A_908 : memref<16xi32, #tpu.memory_space<vmem>>) semaphore(%run_scoped3A : memref<!tpu.dma_semaphore, #tpu.memory_space<semaphore_mem>>)
        %dma_wait3A_912 = tpu.memref_slice %arg11[%add3A_907] : memref<16640xi32, #tpu.memory_space<vmem>> -> memref<16xi32, #tpu.memory_space<vmem>>
        %dma_wait3A_913 = arith.constant 0 : i32
        %dma_wait3A_914 = arith.constant 0 : i32
        %dma_wait3A_915 = tpu.memref_slice %arg5[%dma_wait3A_913, %dma_wait3A_914] : memref<100000x128xf32, #tpu.memory_space<hbm>> -> memref<100000x128xf32, #tpu.memory_space<hbm>>
        tpu.wait_indirect_dma semaphore(%run_scoped3A : memref<!tpu.dma_semaphore, #tpu.memory_space<semaphore_mem>>) src(%arg12 : memref<16x128xf32, #tpu.memory_space<vmem>>) dst(%dma_wait3A_915 : memref<100000x128xf32, #tpu.memory_space<hbm>>)
        tpu.yield
      }) : () -> ()
    }
    %while3A_557 = arith.constant 1 : i32
    scf.for %while3A_903 = %while3A_555 to %while3A_551 step %while3A_557  : i32 {
      %mul3A_904 = arith.constant 16 : i32
      %mul3A_905 = arith.muli %while3A_903, %mul3A_904 : i32
      %add3A_906 = arith.constant 0 : i32
      %add3A_907 = arith.addi %add3A_906, %mul3A_905 : i32
      "tpu.region"() ({
        %run_scoped3A = tpu.sem_alloc : memref<!tpu.dma_semaphore, #tpu.memory_space<semaphore_mem>>
        %dma_start3A_908 = tpu.memref_slice %arg11[%add3A_907] : memref<16640xi32, #tpu.memory_space<vmem>> -> memref<16xi32, #tpu.memory_space<vmem>>
        %dma_start3A_909 = arith.constant 0 : i32
        %dma_start3A_910 = arith.constant 0 : i32
        %dma_start3A_911 = tpu.memref_slice %arg5[%dma_start3A_909, %dma_start3A_910] : memref<100000x128xf32, #tpu.memory_space<hbm>> -> memref<100000x128xf32, #tpu.memory_space<hbm>>
        tpu.enqueue_indirect_dma source(%arg12 : memref<16x128xf32, #tpu.memory_space<vmem>>) target(%dma_start3A_911 : memref<100000x128xf32, #tpu.memory_space<hbm>>) offsets(%dma_start3A_908 : memref<16xi32, #tpu.memory_space<vmem>>) semaphore(%run_scoped3A : memref<!tpu.dma_semaphore, #tpu.memory_space<semaphore_mem>>)
        %dma_wait3A_912 = tpu.memref_slice %arg11[%add3A_907] : memref<16640xi32, #tpu.memory_space<vmem>> -> memref<16xi32, #tpu.memory_space<vmem>>
        %dma_wait3A_913 = arith.constant 0 : i32
        %dma_wait3A_914 = arith.constant 0 : i32
        %dma_wait3A_915 = tpu.memref_slice %arg5[%dma_wait3A_913, %dma_wait3A_914] : memref<100000x128xf32, #tpu.memory_space<hbm>> -> memref<100000x128xf32, #tpu.memory_space<hbm>>
        tpu.wait_indirect_dma semaphore(%run_scoped3A : memref<!tpu.dma_semaphore, #tpu.memory_space<semaphore_mem>>) src(%arg12 : memref<16x128xf32, #tpu.memory_space<vmem>>) dst(%dma_wait3A_915 : memref<100000x128xf32, #tpu.memory_space<hbm>>)
        tpu.yield
      }) : () -> ()
    }
    %slice3A_558 = vector.extract_strided_slice %scan3A_514#0 {offsets = [1], sizes = [1], strides = [1]} : vector<16xi32> to vector<1xi32>
    %squeeze3A_559 = vector.extract %slice3A_558[0] : i32 from vector<1xi32>
    %slice3A_560 = vector.extract_strided_slice %scan3A_514#1 {offsets = [1], sizes = [1], strides = [1]} : vector<16xi32> to vector<1xi32>
    %squeeze3A_561 = vector.extract %slice3A_560[0] : i32 from vector<1xi32>
    %broadcast_in_dim3A_562 = vector.broadcast %squeeze3A_561 : i32 to vector<16xi32>
    %add3A_563 = arith.constant 1040 : i32
    %add3A_564 = arith.addi %add3A_563, %squeeze3A_559 : i32
    %add3A_565 = vector.broadcast %add3A_564 : i32 to vector<16xi32>
    %add3A_566 = arith.addi %add3A_565, %iota3A_538 : vector<16xi32>
    tpu.vector_store_idx %arg11[%add3A_566], %broadcast_in_dim3A_562 : memref<16640xi32, #tpu.memory_space<vmem>>[vector<16xi32>], vector<16xi32>,
    %add3A_567 = arith.constant 15 : i32
    %add3A_568 = arith.addi %squeeze3A_559, %add3A_567 : i32
    %shift_right_logical3A_569 = arith.constant 4 : i32
    %shift_right_logical3A_570 = arith.shrui %add3A_568, %shift_right_logical3A_569 : i32
    %while3A_571 = arith.constant 0 : i32
    %while3A_572 = arith.constant 0 : i32
    %while3A_573 = arith.subi %shift_right_logical3A_570, %while3A_572 : i32
    %while3A_574 = arith.addi %while3A_572, %while3A_573 : i32
    %while3A_575 = arith.constant 1 : i32
    %while3A_576 = arith.divsi %while3A_573, %while3A_575 : i32
    %while3A_577 = arith.muli %while3A_576, %while3A_575 : i32
    %while3A_578 = arith.addi %while3A_572, %while3A_577 : i32
    %while3A_579 = arith.constant 1 : i32
    scf.for %while3A_903 = %while3A_572 to %while3A_578 step %while3A_579  : i32 {
      %mul3A_904 = arith.constant 16 : i32
      %mul3A_905 = arith.muli %while3A_903, %mul3A_904 : i32
      %add3A_906 = arith.constant 1040 : i32
      %add3A_907 = arith.addi %add3A_906, %mul3A_905 : i32
      "tpu.region"() ({
        %run_scoped3A = tpu.sem_alloc : memref<!tpu.dma_semaphore, #tpu.memory_space<semaphore_mem>>
        %dma_start3A_908 = tpu.memref_slice %arg11[%add3A_907] : memref<16640xi32, #tpu.memory_space<vmem>> -> memref<16xi32, #tpu.memory_space<vmem>>
        %dma_start3A_909 = arith.constant 0 : i32
        %dma_start3A_910 = arith.constant 0 : i32
        %dma_start3A_911 = tpu.memref_slice %arg5[%dma_start3A_909, %dma_start3A_910] : memref<100000x128xf32, #tpu.memory_space<hbm>> -> memref<100000x128xf32, #tpu.memory_space<hbm>>
        tpu.enqueue_indirect_dma source(%arg12 : memref<16x128xf32, #tpu.memory_space<vmem>>) target(%dma_start3A_911 : memref<100000x128xf32, #tpu.memory_space<hbm>>) offsets(%dma_start3A_908 : memref<16xi32, #tpu.memory_space<vmem>>) semaphore(%run_scoped3A : memref<!tpu.dma_semaphore, #tpu.memory_space<semaphore_mem>>)
        %dma_wait3A_912 = tpu.memref_slice %arg11[%add3A_907] : memref<16640xi32, #tpu.memory_space<vmem>> -> memref<16xi32, #tpu.memory_space<vmem>>
        %dma_wait3A_913 = arith.constant 0 : i32
        %dma_wait3A_914 = arith.constant 0 : i32
        %dma_wait3A_915 = tpu.memref_slice %arg5[%dma_wait3A_913, %dma_wait3A_914] : memref<100000x128xf32, #tpu.memory_space<hbm>> -> memref<100000x128xf32, #tpu.memory_space<hbm>>
        tpu.wait_indirect_dma semaphore(%run_scoped3A : memref<!tpu.dma_semaphore, #tpu.memory_space<semaphore_mem>>) src(%arg12 : memref<16x128xf32, #tpu.memory_space<vmem>>) dst(%dma_wait3A_915 : memref<100000x128xf32, #tpu.memory_space<hbm>>)
        tpu.yield
      }) : () -> ()
    }
    %while3A_580 = arith.constant 1 : i32
    scf.for %while3A_903 = %while3A_578 to %while3A_574 step %while3A_580  : i32 {
      %mul3A_904 = arith.constant 16 : i32
      %mul3A_905 = arith.muli %while3A_903, %mul3A_904 : i32
      %add3A_906 = arith.constant 1040 : i32
      %add3A_907 = arith.addi %add3A_906, %mul3A_905 : i32
      "tpu.region"() ({
        %run_scoped3A = tpu.sem_alloc : memref<!tpu.dma_semaphore, #tpu.memory_space<semaphore_mem>>
        %dma_start3A_908 = tpu.memref_slice %arg11[%add3A_907] : memref<16640xi32, #tpu.memory_space<vmem>> -> memref<16xi32, #tpu.memory_space<vmem>>
        %dma_start3A_909 = arith.constant 0 : i32
        %dma_start3A_910 = arith.constant 0 : i32
        %dma_start3A_911 = tpu.memref_slice %arg5[%dma_start3A_909, %dma_start3A_910] : memref<100000x128xf32, #tpu.memory_space<hbm>> -> memref<100000x128xf32, #tpu.memory_space<hbm>>
        tpu.enqueue_indirect_dma source(%arg12 : memref<16x128xf32, #tpu.memory_space<vmem>>) target(%dma_start3A_911 : memref<100000x128xf32, #tpu.memory_space<hbm>>) offsets(%dma_start3A_908 : memref<16xi32, #tpu.memory_space<vmem>>) semaphore(%run_scoped3A : memref<!tpu.dma_semaphore, #tpu.memory_space<semaphore_mem>>)
        %dma_wait3A_912 = tpu.memref_slice %arg11[%add3A_907] : memref<16640xi32, #tpu.memory_space<vmem>> -> memref<16xi32, #tpu.memory_space<vmem>>
        %dma_wait3A_913 = arith.constant 0 : i32
        %dma_wait3A_914 = arith.constant 0 : i32
        %dma_wait3A_915 = tpu.memref_slice %arg5[%dma_wait3A_913, %dma_wait3A_914] : memref<100000x128xf32, #tpu.memory_space<hbm>> -> memref<100000x128xf32, #tpu.memory_space<hbm>>
        tpu.wait_indirect_dma semaphore(%run_scoped3A : memref<!tpu.dma_semaphore, #tpu.memory_space<semaphore_mem>>) src(%arg12 : memref<16x128xf32, #tpu.memory_space<vmem>>) dst(%dma_wait3A_915 : memref<100000x128xf32, #tpu.memory_space<hbm>>)
        tpu.yield
      }) : () -> ()
    }
    %slice3A_581 = vector.extract_strided_slice %scan3A_514#0 {offsets = [2], sizes = [1], strides = [1]} : vector<16xi32> to vector<1xi32>
    %squeeze3A_582 = vector.extract %slice3A_581[0] : i32 from vector<1xi32>
    %slice3A_583 = vector.extract_strided_slice %scan3A_514#1 {offsets = [2], sizes = [1], strides = [1]} : vector<16xi32> to vector<1xi32>
    %squeeze3A_584 = vector.extract %slice3A_583[0] : i32 from vector<1xi32>
    %broadcast_in_dim3A_585 = vector.broadcast %squeeze3A_584 : i32 to vector<16xi32>
    %add3A_586 = arith.constant 2080 : i32
    %add3A_587 = arith.addi %add3A_586, %squeeze3A_582 : i32
    %add3A_588 = vector.broadcast %add3A_587 : i32 to vector<16xi32>
    %add3A_589 = arith.addi %add3A_588, %iota3A_538 : vector<16xi32>
    tpu.vector_store_idx %arg11[%add3A_589], %broadcast_in_dim3A_585 : memref<16640xi32, #tpu.memory_space<vmem>>[vector<16xi32>], vector<16xi32>,
    %add3A_590 = arith.constant 15 : i32
    %add3A_591 = arith.addi %squeeze3A_582, %add3A_590 : i32
    %shift_right_logical3A_592 = arith.constant 4 : i32
    %shift_right_logical3A_593 = arith.shrui %add3A_591, %shift_right_logical3A_592 : i32
    %while3A_594 = arith.constant 0 : i32
    %while3A_595 = arith.constant 0 : i32
    %while3A_596 = arith.subi %shift_right_logical3A_593, %while3A_595 : i32
    %while3A_597 = arith.addi %while3A_595, %while3A_596 : i32
    %while3A_598 = arith.constant 1 : i32
    %while3A_599 = arith.divsi %while3A_596, %while3A_598 : i32
    %while3A_600 = arith.muli %while3A_599, %while3A_598 : i32
    %while3A_601 = arith.addi %while3A_595, %while3A_600 : i32
    %while3A_602 = arith.constant 1 : i32
    scf.for %while3A_903 = %while3A_595 to %while3A_601 step %while3A_602  : i32 {
      %mul3A_904 = arith.constant 16 : i32
      %mul3A_905 = arith.muli %while3A_903, %mul3A_904 : i32
      %add3A_906 = arith.constant 2080 : i32
      %add3A_907 = arith.addi %add3A_906, %mul3A_905 : i32
      "tpu.region"() ({
        %run_scoped3A = tpu.sem_alloc : memref<!tpu.dma_semaphore, #tpu.memory_space<semaphore_mem>>
        %dma_start3A_908 = tpu.memref_slice %arg11[%add3A_907] : memref<16640xi32, #tpu.memory_space<vmem>> -> memref<16xi32, #tpu.memory_space<vmem>>
        %dma_start3A_909 = arith.constant 0 : i32
        %dma_start3A_910 = arith.constant 0 : i32
        %dma_start3A_911 = tpu.memref_slice %arg5[%dma_start3A_909, %dma_start3A_910] : memref<100000x128xf32, #tpu.memory_space<hbm>> -> memref<100000x128xf32, #tpu.memory_space<hbm>>
        tpu.enqueue_indirect_dma source(%arg12 : memref<16x128xf32, #tpu.memory_space<vmem>>) target(%dma_start3A_911 : memref<100000x128xf32, #tpu.memory_space<hbm>>) offsets(%dma_start3A_908 : memref<16xi32, #tpu.memory_space<vmem>>) semaphore(%run_scoped3A : memref<!tpu.dma_semaphore, #tpu.memory_space<semaphore_mem>>)
        %dma_wait3A_912 = tpu.memref_slice %arg11[%add3A_907] : memref<16640xi32, #tpu.memory_space<vmem>> -> memref<16xi32, #tpu.memory_space<vmem>>
        %dma_wait3A_913 = arith.constant 0 : i32
        %dma_wait3A_914 = arith.constant 0 : i32
        %dma_wait3A_915 = tpu.memref_slice %arg5[%dma_wait3A_913, %dma_wait3A_914] : memref<100000x128xf32, #tpu.memory_space<hbm>> -> memref<100000x128xf32, #tpu.memory_space<hbm>>
        tpu.wait_indirect_dma semaphore(%run_scoped3A : memref<!tpu.dma_semaphore, #tpu.memory_space<semaphore_mem>>) src(%arg12 : memref<16x128xf32, #tpu.memory_space<vmem>>) dst(%dma_wait3A_915 : memref<100000x128xf32, #tpu.memory_space<hbm>>)
        tpu.yield
      }) : () -> ()
    }
    %while3A_603 = arith.constant 1 : i32
    scf.for %while3A_903 = %while3A_601 to %while3A_597 step %while3A_603  : i32 {
      %mul3A_904 = arith.constant 16 : i32
      %mul3A_905 = arith.muli %while3A_903, %mul3A_904 : i32
      %add3A_906 = arith.constant 2080 : i32
      %add3A_907 = arith.addi %add3A_906, %mul3A_905 : i32
      "tpu.region"() ({
        %run_scoped3A = tpu.sem_alloc : memref<!tpu.dma_semaphore, #tpu.memory_space<semaphore_mem>>
        %dma_start3A_908 = tpu.memref_slice %arg11[%add3A_907] : memref<16640xi32, #tpu.memory_space<vmem>> -> memref<16xi32, #tpu.memory_space<vmem>>
        %dma_start3A_909 = arith.constant 0 : i32
        %dma_start3A_910 = arith.constant 0 : i32
        %dma_start3A_911 = tpu.memref_slice %arg5[%dma_start3A_909, %dma_start3A_910] : memref<100000x128xf32, #tpu.memory_space<hbm>> -> memref<100000x128xf32, #tpu.memory_space<hbm>>
        tpu.enqueue_indirect_dma source(%arg12 : memref<16x128xf32, #tpu.memory_space<vmem>>) target(%dma_start3A_911 : memref<100000x128xf32, #tpu.memory_space<hbm>>) offsets(%dma_start3A_908 : memref<16xi32, #tpu.memory_space<vmem>>) semaphore(%run_scoped3A : memref<!tpu.dma_semaphore, #tpu.memory_space<semaphore_mem>>)
        %dma_wait3A_912 = tpu.memref_slice %arg11[%add3A_907] : memref<16640xi32, #tpu.memory_space<vmem>> -> memref<16xi32, #tpu.memory_space<vmem>>
        %dma_wait3A_913 = arith.constant 0 : i32
        %dma_wait3A_914 = arith.constant 0 : i32
        %dma_wait3A_915 = tpu.memref_slice %arg5[%dma_wait3A_913, %dma_wait3A_914] : memref<100000x128xf32, #tpu.memory_space<hbm>> -> memref<100000x128xf32, #tpu.memory_space<hbm>>
        tpu.wait_indirect_dma semaphore(%run_scoped3A : memref<!tpu.dma_semaphore, #tpu.memory_space<semaphore_mem>>) src(%arg12 : memref<16x128xf32, #tpu.memory_space<vmem>>) dst(%dma_wait3A_915 : memref<100000x128xf32, #tpu.memory_space<hbm>>)
        tpu.yield
      }) : () -> ()
    }
    %slice3A_604 = vector.extract_strided_slice %scan3A_514#0 {offsets = [3], sizes = [1], strides = [1]} : vector<16xi32> to vector<1xi32>
    %squeeze3A_605 = vector.extract %slice3A_604[0] : i32 from vector<1xi32>
    %slice3A_606 = vector.extract_strided_slice %scan3A_514#1 {offsets = [3], sizes = [1], strides = [1]} : vector<16xi32> to vector<1xi32>
    %squeeze3A_607 = vector.extract %slice3A_606[0] : i32 from vector<1xi32>
    %broadcast_in_dim3A_608 = vector.broadcast %squeeze3A_607 : i32 to vector<16xi32>
    %add3A_609 = arith.constant 3120 : i32
    %add3A_610 = arith.addi %add3A_609, %squeeze3A_605 : i32
    %add3A_611 = vector.broadcast %add3A_610 : i32 to vector<16xi32>
    %add3A_612 = arith.addi %add3A_611, %iota3A_538 : vector<16xi32>
    tpu.vector_store_idx %arg11[%add3A_612], %broadcast_in_dim3A_608 : memref<16640xi32, #tpu.memory_space<vmem>>[vector<16xi32>], vector<16xi32>,
    %add3A_613 = arith.constant 15 : i32
    %add3A_614 = arith.addi %squeeze3A_605, %add3A_613 : i32
    %shift_right_logical3A_615 = arith.constant 4 : i32
    %shift_right_logical3A_616 = arith.shrui %add3A_614, %shift_right_logical3A_615 : i32
    %while3A_617 = arith.constant 0 : i32
    %while3A_618 = arith.constant 0 : i32
    %while3A_619 = arith.subi %shift_right_logical3A_616, %while3A_618 : i32
    %while3A_620 = arith.addi %while3A_618, %while3A_619 : i32
    %while3A_621 = arith.constant 1 : i32
    %while3A_622 = arith.divsi %while3A_619, %while3A_621 : i32
    %while3A_623 = arith.muli %while3A_622, %while3A_621 : i32
    %while3A_624 = arith.addi %while3A_618, %while3A_623 : i32
    %while3A_625 = arith.constant 1 : i32
    scf.for %while3A_903 = %while3A_618 to %while3A_624 step %while3A_625  : i32 {
      %mul3A_904 = arith.constant 16 : i32
      %mul3A_905 = arith.muli %while3A_903, %mul3A_904 : i32
      %add3A_906 = arith.constant 3120 : i32
      %add3A_907 = arith.addi %add3A_906, %mul3A_905 : i32
      "tpu.region"() ({
        %run_scoped3A = tpu.sem_alloc : memref<!tpu.dma_semaphore, #tpu.memory_space<semaphore_mem>>
        %dma_start3A_908 = tpu.memref_slice %arg11[%add3A_907] : memref<16640xi32, #tpu.memory_space<vmem>> -> memref<16xi32, #tpu.memory_space<vmem>>
        %dma_start3A_909 = arith.constant 0 : i32
        %dma_start3A_910 = arith.constant 0 : i32
        %dma_start3A_911 = tpu.memref_slice %arg5[%dma_start3A_909, %dma_start3A_910] : memref<100000x128xf32, #tpu.memory_space<hbm>> -> memref<100000x128xf32, #tpu.memory_space<hbm>>
        tpu.enqueue_indirect_dma source(%arg12 : memref<16x128xf32, #tpu.memory_space<vmem>>) target(%dma_start3A_911 : memref<100000x128xf32, #tpu.memory_space<hbm>>) offsets(%dma_start3A_908 : memref<16xi32, #tpu.memory_space<vmem>>) semaphore(%run_scoped3A : memref<!tpu.dma_semaphore, #tpu.memory_space<semaphore_mem>>)
        %dma_wait3A_912 = tpu.memref_slice %arg11[%add3A_907] : memref<16640xi32, #tpu.memory_space<vmem>> -> memref<16xi32, #tpu.memory_space<vmem>>
        %dma_wait3A_913 = arith.constant 0 : i32
        %dma_wait3A_914 = arith.constant 0 : i32
        %dma_wait3A_915 = tpu.memref_slice %arg5[%dma_wait3A_913, %dma_wait3A_914] : memref<100000x128xf32, #tpu.memory_space<hbm>> -> memref<100000x128xf32, #tpu.memory_space<hbm>>
        tpu.wait_indirect_dma semaphore(%run_scoped3A : memref<!tpu.dma_semaphore, #tpu.memory_space<semaphore_mem>>) src(%arg12 : memref<16x128xf32, #tpu.memory_space<vmem>>) dst(%dma_wait3A_915 : memref<100000x128xf32, #tpu.memory_space<hbm>>)
        tpu.yield
      }) : () -> ()
    }
    %while3A_626 = arith.constant 1 : i32
    scf.for %while3A_903 = %while3A_624 to %while3A_620 step %while3A_626  : i32 {
      %mul3A_904 = arith.constant 16 : i32
      %mul3A_905 = arith.muli %while3A_903, %mul3A_904 : i32
      %add3A_906 = arith.constant 3120 : i32
      %add3A_907 = arith.addi %add3A_906, %mul3A_905 : i32
      "tpu.region"() ({
        %run_scoped3A = tpu.sem_alloc : memref<!tpu.dma_semaphore, #tpu.memory_space<semaphore_mem>>
        %dma_start3A_908 = tpu.memref_slice %arg11[%add3A_907] : memref<16640xi32, #tpu.memory_space<vmem>> -> memref<16xi32, #tpu.memory_space<vmem>>
        %dma_start3A_909 = arith.constant 0 : i32
        %dma_start3A_910 = arith.constant 0 : i32
        %dma_start3A_911 = tpu.memref_slice %arg5[%dma_start3A_909, %dma_start3A_910] : memref<100000x128xf32, #tpu.memory_space<hbm>> -> memref<100000x128xf32, #tpu.memory_space<hbm>>
        tpu.enqueue_indirect_dma source(%arg12 : memref<16x128xf32, #tpu.memory_space<vmem>>) target(%dma_start3A_911 : memref<100000x128xf32, #tpu.memory_space<hbm>>) offsets(%dma_start3A_908 : memref<16xi32, #tpu.memory_space<vmem>>) semaphore(%run_scoped3A : memref<!tpu.dma_semaphore, #tpu.memory_space<semaphore_mem>>)
        %dma_wait3A_912 = tpu.memref_slice %arg11[%add3A_907] : memref<16640xi32, #tpu.memory_space<vmem>> -> memref<16xi32, #tpu.memory_space<vmem>>
        %dma_wait3A_913 = arith.constant 0 : i32
        %dma_wait3A_914 = arith.constant 0 : i32
        %dma_wait3A_915 = tpu.memref_slice %arg5[%dma_wait3A_913, %dma_wait3A_914] : memref<100000x128xf32, #tpu.memory_space<hbm>> -> memref<100000x128xf32, #tpu.memory_space<hbm>>
        tpu.wait_indirect_dma semaphore(%run_scoped3A : memref<!tpu.dma_semaphore, #tpu.memory_space<semaphore_mem>>) src(%arg12 : memref<16x128xf32, #tpu.memory_space<vmem>>) dst(%dma_wait3A_915 : memref<100000x128xf32, #tpu.memory_space<hbm>>)
        tpu.yield
      }) : () -> ()
    }
    %slice3A_627 = vector.extract_strided_slice %scan3A_514#0 {offsets = [4], sizes = [1], strides = [1]} : vector<16xi32> to vector<1xi32>
    %squeeze3A_628 = vector.extract %slice3A_627[0] : i32 from vector<1xi32>
    %slice3A_629 = vector.extract_strided_slice %scan3A_514#1 {offsets = [4], sizes = [1], strides = [1]} : vector<16xi32> to vector<1xi32>
    %squeeze3A_630 = vector.extract %slice3A_629[0] : i32 from vector<1xi32>
    %broadcast_in_dim3A_631 = vector.broadcast %squeeze3A_630 : i32 to vector<16xi32>
    %add3A_632 = arith.constant 4160 : i32
    %add3A_633 = arith.addi %add3A_632, %squeeze3A_628 : i32
    %add3A_634 = vector.broadcast %add3A_633 : i32 to vector<16xi32>
    %add3A_635 = arith.addi %add3A_634, %iota3A_538 : vector<16xi32>
    tpu.vector_store_idx %arg11[%add3A_635], %broadcast_in_dim3A_631 : memref<16640xi32, #tpu.memory_space<vmem>>[vector<16xi32>], vector<16xi32>,
    %add3A_636 = arith.constant 15 : i32
    %add3A_637 = arith.addi %squeeze3A_628, %add3A_636 : i32
    %shift_right_logical3A_638 = arith.constant 4 : i32
    %shift_right_logical3A_639 = arith.shrui %add3A_637, %shift_right_logical3A_638 : i32
    %while3A_640 = arith.constant 0 : i32
    %while3A_641 = arith.constant 0 : i32
    %while3A_642 = arith.subi %shift_right_logical3A_639, %while3A_641 : i32
    %while3A_643 = arith.addi %while3A_641, %while3A_642 : i32
    %while3A_644 = arith.constant 1 : i32
    %while3A_645 = arith.divsi %while3A_642, %while3A_644 : i32
    %while3A_646 = arith.muli %while3A_645, %while3A_644 : i32
    %while3A_647 = arith.addi %while3A_641, %while3A_646 : i32
    %while3A_648 = arith.constant 1 : i32
    scf.for %while3A_903 = %while3A_641 to %while3A_647 step %while3A_648  : i32 {
      %mul3A_904 = arith.constant 16 : i32
      %mul3A_905 = arith.muli %while3A_903, %mul3A_904 : i32
      %add3A_906 = arith.constant 4160 : i32
      %add3A_907 = arith.addi %add3A_906, %mul3A_905 : i32
      "tpu.region"() ({
        %run_scoped3A = tpu.sem_alloc : memref<!tpu.dma_semaphore, #tpu.memory_space<semaphore_mem>>
        %dma_start3A_908 = tpu.memref_slice %arg11[%add3A_907] : memref<16640xi32, #tpu.memory_space<vmem>> -> memref<16xi32, #tpu.memory_space<vmem>>
        %dma_start3A_909 = arith.constant 0 : i32
        %dma_start3A_910 = arith.constant 0 : i32
        %dma_start3A_911 = tpu.memref_slice %arg5[%dma_start3A_909, %dma_start3A_910] : memref<100000x128xf32, #tpu.memory_space<hbm>> -> memref<100000x128xf32, #tpu.memory_space<hbm>>
        tpu.enqueue_indirect_dma source(%arg12 : memref<16x128xf32, #tpu.memory_space<vmem>>) target(%dma_start3A_911 : memref<100000x128xf32, #tpu.memory_space<hbm>>) offsets(%dma_start3A_908 : memref<16xi32, #tpu.memory_space<vmem>>) semaphore(%run_scoped3A : memref<!tpu.dma_semaphore, #tpu.memory_space<semaphore_mem>>)
        %dma_wait3A_912 = tpu.memref_slice %arg11[%add3A_907] : memref<16640xi32, #tpu.memory_space<vmem>> -> memref<16xi32, #tpu.memory_space<vmem>>
        %dma_wait3A_913 = arith.constant 0 : i32
        %dma_wait3A_914 = arith.constant 0 : i32
        %dma_wait3A_915 = tpu.memref_slice %arg5[%dma_wait3A_913, %dma_wait3A_914] : memref<100000x128xf32, #tpu.memory_space<hbm>> -> memref<100000x128xf32, #tpu.memory_space<hbm>>
        tpu.wait_indirect_dma semaphore(%run_scoped3A : memref<!tpu.dma_semaphore, #tpu.memory_space<semaphore_mem>>) src(%arg12 : memref<16x128xf32, #tpu.memory_space<vmem>>) dst(%dma_wait3A_915 : memref<100000x128xf32, #tpu.memory_space<hbm>>)
        tpu.yield
      }) : () -> ()
    }
    %while3A_649 = arith.constant 1 : i32
    scf.for %while3A_903 = %while3A_647 to %while3A_643 step %while3A_649  : i32 {
      %mul3A_904 = arith.constant 16 : i32
      %mul3A_905 = arith.muli %while3A_903, %mul3A_904 : i32
      %add3A_906 = arith.constant 4160 : i32
      %add3A_907 = arith.addi %add3A_906, %mul3A_905 : i32
      "tpu.region"() ({
        %run_scoped3A = tpu.sem_alloc : memref<!tpu.dma_semaphore, #tpu.memory_space<semaphore_mem>>
        %dma_start3A_908 = tpu.memref_slice %arg11[%add3A_907] : memref<16640xi32, #tpu.memory_space<vmem>> -> memref<16xi32, #tpu.memory_space<vmem>>
        %dma_start3A_909 = arith.constant 0 : i32
        %dma_start3A_910 = arith.constant 0 : i32
        %dma_start3A_911 = tpu.memref_slice %arg5[%dma_start3A_909, %dma_start3A_910] : memref<100000x128xf32, #tpu.memory_space<hbm>> -> memref<100000x128xf32, #tpu.memory_space<hbm>>
        tpu.enqueue_indirect_dma source(%arg12 : memref<16x128xf32, #tpu.memory_space<vmem>>) target(%dma_start3A_911 : memref<100000x128xf32, #tpu.memory_space<hbm>>) offsets(%dma_start3A_908 : memref<16xi32, #tpu.memory_space<vmem>>) semaphore(%run_scoped3A : memref<!tpu.dma_semaphore, #tpu.memory_space<semaphore_mem>>)
        %dma_wait3A_912 = tpu.memref_slice %arg11[%add3A_907] : memref<16640xi32, #tpu.memory_space<vmem>> -> memref<16xi32, #tpu.memory_space<vmem>>
        %dma_wait3A_913 = arith.constant 0 : i32
        %dma_wait3A_914 = arith.constant 0 : i32
        %dma_wait3A_915 = tpu.memref_slice %arg5[%dma_wait3A_913, %dma_wait3A_914] : memref<100000x128xf32, #tpu.memory_space<hbm>> -> memref<100000x128xf32, #tpu.memory_space<hbm>>
        tpu.wait_indirect_dma semaphore(%run_scoped3A : memref<!tpu.dma_semaphore, #tpu.memory_space<semaphore_mem>>) src(%arg12 : memref<16x128xf32, #tpu.memory_space<vmem>>) dst(%dma_wait3A_915 : memref<100000x128xf32, #tpu.memory_space<hbm>>)
        tpu.yield
      }) : () -> ()
    }
    %slice3A_650 = vector.extract_strided_slice %scan3A_514#0 {offsets = [5], sizes = [1], strides = [1]} : vector<16xi32> to vector<1xi32>
    %squeeze3A_651 = vector.extract %slice3A_650[0] : i32 from vector<1xi32>
    %slice3A_652 = vector.extract_strided_slice %scan3A_514#1 {offsets = [5], sizes = [1], strides = [1]} : vector<16xi32> to vector<1xi32>
    %squeeze3A_653 = vector.extract %slice3A_652[0] : i32 from vector<1xi32>
    %broadcast_in_dim3A_654 = vector.broadcast %squeeze3A_653 : i32 to vector<16xi32>
    %add3A_655 = arith.constant 5200 : i32
    %add3A_656 = arith.addi %add3A_655, %squeeze3A_651 : i32
    %add3A_657 = vector.broadcast %add3A_656 : i32 to vector<16xi32>
    %add3A_658 = arith.addi %add3A_657, %iota3A_538 : vector<16xi32>
    tpu.vector_store_idx %arg11[%add3A_658], %broadcast_in_dim3A_654 : memref<16640xi32, #tpu.memory_space<vmem>>[vector<16xi32>], vector<16xi32>,
    %add3A_659 = arith.constant 15 : i32
    %add3A_660 = arith.addi %squeeze3A_651, %add3A_659 : i32
    %shift_right_logical3A_661 = arith.constant 4 : i32
    %shift_right_logical3A_662 = arith.shrui %add3A_660, %shift_right_logical3A_661 : i32
    %while3A_663 = arith.constant 0 : i32
    %while3A_664 = arith.constant 0 : i32
    %while3A_665 = arith.subi %shift_right_logical3A_662, %while3A_664 : i32
    %while3A_666 = arith.addi %while3A_664, %while3A_665 : i32
    %while3A_667 = arith.constant 1 : i32
    %while3A_668 = arith.divsi %while3A_665, %while3A_667 : i32
    %while3A_669 = arith.muli %while3A_668, %while3A_667 : i32
    %while3A_670 = arith.addi %while3A_664, %while3A_669 : i32
    %while3A_671 = arith.constant 1 : i32
    scf.for %while3A_903 = %while3A_664 to %while3A_670 step %while3A_671  : i32 {
      %mul3A_904 = arith.constant 16 : i32
      %mul3A_905 = arith.muli %while3A_903, %mul3A_904 : i32
      %add3A_906 = arith.constant 5200 : i32
      %add3A_907 = arith.addi %add3A_906, %mul3A_905 : i32
      "tpu.region"() ({
        %run_scoped3A = tpu.sem_alloc : memref<!tpu.dma_semaphore, #tpu.memory_space<semaphore_mem>>
        %dma_start3A_908 = tpu.memref_slice %arg11[%add3A_907] : memref<16640xi32, #tpu.memory_space<vmem>> -> memref<16xi32, #tpu.memory_space<vmem>>
        %dma_start3A_909 = arith.constant 0 : i32
        %dma_start3A_910 = arith.constant 0 : i32
        %dma_start3A_911 = tpu.memref_slice %arg5[%dma_start3A_909, %dma_start3A_910] : memref<100000x128xf32, #tpu.memory_space<hbm>> -> memref<100000x128xf32, #tpu.memory_space<hbm>>
        tpu.enqueue_indirect_dma source(%arg12 : memref<16x128xf32, #tpu.memory_space<vmem>>) target(%dma_start3A_911 : memref<100000x128xf32, #tpu.memory_space<hbm>>) offsets(%dma_start3A_908 : memref<16xi32, #tpu.memory_space<vmem>>) semaphore(%run_scoped3A : memref<!tpu.dma_semaphore, #tpu.memory_space<semaphore_mem>>)
        %dma_wait3A_912 = tpu.memref_slice %arg11[%add3A_907] : memref<16640xi32, #tpu.memory_space<vmem>> -> memref<16xi32, #tpu.memory_space<vmem>>
        %dma_wait3A_913 = arith.constant 0 : i32
        %dma_wait3A_914 = arith.constant 0 : i32
        %dma_wait3A_915 = tpu.memref_slice %arg5[%dma_wait3A_913, %dma_wait3A_914] : memref<100000x128xf32, #tpu.memory_space<hbm>> -> memref<100000x128xf32, #tpu.memory_space<hbm>>
        tpu.wait_indirect_dma semaphore(%run_scoped3A : memref<!tpu.dma_semaphore, #tpu.memory_space<semaphore_mem>>) src(%arg12 : memref<16x128xf32, #tpu.memory_space<vmem>>) dst(%dma_wait3A_915 : memref<100000x128xf32, #tpu.memory_space<hbm>>)
        tpu.yield
      }) : () -> ()
    }
    %while3A_672 = arith.constant 1 : i32
    scf.for %while3A_903 = %while3A_670 to %while3A_666 step %while3A_672  : i32 {
      %mul3A_904 = arith.constant 16 : i32
      %mul3A_905 = arith.muli %while3A_903, %mul3A_904 : i32
      %add3A_906 = arith.constant 5200 : i32
      %add3A_907 = arith.addi %add3A_906, %mul3A_905 : i32
      "tpu.region"() ({
        %run_scoped3A = tpu.sem_alloc : memref<!tpu.dma_semaphore, #tpu.memory_space<semaphore_mem>>
        %dma_start3A_908 = tpu.memref_slice %arg11[%add3A_907] : memref<16640xi32, #tpu.memory_space<vmem>> -> memref<16xi32, #tpu.memory_space<vmem>>
        %dma_start3A_909 = arith.constant 0 : i32
        %dma_start3A_910 = arith.constant 0 : i32
        %dma_start3A_911 = tpu.memref_slice %arg5[%dma_start3A_909, %dma_start3A_910] : memref<100000x128xf32, #tpu.memory_space<hbm>> -> memref<100000x128xf32, #tpu.memory_space<hbm>>
        tpu.enqueue_indirect_dma source(%arg12 : memref<16x128xf32, #tpu.memory_space<vmem>>) target(%dma_start3A_911 : memref<100000x128xf32, #tpu.memory_space<hbm>>) offsets(%dma_start3A_908 : memref<16xi32, #tpu.memory_space<vmem>>) semaphore(%run_scoped3A : memref<!tpu.dma_semaphore, #tpu.memory_space<semaphore_mem>>)
        %dma_wait3A_912 = tpu.memref_slice %arg11[%add3A_907] : memref<16640xi32, #tpu.memory_space<vmem>> -> memref<16xi32, #tpu.memory_space<vmem>>
        %dma_wait3A_913 = arith.constant 0 : i32
        %dma_wait3A_914 = arith.constant 0 : i32
        %dma_wait3A_915 = tpu.memref_slice %arg5[%dma_wait3A_913, %dma_wait3A_914] : memref<100000x128xf32, #tpu.memory_space<hbm>> -> memref<100000x128xf32, #tpu.memory_space<hbm>>
        tpu.wait_indirect_dma semaphore(%run_scoped3A : memref<!tpu.dma_semaphore, #tpu.memory_space<semaphore_mem>>) src(%arg12 : memref<16x128xf32, #tpu.memory_space<vmem>>) dst(%dma_wait3A_915 : memref<100000x128xf32, #tpu.memory_space<hbm>>)
        tpu.yield
      }) : () -> ()
    }
    %slice3A_673 = vector.extract_strided_slice %scan3A_514#0 {offsets = [6], sizes = [1], strides = [1]} : vector<16xi32> to vector<1xi32>
    %squeeze3A_674 = vector.extract %slice3A_673[0] : i32 from vector<1xi32>
    %slice3A_675 = vector.extract_strided_slice %scan3A_514#1 {offsets = [6], sizes = [1], strides = [1]} : vector<16xi32> to vector<1xi32>
    %squeeze3A_676 = vector.extract %slice3A_675[0] : i32 from vector<1xi32>
    %broadcast_in_dim3A_677 = vector.broadcast %squeeze3A_676 : i32 to vector<16xi32>
    %add3A_678 = arith.constant 6240 : i32
    %add3A_679 = arith.addi %add3A_678, %squeeze3A_674 : i32
    %add3A_680 = vector.broadcast %add3A_679 : i32 to vector<16xi32>
    %add3A_681 = arith.addi %add3A_680, %iota3A_538 : vector<16xi32>
    tpu.vector_store_idx %arg11[%add3A_681], %broadcast_in_dim3A_677 : memref<16640xi32, #tpu.memory_space<vmem>>[vector<16xi32>], vector<16xi32>,
    %add3A_682 = arith.constant 15 : i32
    %add3A_683 = arith.addi %squeeze3A_674, %add3A_682 : i32
    %shift_right_logical3A_684 = arith.constant 4 : i32
    %shift_right_logical3A_685 = arith.shrui %add3A_683, %shift_right_logical3A_684 : i32
    %while3A_686 = arith.constant 0 : i32
    %while3A_687 = arith.constant 0 : i32
    %while3A_688 = arith.subi %shift_right_logical3A_685, %while3A_687 : i32
    %while3A_689 = arith.addi %while3A_687, %while3A_688 : i32
    %while3A_690 = arith.constant 1 : i32
    %while3A_691 = arith.divsi %while3A_688, %while3A_690 : i32
    %while3A_692 = arith.muli %while3A_691, %while3A_690 : i32
    %while3A_693 = arith.addi %while3A_687, %while3A_692 : i32
    %while3A_694 = arith.constant 1 : i32
    scf.for %while3A_903 = %while3A_687 to %while3A_693 step %while3A_694  : i32 {
      %mul3A_904 = arith.constant 16 : i32
      %mul3A_905 = arith.muli %while3A_903, %mul3A_904 : i32
      %add3A_906 = arith.constant 6240 : i32
      %add3A_907 = arith.addi %add3A_906, %mul3A_905 : i32
      "tpu.region"() ({
        %run_scoped3A = tpu.sem_alloc : memref<!tpu.dma_semaphore, #tpu.memory_space<semaphore_mem>>
        %dma_start3A_908 = tpu.memref_slice %arg11[%add3A_907] : memref<16640xi32, #tpu.memory_space<vmem>> -> memref<16xi32, #tpu.memory_space<vmem>>
        %dma_start3A_909 = arith.constant 0 : i32
        %dma_start3A_910 = arith.constant 0 : i32
        %dma_start3A_911 = tpu.memref_slice %arg5[%dma_start3A_909, %dma_start3A_910] : memref<100000x128xf32, #tpu.memory_space<hbm>> -> memref<100000x128xf32, #tpu.memory_space<hbm>>
        tpu.enqueue_indirect_dma source(%arg12 : memref<16x128xf32, #tpu.memory_space<vmem>>) target(%dma_start3A_911 : memref<100000x128xf32, #tpu.memory_space<hbm>>) offsets(%dma_start3A_908 : memref<16xi32, #tpu.memory_space<vmem>>) semaphore(%run_scoped3A : memref<!tpu.dma_semaphore, #tpu.memory_space<semaphore_mem>>)
        %dma_wait3A_912 = tpu.memref_slice %arg11[%add3A_907] : memref<16640xi32, #tpu.memory_space<vmem>> -> memref<16xi32, #tpu.memory_space<vmem>>
        %dma_wait3A_913 = arith.constant 0 : i32
        %dma_wait3A_914 = arith.constant 0 : i32
        %dma_wait3A_915 = tpu.memref_slice %arg5[%dma_wait3A_913, %dma_wait3A_914] : memref<100000x128xf32, #tpu.memory_space<hbm>> -> memref<100000x128xf32, #tpu.memory_space<hbm>>
        tpu.wait_indirect_dma semaphore(%run_scoped3A : memref<!tpu.dma_semaphore, #tpu.memory_space<semaphore_mem>>) src(%arg12 : memref<16x128xf32, #tpu.memory_space<vmem>>) dst(%dma_wait3A_915 : memref<100000x128xf32, #tpu.memory_space<hbm>>)
        tpu.yield
      }) : () -> ()
    }
    %while3A_695 = arith.constant 1 : i32
    scf.for %while3A_903 = %while3A_693 to %while3A_689 step %while3A_695  : i32 {
      %mul3A_904 = arith.constant 16 : i32
      %mul3A_905 = arith.muli %while3A_903, %mul3A_904 : i32
      %add3A_906 = arith.constant 6240 : i32
      %add3A_907 = arith.addi %add3A_906, %mul3A_905 : i32
      "tpu.region"() ({
        %run_scoped3A = tpu.sem_alloc : memref<!tpu.dma_semaphore, #tpu.memory_space<semaphore_mem>>
        %dma_start3A_908 = tpu.memref_slice %arg11[%add3A_907] : memref<16640xi32, #tpu.memory_space<vmem>> -> memref<16xi32, #tpu.memory_space<vmem>>
        %dma_start3A_909 = arith.constant 0 : i32
        %dma_start3A_910 = arith.constant 0 : i32
        %dma_start3A_911 = tpu.memref_slice %arg5[%dma_start3A_909, %dma_start3A_910] : memref<100000x128xf32, #tpu.memory_space<hbm>> -> memref<100000x128xf32, #tpu.memory_space<hbm>>
        tpu.enqueue_indirect_dma source(%arg12 : memref<16x128xf32, #tpu.memory_space<vmem>>) target(%dma_start3A_911 : memref<100000x128xf32, #tpu.memory_space<hbm>>) offsets(%dma_start3A_908 : memref<16xi32, #tpu.memory_space<vmem>>) semaphore(%run_scoped3A : memref<!tpu.dma_semaphore, #tpu.memory_space<semaphore_mem>>)
        %dma_wait3A_912 = tpu.memref_slice %arg11[%add3A_907] : memref<16640xi32, #tpu.memory_space<vmem>> -> memref<16xi32, #tpu.memory_space<vmem>>
        %dma_wait3A_913 = arith.constant 0 : i32
        %dma_wait3A_914 = arith.constant 0 : i32
        %dma_wait3A_915 = tpu.memref_slice %arg5[%dma_wait3A_913, %dma_wait3A_914] : memref<100000x128xf32, #tpu.memory_space<hbm>> -> memref<100000x128xf32, #tpu.memory_space<hbm>>
        tpu.wait_indirect_dma semaphore(%run_scoped3A : memref<!tpu.dma_semaphore, #tpu.memory_space<semaphore_mem>>) src(%arg12 : memref<16x128xf32, #tpu.memory_space<vmem>>) dst(%dma_wait3A_915 : memref<100000x128xf32, #tpu.memory_space<hbm>>)
        tpu.yield
      }) : () -> ()
    }
    %slice3A_696 = vector.extract_strided_slice %scan3A_514#0 {offsets = [7], sizes = [1], strides = [1]} : vector<16xi32> to vector<1xi32>
    %squeeze3A_697 = vector.extract %slice3A_696[0] : i32 from vector<1xi32>
    %slice3A_698 = vector.extract_strided_slice %scan3A_514#1 {offsets = [7], sizes = [1], strides = [1]} : vector<16xi32> to vector<1xi32>
    %squeeze3A_699 = vector.extract %slice3A_698[0] : i32 from vector<1xi32>
    %broadcast_in_dim3A_700 = vector.broadcast %squeeze3A_699 : i32 to vector<16xi32>
    %add3A_701 = arith.constant 7280 : i32
    %add3A_702 = arith.addi %add3A_701, %squeeze3A_697 : i32
    %add3A_703 = vector.broadcast %add3A_702 : i32 to vector<16xi32>
    %add3A_704 = arith.addi %add3A_703, %iota3A_538 : vector<16xi32>
    tpu.vector_store_idx %arg11[%add3A_704], %broadcast_in_dim3A_700 : memref<16640xi32, #tpu.memory_space<vmem>>[vector<16xi32>], vector<16xi32>,
    %add3A_705 = arith.constant 15 : i32
    %add3A_706 = arith.addi %squeeze3A_697, %add3A_705 : i32
    %shift_right_logical3A_707 = arith.constant 4 : i32
    %shift_right_logical3A_708 = arith.shrui %add3A_706, %shift_right_logical3A_707 : i32
    %while3A_709 = arith.constant 0 : i32
    %while3A_710 = arith.constant 0 : i32
    %while3A_711 = arith.subi %shift_right_logical3A_708, %while3A_710 : i32
    %while3A_712 = arith.addi %while3A_710, %while3A_711 : i32
    %while3A_713 = arith.constant 1 : i32
    %while3A_714 = arith.divsi %while3A_711, %while3A_713 : i32
    %while3A_715 = arith.muli %while3A_714, %while3A_713 : i32
    %while3A_716 = arith.addi %while3A_710, %while3A_715 : i32
    %while3A_717 = arith.constant 1 : i32
    scf.for %while3A_903 = %while3A_710 to %while3A_716 step %while3A_717  : i32 {
      %mul3A_904 = arith.constant 16 : i32
      %mul3A_905 = arith.muli %while3A_903, %mul3A_904 : i32
      %add3A_906 = arith.constant 7280 : i32
      %add3A_907 = arith.addi %add3A_906, %mul3A_905 : i32
      "tpu.region"() ({
        %run_scoped3A = tpu.sem_alloc : memref<!tpu.dma_semaphore, #tpu.memory_space<semaphore_mem>>
        %dma_start3A_908 = tpu.memref_slice %arg11[%add3A_907] : memref<16640xi32, #tpu.memory_space<vmem>> -> memref<16xi32, #tpu.memory_space<vmem>>
        %dma_start3A_909 = arith.constant 0 : i32
        %dma_start3A_910 = arith.constant 0 : i32
        %dma_start3A_911 = tpu.memref_slice %arg5[%dma_start3A_909, %dma_start3A_910] : memref<100000x128xf32, #tpu.memory_space<hbm>> -> memref<100000x128xf32, #tpu.memory_space<hbm>>
        tpu.enqueue_indirect_dma source(%arg12 : memref<16x128xf32, #tpu.memory_space<vmem>>) target(%dma_start3A_911 : memref<100000x128xf32, #tpu.memory_space<hbm>>) offsets(%dma_start3A_908 : memref<16xi32, #tpu.memory_space<vmem>>) semaphore(%run_scoped3A : memref<!tpu.dma_semaphore, #tpu.memory_space<semaphore_mem>>)
        %dma_wait3A_912 = tpu.memref_slice %arg11[%add3A_907] : memref<16640xi32, #tpu.memory_space<vmem>> -> memref<16xi32, #tpu.memory_space<vmem>>
        %dma_wait3A_913 = arith.constant 0 : i32
        %dma_wait3A_914 = arith.constant 0 : i32
        %dma_wait3A_915 = tpu.memref_slice %arg5[%dma_wait3A_913, %dma_wait3A_914] : memref<100000x128xf32, #tpu.memory_space<hbm>> -> memref<100000x128xf32, #tpu.memory_space<hbm>>
        tpu.wait_indirect_dma semaphore(%run_scoped3A : memref<!tpu.dma_semaphore, #tpu.memory_space<semaphore_mem>>) src(%arg12 : memref<16x128xf32, #tpu.memory_space<vmem>>) dst(%dma_wait3A_915 : memref<100000x128xf32, #tpu.memory_space<hbm>>)
        tpu.yield
      }) : () -> ()
    }
    %while3A_718 = arith.constant 1 : i32
    scf.for %while3A_903 = %while3A_716 to %while3A_712 step %while3A_718  : i32 {
      %mul3A_904 = arith.constant 16 : i32
      %mul3A_905 = arith.muli %while3A_903, %mul3A_904 : i32
      %add3A_906 = arith.constant 7280 : i32
      %add3A_907 = arith.addi %add3A_906, %mul3A_905 : i32
      "tpu.region"() ({
        %run_scoped3A = tpu.sem_alloc : memref<!tpu.dma_semaphore, #tpu.memory_space<semaphore_mem>>
        %dma_start3A_908 = tpu.memref_slice %arg11[%add3A_907] : memref<16640xi32, #tpu.memory_space<vmem>> -> memref<16xi32, #tpu.memory_space<vmem>>
        %dma_start3A_909 = arith.constant 0 : i32
        %dma_start3A_910 = arith.constant 0 : i32
        %dma_start3A_911 = tpu.memref_slice %arg5[%dma_start3A_909, %dma_start3A_910] : memref<100000x128xf32, #tpu.memory_space<hbm>> -> memref<100000x128xf32, #tpu.memory_space<hbm>>
        tpu.enqueue_indirect_dma source(%arg12 : memref<16x128xf32, #tpu.memory_space<vmem>>) target(%dma_start3A_911 : memref<100000x128xf32, #tpu.memory_space<hbm>>) offsets(%dma_start3A_908 : memref<16xi32, #tpu.memory_space<vmem>>) semaphore(%run_scoped3A : memref<!tpu.dma_semaphore, #tpu.memory_space<semaphore_mem>>)
        %dma_wait3A_912 = tpu.memref_slice %arg11[%add3A_907] : memref<16640xi32, #tpu.memory_space<vmem>> -> memref<16xi32, #tpu.memory_space<vmem>>
        %dma_wait3A_913 = arith.constant 0 : i32
        %dma_wait3A_914 = arith.constant 0 : i32
        %dma_wait3A_915 = tpu.memref_slice %arg5[%dma_wait3A_913, %dma_wait3A_914] : memref<100000x128xf32, #tpu.memory_space<hbm>> -> memref<100000x128xf32, #tpu.memory_space<hbm>>
        tpu.wait_indirect_dma semaphore(%run_scoped3A : memref<!tpu.dma_semaphore, #tpu.memory_space<semaphore_mem>>) src(%arg12 : memref<16x128xf32, #tpu.memory_space<vmem>>) dst(%dma_wait3A_915 : memref<100000x128xf32, #tpu.memory_space<hbm>>)
        tpu.yield
      }) : () -> ()
    }
    %slice3A_719 = vector.extract_strided_slice %scan3A_514#0 {offsets = [8], sizes = [1], strides = [1]} : vector<16xi32> to vector<1xi32>
    %squeeze3A_720 = vector.extract %slice3A_719[0] : i32 from vector<1xi32>
    %slice3A_721 = vector.extract_strided_slice %scan3A_514#1 {offsets = [8], sizes = [1], strides = [1]} : vector<16xi32> to vector<1xi32>
    %squeeze3A_722 = vector.extract %slice3A_721[0] : i32 from vector<1xi32>
    %broadcast_in_dim3A_723 = vector.broadcast %squeeze3A_722 : i32 to vector<16xi32>
    %add3A_724 = arith.constant 8320 : i32
    %add3A_725 = arith.addi %add3A_724, %squeeze3A_720 : i32
    %add3A_726 = vector.broadcast %add3A_725 : i32 to vector<16xi32>
    %add3A_727 = arith.addi %add3A_726, %iota3A_538 : vector<16xi32>
    tpu.vector_store_idx %arg11[%add3A_727], %broadcast_in_dim3A_723 : memref<16640xi32, #tpu.memory_space<vmem>>[vector<16xi32>], vector<16xi32>,
    %add3A_728 = arith.constant 15 : i32
    %add3A_729 = arith.addi %squeeze3A_720, %add3A_728 : i32
    %shift_right_logical3A_730 = arith.constant 4 : i32
    %shift_right_logical3A_731 = arith.shrui %add3A_729, %shift_right_logical3A_730 : i32
    %while3A_732 = arith.constant 0 : i32
    %while3A_733 = arith.constant 0 : i32
    %while3A_734 = arith.subi %shift_right_logical3A_731, %while3A_733 : i32
    %while3A_735 = arith.addi %while3A_733, %while3A_734 : i32
    %while3A_736 = arith.constant 1 : i32
    %while3A_737 = arith.divsi %while3A_734, %while3A_736 : i32
    %while3A_738 = arith.muli %while3A_737, %while3A_736 : i32
    %while3A_739 = arith.addi %while3A_733, %while3A_738 : i32
    %while3A_740 = arith.constant 1 : i32
    scf.for %while3A_903 = %while3A_733 to %while3A_739 step %while3A_740  : i32 {
      %mul3A_904 = arith.constant 16 : i32
      %mul3A_905 = arith.muli %while3A_903, %mul3A_904 : i32
      %add3A_906 = arith.constant 8320 : i32
      %add3A_907 = arith.addi %add3A_906, %mul3A_905 : i32
      "tpu.region"() ({
        %run_scoped3A = tpu.sem_alloc : memref<!tpu.dma_semaphore, #tpu.memory_space<semaphore_mem>>
        %dma_start3A_908 = tpu.memref_slice %arg11[%add3A_907] : memref<16640xi32, #tpu.memory_space<vmem>> -> memref<16xi32, #tpu.memory_space<vmem>>
        %dma_start3A_909 = arith.constant 0 : i32
        %dma_start3A_910 = arith.constant 0 : i32
        %dma_start3A_911 = tpu.memref_slice %arg5[%dma_start3A_909, %dma_start3A_910] : memref<100000x128xf32, #tpu.memory_space<hbm>> -> memref<100000x128xf32, #tpu.memory_space<hbm>>
        tpu.enqueue_indirect_dma source(%arg12 : memref<16x128xf32, #tpu.memory_space<vmem>>) target(%dma_start3A_911 : memref<100000x128xf32, #tpu.memory_space<hbm>>) offsets(%dma_start3A_908 : memref<16xi32, #tpu.memory_space<vmem>>) semaphore(%run_scoped3A : memref<!tpu.dma_semaphore, #tpu.memory_space<semaphore_mem>>)
        %dma_wait3A_912 = tpu.memref_slice %arg11[%add3A_907] : memref<16640xi32, #tpu.memory_space<vmem>> -> memref<16xi32, #tpu.memory_space<vmem>>
        %dma_wait3A_913 = arith.constant 0 : i32
        %dma_wait3A_914 = arith.constant 0 : i32
        %dma_wait3A_915 = tpu.memref_slice %arg5[%dma_wait3A_913, %dma_wait3A_914] : memref<100000x128xf32, #tpu.memory_space<hbm>> -> memref<100000x128xf32, #tpu.memory_space<hbm>>
        tpu.wait_indirect_dma semaphore(%run_scoped3A : memref<!tpu.dma_semaphore, #tpu.memory_space<semaphore_mem>>) src(%arg12 : memref<16x128xf32, #tpu.memory_space<vmem>>) dst(%dma_wait3A_915 : memref<100000x128xf32, #tpu.memory_space<hbm>>)
        tpu.yield
      }) : () -> ()
    }
    %while3A_741 = arith.constant 1 : i32
    scf.for %while3A_903 = %while3A_739 to %while3A_735 step %while3A_741  : i32 {
      %mul3A_904 = arith.constant 16 : i32
      %mul3A_905 = arith.muli %while3A_903, %mul3A_904 : i32
      %add3A_906 = arith.constant 8320 : i32
      %add3A_907 = arith.addi %add3A_906, %mul3A_905 : i32
      "tpu.region"() ({
        %run_scoped3A = tpu.sem_alloc : memref<!tpu.dma_semaphore, #tpu.memory_space<semaphore_mem>>
        %dma_start3A_908 = tpu.memref_slice %arg11[%add3A_907] : memref<16640xi32, #tpu.memory_space<vmem>> -> memref<16xi32, #tpu.memory_space<vmem>>
        %dma_start3A_909 = arith.constant 0 : i32
        %dma_start3A_910 = arith.constant 0 : i32
        %dma_start3A_911 = tpu.memref_slice %arg5[%dma_start3A_909, %dma_start3A_910] : memref<100000x128xf32, #tpu.memory_space<hbm>> -> memref<100000x128xf32, #tpu.memory_space<hbm>>
        tpu.enqueue_indirect_dma source(%arg12 : memref<16x128xf32, #tpu.memory_space<vmem>>) target(%dma_start3A_911 : memref<100000x128xf32, #tpu.memory_space<hbm>>) offsets(%dma_start3A_908 : memref<16xi32, #tpu.memory_space<vmem>>) semaphore(%run_scoped3A : memref<!tpu.dma_semaphore, #tpu.memory_space<semaphore_mem>>)
        %dma_wait3A_912 = tpu.memref_slice %arg11[%add3A_907] : memref<16640xi32, #tpu.memory_space<vmem>> -> memref<16xi32, #tpu.memory_space<vmem>>
        %dma_wait3A_913 = arith.constant 0 : i32
        %dma_wait3A_914 = arith.constant 0 : i32
        %dma_wait3A_915 = tpu.memref_slice %arg5[%dma_wait3A_913, %dma_wait3A_914] : memref<100000x128xf32, #tpu.memory_space<hbm>> -> memref<100000x128xf32, #tpu.memory_space<hbm>>
        tpu.wait_indirect_dma semaphore(%run_scoped3A : memref<!tpu.dma_semaphore, #tpu.memory_space<semaphore_mem>>) src(%arg12 : memref<16x128xf32, #tpu.memory_space<vmem>>) dst(%dma_wait3A_915 : memref<100000x128xf32, #tpu.memory_space<hbm>>)
        tpu.yield
      }) : () -> ()
    }
    %slice3A_742 = vector.extract_strided_slice %scan3A_514#0 {offsets = [9], sizes = [1], strides = [1]} : vector<16xi32> to vector<1xi32>
    %squeeze3A_743 = vector.extract %slice3A_742[0] : i32 from vector<1xi32>
    %slice3A_744 = vector.extract_strided_slice %scan3A_514#1 {offsets = [9], sizes = [1], strides = [1]} : vector<16xi32> to vector<1xi32>
    %squeeze3A_745 = vector.extract %slice3A_744[0] : i32 from vector<1xi32>
    %broadcast_in_dim3A_746 = vector.broadcast %squeeze3A_745 : i32 to vector<16xi32>
    %add3A_747 = arith.constant 9360 : i32
    %add3A_748 = arith.addi %add3A_747, %squeeze3A_743 : i32
    %add3A_749 = vector.broadcast %add3A_748 : i32 to vector<16xi32>
    %add3A_750 = arith.addi %add3A_749, %iota3A_538 : vector<16xi32>
    tpu.vector_store_idx %arg11[%add3A_750], %broadcast_in_dim3A_746 : memref<16640xi32, #tpu.memory_space<vmem>>[vector<16xi32>], vector<16xi32>,
    %add3A_751 = arith.constant 15 : i32
    %add3A_752 = arith.addi %squeeze3A_743, %add3A_751 : i32
    %shift_right_logical3A_753 = arith.constant 4 : i32
    %shift_right_logical3A_754 = arith.shrui %add3A_752, %shift_right_logical3A_753 : i32
    %while3A_755 = arith.constant 0 : i32
    %while3A_756 = arith.constant 0 : i32
    %while3A_757 = arith.subi %shift_right_logical3A_754, %while3A_756 : i32
    %while3A_758 = arith.addi %while3A_756, %while3A_757 : i32
    %while3A_759 = arith.constant 1 : i32
    %while3A_760 = arith.divsi %while3A_757, %while3A_759 : i32
    %while3A_761 = arith.muli %while3A_760, %while3A_759 : i32
    %while3A_762 = arith.addi %while3A_756, %while3A_761 : i32
    %while3A_763 = arith.constant 1 : i32
    scf.for %while3A_903 = %while3A_756 to %while3A_762 step %while3A_763  : i32 {
      %mul3A_904 = arith.constant 16 : i32
      %mul3A_905 = arith.muli %while3A_903, %mul3A_904 : i32
      %add3A_906 = arith.constant 9360 : i32
      %add3A_907 = arith.addi %add3A_906, %mul3A_905 : i32
      "tpu.region"() ({
        %run_scoped3A = tpu.sem_alloc : memref<!tpu.dma_semaphore, #tpu.memory_space<semaphore_mem>>
        %dma_start3A_908 = tpu.memref_slice %arg11[%add3A_907] : memref<16640xi32, #tpu.memory_space<vmem>> -> memref<16xi32, #tpu.memory_space<vmem>>
        %dma_start3A_909 = arith.constant 0 : i32
        %dma_start3A_910 = arith.constant 0 : i32
        %dma_start3A_911 = tpu.memref_slice %arg5[%dma_start3A_909, %dma_start3A_910] : memref<100000x128xf32, #tpu.memory_space<hbm>> -> memref<100000x128xf32, #tpu.memory_space<hbm>>
        tpu.enqueue_indirect_dma source(%arg12 : memref<16x128xf32, #tpu.memory_space<vmem>>) target(%dma_start3A_911 : memref<100000x128xf32, #tpu.memory_space<hbm>>) offsets(%dma_start3A_908 : memref<16xi32, #tpu.memory_space<vmem>>) semaphore(%run_scoped3A : memref<!tpu.dma_semaphore, #tpu.memory_space<semaphore_mem>>)
        %dma_wait3A_912 = tpu.memref_slice %arg11[%add3A_907] : memref<16640xi32, #tpu.memory_space<vmem>> -> memref<16xi32, #tpu.memory_space<vmem>>
        %dma_wait3A_913 = arith.constant 0 : i32
        %dma_wait3A_914 = arith.constant 0 : i32
        %dma_wait3A_915 = tpu.memref_slice %arg5[%dma_wait3A_913, %dma_wait3A_914] : memref<100000x128xf32, #tpu.memory_space<hbm>> -> memref<100000x128xf32, #tpu.memory_space<hbm>>
        tpu.wait_indirect_dma semaphore(%run_scoped3A : memref<!tpu.dma_semaphore, #tpu.memory_space<semaphore_mem>>) src(%arg12 : memref<16x128xf32, #tpu.memory_space<vmem>>) dst(%dma_wait3A_915 : memref<100000x128xf32, #tpu.memory_space<hbm>>)
        tpu.yield
      }) : () -> ()
    }
    %while3A_764 = arith.constant 1 : i32
    scf.for %while3A_903 = %while3A_762 to %while3A_758 step %while3A_764  : i32 {
      %mul3A_904 = arith.constant 16 : i32
      %mul3A_905 = arith.muli %while3A_903, %mul3A_904 : i32
      %add3A_906 = arith.constant 9360 : i32
      %add3A_907 = arith.addi %add3A_906, %mul3A_905 : i32
      "tpu.region"() ({
        %run_scoped3A = tpu.sem_alloc : memref<!tpu.dma_semaphore, #tpu.memory_space<semaphore_mem>>
        %dma_start3A_908 = tpu.memref_slice %arg11[%add3A_907] : memref<16640xi32, #tpu.memory_space<vmem>> -> memref<16xi32, #tpu.memory_space<vmem>>
        %dma_start3A_909 = arith.constant 0 : i32
        %dma_start3A_910 = arith.constant 0 : i32
        %dma_start3A_911 = tpu.memref_slice %arg5[%dma_start3A_909, %dma_start3A_910] : memref<100000x128xf32, #tpu.memory_space<hbm>> -> memref<100000x128xf32, #tpu.memory_space<hbm>>
        tpu.enqueue_indirect_dma source(%arg12 : memref<16x128xf32, #tpu.memory_space<vmem>>) target(%dma_start3A_911 : memref<100000x128xf32, #tpu.memory_space<hbm>>) offsets(%dma_start3A_908 : memref<16xi32, #tpu.memory_space<vmem>>) semaphore(%run_scoped3A : memref<!tpu.dma_semaphore, #tpu.memory_space<semaphore_mem>>)
        %dma_wait3A_912 = tpu.memref_slice %arg11[%add3A_907] : memref<16640xi32, #tpu.memory_space<vmem>> -> memref<16xi32, #tpu.memory_space<vmem>>
        %dma_wait3A_913 = arith.constant 0 : i32
        %dma_wait3A_914 = arith.constant 0 : i32
        %dma_wait3A_915 = tpu.memref_slice %arg5[%dma_wait3A_913, %dma_wait3A_914] : memref<100000x128xf32, #tpu.memory_space<hbm>> -> memref<100000x128xf32, #tpu.memory_space<hbm>>
        tpu.wait_indirect_dma semaphore(%run_scoped3A : memref<!tpu.dma_semaphore, #tpu.memory_space<semaphore_mem>>) src(%arg12 : memref<16x128xf32, #tpu.memory_space<vmem>>) dst(%dma_wait3A_915 : memref<100000x128xf32, #tpu.memory_space<hbm>>)
        tpu.yield
      }) : () -> ()
    }
    %slice3A_765 = vector.extract_strided_slice %scan3A_514#0 {offsets = [10], sizes = [1], strides = [1]} : vector<16xi32> to vector<1xi32>
    %squeeze3A_766 = vector.extract %slice3A_765[0] : i32 from vector<1xi32>
    %slice3A_767 = vector.extract_strided_slice %scan3A_514#1 {offsets = [10], sizes = [1], strides = [1]} : vector<16xi32> to vector<1xi32>
    %squeeze3A_768 = vector.extract %slice3A_767[0] : i32 from vector<1xi32>
    %broadcast_in_dim3A_769 = vector.broadcast %squeeze3A_768 : i32 to vector<16xi32>
    %add3A_770 = arith.constant 10400 : i32
    %add3A_771 = arith.addi %add3A_770, %squeeze3A_766 : i32
    %add3A_772 = vector.broadcast %add3A_771 : i32 to vector<16xi32>
    %add3A_773 = arith.addi %add3A_772, %iota3A_538 : vector<16xi32>
    tpu.vector_store_idx %arg11[%add3A_773], %broadcast_in_dim3A_769 : memref<16640xi32, #tpu.memory_space<vmem>>[vector<16xi32>], vector<16xi32>,
    %add3A_774 = arith.constant 15 : i32
    %add3A_775 = arith.addi %squeeze3A_766, %add3A_774 : i32
    %shift_right_logical3A_776 = arith.constant 4 : i32
    %shift_right_logical3A_777 = arith.shrui %add3A_775, %shift_right_logical3A_776 : i32
    %while3A_778 = arith.constant 0 : i32
    %while3A_779 = arith.constant 0 : i32
    %while3A_780 = arith.subi %shift_right_logical3A_777, %while3A_779 : i32
    %while3A_781 = arith.addi %while3A_779, %while3A_780 : i32
    %while3A_782 = arith.constant 1 : i32
    %while3A_783 = arith.divsi %while3A_780, %while3A_782 : i32
    %while3A_784 = arith.muli %while3A_783, %while3A_782 : i32
    %while3A_785 = arith.addi %while3A_779, %while3A_784 : i32
    %while3A_786 = arith.constant 1 : i32
    scf.for %while3A_903 = %while3A_779 to %while3A_785 step %while3A_786  : i32 {
      %mul3A_904 = arith.constant 16 : i32
      %mul3A_905 = arith.muli %while3A_903, %mul3A_904 : i32
      %add3A_906 = arith.constant 10400 : i32
      %add3A_907 = arith.addi %add3A_906, %mul3A_905 : i32
      "tpu.region"() ({
        %run_scoped3A = tpu.sem_alloc : memref<!tpu.dma_semaphore, #tpu.memory_space<semaphore_mem>>
        %dma_start3A_908 = tpu.memref_slice %arg11[%add3A_907] : memref<16640xi32, #tpu.memory_space<vmem>> -> memref<16xi32, #tpu.memory_space<vmem>>
        %dma_start3A_909 = arith.constant 0 : i32
        %dma_start3A_910 = arith.constant 0 : i32
        %dma_start3A_911 = tpu.memref_slice %arg5[%dma_start3A_909, %dma_start3A_910] : memref<100000x128xf32, #tpu.memory_space<hbm>> -> memref<100000x128xf32, #tpu.memory_space<hbm>>
        tpu.enqueue_indirect_dma source(%arg12 : memref<16x128xf32, #tpu.memory_space<vmem>>) target(%dma_start3A_911 : memref<100000x128xf32, #tpu.memory_space<hbm>>) offsets(%dma_start3A_908 : memref<16xi32, #tpu.memory_space<vmem>>) semaphore(%run_scoped3A : memref<!tpu.dma_semaphore, #tpu.memory_space<semaphore_mem>>)
        %dma_wait3A_912 = tpu.memref_slice %arg11[%add3A_907] : memref<16640xi32, #tpu.memory_space<vmem>> -> memref<16xi32, #tpu.memory_space<vmem>>
        %dma_wait3A_913 = arith.constant 0 : i32
        %dma_wait3A_914 = arith.constant 0 : i32
        %dma_wait3A_915 = tpu.memref_slice %arg5[%dma_wait3A_913, %dma_wait3A_914] : memref<100000x128xf32, #tpu.memory_space<hbm>> -> memref<100000x128xf32, #tpu.memory_space<hbm>>
        tpu.wait_indirect_dma semaphore(%run_scoped3A : memref<!tpu.dma_semaphore, #tpu.memory_space<semaphore_mem>>) src(%arg12 : memref<16x128xf32, #tpu.memory_space<vmem>>) dst(%dma_wait3A_915 : memref<100000x128xf32, #tpu.memory_space<hbm>>)
        tpu.yield
      }) : () -> ()
    }
    %while3A_787 = arith.constant 1 : i32
    scf.for %while3A_903 = %while3A_785 to %while3A_781 step %while3A_787  : i32 {
      %mul3A_904 = arith.constant 16 : i32
      %mul3A_905 = arith.muli %while3A_903, %mul3A_904 : i32
      %add3A_906 = arith.constant 10400 : i32
      %add3A_907 = arith.addi %add3A_906, %mul3A_905 : i32
      "tpu.region"() ({
        %run_scoped3A = tpu.sem_alloc : memref<!tpu.dma_semaphore, #tpu.memory_space<semaphore_mem>>
        %dma_start3A_908 = tpu.memref_slice %arg11[%add3A_907] : memref<16640xi32, #tpu.memory_space<vmem>> -> memref<16xi32, #tpu.memory_space<vmem>>
        %dma_start3A_909 = arith.constant 0 : i32
        %dma_start3A_910 = arith.constant 0 : i32
        %dma_start3A_911 = tpu.memref_slice %arg5[%dma_start3A_909, %dma_start3A_910] : memref<100000x128xf32, #tpu.memory_space<hbm>> -> memref<100000x128xf32, #tpu.memory_space<hbm>>
        tpu.enqueue_indirect_dma source(%arg12 : memref<16x128xf32, #tpu.memory_space<vmem>>) target(%dma_start3A_911 : memref<100000x128xf32, #tpu.memory_space<hbm>>) offsets(%dma_start3A_908 : memref<16xi32, #tpu.memory_space<vmem>>) semaphore(%run_scoped3A : memref<!tpu.dma_semaphore, #tpu.memory_space<semaphore_mem>>)
        %dma_wait3A_912 = tpu.memref_slice %arg11[%add3A_907] : memref<16640xi32, #tpu.memory_space<vmem>> -> memref<16xi32, #tpu.memory_space<vmem>>
        %dma_wait3A_913 = arith.constant 0 : i32
        %dma_wait3A_914 = arith.constant 0 : i32
        %dma_wait3A_915 = tpu.memref_slice %arg5[%dma_wait3A_913, %dma_wait3A_914] : memref<100000x128xf32, #tpu.memory_space<hbm>> -> memref<100000x128xf32, #tpu.memory_space<hbm>>
        tpu.wait_indirect_dma semaphore(%run_scoped3A : memref<!tpu.dma_semaphore, #tpu.memory_space<semaphore_mem>>) src(%arg12 : memref<16x128xf32, #tpu.memory_space<vmem>>) dst(%dma_wait3A_915 : memref<100000x128xf32, #tpu.memory_space<hbm>>)
        tpu.yield
      }) : () -> ()
    }
    %slice3A_788 = vector.extract_strided_slice %scan3A_514#0 {offsets = [11], sizes = [1], strides = [1]} : vector<16xi32> to vector<1xi32>
    %squeeze3A_789 = vector.extract %slice3A_788[0] : i32 from vector<1xi32>
    %slice3A_790 = vector.extract_strided_slice %scan3A_514#1 {offsets = [11], sizes = [1], strides = [1]} : vector<16xi32> to vector<1xi32>
    %squeeze3A_791 = vector.extract %slice3A_790[0] : i32 from vector<1xi32>
    %broadcast_in_dim3A_792 = vector.broadcast %squeeze3A_791 : i32 to vector<16xi32>
    %add3A_793 = arith.constant 11440 : i32
    %add3A_794 = arith.addi %add3A_793, %squeeze3A_789 : i32
    %add3A_795 = vector.broadcast %add3A_794 : i32 to vector<16xi32>
    %add3A_796 = arith.addi %add3A_795, %iota3A_538 : vector<16xi32>
    tpu.vector_store_idx %arg11[%add3A_796], %broadcast_in_dim3A_792 : memref<16640xi32, #tpu.memory_space<vmem>>[vector<16xi32>], vector<16xi32>,
    %add3A_797 = arith.constant 15 : i32
    %add3A_798 = arith.addi %squeeze3A_789, %add3A_797 : i32
    %shift_right_logical3A_799 = arith.constant 4 : i32
    %shift_right_logical3A_800 = arith.shrui %add3A_798, %shift_right_logical3A_799 : i32
    %while3A_801 = arith.constant 0 : i32
    %while3A_802 = arith.constant 0 : i32
    %while3A_803 = arith.subi %shift_right_logical3A_800, %while3A_802 : i32
    %while3A_804 = arith.addi %while3A_802, %while3A_803 : i32
    %while3A_805 = arith.constant 1 : i32
    %while3A_806 = arith.divsi %while3A_803, %while3A_805 : i32
    %while3A_807 = arith.muli %while3A_806, %while3A_805 : i32
    %while3A_808 = arith.addi %while3A_802, %while3A_807 : i32
    %while3A_809 = arith.constant 1 : i32
    scf.for %while3A_903 = %while3A_802 to %while3A_808 step %while3A_809  : i32 {
      %mul3A_904 = arith.constant 16 : i32
      %mul3A_905 = arith.muli %while3A_903, %mul3A_904 : i32
      %add3A_906 = arith.constant 11440 : i32
      %add3A_907 = arith.addi %add3A_906, %mul3A_905 : i32
      "tpu.region"() ({
        %run_scoped3A = tpu.sem_alloc : memref<!tpu.dma_semaphore, #tpu.memory_space<semaphore_mem>>
        %dma_start3A_908 = tpu.memref_slice %arg11[%add3A_907] : memref<16640xi32, #tpu.memory_space<vmem>> -> memref<16xi32, #tpu.memory_space<vmem>>
        %dma_start3A_909 = arith.constant 0 : i32
        %dma_start3A_910 = arith.constant 0 : i32
        %dma_start3A_911 = tpu.memref_slice %arg5[%dma_start3A_909, %dma_start3A_910] : memref<100000x128xf32, #tpu.memory_space<hbm>> -> memref<100000x128xf32, #tpu.memory_space<hbm>>
        tpu.enqueue_indirect_dma source(%arg12 : memref<16x128xf32, #tpu.memory_space<vmem>>) target(%dma_start3A_911 : memref<100000x128xf32, #tpu.memory_space<hbm>>) offsets(%dma_start3A_908 : memref<16xi32, #tpu.memory_space<vmem>>) semaphore(%run_scoped3A : memref<!tpu.dma_semaphore, #tpu.memory_space<semaphore_mem>>)
        %dma_wait3A_912 = tpu.memref_slice %arg11[%add3A_907] : memref<16640xi32, #tpu.memory_space<vmem>> -> memref<16xi32, #tpu.memory_space<vmem>>
        %dma_wait3A_913 = arith.constant 0 : i32
        %dma_wait3A_914 = arith.constant 0 : i32
        %dma_wait3A_915 = tpu.memref_slice %arg5[%dma_wait3A_913, %dma_wait3A_914] : memref<100000x128xf32, #tpu.memory_space<hbm>> -> memref<100000x128xf32, #tpu.memory_space<hbm>>
        tpu.wait_indirect_dma semaphore(%run_scoped3A : memref<!tpu.dma_semaphore, #tpu.memory_space<semaphore_mem>>) src(%arg12 : memref<16x128xf32, #tpu.memory_space<vmem>>) dst(%dma_wait3A_915 : memref<100000x128xf32, #tpu.memory_space<hbm>>)
        tpu.yield
      }) : () -> ()
    }
    %while3A_810 = arith.constant 1 : i32
    scf.for %while3A_903 = %while3A_808 to %while3A_804 step %while3A_810  : i32 {
      %mul3A_904 = arith.constant 16 : i32
      %mul3A_905 = arith.muli %while3A_903, %mul3A_904 : i32
      %add3A_906 = arith.constant 11440 : i32
      %add3A_907 = arith.addi %add3A_906, %mul3A_905 : i32
      "tpu.region"() ({
        %run_scoped3A = tpu.sem_alloc : memref<!tpu.dma_semaphore, #tpu.memory_space<semaphore_mem>>
        %dma_start3A_908 = tpu.memref_slice %arg11[%add3A_907] : memref<16640xi32, #tpu.memory_space<vmem>> -> memref<16xi32, #tpu.memory_space<vmem>>
        %dma_start3A_909 = arith.constant 0 : i32
        %dma_start3A_910 = arith.constant 0 : i32
        %dma_start3A_911 = tpu.memref_slice %arg5[%dma_start3A_909, %dma_start3A_910] : memref<100000x128xf32, #tpu.memory_space<hbm>> -> memref<100000x128xf32, #tpu.memory_space<hbm>>
        tpu.enqueue_indirect_dma source(%arg12 : memref<16x128xf32, #tpu.memory_space<vmem>>) target(%dma_start3A_911 : memref<100000x128xf32, #tpu.memory_space<hbm>>) offsets(%dma_start3A_908 : memref<16xi32, #tpu.memory_space<vmem>>) semaphore(%run_scoped3A : memref<!tpu.dma_semaphore, #tpu.memory_space<semaphore_mem>>)
        %dma_wait3A_912 = tpu.memref_slice %arg11[%add3A_907] : memref<16640xi32, #tpu.memory_space<vmem>> -> memref<16xi32, #tpu.memory_space<vmem>>
        %dma_wait3A_913 = arith.constant 0 : i32
        %dma_wait3A_914 = arith.constant 0 : i32
        %dma_wait3A_915 = tpu.memref_slice %arg5[%dma_wait3A_913, %dma_wait3A_914] : memref<100000x128xf32, #tpu.memory_space<hbm>> -> memref<100000x128xf32, #tpu.memory_space<hbm>>
        tpu.wait_indirect_dma semaphore(%run_scoped3A : memref<!tpu.dma_semaphore, #tpu.memory_space<semaphore_mem>>) src(%arg12 : memref<16x128xf32, #tpu.memory_space<vmem>>) dst(%dma_wait3A_915 : memref<100000x128xf32, #tpu.memory_space<hbm>>)
        tpu.yield
      }) : () -> ()
    }
    %slice3A_811 = vector.extract_strided_slice %scan3A_514#0 {offsets = [12], sizes = [1], strides = [1]} : vector<16xi32> to vector<1xi32>
    %squeeze3A_812 = vector.extract %slice3A_811[0] : i32 from vector<1xi32>
    %slice3A_813 = vector.extract_strided_slice %scan3A_514#1 {offsets = [12], sizes = [1], strides = [1]} : vector<16xi32> to vector<1xi32>
    %squeeze3A_814 = vector.extract %slice3A_813[0] : i32 from vector<1xi32>
    %broadcast_in_dim3A_815 = vector.broadcast %squeeze3A_814 : i32 to vector<16xi32>
    %add3A_816 = arith.constant 12480 : i32
    %add3A_817 = arith.addi %add3A_816, %squeeze3A_812 : i32
    %add3A_818 = vector.broadcast %add3A_817 : i32 to vector<16xi32>
    %add3A_819 = arith.addi %add3A_818, %iota3A_538 : vector<16xi32>
    tpu.vector_store_idx %arg11[%add3A_819], %broadcast_in_dim3A_815 : memref<16640xi32, #tpu.memory_space<vmem>>[vector<16xi32>], vector<16xi32>,
    %add3A_820 = arith.constant 15 : i32
    %add3A_821 = arith.addi %squeeze3A_812, %add3A_820 : i32
    %shift_right_logical3A_822 = arith.constant 4 : i32
    %shift_right_logical3A_823 = arith.shrui %add3A_821, %shift_right_logical3A_822 : i32
    %while3A_824 = arith.constant 0 : i32
    %while3A_825 = arith.constant 0 : i32
    %while3A_826 = arith.subi %shift_right_logical3A_823, %while3A_825 : i32
    %while3A_827 = arith.addi %while3A_825, %while3A_826 : i32
    %while3A_828 = arith.constant 1 : i32
    %while3A_829 = arith.divsi %while3A_826, %while3A_828 : i32
    %while3A_830 = arith.muli %while3A_829, %while3A_828 : i32
    %while3A_831 = arith.addi %while3A_825, %while3A_830 : i32
    %while3A_832 = arith.constant 1 : i32
    scf.for %while3A_903 = %while3A_825 to %while3A_831 step %while3A_832  : i32 {
      %mul3A_904 = arith.constant 16 : i32
      %mul3A_905 = arith.muli %while3A_903, %mul3A_904 : i32
      %add3A_906 = arith.constant 12480 : i32
      %add3A_907 = arith.addi %add3A_906, %mul3A_905 : i32
      "tpu.region"() ({
        %run_scoped3A = tpu.sem_alloc : memref<!tpu.dma_semaphore, #tpu.memory_space<semaphore_mem>>
        %dma_start3A_908 = tpu.memref_slice %arg11[%add3A_907] : memref<16640xi32, #tpu.memory_space<vmem>> -> memref<16xi32, #tpu.memory_space<vmem>>
        %dma_start3A_909 = arith.constant 0 : i32
        %dma_start3A_910 = arith.constant 0 : i32
        %dma_start3A_911 = tpu.memref_slice %arg5[%dma_start3A_909, %dma_start3A_910] : memref<100000x128xf32, #tpu.memory_space<hbm>> -> memref<100000x128xf32, #tpu.memory_space<hbm>>
        tpu.enqueue_indirect_dma source(%arg12 : memref<16x128xf32, #tpu.memory_space<vmem>>) target(%dma_start3A_911 : memref<100000x128xf32, #tpu.memory_space<hbm>>) offsets(%dma_start3A_908 : memref<16xi32, #tpu.memory_space<vmem>>) semaphore(%run_scoped3A : memref<!tpu.dma_semaphore, #tpu.memory_space<semaphore_mem>>)
        %dma_wait3A_912 = tpu.memref_slice %arg11[%add3A_907] : memref<16640xi32, #tpu.memory_space<vmem>> -> memref<16xi32, #tpu.memory_space<vmem>>
        %dma_wait3A_913 = arith.constant 0 : i32
        %dma_wait3A_914 = arith.constant 0 : i32
        %dma_wait3A_915 = tpu.memref_slice %arg5[%dma_wait3A_913, %dma_wait3A_914] : memref<100000x128xf32, #tpu.memory_space<hbm>> -> memref<100000x128xf32, #tpu.memory_space<hbm>>
        tpu.wait_indirect_dma semaphore(%run_scoped3A : memref<!tpu.dma_semaphore, #tpu.memory_space<semaphore_mem>>) src(%arg12 : memref<16x128xf32, #tpu.memory_space<vmem>>) dst(%dma_wait3A_915 : memref<100000x128xf32, #tpu.memory_space<hbm>>)
        tpu.yield
      }) : () -> ()
    }
    %while3A_833 = arith.constant 1 : i32
    scf.for %while3A_903 = %while3A_831 to %while3A_827 step %while3A_833  : i32 {
      %mul3A_904 = arith.constant 16 : i32
      %mul3A_905 = arith.muli %while3A_903, %mul3A_904 : i32
      %add3A_906 = arith.constant 12480 : i32
      %add3A_907 = arith.addi %add3A_906, %mul3A_905 : i32
      "tpu.region"() ({
        %run_scoped3A = tpu.sem_alloc : memref<!tpu.dma_semaphore, #tpu.memory_space<semaphore_mem>>
        %dma_start3A_908 = tpu.memref_slice %arg11[%add3A_907] : memref<16640xi32, #tpu.memory_space<vmem>> -> memref<16xi32, #tpu.memory_space<vmem>>
        %dma_start3A_909 = arith.constant 0 : i32
        %dma_start3A_910 = arith.constant 0 : i32
        %dma_start3A_911 = tpu.memref_slice %arg5[%dma_start3A_909, %dma_start3A_910] : memref<100000x128xf32, #tpu.memory_space<hbm>> -> memref<100000x128xf32, #tpu.memory_space<hbm>>
        tpu.enqueue_indirect_dma source(%arg12 : memref<16x128xf32, #tpu.memory_space<vmem>>) target(%dma_start3A_911 : memref<100000x128xf32, #tpu.memory_space<hbm>>) offsets(%dma_start3A_908 : memref<16xi32, #tpu.memory_space<vmem>>) semaphore(%run_scoped3A : memref<!tpu.dma_semaphore, #tpu.memory_space<semaphore_mem>>)
        %dma_wait3A_912 = tpu.memref_slice %arg11[%add3A_907] : memref<16640xi32, #tpu.memory_space<vmem>> -> memref<16xi32, #tpu.memory_space<vmem>>
        %dma_wait3A_913 = arith.constant 0 : i32
        %dma_wait3A_914 = arith.constant 0 : i32
        %dma_wait3A_915 = tpu.memref_slice %arg5[%dma_wait3A_913, %dma_wait3A_914] : memref<100000x128xf32, #tpu.memory_space<hbm>> -> memref<100000x128xf32, #tpu.memory_space<hbm>>
        tpu.wait_indirect_dma semaphore(%run_scoped3A : memref<!tpu.dma_semaphore, #tpu.memory_space<semaphore_mem>>) src(%arg12 : memref<16x128xf32, #tpu.memory_space<vmem>>) dst(%dma_wait3A_915 : memref<100000x128xf32, #tpu.memory_space<hbm>>)
        tpu.yield
      }) : () -> ()
    }
    %slice3A_834 = vector.extract_strided_slice %scan3A_514#0 {offsets = [13], sizes = [1], strides = [1]} : vector<16xi32> to vector<1xi32>
    %squeeze3A_835 = vector.extract %slice3A_834[0] : i32 from vector<1xi32>
    %slice3A_836 = vector.extract_strided_slice %scan3A_514#1 {offsets = [13], sizes = [1], strides = [1]} : vector<16xi32> to vector<1xi32>
    %squeeze3A_837 = vector.extract %slice3A_836[0] : i32 from vector<1xi32>
    %broadcast_in_dim3A_838 = vector.broadcast %squeeze3A_837 : i32 to vector<16xi32>
    %add3A_839 = arith.constant 13520 : i32
    %add3A_840 = arith.addi %add3A_839, %squeeze3A_835 : i32
    %add3A_841 = vector.broadcast %add3A_840 : i32 to vector<16xi32>
    %add3A_842 = arith.addi %add3A_841, %iota3A_538 : vector<16xi32>
    tpu.vector_store_idx %arg11[%add3A_842], %broadcast_in_dim3A_838 : memref<16640xi32, #tpu.memory_space<vmem>>[vector<16xi32>], vector<16xi32>,
    %add3A_843 = arith.constant 15 : i32
    %add3A_844 = arith.addi %squeeze3A_835, %add3A_843 : i32
    %shift_right_logical3A_845 = arith.constant 4 : i32
    %shift_right_logical3A_846 = arith.shrui %add3A_844, %shift_right_logical3A_845 : i32
    %while3A_847 = arith.constant 0 : i32
    %while3A_848 = arith.constant 0 : i32
    %while3A_849 = arith.subi %shift_right_logical3A_846, %while3A_848 : i32
    %while3A_850 = arith.addi %while3A_848, %while3A_849 : i32
    %while3A_851 = arith.constant 1 : i32
    %while3A_852 = arith.divsi %while3A_849, %while3A_851 : i32
    %while3A_853 = arith.muli %while3A_852, %while3A_851 : i32
    %while3A_854 = arith.addi %while3A_848, %while3A_853 : i32
    %while3A_855 = arith.constant 1 : i32
    scf.for %while3A_903 = %while3A_848 to %while3A_854 step %while3A_855  : i32 {
      %mul3A_904 = arith.constant 16 : i32
      %mul3A_905 = arith.muli %while3A_903, %mul3A_904 : i32
      %add3A_906 = arith.constant 13520 : i32
      %add3A_907 = arith.addi %add3A_906, %mul3A_905 : i32
      "tpu.region"() ({
        %run_scoped3A = tpu.sem_alloc : memref<!tpu.dma_semaphore, #tpu.memory_space<semaphore_mem>>
        %dma_start3A_908 = tpu.memref_slice %arg11[%add3A_907] : memref<16640xi32, #tpu.memory_space<vmem>> -> memref<16xi32, #tpu.memory_space<vmem>>
        %dma_start3A_909 = arith.constant 0 : i32
        %dma_start3A_910 = arith.constant 0 : i32
        %dma_start3A_911 = tpu.memref_slice %arg5[%dma_start3A_909, %dma_start3A_910] : memref<100000x128xf32, #tpu.memory_space<hbm>> -> memref<100000x128xf32, #tpu.memory_space<hbm>>
        tpu.enqueue_indirect_dma source(%arg12 : memref<16x128xf32, #tpu.memory_space<vmem>>) target(%dma_start3A_911 : memref<100000x128xf32, #tpu.memory_space<hbm>>) offsets(%dma_start3A_908 : memref<16xi32, #tpu.memory_space<vmem>>) semaphore(%run_scoped3A : memref<!tpu.dma_semaphore, #tpu.memory_space<semaphore_mem>>)
        %dma_wait3A_912 = tpu.memref_slice %arg11[%add3A_907] : memref<16640xi32, #tpu.memory_space<vmem>> -> memref<16xi32, #tpu.memory_space<vmem>>
        %dma_wait3A_913 = arith.constant 0 : i32
        %dma_wait3A_914 = arith.constant 0 : i32
        %dma_wait3A_915 = tpu.memref_slice %arg5[%dma_wait3A_913, %dma_wait3A_914] : memref<100000x128xf32, #tpu.memory_space<hbm>> -> memref<100000x128xf32, #tpu.memory_space<hbm>>
        tpu.wait_indirect_dma semaphore(%run_scoped3A : memref<!tpu.dma_semaphore, #tpu.memory_space<semaphore_mem>>) src(%arg12 : memref<16x128xf32, #tpu.memory_space<vmem>>) dst(%dma_wait3A_915 : memref<100000x128xf32, #tpu.memory_space<hbm>>)
        tpu.yield
      }) : () -> ()
    }
    %while3A_856 = arith.constant 1 : i32
    scf.for %while3A_903 = %while3A_854 to %while3A_850 step %while3A_856  : i32 {
      %mul3A_904 = arith.constant 16 : i32
      %mul3A_905 = arith.muli %while3A_903, %mul3A_904 : i32
      %add3A_906 = arith.constant 13520 : i32
      %add3A_907 = arith.addi %add3A_906, %mul3A_905 : i32
      "tpu.region"() ({
        %run_scoped3A = tpu.sem_alloc : memref<!tpu.dma_semaphore, #tpu.memory_space<semaphore_mem>>
        %dma_start3A_908 = tpu.memref_slice %arg11[%add3A_907] : memref<16640xi32, #tpu.memory_space<vmem>> -> memref<16xi32, #tpu.memory_space<vmem>>
        %dma_start3A_909 = arith.constant 0 : i32
        %dma_start3A_910 = arith.constant 0 : i32
        %dma_start3A_911 = tpu.memref_slice %arg5[%dma_start3A_909, %dma_start3A_910] : memref<100000x128xf32, #tpu.memory_space<hbm>> -> memref<100000x128xf32, #tpu.memory_space<hbm>>
        tpu.enqueue_indirect_dma source(%arg12 : memref<16x128xf32, #tpu.memory_space<vmem>>) target(%dma_start3A_911 : memref<100000x128xf32, #tpu.memory_space<hbm>>) offsets(%dma_start3A_908 : memref<16xi32, #tpu.memory_space<vmem>>) semaphore(%run_scoped3A : memref<!tpu.dma_semaphore, #tpu.memory_space<semaphore_mem>>)
        %dma_wait3A_912 = tpu.memref_slice %arg11[%add3A_907] : memref<16640xi32, #tpu.memory_space<vmem>> -> memref<16xi32, #tpu.memory_space<vmem>>
        %dma_wait3A_913 = arith.constant 0 : i32
        %dma_wait3A_914 = arith.constant 0 : i32
        %dma_wait3A_915 = tpu.memref_slice %arg5[%dma_wait3A_913, %dma_wait3A_914] : memref<100000x128xf32, #tpu.memory_space<hbm>> -> memref<100000x128xf32, #tpu.memory_space<hbm>>
        tpu.wait_indirect_dma semaphore(%run_scoped3A : memref<!tpu.dma_semaphore, #tpu.memory_space<semaphore_mem>>) src(%arg12 : memref<16x128xf32, #tpu.memory_space<vmem>>) dst(%dma_wait3A_915 : memref<100000x128xf32, #tpu.memory_space<hbm>>)
        tpu.yield
      }) : () -> ()
    }
    %slice3A_857 = vector.extract_strided_slice %scan3A_514#0 {offsets = [14], sizes = [1], strides = [1]} : vector<16xi32> to vector<1xi32>
    %squeeze3A_858 = vector.extract %slice3A_857[0] : i32 from vector<1xi32>
    %slice3A_859 = vector.extract_strided_slice %scan3A_514#1 {offsets = [14], sizes = [1], strides = [1]} : vector<16xi32> to vector<1xi32>
    %squeeze3A_860 = vector.extract %slice3A_859[0] : i32 from vector<1xi32>
    %broadcast_in_dim3A_861 = vector.broadcast %squeeze3A_860 : i32 to vector<16xi32>
    %add3A_862 = arith.constant 14560 : i32
    %add3A_863 = arith.addi %add3A_862, %squeeze3A_858 : i32
    %add3A_864 = vector.broadcast %add3A_863 : i32 to vector<16xi32>
    %add3A_865 = arith.addi %add3A_864, %iota3A_538 : vector<16xi32>
    tpu.vector_store_idx %arg11[%add3A_865], %broadcast_in_dim3A_861 : memref<16640xi32, #tpu.memory_space<vmem>>[vector<16xi32>], vector<16xi32>,
    %add3A_866 = arith.constant 15 : i32
    %add3A_867 = arith.addi %squeeze3A_858, %add3A_866 : i32
    %shift_right_logical3A_868 = arith.constant 4 : i32
    %shift_right_logical3A_869 = arith.shrui %add3A_867, %shift_right_logical3A_868 : i32
    %while3A_870 = arith.constant 0 : i32
    %while3A_871 = arith.constant 0 : i32
    %while3A_872 = arith.subi %shift_right_logical3A_869, %while3A_871 : i32
    %while3A_873 = arith.addi %while3A_871, %while3A_872 : i32
    %while3A_874 = arith.constant 1 : i32
    %while3A_875 = arith.divsi %while3A_872, %while3A_874 : i32
    %while3A_876 = arith.muli %while3A_875, %while3A_874 : i32
    %while3A_877 = arith.addi %while3A_871, %while3A_876 : i32
    %while3A_878 = arith.constant 1 : i32
    scf.for %while3A_903 = %while3A_871 to %while3A_877 step %while3A_878  : i32 {
      %mul3A_904 = arith.constant 16 : i32
      %mul3A_905 = arith.muli %while3A_903, %mul3A_904 : i32
      %add3A_906 = arith.constant 14560 : i32
      %add3A_907 = arith.addi %add3A_906, %mul3A_905 : i32
      "tpu.region"() ({
        %run_scoped3A = tpu.sem_alloc : memref<!tpu.dma_semaphore, #tpu.memory_space<semaphore_mem>>
        %dma_start3A_908 = tpu.memref_slice %arg11[%add3A_907] : memref<16640xi32, #tpu.memory_space<vmem>> -> memref<16xi32, #tpu.memory_space<vmem>>
        %dma_start3A_909 = arith.constant 0 : i32
        %dma_start3A_910 = arith.constant 0 : i32
        %dma_start3A_911 = tpu.memref_slice %arg5[%dma_start3A_909, %dma_start3A_910] : memref<100000x128xf32, #tpu.memory_space<hbm>> -> memref<100000x128xf32, #tpu.memory_space<hbm>>
        tpu.enqueue_indirect_dma source(%arg12 : memref<16x128xf32, #tpu.memory_space<vmem>>) target(%dma_start3A_911 : memref<100000x128xf32, #tpu.memory_space<hbm>>) offsets(%dma_start3A_908 : memref<16xi32, #tpu.memory_space<vmem>>) semaphore(%run_scoped3A : memref<!tpu.dma_semaphore, #tpu.memory_space<semaphore_mem>>)
        %dma_wait3A_912 = tpu.memref_slice %arg11[%add3A_907] : memref<16640xi32, #tpu.memory_space<vmem>> -> memref<16xi32, #tpu.memory_space<vmem>>
        %dma_wait3A_913 = arith.constant 0 : i32
        %dma_wait3A_914 = arith.constant 0 : i32
        %dma_wait3A_915 = tpu.memref_slice %arg5[%dma_wait3A_913, %dma_wait3A_914] : memref<100000x128xf32, #tpu.memory_space<hbm>> -> memref<100000x128xf32, #tpu.memory_space<hbm>>
        tpu.wait_indirect_dma semaphore(%run_scoped3A : memref<!tpu.dma_semaphore, #tpu.memory_space<semaphore_mem>>) src(%arg12 : memref<16x128xf32, #tpu.memory_space<vmem>>) dst(%dma_wait3A_915 : memref<100000x128xf32, #tpu.memory_space<hbm>>)
        tpu.yield
      }) : () -> ()
    }
    %while3A_879 = arith.constant 1 : i32
    scf.for %while3A_903 = %while3A_877 to %while3A_873 step %while3A_879  : i32 {
      %mul3A_904 = arith.constant 16 : i32
      %mul3A_905 = arith.muli %while3A_903, %mul3A_904 : i32
      %add3A_906 = arith.constant 14560 : i32
      %add3A_907 = arith.addi %add3A_906, %mul3A_905 : i32
      "tpu.region"() ({
        %run_scoped3A = tpu.sem_alloc : memref<!tpu.dma_semaphore, #tpu.memory_space<semaphore_mem>>
        %dma_start3A_908 = tpu.memref_slice %arg11[%add3A_907] : memref<16640xi32, #tpu.memory_space<vmem>> -> memref<16xi32, #tpu.memory_space<vmem>>
        %dma_start3A_909 = arith.constant 0 : i32
        %dma_start3A_910 = arith.constant 0 : i32
        %dma_start3A_911 = tpu.memref_slice %arg5[%dma_start3A_909, %dma_start3A_910] : memref<100000x128xf32, #tpu.memory_space<hbm>> -> memref<100000x128xf32, #tpu.memory_space<hbm>>
        tpu.enqueue_indirect_dma source(%arg12 : memref<16x128xf32, #tpu.memory_space<vmem>>) target(%dma_start3A_911 : memref<100000x128xf32, #tpu.memory_space<hbm>>) offsets(%dma_start3A_908 : memref<16xi32, #tpu.memory_space<vmem>>) semaphore(%run_scoped3A : memref<!tpu.dma_semaphore, #tpu.memory_space<semaphore_mem>>)
        %dma_wait3A_912 = tpu.memref_slice %arg11[%add3A_907] : memref<16640xi32, #tpu.memory_space<vmem>> -> memref<16xi32, #tpu.memory_space<vmem>>
        %dma_wait3A_913 = arith.constant 0 : i32
        %dma_wait3A_914 = arith.constant 0 : i32
        %dma_wait3A_915 = tpu.memref_slice %arg5[%dma_wait3A_913, %dma_wait3A_914] : memref<100000x128xf32, #tpu.memory_space<hbm>> -> memref<100000x128xf32, #tpu.memory_space<hbm>>
        tpu.wait_indirect_dma semaphore(%run_scoped3A : memref<!tpu.dma_semaphore, #tpu.memory_space<semaphore_mem>>) src(%arg12 : memref<16x128xf32, #tpu.memory_space<vmem>>) dst(%dma_wait3A_915 : memref<100000x128xf32, #tpu.memory_space<hbm>>)
        tpu.yield
      }) : () -> ()
    }
    %slice3A_880 = vector.extract_strided_slice %scan3A_514#0 {offsets = [15], sizes = [1], strides = [1]} : vector<16xi32> to vector<1xi32>
    %squeeze3A_881 = vector.extract %slice3A_880[0] : i32 from vector<1xi32>
    %slice3A_882 = vector.extract_strided_slice %scan3A_514#1 {offsets = [15], sizes = [1], strides = [1]} : vector<16xi32> to vector<1xi32>
    %squeeze3A_883 = vector.extract %slice3A_882[0] : i32 from vector<1xi32>
    %broadcast_in_dim3A_884 = vector.broadcast %squeeze3A_883 : i32 to vector<16xi32>
    %add3A_885 = arith.constant 15600 : i32
    %add3A_886 = arith.addi %add3A_885, %squeeze3A_881 : i32
    %add3A_887 = vector.broadcast %add3A_886 : i32 to vector<16xi32>
    %add3A_888 = arith.addi %add3A_887, %iota3A_538 : vector<16xi32>
    tpu.vector_store_idx %arg11[%add3A_888], %broadcast_in_dim3A_884 : memref<16640xi32, #tpu.memory_space<vmem>>[vector<16xi32>], vector<16xi32>,
    %add3A_889 = arith.constant 15 : i32
    %add3A_890 = arith.addi %squeeze3A_881, %add3A_889 : i32
    %shift_right_logical3A_891 = arith.constant 4 : i32
    %shift_right_logical3A_892 = arith.shrui %add3A_890, %shift_right_logical3A_891 : i32
    %while3A_893 = arith.constant 0 : i32
    %while3A_894 = arith.constant 0 : i32
    %while3A_895 = arith.subi %shift_right_logical3A_892, %while3A_894 : i32
    %while3A_896 = arith.addi %while3A_894, %while3A_895 : i32
    %while3A_897 = arith.constant 1 : i32
    %while3A_898 = arith.divsi %while3A_895, %while3A_897 : i32
    %while3A_899 = arith.muli %while3A_898, %while3A_897 : i32
    %while3A_900 = arith.addi %while3A_894, %while3A_899 : i32
    %while3A_901 = arith.constant 1 : i32
    scf.for %while3A_903 = %while3A_894 to %while3A_900 step %while3A_901  : i32 {
      %mul3A_904 = arith.constant 16 : i32
      %mul3A_905 = arith.muli %while3A_903, %mul3A_904 : i32
      %add3A_906 = arith.constant 15600 : i32
      %add3A_907 = arith.addi %add3A_906, %mul3A_905 : i32
      "tpu.region"() ({
        %run_scoped3A = tpu.sem_alloc : memref<!tpu.dma_semaphore, #tpu.memory_space<semaphore_mem>>
        %dma_start3A_908 = tpu.memref_slice %arg11[%add3A_907] : memref<16640xi32, #tpu.memory_space<vmem>> -> memref<16xi32, #tpu.memory_space<vmem>>
        %dma_start3A_909 = arith.constant 0 : i32
        %dma_start3A_910 = arith.constant 0 : i32
        %dma_start3A_911 = tpu.memref_slice %arg5[%dma_start3A_909, %dma_start3A_910] : memref<100000x128xf32, #tpu.memory_space<hbm>> -> memref<100000x128xf32, #tpu.memory_space<hbm>>
        tpu.enqueue_indirect_dma source(%arg12 : memref<16x128xf32, #tpu.memory_space<vmem>>) target(%dma_start3A_911 : memref<100000x128xf32, #tpu.memory_space<hbm>>) offsets(%dma_start3A_908 : memref<16xi32, #tpu.memory_space<vmem>>) semaphore(%run_scoped3A : memref<!tpu.dma_semaphore, #tpu.memory_space<semaphore_mem>>)
        %dma_wait3A_912 = tpu.memref_slice %arg11[%add3A_907] : memref<16640xi32, #tpu.memory_space<vmem>> -> memref<16xi32, #tpu.memory_space<vmem>>
        %dma_wait3A_913 = arith.constant 0 : i32
        %dma_wait3A_914 = arith.constant 0 : i32
        %dma_wait3A_915 = tpu.memref_slice %arg5[%dma_wait3A_913, %dma_wait3A_914] : memref<100000x128xf32, #tpu.memory_space<hbm>> -> memref<100000x128xf32, #tpu.memory_space<hbm>>
        tpu.wait_indirect_dma semaphore(%run_scoped3A : memref<!tpu.dma_semaphore, #tpu.memory_space<semaphore_mem>>) src(%arg12 : memref<16x128xf32, #tpu.memory_space<vmem>>) dst(%dma_wait3A_915 : memref<100000x128xf32, #tpu.memory_space<hbm>>)
        tpu.yield
      }) : () -> ()
    }
    %while3A_902 = arith.constant 1 : i32
    scf.for %while3A_903 = %while3A_900 to %while3A_896 step %while3A_902  : i32 {
      %mul3A_904 = arith.constant 16 : i32
      %mul3A_905 = arith.muli %while3A_903, %mul3A_904 : i32
      %add3A_906 = arith.constant 15600 : i32
      %add3A_907 = arith.addi %add3A_906, %mul3A_905 : i32
      "tpu.region"() ({
        %run_scoped3A = tpu.sem_alloc : memref<!tpu.dma_semaphore, #tpu.memory_space<semaphore_mem>>
        %dma_start3A_908 = tpu.memref_slice %arg11[%add3A_907] : memref<16640xi32, #tpu.memory_space<vmem>> -> memref<16xi32, #tpu.memory_space<vmem>>
        %dma_start3A_909 = arith.constant 0 : i32
        %dma_start3A_910 = arith.constant 0 : i32
        %dma_start3A_911 = tpu.memref_slice %arg5[%dma_start3A_909, %dma_start3A_910] : memref<100000x128xf32, #tpu.memory_space<hbm>> -> memref<100000x128xf32, #tpu.memory_space<hbm>>
        tpu.enqueue_indirect_dma source(%arg12 : memref<16x128xf32, #tpu.memory_space<vmem>>) target(%dma_start3A_911 : memref<100000x128xf32, #tpu.memory_space<hbm>>) offsets(%dma_start3A_908 : memref<16xi32, #tpu.memory_space<vmem>>) semaphore(%run_scoped3A : memref<!tpu.dma_semaphore, #tpu.memory_space<semaphore_mem>>)
        %dma_wait3A_912 = tpu.memref_slice %arg11[%add3A_907] : memref<16640xi32, #tpu.memory_space<vmem>> -> memref<16xi32, #tpu.memory_space<vmem>>
        %dma_wait3A_913 = arith.constant 0 : i32
        %dma_wait3A_914 = arith.constant 0 : i32
        %dma_wait3A_915 = tpu.memref_slice %arg5[%dma_wait3A_913, %dma_wait3A_914] : memref<100000x128xf32, #tpu.memory_space<hbm>> -> memref<100000x128xf32, #tpu.memory_space<hbm>>
        tpu.wait_indirect_dma semaphore(%run_scoped3A : memref<!tpu.dma_semaphore, #tpu.memory_space<semaphore_mem>>) src(%arg12 : memref<16x128xf32, #tpu.memory_space<vmem>>) dst(%dma_wait3A_915 : memref<100000x128xf32, #tpu.memory_space<hbm>>)
        tpu.yield
      }) : () -> ()
    }
    return
  }
}

</mosaic_0001>

<sc_bundles>
// kernel: kernel.3.cloned.1.call-start
scs
__scs_entry_jumppad:
0x0: {  	(pc) =	sbr.rel $0x88, $3  }
0x1: {  	(tag) =	ssettag $0x0;
	lr =	simm.s32 $0x1  }
0x2: {  	[smem:$0x3F9E] =	sst lr;
	_ =	strace $0xD0000000  }
0x3: {  	_ = 	snop  }
0x4: {  	_ = 	snop  }
0x5: {  	_ = 	snop  }
0x6: {  	_ = 	snop  }
0x7: {  	_ = 	snop  }
__scs_overlays_trampoline_lowered:
0x8: {  	[smem:$0x3FAD] =	sst s0  }
0x9: {  	[smem:$0x3FAE] =	sst s1  }
0xa: {  	[smem:$0x3FAF] =	sst s2  }
0xb: {  	[smem:$0x3FB0] =	sst s3  }
0xc: {  	[smem:$0x3FB1] =	sst s4  }
0xd: {  	[smem:$0x3FB2] =	sst s5  }
0xe: {  	[smem:$0x3FB3] =	sst s6  }
0xf: {  	[smem:$0x3FB4] =	sst s7  }
0x10: {  	[smem:$0x3FB5] =	sst s8  }
0x11: {  	[smem:$0x3FB6] =	sst s9;
	s0 =	simm.s32 @!p0 $0x0  }
0x12: {  	s1 =	sld [smem:$0x3F9C];
	s0 =	simm.s32 @p0 $0x1  }
0x13: {  	[smem:$0x3FB7] =	sst s0;
	s0 =	simm.s32 @!p1 $0x0  }
0x14: {  	s2 =	sld [smem:$0x3F9B];
	s0 =	simm.s32 @p1 $0x1  }
0x15: {  	[smem:$0x3FB8] =	sst s0;
	s0 =	simm.s32 @!p2 $0x0  }
0x16: {  	s3 =	sld [smem:$0x3FDB];
	s0 =	simm.s32 @p2 $0x1  }
0x17: {  	s4 =	simm.s32 $0x1BF5;
	[smem:$0x3FBA] =	sst s0  }
0x18: {  	s0 =	sld [smem:$0x3F9D];
	_ =	swait.ge [sflag:s4], $0x0  }
0x19: {  	s7 =	sld [smem:$0x3F9E]  }
0x1a: {  	s8 =	sadd.s32 $0xFFFFE003, lr  }
0x1b: {  	s9 =	sadd.s32 $0xFFFFFEF7, lr;
	s5 =	simm.s32 $0xFFFFFFFF;
	p2 =	slt.u32 s8, $0xFFFFF086  }
0x1c: {  	p1 =	slt.u32 s9, $0xF7A;
	s5 =	simm.s32 @!p2 $0x0  }
0x1d: {  	s5 =	simm.s32 @p1 $0x1;
	p0 =	seq.s32 s7, s2  }
0x1e: {  	s7 =	smul.u32 @!p0 $0xF7A, s2;
	p2 =	seq.s32 @!p0 s5, $0x0  }
0x1f: {  	s9 =	smul.u32 $0xF7A, s1;
	s8 =	simm.s32 @!p0 $0x1BF5;
	p2 =	por !p2, p0  }
0x20: {  	[sflag:s8] =	ssyncset.s32 @!p0 $0xFFFFF086;
	s6 =	sadd.s32 @!p0 s3, s7;
	s7 =	simm.s32 @!p0 $0x108  }
0x21: {  	s3 =	sadd.s32 s3, s9;
	s6 =	sadd.s32 @!p0 $0x88, s6;
	s7 =	simm.s32 @p2 $0x1082  }
0x22: {  	[simem:s7], [sflag:s8] =	dma.local @!p0 [hbm:s6], $0xF7A  }
0x23: {  	s9 =	sor.u32 $0xD0000000, s2;
	s6 =	simm.s32 $0x108;
	_ =	swait.ge @!p0 [sflag:s8], $0x0  }
0x24: {  	s3 =	sadd.s32 $0x88, s3;
	s6 =	simm.s32 @!p1 $0x1082;
	[sflag:s4] =	ssyncset.s32 $0xFFFFF086  }
0x25: {  	[simem:s6], [sflag:s4] =	dma.local [hbm:s3], $0xF7A  }
0x26: {  	[smem:$0x3F9E] =	sst s1;
	(tag) =	ssettag s2;
	_ =	strace s9  }
0x27: {  	s1 =	sld [smem:$0x3FAE]  }
0x28: {  	s2 =	sld [smem:$0x3FAF]  }
0x29: {  	s4 =	sld [smem:$0x3FB1]  }
0x2a: {  	p0 =	seq.s32 s5, $0x0;
	s5 =	sld [smem:$0x3FB2]  }
0x2b: {  	s6 =	sld [smem:$0x3FB3]  }
0x2c: {  	s7 =	sld [smem:$0x3FB4]  }
0x2d: {  	s3 =	simm.s32 $0x108;
	s8 =	sld [smem:$0x3FB5]  }
0x2e: {  	s3 =	simm.s32 @!p0 $0x1082;
	s9 =	sld [smem:$0x3FB6]  }
0x2f: {  	lr =	sadd.s32 s0, s3;
	s0 =	sld [smem:$0x3FAD]  }
0x30: {  	s3 =	sld [smem:$0x3FB0]  }
0x31: {  	[smem:$0x3FB9] =	sst s10  }
0x32: {  	s10 =	sld [smem:$0x3FB7];
	_ =	sdelay $0x3  }
0x33: {  	p0 =	seq.s32 s10, $0x1;
	s10 =	sld [smem:$0x3FB9];
	_ =	sdelay $0x3  }
0x34: {  	[smem:$0x3FB9] =	sst s10  }
0x35: {  	s10 =	sld [smem:$0x3FB8];
	_ =	sdelay $0x3  }
0x36: {  	p1 =	seq.s32 s10, $0x1;
	s10 =	sld [smem:$0x3FB9];
	_ =	sdelay $0x3  }
0x37: {  	[smem:$0x3FB9] =	sst s10  }
0x38: {  	s10 =	sld [smem:$0x3FBA]  }
0x39: {  	_ = 	snop;
	(pc) =	sbr.ind lr, $3  }
0x3a: {  	_ = 	snop  }
0x3b: {  	_ = 	snop  }
0x3c: {  	p2 =	seq.s32 s10, $0x1;
	s10 =	sld [smem:$0x3FB9]  }
0x3d: {  	_ =	shalt  }
0x3e: {  	_ =	shalt  }
0x3f: {  	_ =	shalt  }
0x40: {  	_ =	shalt  }
0x41: {  	_ =	shalt  }
0x42: {  	_ =	shalt  }
0x43: {  	_ =	shalt  }
0x44: {  	_ =	shalt  }
0x45: {  	_ =	shalt  }
0x46: {  	_ =	shalt  }
0x47: {  	_ =	shalt  }
0x48: {  	_ =	shalt  }
0x49: {  	_ =	shalt  }
0x4a: {  	_ =	shalt  }
0x4b: {  	_ =	shalt  }
0x4c: {  	_ =	shalt  }
0x4d: {  	_ =	shalt  }
0x4e: {  	_ =	shalt  }
0x4f: {  	_ =	shalt  }
0x50: {  	_ =	shalt  }
0x51: {  	_ =	shalt  }
0x52: {  	_ =	shalt  }
0x53: {  	_ =	shalt  }
0x54: {  	_ =	shalt  }
0x55: {  	_ =	shalt  }
0x56: {  	_ =	shalt  }
0x57: {  	_ =	shalt  }
0x58: {  	_ =	shalt  }
0x59: {  	_ =	shalt  }
0x5a: {  	_ =	shalt  }
0x5b: {  	_ =	shalt  }
0x5c: {  	_ =	shalt  }
0x5d: {  	_ =	shalt  }
0x5e: {  	_ =	shalt  }
0x5f: {  	_ =	shalt  }
0x60: {  	_ =	shalt  }
0x61: {  	_ =	shalt  }
0x62: {  	_ =	shalt  }
0x63: {  	_ =	shalt  }
0x64: {  	_ =	shalt  }
0x65: {  	_ =	shalt  }
0x66: {  	_ =	shalt  }
0x67: {  	_ =	shalt  }
0x68: {  	_ =	shalt  }
0x69: {  	_ =	shalt  }
0x6a: {  	_ =	shalt  }
0x6b: {  	_ =	shalt  }
0x6c: {  	_ =	shalt  }
0x6d: {  	_ =	shalt  }
0x6e: {  	_ =	shalt  }
0x6f: {  	_ =	shalt  }
0x70: {  	_ =	shalt  }
0x71: {  	_ =	shalt  }
0x72: {  	_ =	shalt  }
0x73: {  	_ =	shalt  }
0x74: {  	_ =	shalt  }
0x75: {  	_ =	shalt  }
0x76: {  	_ =	shalt  }
0x77: {  	_ =	shalt  }
0x78: {  	_ =	shalt  }
0x79: {  	_ =	shalt  }
0x7a: {  	_ =	shalt  }
0x7b: {  	_ =	shalt  }
0x7c: {  	_ =	shalt  }
0x7d: {  	_ =	shalt  }
0x7e: {  	_ =	shalt  }
0x7f: {  	_ =	shalt  }
0x80: {  	_ =	shalt  }
0x81: {  	_ =	shalt  }
0x82: {  	_ =	shalt  }
0x83: {  	_ =	shalt  }
0x84: {  	_ =	shalt  }
0x85: {  	_ =	shalt  }
0x86: {  	_ =	shalt  }
0x87: {  	_ =	shalt  }
.Lfunc_end0:
.L_simem_size_0:
called_computation_lowered:
.L_overlay_start_0:
0x88: {  	s2 =	sld [smem:$0x3FD9]  }
0x89: {  	s3 =	sld [smem:$0x3FFE];
	_ =	sdelay $0x1  }
0x8a: {  	s1 =	srdreg.scid  }
0x8b: {  	s0 =	sand.u32 $0x1, s1  }
0x8c: {  	s17 =	sshll.u32 s0, $0xA;
	s2 =	sadd.s32 s3, s2  }
0x8d: {  	s2 =	sadd.s32 s2, s17  }
0x8e: {  	[smem:$0x3FC5] =	sst s2  }
0x8f: {  	_ = 	snop  }
0x90: {  	s2 =	sld [smem:$0x3FC9]  }
0x91: {  	s18 =	sld [smem:$0x3FC8]  }
0x92: {  	s4 =	sld [smem:$0x3FD0];
	(tm) =	ssettm $0x1  }
0x93: {  	s5 =	sld [smem:$0x3FFB];
	_ =	sdelay $0x3  }
0x94: {  	_ =	strace s5  }
0x95: {  	s5 =	sld [smem:$0x3FFC];
	_ =	sdelay $0x3  }
0x96: {  	_ =	strace s5  }
0x97: {  	s5 =	sld [smem:$0x3FFD];
	_ =	sdelay $0x3  }
0x98: {  	_ =	strace s5  }
0x99: {  	_ =	strace $0x8FFFFFFF  }
0x9a: {  	s19 =	sld [smem:$0x3FDB];
	_ =	sdelay $0x1  }
0x9b: {  	s6 =	simm.s32 $_scs_section_size  }
0x9c: {  	s7 =	simm.s32 $_size__tile_overlayer_lowered;
	s8 =	simm.s32 $_tile_overlayer_lowered  }
0x9d: {  	s22 =	simm.s32 $0x1BFF;
	s21 =	sshll.u32 s8, $0x1;
	s5 =	sadd.s32 s6, s19  }
0x9e: {  	s9 =	simm.s32 $0x0;
	s20 =	sshll.u32 s7, $0x1;
	s7 =	sadd.s32 s21, s5  }
0x9f: {  	[timem:s9], [sflag:s22] =	dma.local [hbm:s7], s20  }
0xa0: {  	_ =	swait.ge [sflag:s22], s20  }
0xa1: {  	s6 =	ssub.s32 $0x0, s20;
	[sflag:s22] =	ssyncset.done $0x0  }
0xa2: {  	[sflag:s22] =	ssyncadd.s32 s6;
	_ =	sdelay $0x1  }
0xa3: {  	s23 =	simm.s32 $0x1B8B  }
0xa4: {  	_ =	swait.ge [sflag:s23], $0x1  }
0xa5: {  	[sflag:s23] =	ssyncset.done $0x0  }
0xa6: {  	s25 =	simm.s32 $0x1B8E;
	s24 =	sld [smem:$0x3FFE];
	[sflag:s23] =	ssyncadd.s32 $0xFFFFFFFF  }
0xa7: {  	s26 =	simm.s32 $execute0_lowered;
	[smem:$0x3FD2] =	sst s25  }
0xa8: {  	s7 =	sshll.u32 s26, $0x1;
	_ =	strace $0x80000046;
	[dreg:$0x1] =	wrdreg $0xFFFFFFFF  }
0xa9: {  	s28 =	simm.s32 $_size_execute0_lowered;
	s5 =	sadd.s32 s5, s7;
	[dreg:$0x0] =	wrdreg $0x0  }
0xaa: {  	s7 =	sshll.u32 s28, $0x1;
	[dreg:$0x2] =	wrdreg s5  }
0xab: {  	[dreg:$0x3] =	wrdreg s7  }
0xac: {  	[dreg:$0x4] =	wrdreg $0xC0  }
0xad: {  	_ =	task [dreg:s9], $0x5FFFF  }
0xae: {  	[dreg:$0x1] =	wrdreg $0xFFFFFFFF  }
0xaf: {  	[dreg:$0x0] =	wrdreg $0x60  }
0xb0: {  	[dreg:$0x2] =	wrdreg s2  }
0xb1: {  	[dreg:$0x3] =	wrdreg s18  }
0xb2: {  	[dreg:$0x4] =	wrdreg s24  }
0xb3: {  	[dreg:$0x5] =	wrdreg s4  }
0xb4: {  	[dreg:$0x6] =	wrdreg $0x9  }
0xb5: {  	_ =	task.clear_ibuf [dreg:s9], $0x7FFFF;
	_ =	strace $0x90000046  }
0xb6: {  	s29 =	simm.s32 $0x9;
	_ =	strace $0x80000048  }
0xb7: {  	_ =	swait.ge [sflag:s29], $0x1  }
0xb8: {  	[sflag:s29] =	ssyncadd.s32 $0xFFFFFFFF  }
0xb9: {  	_ =	strace $0x90000048  }
0xba: {  	_ =	sfence  }
0xbb: {  	s30 =	sld [smem:$0x0];
	_ =	sdelay $0x2  }
0xbc: {  	s31 =	sshll.u32 s1, $0xD;
	s1 =	sshrl.u32 s1, $0x2  }
0xbd: {  	s3 =	sand.u32 $0x4000, s31;
	s1 =	sadd.s32 s1, s30  }
0xbe: {  	s0 =	sor.u32 s3, s0;
	s1 =	sshll.u32 s1, $0x11  }
0xbf: {  	s0 =	sor.u32 s1, s0  }
0xc0: {  	s0 =	sadd.s32 $0x8F2B, s0  }
0xc1: {  	[sflag:s0] =	ssyncadd.remote.s32 $0x1  }
0xc2: {  	_ =	sfence.sel $0xFFFF  }
0xc3: {  	[dreg:$0x0] =	wrdreg $0xFFFFFFFF;
	(pc) =	sbr.abs _section_cstart, $3  }
0xc4: {  	[dreg:$0x1] =	wrdreg $0xFFFFFFFF  }
0xc5: {  	_ =	task.clear_ibuf [dreg:s9], $0x2FFFF;
	_ =	strace $0x9FFFFFFF  }
0xc6: {  	(tm) =	ssettm $0x7FFFFFFF  }
0xc7: {  	_ =	shalt  }
tec
execute0_lowered:
.L_overlay_start_1:
0x0: {  	(tag) =	ssettag $0x1  }
0x1: {  	s0 =	rddreg [dreg:$0x0]  }
0x2: {  	s1 =	rddreg [dreg:$0x2]  }
0x3: {  	s3 =	rddreg [dreg:$0x3]  }
0x4: {  	s2 =	srdreg.scid;
	s5 =	stileid.u32  }
0x5: {  	s4 =	simm.s32 $0x0;
	s31 =	simm.s32 $0x5;
	s2 =	sand.u32 $0x1, s2  }
0x6: {  	s5 =	sshll.u32 s5, $0x1;
	[smem:$0x7FF] =	sst s4;
	s1 =	sadd.s32 $0x400, s1  }
0x7: {  	s30 =	sadd.s32 $0x186800, s3;
	s10 =	sor.u32 s2, s5;
	_ =	strace $0x80000047  }
0x8: {  	s21 =	ssub.s32 $0x2, s2;
	[dreg:$0x5] =	wrdreg s1;
	s2 =	sshll.u32 s10, $0xB  }
0x9: {  	s22 =	sshrl.u32 s21, $0x1;
	p0 =	sgt.u32 s10, $0xC;
	s6 =	sor.u32 $0x10000, s2  }
0xa: {  	s1 =	ssub.s32 s21, s22;
	s24 =	sor.u32 $0x20000, s2;
	s23 =	sadd.s32 s0, s6  }
0xb: {  	s26 =	sor.u32 $0x30000, s2;
	s6 =	sadd.s32 s3, s6;
	[dreg:$0x6] =	wrdreg s23  }
0xc: {  	s8 =	sor.u32 $0x40000, s2;
	s25 =	sadd.s32 s0, s24;
	[dreg:$0x7] =	wrdreg s6  }
0xd: {  	s11 =	sor.u32 $0x50000, s2;
	s5 =	sadd.s32 s3, s24;
	[dreg:$0x8] =	wrdreg s25  }
0xe: {  	s13 =	sor.u32 $0x60000, s2;
	s7 =	sadd.s32 s0, s26;
	[dreg:$0x9] =	wrdreg s5  }
0xf: {  	s15 =	sor.u32 $0x70000, s2;
	s9 =	sadd.s32 s0, s8;
	[dreg:$0xa] =	wrdreg s7  }
0x10: {  	s17 =	sor.u32 $0x80000, s2;
	s12 =	sadd.s32 s0, s11;
	[dreg:$0xc] =	wrdreg s9  }
0x11: {  	s19 =	sor.u32 $0x90000, s2;
	s14 =	sadd.s32 s0, s13;
	[dreg:$0xe] =	wrdreg s12  }
0x12: {  	s21 =	sor.u32 $0xA0000, s2;
	s16 =	sadd.s32 s0, s15;
	[dreg:$0x10] =	wrdreg s14  }
0x13: {  	p1 =	sne.s32 @p0 s10, $0xD;
	s18 =	sadd.s32 s0, s17;
	[dreg:$0x12] =	wrdreg s16  }
0x14: {  	v1 =	vmov s10;
	s10 =	simm.s32 $0x4;
	s20 =	sadd.s32 s0, s19;
	[dreg:$0x14] =	wrdreg s18  }
0x15: {  	s22 =	sadd.s32 s0, s21;
	s29 =	smax.u32 s1, $0x1;
	[dreg:$0x16] =	wrdreg s20  }
0x16: {  	p1 =	por p1, !p0;
	s6 =	sadd.s32 s3, s26;
	[dreg:$0x18] =	wrdreg s22  }
0x17: {  	s1 =	simm.s32 $0x4000;
	s5 =	sadd.s32 s3, s8;
	[dreg:$0xb] =	wrdreg s6  }
0x18: {  	s23 =	sor.u32 $0xB0000, s2;
	[dreg:$0xd] =	wrdreg s5;
	s6 =	sadd.s32 s3, s11  }
0x19: {  	s25 =	sor.u32 $0xC0000, s2;
	s5 =	sadd.s32 s3, s13;
	[dreg:$0xf] =	wrdreg s6  }
0x1a: {  	s7 =	sor.u32 $0xD0000, s2;
	s24 =	sadd.s32 s0, s23;
	[dreg:$0x11] =	wrdreg s5  }
0x1b: {  	s9 =	sor.u32 $0xE0000, s2;
	s26 =	sadd.s32 s0, s25;
	[dreg:$0x1a] =	wrdreg s24  }
0x1c: {  	s12 =	sor.u32 $0xF0000, s2;
	s8 =	sadd.s32 s0, s7;
	[dreg:$0x1c] =	wrdreg s26  }
0x1d: {  	s14 =	sor.u32 $0x100000, s2;
	s11 =	sadd.s32 s0, s9;
	[dreg:$0x1e] =	wrdreg s8  }
0x1e: {  	s16 =	sor.u32 $0x110000, s2;
	s13 =	sadd.s32 s0, s12;
	[smem:$0x7F1] =	sst s11  }
0x1f: {  	s18 =	sor.u32 $0x120000, s2;
	s6 =	sadd.s32 s3, s15;
	[smem:$0x7F3] =	sst s13  }
0x20: {  	s20 =	sor.u32 $0x130000, s2;
	s5 =	sadd.s32 s3, s17;
	[dreg:$0x13] =	wrdreg s6  }
0x21: {  	s22 =	sor.u32 $0x140000, s2;
	s15 =	sadd.s32 s0, s14;
	[dreg:$0x15] =	wrdreg s5  }
0x22: {  	s17 =	sadd.s32 s0, s16;
	s24 =	sor.u32 $0x150000, s2;
	[smem:$0x7F5] =	sst s15  }
0x23: {  	s26 =	sor.u32 $0x170000, s2;
	s6 =	sadd.s32 s3, s19;
	[smem:$0x7F7] =	sst s17  }
0x24: {  	s8 =	simm.s32 $0x2;
	s5 =	sadd.s32 s3, s21;
	[dreg:$0x17] =	wrdreg s6  }
0x25: {  	s11 =	simm.s32 $0x10;
	s19 =	sadd.s32 s0, s18;
	[dreg:$0x19] =	wrdreg s5  }
0x26: {  	s21 =	sadd.s32 s0, s20;
	s17 =	sadd.s32 s0, s24;
	[smem:$0x7F9] =	sst s19  }
0x27: {  	s6 =	sadd.s32 s3, s23;
	s5 =	sadd.s32 s3, s25;
	[smem:$0x7FB] =	sst s21  }
0x28: {  	s23 =	sadd.s32 s0, s22;
	s25 =	sor.u32 $0x160000, s2;
	[dreg:$0x1b] =	wrdreg s6  }
0x29: {  	s21 =	sadd.s32 s0, s26;
	[dreg:$0x1d] =	wrdreg s5;
	s6 =	sadd.s32 s3, s7  }
0x2a: {  	s5 =	sadd.s32 s3, s9;
	[smem:$0x7FD] =	sst s23;
	s19 =	sadd.s32 s0, s25  }
0x2b: {  	s23 =	sadd.s32 s0, s2;
	s7 =	simm.s32 $0x1;
	[dreg:$0x1f] =	wrdreg s6  }
0x2c: {  	s9 =	simm.s32 $0x3;
	[smem:$0x7F2] =	sst s5;
	s6 =	sadd.s32 s3, s12  }
0x2d: {  	s5 =	sadd.s32 s3, s14;
	s12 =	simm.s32 $0x0;
	[smem:$0x7F4] =	sst s6  }
0x2e: {  	[smem:$0x7F6] =	sst s5;
	s6 =	sadd.s32 s3, s16;
	s5 =	sadd.s32 s3, s18  }
0x2f: {  	s16 =	sadd.s32 s3, s22;
	s18 =	sadd.s32 s3, s24;
	s22 =	sadd.s32 s3, s26  }
.Ltmp0:
0x30: {  	s24 =	sadd.s32 s3, s2;
	[smem:$0x7F8] =	sst s6;
	(pc) =	sbr.rel .LBB2_1-.Ltmp0, $4  }
0x31: {  	s2 =	sor.u32 $0x180000, s2;
	[smem:$0x7FA] =	sst s5;
	s6 =	sadd.s32 s3, s20  }
0x32: {  	s20 =	sadd.s32 s3, s25;
	s25 =	sadd.s32 $0x186800, s0;
	s26 =	sadd.s32 s0, s2  }
0x33: {  	v0 =	vlaneseq.u32;
	s28 =	sadd.s32 s3, s2;
	s0 =	simm.s32 $0x18100;
	s2 =	simm.s32 $0x14000  }
0x34: {  	v3 =	vimm.s32 $0x0;
	v2 =	vmul.u32 $0x410, v0;
	s5 =	simm.s32 $0x8000;
	[smem:$0x7FC] =	sst s6;
	s6 =	simm.s32 $0xC000  }
.LBB2_112:
0x35: {  	[sflag:s31] =	ssyncadd.s32 $0xFFFFF800  }
.LBB2_113:
0x36: {  	s12 =	sadd.s32 $0x1, s12  }
0x37: {  	p2 =	sne.s32 s12, s29  }
.Ltmp1:
0x38: {  	_ = 	snop;
	(pc) =	sbr.rel @!p2 .LBB2_114-.Ltmp1, $1  }
0x39: {  	_ =	sdelay $0x3  }
.LBB2_1:
0x3a: {  	s13 =	rddreg [dreg:$0x1];
	s14 =	simm.s32 $0x10000  }
0x3b: {  	[tilespmem:s14], [sflag:$0x5] =	stream.linear.gather [hbm4b:s13+s4], $0x4000, $0x38;
	[tilespmem:$0x18900] =	vst v63  }
0x3c: {  	_ =	swait.ge [sflag:s31], $0x4000  }
0x3d: {  	[sflag:s31] =	ssyncset.done $0x0  }
0x3e: {  	s15 =	rddreg [dreg:$0x5];
	[sflag:s31] =	ssyncadd.s32 $0xFFFFC000  }
0x3f: {  	[tilespmem:s0], [sflag:$0x5] =	stream.linear.gather [hbm4b:s15+s4], $0x800, $0x38;
	[tilespmem:$0x18900] =	vst v63  }
0x40: {  	_ =	swait.ge [sflag:s31], $0x800  }
0x41: {  	[sflag:s31] =	ssyncset.done $0x0  }
0x42: {  	[sflag:s31] =	ssyncadd.s32 $0xFFFFF800  }
0x43: {  	[tilespmem:s4], [sflag:$0x5] =	stream.linear.gather [hbm4b:s23+s4], $0x4000, $0x38;
	[tilespmem:$0x18900] =	vst v63  }
0x44: {  	_ =	swait.ge [sflag:s31], $0x4000  }
0x45: {  	[sflag:s31] =	ssyncset.done $0x0  }
0x46: {  	s14 =	simm.s32 $0x0;
	s13 =	simm.s32 $0x40;
	[sflag:s31] =	ssyncadd.s32 $0xFFFFC000  }
0x47: {  	v4 =	vimm.s32 $0xFFFFFFFF;
	v6 =	vimm.s32 $0x0;
	[hbm4b:s24+s4] =	stream.linear.scatter [tilespmem:s4], [sflag:$0x1], $0x4000, $0x38;
	[tilespmem:$0x18900] =	vst v63  }
.LBB2_2:
0x48: {  	p2 =	sne.s32 s13, $0xA80;
	v5 =	vld [tilespmem:s14+$0x10000];
	_ =	sdelay $0x4  }
0x49: {  	v7 =	vshrl.u32 v5, $0x7  }
0x4a: {  	v7 =	vand.u32 $0x1F, v7  }
0x4b: {  	vm0 =	veq.s32 v7, v1  }
0x4c: {  	v7 =	vadd.s32 v2, v6;
	v8 =	vsel vm0, $0x1, v3;
	v4 =	vsel vm0, v5, v4  }
.Ltmp2:
0x4d: {  	v6 =	vadd.s32 v8, v6;
	(pc) =	sbr.rel @p2 .LBB2_2-.Ltmp2, $2  }
0x4e: {  	_ =	sdelay $0x2  }
0x4f: {  	s14 =	sshra.s32 s13, $0x2;
	s13 =	sadd.s32 $0x40, s13;
	[tilespmem:v7+s2+$0x0] =	vst.idx.msk vm0, v5  }
0x50: {  	v5 =	vld [tilespmem:s14+$0x10000];
	_ =	sdelay $0x4  }
0x51: {  	v7 =	vshrl.u32 v5, $0x7  }
0x52: {  	v7 =	vand.u32 $0x1F, v7  }
0x53: {  	vm0 =	veq.s32 v7, v1  }
0x54: {  	v7 =	vadd.s32 v2, v6;
	_ =	sdelay $0x4  }
0x55: {  	s13 =	simm.s32 $0x0;
	s15 =	rddreg [dreg:$0x6];
	[tilespmem:v7+s2+$0x0] =	vst.idx.msk vm0, v5  }
0x56: {  	[tilespmem:s1], [sflag:$0x5] =	stream.linear.gather [hbm4b:s15+s13], $0x4000, $0x38;
	[tilespmem:$0x18900] =	vst v63  }
0x57: {  	_ =	swait.ge [sflag:s31], $0x4000  }
0x58: {  	[sflag:s31] =	ssyncset.done $0x0  }
0x59: {  	s15 =	rddreg [dreg:$0x7];
	[sflag:s31] =	ssyncadd.s32 $0xFFFFC000  }
0x5a: {  	v7 =	vsel vm0, $0x1, v3;
	[hbm4b:s15+s13] =	stream.linear.scatter [tilespmem:s1], [sflag:$0x2], $0x4000, $0x38;
	[tilespmem:$0x18900] =	vst v63  }
0x5b: {  	s14 =	simm.s32 $0x0;
	v5 =	vsel vm0, v5, v4;
	v4 =	vadd.s32 v7, v6;
	s13 =	simm.s32 $0x40  }
.LBB2_4:
0x5c: {  	p2 =	sne.s32 s13, $0xA80;
	v6 =	vld [tilespmem:s14+$0x102B0];
	_ =	sdelay $0x4  }
0x5d: {  	v7 =	vshrl.u32 v6, $0x7  }
0x5e: {  	v7 =	vand.u32 $0x1F, v7  }
0x5f: {  	vm0 =	veq.s32 v7, v1  }
0x60: {  	v7 =	vadd.s32 v2, v4;
	v8 =	vsel vm0, $0x1, v3;
	v5 =	vsel vm0, v6, v5  }
.Ltmp3:
0x61: {  	v4 =	vadd.s32 v8, v4;
	(pc) =	sbr.rel @p2 .LBB2_4-.Ltmp3, $2  }
0x62: {  	_ =	sdelay $0x2  }
0x63: {  	s14 =	sshra.s32 s13, $0x2;
	s13 =	sadd.s32 $0x40, s13;
	[tilespmem:v7+s2+$0x0] =	vst.idx.msk vm0, v6  }
0x64: {  	v6 =	vld [tilespmem:s14+$0x102B0];
	_ =	sdelay $0x4  }
0x65: {  	v7 =	vshrl.u32 v6, $0x7  }
0x66: {  	v7 =	vand.u32 $0x1F, v7  }
0x67: {  	vm0 =	veq.s32 v7, v1  }
0x68: {  	v7 =	vadd.s32 v2, v4;
	_ =	sdelay $0x4  }
0x69: {  	s13 =	simm.s32 $0x0;
	s15 =	rddreg [dreg:$0x8];
	[tilespmem:v7+s2+$0x0] =	vst.idx.msk vm0, v6  }
0x6a: {  	[tilespmem:s5], [sflag:$0x5] =	stream.linear.gather [hbm4b:s15+s13], $0x4000, $0x38;
	[tilespmem:$0x18900] =	vst v63  }
0x6b: {  	_ =	swait.ge [sflag:s31], $0x4000  }
0x6c: {  	[sflag:s31] =	ssyncset.done $0x0  }
0x6d: {  	s15 =	rddreg [dreg:$0x9];
	[sflag:s31] =	ssyncadd.s32 $0xFFFFC000  }
0x6e: {  	v7 =	vsel vm0, $0x1, v3;
	[hbm4b:s15+s13] =	stream.linear.scatter [tilespmem:s5], [sflag:$0x3], $0x4000, $0x38;
	[tilespmem:$0x18900] =	vst v63  }
0x6f: {  	s14 =	simm.s32 $0x0;
	v5 =	vsel vm0, v6, v5;
	v4 =	vadd.s32 v7, v4;
	s13 =	simm.s32 $0x40  }
.LBB2_6:
0x70: {  	p2 =	sne.s32 s13, $0xA80;
	v6 =	vld [tilespmem:s14+$0x10560];
	_ =	sdelay $0x4  }
0x71: {  	v7 =	vshrl.u32 v6, $0x7  }
0x72: {  	v7 =	vand.u32 $0x1F, v7  }
0x73: {  	vm0 =	veq.s32 v7, v1  }
0x74: {  	v7 =	vadd.s32 v2, v4;
	v8 =	vsel vm0, $0x1, v3;
	v5 =	vsel vm0, v6, v5  }
.Ltmp4:
0x75: {  	v4 =	vadd.s32 v8, v4;
	(pc) =	sbr.rel @p2 .LBB2_6-.Ltmp4, $2  }
0x76: {  	_ =	sdelay $0x2  }
0x77: {  	s14 =	sshra.s32 s13, $0x2;
	s13 =	sadd.s32 $0x40, s13;
	[tilespmem:v7+s2+$0x0] =	vst.idx.msk vm0, v6  }
0x78: {  	v6 =	vld [tilespmem:s14+$0x10560];
	_ =	sdelay $0x4  }
0x79: {  	v7 =	vshrl.u32 v6, $0x7  }
0x7a: {  	v7 =	vand.u32 $0x1F, v7  }
0x7b: {  	vm0 =	veq.s32 v7, v1  }
0x7c: {  	v7 =	vadd.s32 v2, v4;
	_ =	sdelay $0x4  }
0x7d: {  	s13 =	simm.s32 $0x0;
	s15 =	rddreg [dreg:$0xa];
	[tilespmem:v7+s2+$0x0] =	vst.idx.msk vm0, v6  }
0x7e: {  	[tilespmem:s6], [sflag:$0x5] =	stream.linear.gather [hbm4b:s15+s13], $0x4000, $0x38;
	[tilespmem:$0x18900] =	vst v63  }
0x7f: {  	_ =	swait.ge [sflag:s31], $0x4000  }
0x80: {  	[sflag:s31] =	ssyncset.done $0x0  }
0x81: {  	s15 =	rddreg [dreg:$0xb];
	[sflag:s31] =	ssyncadd.s32 $0xFFFFC000  }
0x82: {  	v7 =	vsel vm0, $0x1, v3;
	[hbm4b:s15+s13] =	stream.linear.scatter [tilespmem:s6], [sflag:$0x4], $0x4000, $0x38;
	[tilespmem:$0x18900] =	vst v63  }
0x83: {  	s14 =	simm.s32 $0x0;
	v5 =	vsel vm0, v6, v5;
	v4 =	vadd.s32 v7, v4;
	s13 =	simm.s32 $0x40  }
.LBB2_8:
0x84: {  	p2 =	sne.s32 s13, $0xA80;
	v6 =	vld [tilespmem:s14+$0x10810];
	_ =	sdelay $0x4  }
0x85: {  	v7 =	vshrl.u32 v6, $0x7  }
0x86: {  	v7 =	vand.u32 $0x1F, v7  }
0x87: {  	vm0 =	veq.s32 v7, v1  }
0x88: {  	v7 =	vadd.s32 v2, v4;
	v8 =	vsel vm0, $0x1, v3;
	v5 =	vsel vm0, v6, v5  }
.Ltmp5:
0x89: {  	v4 =	vadd.s32 v8, v4;
	(pc) =	sbr.rel @p2 .LBB2_8-.Ltmp5, $2  }
0x8a: {  	_ =	sdelay $0x2  }
0x8b: {  	s14 =	sshra.s32 s13, $0x2;
	s13 =	sadd.s32 $0x40, s13;
	[tilespmem:v7+s2+$0x0] =	vst.idx.msk vm0, v6  }
0x8c: {  	v6 =	vld [tilespmem:s14+$0x10810];
	_ =	sdelay $0x4  }
0x8d: {  	v7 =	vshrl.u32 v6, $0x7  }
0x8e: {  	v7 =	vand.u32 $0x1F, v7  }
0x8f: {  	vm0 =	veq.s32 v7, v1  }
0x90: {  	v7 =	vadd.s32 v2, v4;
	_ =	sdelay $0x4  }
0x91: {  	[tilespmem:v7+s2+$0x0] =	vst.idx.msk vm0, v6  }
0x92: {  	_ =	swait.ge [sflag:s7], $0x4000  }
0x93: {  	[sflag:s7] =	ssyncset.done $0x0  }
0x94: {  	s13 =	simm.s32 $0x0;
	s15 =	rddreg [dreg:$0xc];
	[sflag:s7] =	ssyncadd.s32 $0xFFFFC000  }
0x95: {  	[tilespmem:s13], [sflag:$0x5] =	stream.linear.gather [hbm4b:s15+s13], $0x4000, $0x38;
	[tilespmem:$0x18900] =	vst v63  }
0x96: {  	_ =	swait.ge [sflag:s31], $0x4000  }
0x97: {  	[sflag:s31] =	ssyncset.done $0x0  }
0x98: {  	s15 =	rddreg [dreg:$0xd];
	[sflag:s31] =	ssyncadd.s32 $0xFFFFC000  }
0x99: {  	v7 =	vsel vm0, $0x1, v3;
	[hbm4b:s15+s13] =	stream.linear.scatter [tilespmem:s13], [sflag:$0x1], $0x4000, $0x38;
	[tilespmem:$0x18900] =	vst v63  }
0x9a: {  	s14 =	simm.s32 $0x0;
	v5 =	vsel vm0, v6, v5;
	v4 =	vadd.s32 v7, v4;
	s13 =	simm.s32 $0x40  }
.LBB2_10:
0x9b: {  	p2 =	sne.s32 s13, $0xA80;
	v6 =	vld [tilespmem:s14+$0x10AC0];
	_ =	sdelay $0x4  }
0x9c: {  	v7 =	vshrl.u32 v6, $0x7  }
0x9d: {  	v7 =	vand.u32 $0x1F, v7  }
0x9e: {  	vm0 =	veq.s32 v7, v1  }
0x9f: {  	v7 =	vadd.s32 v2, v4;
	v8 =	vsel vm0, $0x1, v3;
	v5 =	vsel vm0, v6, v5  }
.Ltmp6:
0xa0: {  	v4 =	vadd.s32 v8, v4;
	(pc) =	sbr.rel @p2 .LBB2_10-.Ltmp6, $2  }
0xa1: {  	_ =	sdelay $0x2  }
0xa2: {  	s14 =	sshra.s32 s13, $0x2;
	s13 =	sadd.s32 $0x40, s13;
	[tilespmem:v7+s2+$0x0] =	vst.idx.msk vm0, v6  }
0xa3: {  	v6 =	vld [tilespmem:s14+$0x10AC0];
	_ =	sdelay $0x4  }
0xa4: {  	v7 =	vshrl.u32 v6, $0x7  }
0xa5: {  	v7 =	vand.u32 $0x1F, v7  }
0xa6: {  	vm0 =	veq.s32 v7, v1  }
0xa7: {  	v7 =	vadd.s32 v2, v4;
	_ =	sdelay $0x4  }
0xa8: {  	[tilespmem:v7+s2+$0x0] =	vst.idx.msk vm0, v6  }
0xa9: {  	_ =	swait.ge [sflag:s8], $0x4000  }
0xaa: {  	[sflag:s8] =	ssyncset.done $0x0  }
0xab: {  	s13 =	simm.s32 $0x0;
	s15 =	rddreg [dreg:$0xe];
	[sflag:s8] =	ssyncadd.s32 $0xFFFFC000  }
0xac: {  	[tilespmem:s1], [sflag:$0x5] =	stream.linear.gather [hbm4b:s15+s13], $0x4000, $0x38;
	[tilespmem:$0x18900] =	vst v63  }
0xad: {  	_ =	swait.ge [sflag:s31], $0x4000  }
0xae: {  	[sflag:s31] =	ssyncset.done $0x0  }
0xaf: {  	s15 =	rddreg [dreg:$0xf];
	[sflag:s31] =	ssyncadd.s32 $0xFFFFC000  }
0xb0: {  	v7 =	vsel vm0, $0x1, v3;
	[hbm4b:s15+s13] =	stream.linear.scatter [tilespmem:s1], [sflag:$0x2], $0x4000, $0x38;
	[tilespmem:$0x18900] =	vst v63  }
0xb1: {  	s14 =	simm.s32 $0x0;
	v5 =	vsel vm0, v6, v5;
	v4 =	vadd.s32 v7, v4;
	s13 =	simm.s32 $0x40  }
.LBB2_12:
0xb2: {  	p2 =	sne.s32 s13, $0xA80;
	v6 =	vld [tilespmem:s14+$0x10D70];
	_ =	sdelay $0x4  }
0xb3: {  	v7 =	vshrl.u32 v6, $0x7  }
0xb4: {  	v7 =	vand.u32 $0x1F, v7  }
0xb5: {  	vm0 =	veq.s32 v7, v1  }
0xb6: {  	v7 =	vadd.s32 v2, v4;
	v8 =	vsel vm0, $0x1, v3;
	v5 =	vsel vm0, v6, v5  }
.Ltmp7:
0xb7: {  	v4 =	vadd.s32 v8, v4;
	(pc) =	sbr.rel @p2 .LBB2_12-.Ltmp7, $2  }
0xb8: {  	_ =	sdelay $0x2  }
0xb9: {  	s14 =	sshra.s32 s13, $0x2;
	s13 =	sadd.s32 $0x40, s13;
	[tilespmem:v7+s2+$0x0] =	vst.idx.msk vm0, v6  }
0xba: {  	v6 =	vld [tilespmem:s14+$0x10D70];
	_ =	sdelay $0x4  }
0xbb: {  	v7 =	vshrl.u32 v6, $0x7  }
0xbc: {  	v7 =	vand.u32 $0x1F, v7  }
0xbd: {  	vm0 =	veq.s32 v7, v1  }
0xbe: {  	v7 =	vadd.s32 v2, v4;
	_ =	sdelay $0x4  }
0xbf: {  	[tilespmem:v7+s2+$0x0] =	vst.idx.msk vm0, v6  }
0xc0: {  	_ =	swait.ge [sflag:s9], $0x4000  }
0xc1: {  	[sflag:s9] =	ssyncset.done $0x0  }
0xc2: {  	s13 =	simm.s32 $0x0;
	s15 =	rddreg [dreg:$0x10];
	[sflag:s9] =	ssyncadd.s32 $0xFFFFC000  }
0xc3: {  	[tilespmem:s5], [sflag:$0x5] =	stream.linear.gather [hbm4b:s15+s13], $0x4000, $0x38;
	[tilespmem:$0x18900] =	vst v63  }
0xc4: {  	_ =	swait.ge [sflag:s31], $0x4000  }
0xc5: {  	[sflag:s31] =	ssyncset.done $0x0  }
0xc6: {  	s15 =	rddreg [dreg:$0x11];
	[sflag:s31] =	ssyncadd.s32 $0xFFFFC000  }
0xc7: {  	v7 =	vsel vm0, $0x1, v3;
	[hbm4b:s15+s13] =	stream.linear.scatter [tilespmem:s5], [sflag:$0x3], $0x4000, $0x38;
	[tilespmem:$0x18900] =	vst v63  }
0xc8: {  	s14 =	simm.s32 $0x0;
	v5 =	vsel vm0, v6, v5;
	v4 =	vadd.s32 v7, v4;
	s13 =	simm.s32 $0x40  }
.LBB2_14:
0xc9: {  	p2 =	sne.s32 s13, $0xA80;
	v6 =	vld [tilespmem:s14+$0x11020];
	_ =	sdelay $0x4  }
0xca: {  	v7 =	vshrl.u32 v6, $0x7  }
0xcb: {  	v7 =	vand.u32 $0x1F, v7  }
0xcc: {  	vm0 =	veq.s32 v7, v1  }
0xcd: {  	v7 =	vadd.s32 v2, v4;
	v8 =	vsel vm0, $0x1, v3;
	v5 =	vsel vm0, v6, v5  }
.Ltmp8:
0xce: {  	v4 =	vadd.s32 v8, v4;
	(pc) =	sbr.rel @p2 .LBB2_14-.Ltmp8, $2  }
0xcf: {  	_ =	sdelay $0x2  }
0xd0: {  	s14 =	sshra.s32 s13, $0x2;
	s13 =	sadd.s32 $0x40, s13;
	[tilespmem:v7+s2+$0x0] =	vst.idx.msk vm0, v6  }
0xd1: {  	v6 =	vld [tilespmem:s14+$0x11020];
	_ =	sdelay $0x4  }
0xd2: {  	v7 =	vshrl.u32 v6, $0x7  }
0xd3: {  	v7 =	vand.u32 $0x1F, v7  }
0xd4: {  	vm0 =	veq.s32 v7, v1  }
0xd5: {  	v7 =	vadd.s32 v2, v4;
	_ =	sdelay $0x4  }
0xd6: {  	[tilespmem:v7+s2+$0x0] =	vst.idx.msk vm0, v6  }
0xd7: {  	_ =	swait.ge [sflag:s10], $0x4000  }
0xd8: {  	[sflag:s10] =	ssyncset.done $0x0  }
0xd9: {  	s13 =	simm.s32 $0x0;
	s15 =	rddreg [dreg:$0x12];
	[sflag:s10] =	ssyncadd.s32 $0xFFFFC000  }
0xda: {  	[tilespmem:s6], [sflag:$0x5] =	stream.linear.gather [hbm4b:s15+s13], $0x4000, $0x38;
	[tilespmem:$0x18900] =	vst v63  }
0xdb: {  	_ =	swait.ge [sflag:s31], $0x4000  }
0xdc: {  	[sflag:s31] =	ssyncset.done $0x0  }
0xdd: {  	s15 =	rddreg [dreg:$0x13];
	[sflag:s31] =	ssyncadd.s32 $0xFFFFC000  }
0xde: {  	v7 =	vsel vm0, $0x1, v3;
	[hbm4b:s15+s13] =	stream.linear.scatter [tilespmem:s6], [sflag:$0x4], $0x4000, $0x38;
	[tilespmem:$0x18900] =	vst v63  }
0xdf: {  	s14 =	simm.s32 $0x0;
	v5 =	vsel vm0, v6, v5;
	v4 =	vadd.s32 v7, v4;
	s13 =	simm.s32 $0x40  }
.LBB2_16:
0xe0: {  	p2 =	sne.s32 s13, $0xA80;
	v6 =	vld [tilespmem:s14+$0x112D0];
	_ =	sdelay $0x4  }
0xe1: {  	v7 =	vshrl.u32 v6, $0x7  }
0xe2: {  	v7 =	vand.u32 $0x1F, v7  }
0xe3: {  	vm0 =	veq.s32 v7, v1  }
0xe4: {  	v7 =	vadd.s32 v2, v4;
	v8 =	vsel vm0, $0x1, v3;
	v5 =	vsel vm0, v6, v5  }
.Ltmp9:
0xe5: {  	v4 =	vadd.s32 v8, v4;
	(pc) =	sbr.rel @p2 .LBB2_16-.Ltmp9, $2  }
0xe6: {  	_ =	sdelay $0x2  }
0xe7: {  	s14 =	sshra.s32 s13, $0x2;
	s13 =	sadd.s32 $0x40, s13;
	[tilespmem:v7+s2+$0x0] =	vst.idx.msk vm0, v6  }
0xe8: {  	v6 =	vld [tilespmem:s14+$0x112D0];
	_ =	sdelay $0x4  }
0xe9: {  	v7 =	vshrl.u32 v6, $0x7  }
0xea: {  	v7 =	vand.u32 $0x1F, v7  }
0xeb: {  	vm0 =	veq.s32 v7, v1  }
0xec: {  	v7 =	vadd.s32 v2, v4;
	_ =	sdelay $0x4  }
0xed: {  	[tilespmem:v7+s2+$0x0] =	vst.idx.msk vm0, v6  }
0xee: {  	_ =	swait.ge [sflag:s7], $0x4000  }
0xef: {  	[sflag:s7] =	ssyncset.done $0x0  }
0xf0: {  	s13 =	simm.s32 $0x0;
	s15 =	rddreg [dreg:$0x14];
	[sflag:s7] =	ssyncadd.s32 $0xFFFFC000  }
0xf1: {  	[tilespmem:s13], [sflag:$0x5] =	stream.linear.gather [hbm4b:s15+s13], $0x4000, $0x38;
	[tilespmem:$0x18900] =	vst v63  }
0xf2: {  	_ =	swait.ge [sflag:s31], $0x4000  }
0xf3: {  	[sflag:s31] =	ssyncset.done $0x0  }
0xf4: {  	s15 =	rddreg [dreg:$0x15];
	[sflag:s31] =	ssyncadd.s32 $0xFFFFC000  }
0xf5: {  	v7 =	vsel vm0, $0x1, v3;
	[hbm4b:s15+s13] =	stream.linear.scatter [tilespmem:s13], [sflag:$0x1], $0x4000, $0x38;
	[tilespmem:$0x18900] =	vst v63  }
0xf6: {  	s14 =	simm.s32 $0x0;
	v5 =	vsel vm0, v6, v5;
	v4 =	vadd.s32 v7, v4;
	s13 =	simm.s32 $0x40  }
.LBB2_18:
0xf7: {  	p2 =	sne.s32 s13, $0xA80;
	v6 =	vld [tilespmem:s14+$0x11580];
	_ =	sdelay $0x4  }
0xf8: {  	v7 =	vshrl.u32 v6, $0x7  }
0xf9: {  	v7 =	vand.u32 $0x1F, v7  }
0xfa: {  	vm0 =	veq.s32 v7, v1  }
0xfb: {  	v7 =	vadd.s32 v2, v4;
	v8 =	vsel vm0, $0x1, v3;
	v5 =	vsel vm0, v6, v5  }
.Ltmp10:
0xfc: {  	v4 =	vadd.s32 v8, v4;
	(pc) =	sbr.rel @p2 .LBB2_18-.Ltmp10, $2  }
0xfd: {  	_ =	sdelay $0x2  }
0xfe: {  	s14 =	sshra.s32 s13, $0x2;
	s13 =	sadd.s32 $0x40, s13;
	[tilespmem:v7+s2+$0x0] =	vst.idx.msk vm0, v6  }
0xff: {  	v6 =	vld [tilespmem:s14+$0x11580];
	_ =	sdelay $0x4  }
0x100: {  	v7 =	vshrl.u32 v6, $0x7  }
0x101: {  	v7 =	vand.u32 $0x1F, v7  }
0x102: {  	vm0 =	veq.s32 v7, v1  }
0x103: {  	v7 =	vadd.s32 v2, v4;
	_ =	sdelay $0x4  }
0x104: {  	[tilespmem:v7+s2+$0x0] =	vst.idx.msk vm0, v6  }
0x105: {  	_ =	swait.ge [sflag:s8], $0x4000  }
0x106: {  	[sflag:s8] =	ssyncset.done $0x0  }
0x107: {  	s13 =	simm.s32 $0x0;
	s15 =	rddreg [dreg:$0x16];
	[sflag:s8] =	ssyncadd.s32 $0xFFFFC000  }
0x108: {  	[tilespmem:s1], [sflag:$0x5] =	stream.linear.gather [hbm4b:s15+s13], $0x4000, $0x38;
	[tilespmem:$0x18900] =	vst v63  }
0x109: {  	_ =	swait.ge [sflag:s31], $0x4000  }
0x10a: {  	[sflag:s31] =	ssyncset.done $0x0  }
0x10b: {  	s15 =	rddreg [dreg:$0x17];
	[sflag:s31] =	ssyncadd.s32 $0xFFFFC000  }
0x10c: {  	v7 =	vsel vm0, $0x1, v3;
	[hbm4b:s15+s13] =	stream.linear.scatter [tilespmem:s1], [sflag:$0x2], $0x4000, $0x38;
	[tilespmem:$0x18900] =	vst v63  }
0x10d: {  	s14 =	simm.s32 $0x0;
	v5 =	vsel vm0, v6, v5;
	v4 =	vadd.s32 v7, v4;
	s13 =	simm.s32 $0x40  }
.LBB2_20:
0x10e: {  	p2 =	sne.s32 s13, $0xA80;
	v6 =	vld [tilespmem:s14+$0x11830];
	_ =	sdelay $0x4  }
0x10f: {  	v7 =	vshrl.u32 v6, $0x7  }
0x110: {  	v7 =	vand.u32 $0x1F, v7  }
0x111: {  	vm0 =	veq.s32 v7, v1  }
0x112: {  	v7 =	vadd.s32 v2, v4;
	v8 =	vsel vm0, $0x1, v3;
	v5 =	vsel vm0, v6, v5  }
.Ltmp11:
0x113: {  	v4 =	vadd.s32 v8, v4;
	(pc) =	sbr.rel @p2 .LBB2_20-.Ltmp11, $2  }
0x114: {  	_ =	sdelay $0x2  }
0x115: {  	s14 =	sshra.s32 s13, $0x2;
	s13 =	sadd.s32 $0x40, s13;
	[tilespmem:v7+s2+$0x0] =	vst.idx.msk vm0, v6  }
0x116: {  	v6 =	vld [tilespmem:s14+$0x11830];
	_ =	sdelay $0x4  }
0x117: {  	v7 =	vshrl.u32 v6, $0x7  }
0x118: {  	v7 =	vand.u32 $0x1F, v7  }
0x119: {  	vm0 =	veq.s32 v7, v1  }
0x11a: {  	v7 =	vadd.s32 v2, v4;
	_ =	sdelay $0x4  }
0x11b: {  	[tilespmem:v7+s2+$0x0] =	vst.idx.msk vm0, v6  }
0x11c: {  	_ =	swait.ge [sflag:s9], $0x4000  }
0x11d: {  	[sflag:s9] =	ssyncset.done $0x0  }
0x11e: {  	s13 =	simm.s32 $0x0;
	s15 =	rddreg [dreg:$0x18];
	[sflag:s9] =	ssyncadd.s32 $0xFFFFC000  }
0x11f: {  	[tilespmem:s5], [sflag:$0x5] =	stream.linear.gather [hbm4b:s15+s13], $0x4000, $0x38;
	[tilespmem:$0x18900] =	vst v63  }
0x120: {  	_ =	swait.ge [sflag:s31], $0x4000  }
0x121: {  	[sflag:s31] =	ssyncset.done $0x0  }
0x122: {  	s15 =	rddreg [dreg:$0x19];
	[sflag:s31] =	ssyncadd.s32 $0xFFFFC000  }
0x123: {  	v7 =	vsel vm0, $0x1, v3;
	[hbm4b:s15+s13] =	stream.linear.scatter [tilespmem:s5], [sflag:$0x3], $0x4000, $0x38;
	[tilespmem:$0x18900] =	vst v63  }
0x124: {  	s14 =	simm.s32 $0x0;
	v5 =	vsel vm0, v6, v5;
	v4 =	vadd.s32 v7, v4;
	s13 =	simm.s32 $0x40  }
.LBB2_22:
0x125: {  	p2 =	sne.s32 s13, $0xA80;
	v6 =	vld [tilespmem:s14+$0x11AE0];
	_ =	sdelay $0x4  }
0x126: {  	v7 =	vshrl.u32 v6, $0x7  }
0x127: {  	v7 =	vand.u32 $0x1F, v7  }
0x128: {  	vm0 =	veq.s32 v7, v1  }
0x129: {  	v7 =	vadd.s32 v2, v4;
	v8 =	vsel vm0, $0x1, v3;
	v5 =	vsel vm0, v6, v5  }
.Ltmp12:
0x12a: {  	v4 =	vadd.s32 v8, v4;
	(pc) =	sbr.rel @p2 .LBB2_22-.Ltmp12, $2  }
0x12b: {  	_ =	sdelay $0x2  }
0x12c: {  	s14 =	sshra.s32 s13, $0x2;
	s13 =	sadd.s32 $0x40, s13;
	[tilespmem:v7+s2+$0x0] =	vst.idx.msk vm0, v6  }
0x12d: {  	v6 =	vld [tilespmem:s14+$0x11AE0];
	_ =	sdelay $0x4  }
0x12e: {  	v7 =	vshrl.u32 v6, $0x7  }
0x12f: {  	v7 =	vand.u32 $0x1F, v7  }
0x130: {  	vm0 =	veq.s32 v7, v1  }
0x131: {  	v7 =	vadd.s32 v2, v4;
	_ =	sdelay $0x4  }
0x132: {  	[tilespmem:v7+s2+$0x0] =	vst.idx.msk vm0, v6  }
0x133: {  	_ =	swait.ge [sflag:s10], $0x4000  }
0x134: {  	[sflag:s10] =	ssyncset.done $0x0  }
0x135: {  	s13 =	simm.s32 $0x0;
	s15 =	rddreg [dreg:$0x1a];
	[sflag:s10] =	ssyncadd.s32 $0xFFFFC000  }
0x136: {  	[tilespmem:s6], [sflag:$0x5] =	stream.linear.gather [hbm4b:s15+s13], $0x4000, $0x38;
	[tilespmem:$0x18900] =	vst v63  }
0x137: {  	_ =	swait.ge [sflag:s31], $0x4000  }
0x138: {  	[sflag:s31] =	ssyncset.done $0x0  }
0x139: {  	s15 =	rddreg [dreg:$0x1b];
	[sflag:s31] =	ssyncadd.s32 $0xFFFFC000  }
0x13a: {  	v7 =	vsel vm0, $0x1, v3;
	[hbm4b:s15+s13] =	stream.linear.scatter [tilespmem:s6], [sflag:$0x4], $0x4000, $0x38;
	[tilespmem:$0x18900] =	vst v63  }
0x13b: {  	s14 =	simm.s32 $0x0;
	v5 =	vsel vm0, v6, v5;
	v4 =	vadd.s32 v7, v4;
	s13 =	simm.s32 $0x40  }
.LBB2_24:
0x13c: {  	p2 =	sne.s32 s13, $0xA80;
	v6 =	vld [tilespmem:s14+$0x11D90];
	_ =	sdelay $0x4  }
0x13d: {  	v7 =	vshrl.u32 v6, $0x7  }
0x13e: {  	v7 =	vand.u32 $0x1F, v7  }
0x13f: {  	vm0 =	veq.s32 v7, v1  }
0x140: {  	v7 =	vadd.s32 v2, v4;
	v8 =	vsel vm0, $0x1, v3;
	v5 =	vsel vm0, v6, v5  }
.Ltmp13:
0x141: {  	v4 =	vadd.s32 v8, v4;
	(pc) =	sbr.rel @p2 .LBB2_24-.Ltmp13, $2  }
0x142: {  	_ =	sdelay $0x2  }
0x143: {  	s14 =	sshra.s32 s13, $0x2;
	s13 =	sadd.s32 $0x40, s13;
	[tilespmem:v7+s2+$0x0] =	vst.idx.msk vm0, v6  }
0x144: {  	v6 =	vld [tilespmem:s14+$0x11D90];
	_ =	sdelay $0x4  }
0x145: {  	v7 =	vshrl.u32 v6, $0x7  }
0x146: {  	v7 =	vand.u32 $0x1F, v7  }
0x147: {  	vm0 =	veq.s32 v7, v1  }
0x148: {  	v7 =	vadd.s32 v2, v4;
	_ =	sdelay $0x4  }
0x149: {  	[tilespmem:v7+s2+$0x0] =	vst.idx.msk vm0, v6  }
0x14a: {  	_ =	swait.ge [sflag:s7], $0x4000  }
0x14b: {  	[sflag:s7] =	ssyncset.done $0x0  }
0x14c: {  	s13 =	simm.s32 $0x0;
	s15 =	rddreg [dreg:$0x1c];
	[sflag:s7] =	ssyncadd.s32 $0xFFFFC000  }
0x14d: {  	[tilespmem:s13], [sflag:$0x5] =	stream.linear.gather [hbm4b:s15+s13], $0x4000, $0x38;
	[tilespmem:$0x18900] =	vst v63  }
0x14e: {  	_ =	swait.ge [sflag:s31], $0x4000  }
0x14f: {  	[sflag:s31] =	ssyncset.done $0x0  }
0x150: {  	s15 =	rddreg [dreg:$0x1d];
	[sflag:s31] =	ssyncadd.s32 $0xFFFFC000  }
0x151: {  	v7 =	vsel vm0, $0x1, v3;
	[hbm4b:s15+s13] =	stream.linear.scatter [tilespmem:s13], [sflag:$0x1], $0x4000, $0x38;
	[tilespmem:$0x18900] =	vst v63  }
0x152: {  	s14 =	simm.s32 $0x0;
	v5 =	vsel vm0, v6, v5;
	v4 =	vadd.s32 v7, v4;
	s13 =	simm.s32 $0x40  }
.LBB2_26:
0x153: {  	p2 =	sne.s32 s13, $0xA80;
	v6 =	vld [tilespmem:s14+$0x12040];
	_ =	sdelay $0x4  }
0x154: {  	v7 =	vshrl.u32 v6, $0x7  }
0x155: {  	v7 =	vand.u32 $0x1F, v7  }
0x156: {  	vm0 =	veq.s32 v7, v1  }
0x157: {  	v7 =	vadd.s32 v2, v4;
	v8 =	vsel vm0, $0x1, v3;
	v5 =	vsel vm0, v6, v5  }
.Ltmp14:
0x158: {  	v4 =	vadd.s32 v8, v4;
	(pc) =	sbr.rel @p2 .LBB2_26-.Ltmp14, $2  }
0x159: {  	_ =	sdelay $0x2  }
0x15a: {  	s14 =	sshra.s32 s13, $0x2;
	s13 =	sadd.s32 $0x40, s13;
	[tilespmem:v7+s2+$0x0] =	vst.idx.msk vm0, v6  }
0x15b: {  	v6 =	vld [tilespmem:s14+$0x12040];
	_ =	sdelay $0x4  }
0x15c: {  	v7 =	vshrl.u32 v6, $0x7  }
0x15d: {  	v7 =	vand.u32 $0x1F, v7  }
0x15e: {  	vm0 =	veq.s32 v7, v1  }
0x15f: {  	v7 =	vadd.s32 v2, v4;
	_ =	sdelay $0x4  }
0x160: {  	[tilespmem:v7+s2+$0x0] =	vst.idx.msk vm0, v6  }
0x161: {  	_ =	swait.ge [sflag:s8], $0x4000  }
0x162: {  	[sflag:s8] =	ssyncset.done $0x0  }
0x163: {  	s13 =	simm.s32 $0x0;
	s15 =	rddreg [dreg:$0x1e];
	[sflag:s8] =	ssyncadd.s32 $0xFFFFC000  }
0x164: {  	[tilespmem:s1], [sflag:$0x5] =	stream.linear.gather [hbm4b:s15+s13], $0x4000, $0x38;
	[tilespmem:$0x18900] =	vst v63  }
0x165: {  	_ =	swait.ge [sflag:s31], $0x4000  }
0x166: {  	[sflag:s31] =	ssyncset.done $0x0  }
0x167: {  	s15 =	rddreg [dreg:$0x1f];
	[sflag:s31] =	ssyncadd.s32 $0xFFFFC000  }
0x168: {  	v7 =	vsel vm0, $0x1, v3;
	[hbm4b:s15+s13] =	stream.linear.scatter [tilespmem:s1], [sflag:$0x2], $0x4000, $0x38;
	[tilespmem:$0x18900] =	vst v63  }
0x169: {  	s14 =	simm.s32 $0x0;
	v5 =	vsel vm0, v6, v5;
	v4 =	vadd.s32 v7, v4;
	s13 =	simm.s32 $0x40  }
.LBB2_28:
0x16a: {  	p2 =	sne.s32 s13, $0xA80;
	v6 =	vld [tilespmem:s14+$0x122F0];
	_ =	sdelay $0x4  }
0x16b: {  	v7 =	vshrl.u32 v6, $0x7  }
0x16c: {  	v7 =	vand.u32 $0x1F, v7  }
0x16d: {  	vm0 =	veq.s32 v7, v1  }
0x16e: {  	v7 =	vadd.s32 v2, v4;
	v8 =	vsel vm0, $0x1, v3;
	v5 =	vsel vm0, v6, v5  }
.Ltmp15:
0x16f: {  	v4 =	vadd.s32 v8, v4;
	(pc) =	sbr.rel @p2 .LBB2_28-.Ltmp15, $2  }
0x170: {  	_ =	sdelay $0x2  }
0x171: {  	s14 =	sshra.s32 s13, $0x2;
	s13 =	sadd.s32 $0x40, s13;
	[tilespmem:v7+s2+$0x0] =	vst.idx.msk vm0, v6  }
0x172: {  	v6 =	vld [tilespmem:s14+$0x122F0];
	_ =	sdelay $0x4  }
0x173: {  	v7 =	vshrl.u32 v6, $0x7  }
0x174: {  	v7 =	vand.u32 $0x1F, v7  }
0x175: {  	vm0 =	veq.s32 v7, v1  }
0x176: {  	v7 =	vadd.s32 v2, v4;
	_ =	sdelay $0x4  }
0x177: {  	[tilespmem:v7+s2+$0x0] =	vst.idx.msk vm0, v6  }
0x178: {  	_ =	swait.ge [sflag:s9], $0x4000  }
0x179: {  	s15 =	sld [smem:$0x7F1]  }
0x17a: {  	[sflag:s9] =	ssyncset.done $0x0  }
0x17b: {  	s13 =	simm.s32 $0x0;
	[sflag:s9] =	ssyncadd.s32 $0xFFFFC000  }
0x17c: {  	[tilespmem:s5], [sflag:$0x5] =	stream.linear.gather [hbm4b:s15+s13], $0x4000, $0x38;
	[tilespmem:$0x18900] =	vst v63  }
0x17d: {  	_ =	swait.ge [sflag:s31], $0x4000  }
0x17e: {  	s15 =	sld [smem:$0x7F2]  }
0x17f: {  	[sflag:s31] =	ssyncset.done $0x0  }
0x180: {  	[sflag:s31] =	ssyncadd.s32 $0xFFFFC000  }
0x181: {  	v7 =	vsel vm0, $0x1, v3;
	[hbm4b:s15+s13] =	stream.linear.scatter [tilespmem:s5], [sflag:$0x3], $0x4000, $0x38;
	[tilespmem:$0x18900] =	vst v63  }
0x182: {  	s14 =	simm.s32 $0x0;
	v5 =	vsel vm0, v6, v5;
	v4 =	vadd.s32 v7, v4;
	s13 =	simm.s32 $0x40  }
.LBB2_30:
0x183: {  	p2 =	sne.s32 s13, $0xA80;
	v6 =	vld [tilespmem:s14+$0x125A0];
	_ =	sdelay $0x4  }
0x184: {  	v7 =	vshrl.u32 v6, $0x7  }
0x185: {  	v7 =	vand.u32 $0x1F, v7  }
0x186: {  	vm0 =	veq.s32 v7, v1  }
0x187: {  	v7 =	vadd.s32 v2, v4;
	v8 =	vsel vm0, $0x1, v3;
	v5 =	vsel vm0, v6, v5  }
.Ltmp16:
0x188: {  	v4 =	vadd.s32 v8, v4;
	(pc) =	sbr.rel @p2 .LBB2_30-.Ltmp16, $2  }
0x189: {  	_ =	sdelay $0x2  }
0x18a: {  	s14 =	sshra.s32 s13, $0x2;
	s13 =	sadd.s32 $0x40, s13;
	[tilespmem:v7+s2+$0x0] =	vst.idx.msk vm0, v6  }
0x18b: {  	v6 =	vld [tilespmem:s14+$0x125A0];
	_ =	sdelay $0x4  }
0x18c: {  	v7 =	vshrl.u32 v6, $0x7  }
0x18d: {  	v7 =	vand.u32 $0x1F, v7  }
0x18e: {  	vm0 =	veq.s32 v7, v1  }
0x18f: {  	v7 =	vadd.s32 v2, v4;
	_ =	sdelay $0x4  }
0x190: {  	[tilespmem:v7+s2+$0x0] =	vst.idx.msk vm0, v6  }
0x191: {  	_ =	swait.ge [sflag:s10], $0x4000  }
0x192: {  	s15 =	sld [smem:$0x7F3]  }
0x193: {  	[sflag:s10] =	ssyncset.done $0x0  }
0x194: {  	s13 =	simm.s32 $0x0;
	[sflag:s10] =	ssyncadd.s32 $0xFFFFC000  }
0x195: {  	[tilespmem:s6], [sflag:$0x5] =	stream.linear.gather [hbm4b:s15+s13], $0x4000, $0x38;
	[tilespmem:$0x18900] =	vst v63  }
0x196: {  	_ =	swait.ge [sflag:s31], $0x4000  }
0x197: {  	s15 =	sld [smem:$0x7F4]  }
0x198: {  	[sflag:s31] =	ssyncset.done $0x0  }
0x199: {  	[sflag:s31] =	ssyncadd.s32 $0xFFFFC000  }
0x19a: {  	v7 =	vsel vm0, $0x1, v3;
	[hbm4b:s15+s13] =	stream.linear.scatter [tilespmem:s6], [sflag:$0x4], $0x4000, $0x38;
	[tilespmem:$0x18900] =	vst v63  }
0x19b: {  	s14 =	simm.s32 $0x0;
	v5 =	vsel vm0, v6, v5;
	v4 =	vadd.s32 v7, v4;
	s13 =	simm.s32 $0x40  }
.LBB2_32:
0x19c: {  	p2 =	sne.s32 s13, $0xA80;
	v6 =	vld [tilespmem:s14+$0x12850];
	_ =	sdelay $0x4  }
0x19d: {  	v7 =	vshrl.u32 v6, $0x7  }
0x19e: {  	v7 =	vand.u32 $0x1F, v7  }
0x19f: {  	vm0 =	veq.s32 v7, v1  }
0x1a0: {  	v7 =	vadd.s32 v2, v4;
	v8 =	vsel vm0, $0x1, v3;
	v5 =	vsel vm0, v6, v5  }
.Ltmp17:
0x1a1: {  	v4 =	vadd.s32 v8, v4;
	(pc) =	sbr.rel @p2 .LBB2_32-.Ltmp17, $2  }
0x1a2: {  	_ =	sdelay $0x2  }
0x1a3: {  	s14 =	sshra.s32 s13, $0x2;
	s13 =	sadd.s32 $0x40, s13;
	[tilespmem:v7+s2+$0x0] =	vst.idx.msk vm0, v6  }
0x1a4: {  	v6 =	vld [tilespmem:s14+$0x12850];
	_ =	sdelay $0x4  }
0x1a5: {  	v7 =	vshrl.u32 v6, $0x7  }
0x1a6: {  	v7 =	vand.u32 $0x1F, v7  }
0x1a7: {  	vm0 =	veq.s32 v7, v1  }
0x1a8: {  	v7 =	vadd.s32 v2, v4;
	_ =	sdelay $0x4  }
0x1a9: {  	[tilespmem:v7+s2+$0x0] =	vst.idx.msk vm0, v6  }
0x1aa: {  	_ =	swait.ge [sflag:s7], $0x4000  }
0x1ab: {  	s15 =	sld [smem:$0x7F5]  }
0x1ac: {  	[sflag:s7] =	ssyncset.done $0x0  }
0x1ad: {  	s13 =	simm.s32 $0x0;
	[sflag:s7] =	ssyncadd.s32 $0xFFFFC000  }
0x1ae: {  	[tilespmem:s13], [sflag:$0x5] =	stream.linear.gather [hbm4b:s15+s13], $0x4000, $0x38;
	[tilespmem:$0x18900] =	vst v63  }
0x1af: {  	_ =	swait.ge [sflag:s31], $0x4000  }
0x1b0: {  	s15 =	sld [smem:$0x7F6]  }
0x1b1: {  	[sflag:s31] =	ssyncset.done $0x0  }
0x1b2: {  	[sflag:s31] =	ssyncadd.s32 $0xFFFFC000  }
0x1b3: {  	v7 =	vsel vm0, $0x1, v3;
	[hbm4b:s15+s13] =	stream.linear.scatter [tilespmem:s13], [sflag:$0x1], $0x4000, $0x38;
	[tilespmem:$0x18900] =	vst v63  }
0x1b4: {  	s14 =	simm.s32 $0x0;
	v5 =	vsel vm0, v6, v5;
	v4 =	vadd.s32 v7, v4;
	s13 =	simm.s32 $0x40  }
.LBB2_34:
0x1b5: {  	p2 =	sne.s32 s13, $0xA80;
	v6 =	vld [tilespmem:s14+$0x12B00];
	_ =	sdelay $0x4  }
0x1b6: {  	v7 =	vshrl.u32 v6, $0x7  }
0x1b7: {  	v7 =	vand.u32 $0x1F, v7  }
0x1b8: {  	vm0 =	veq.s32 v7, v1  }
0x1b9: {  	v7 =	vadd.s32 v2, v4;
	v8 =	vsel vm0, $0x1, v3;
	v5 =	vsel vm0, v6, v5  }
.Ltmp18:
0x1ba: {  	v4 =	vadd.s32 v8, v4;
	(pc) =	sbr.rel @p2 .LBB2_34-.Ltmp18, $2  }
0x1bb: {  	_ =	sdelay $0x2  }
0x1bc: {  	s14 =	sshra.s32 s13, $0x2;
	s13 =	sadd.s32 $0x40, s13;
	[tilespmem:v7+s2+$0x0] =	vst.idx.msk vm0, v6  }
0x1bd: {  	v6 =	vld [tilespmem:s14+$0x12B00];
	_ =	sdelay $0x4  }
0x1be: {  	v7 =	vshrl.u32 v6, $0x7  }
0x1bf: {  	v7 =	vand.u32 $0x1F, v7  }
0x1c0: {  	vm0 =	veq.s32 v7, v1  }
0x1c1: {  	v7 =	vadd.s32 v2, v4;
	_ =	sdelay $0x4  }
0x1c2: {  	[tilespmem:v7+s2+$0x0] =	vst.idx.msk vm0, v6  }
0x1c3: {  	_ =	swait.ge [sflag:s8], $0x4000  }
0x1c4: {  	s15 =	sld [smem:$0x7F7]  }
0x1c5: {  	[sflag:s8] =	ssyncset.done $0x0  }
0x1c6: {  	s13 =	simm.s32 $0x0;
	[sflag:s8] =	ssyncadd.s32 $0xFFFFC000  }
0x1c7: {  	[tilespmem:s1], [sflag:$0x5] =	stream.linear.gather [hbm4b:s15+s13], $0x4000, $0x38;
	[tilespmem:$0x18900] =	vst v63  }
0x1c8: {  	_ =	swait.ge [sflag:s31], $0x4000  }
0x1c9: {  	s15 =	sld [smem:$0x7F8]  }
0x1ca: {  	[sflag:s31] =	ssyncset.done $0x0  }
0x1cb: {  	[sflag:s31] =	ssyncadd.s32 $0xFFFFC000  }
0x1cc: {  	v7 =	vsel vm0, $0x1, v3;
	[hbm4b:s15+s13] =	stream.linear.scatter [tilespmem:s1], [sflag:$0x2], $0x4000, $0x38;
	[tilespmem:$0x18900] =	vst v63  }
0x1cd: {  	s14 =	simm.s32 $0x0;
	v5 =	vsel vm0, v6, v5;
	v4 =	vadd.s32 v7, v4;
	s13 =	simm.s32 $0x40  }
.LBB2_36:
0x1ce: {  	p2 =	sne.s32 s13, $0xA80;
	v6 =	vld [tilespmem:s14+$0x12DB0];
	_ =	sdelay $0x4  }
0x1cf: {  	v7 =	vshrl.u32 v6, $0x7  }
0x1d0: {  	v7 =	vand.u32 $0x1F, v7  }
0x1d1: {  	vm0 =	veq.s32 v7, v1  }
0x1d2: {  	v7 =	vadd.s32 v2, v4;
	v8 =	vsel vm0, $0x1, v3;
	v5 =	vsel vm0, v6, v5  }
.Ltmp19:
0x1d3: {  	v4 =	vadd.s32 v8, v4;
	(pc) =	sbr.rel @p2 .LBB2_36-.Ltmp19, $2  }
0x1d4: {  	_ =	sdelay $0x2  }
0x1d5: {  	s14 =	sshra.s32 s13, $0x2;
	s13 =	sadd.s32 $0x40, s13;
	[tilespmem:v7+s2+$0x0] =	vst.idx.msk vm0, v6  }
0x1d6: {  	v6 =	vld [tilespmem:s14+$0x12DB0];
	_ =	sdelay $0x4  }
0x1d7: {  	v7 =	vshrl.u32 v6, $0x7  }
0x1d8: {  	v7 =	vand.u32 $0x1F, v7  }
0x1d9: {  	vm0 =	veq.s32 v7, v1  }
0x1da: {  	v7 =	vadd.s32 v2, v4;
	_ =	sdelay $0x4  }
0x1db: {  	[tilespmem:v7+s2+$0x0] =	vst.idx.msk vm0, v6  }
0x1dc: {  	_ =	swait.ge [sflag:s9], $0x4000  }
0x1dd: {  	s15 =	sld [smem:$0x7F9]  }
0x1de: {  	[sflag:s9] =	ssyncset.done $0x0  }
0x1df: {  	s13 =	simm.s32 $0x0;
	[sflag:s9] =	ssyncadd.s32 $0xFFFFC000  }
0x1e0: {  	[tilespmem:s5], [sflag:$0x5] =	stream.linear.gather [hbm4b:s15+s13], $0x4000, $0x38;
	[tilespmem:$0x18900] =	vst v63  }
0x1e1: {  	_ =	swait.ge [sflag:s31], $0x4000  }
0x1e2: {  	s15 =	sld [smem:$0x7FA]  }
0x1e3: {  	[sflag:s31] =	ssyncset.done $0x0  }
0x1e4: {  	[sflag:s31] =	ssyncadd.s32 $0xFFFFC000  }
0x1e5: {  	v7 =	vsel vm0, $0x1, v3;
	[hbm4b:s15+s13] =	stream.linear.scatter [tilespmem:s5], [sflag:$0x3], $0x4000, $0x38;
	[tilespmem:$0x18900] =	vst v63  }
0x1e6: {  	s14 =	simm.s32 $0x0;
	v5 =	vsel vm0, v6, v5;
	v4 =	vadd.s32 v7, v4;
	s13 =	simm.s32 $0x40  }
.LBB2_38:
0x1e7: {  	p2 =	sne.s32 s13, $0xA80;
	v6 =	vld [tilespmem:s14+$0x13060];
	_ =	sdelay $0x4  }
0x1e8: {  	v7 =	vshrl.u32 v6, $0x7  }
0x1e9: {  	v7 =	vand.u32 $0x1F, v7  }
0x1ea: {  	vm0 =	veq.s32 v7, v1  }
0x1eb: {  	v7 =	vadd.s32 v2, v4;
	v8 =	vsel vm0, $0x1, v3;
	v5 =	vsel vm0, v6, v5  }
.Ltmp20:
0x1ec: {  	v4 =	vadd.s32 v8, v4;
	(pc) =	sbr.rel @p2 .LBB2_38-.Ltmp20, $2  }
0x1ed: {  	_ =	sdelay $0x2  }
0x1ee: {  	s14 =	sshra.s32 s13, $0x2;
	s13 =	sadd.s32 $0x40, s13;
	[tilespmem:v7+s2+$0x0] =	vst.idx.msk vm0, v6  }
0x1ef: {  	v6 =	vld [tilespmem:s14+$0x13060];
	_ =	sdelay $0x4  }
0x1f0: {  	v7 =	vshrl.u32 v6, $0x7  }
0x1f1: {  	v7 =	vand.u32 $0x1F, v7  }
0x1f2: {  	vm0 =	veq.s32 v7, v1  }
0x1f3: {  	v7 =	vadd.s32 v2, v4;
	_ =	sdelay $0x4  }
0x1f4: {  	[tilespmem:v7+s2+$0x0] =	vst.idx.msk vm0, v6  }
0x1f5: {  	_ =	swait.ge [sflag:s10], $0x4000  }
0x1f6: {  	s15 =	sld [smem:$0x7FB]  }
0x1f7: {  	[sflag:s10] =	ssyncset.done $0x0  }
0x1f8: {  	s13 =	simm.s32 $0x0;
	[sflag:s10] =	ssyncadd.s32 $0xFFFFC000  }
0x1f9: {  	[tilespmem:s6], [sflag:$0x5] =	stream.linear.gather [hbm4b:s15+s13], $0x4000, $0x38;
	[tilespmem:$0x18900] =	vst v63  }
0x1fa: {  	_ =	swait.ge [sflag:s31], $0x4000  }
0x1fb: {  	s15 =	sld [smem:$0x7FC]  }
0x1fc: {  	[sflag:s31] =	ssyncset.done $0x0  }
0x1fd: {  	[sflag:s31] =	ssyncadd.s32 $0xFFFFC000  }
0x1fe: {  	v7 =	vsel vm0, $0x1, v3;
	[hbm4b:s15+s13] =	stream.linear.scatter [tilespmem:s6], [sflag:$0x4], $0x4000, $0x38;
	[tilespmem:$0x18900] =	vst v63  }
0x1ff: {  	s14 =	simm.s32 $0x0;
	v5 =	vsel vm0, v6, v5;
	v4 =	vadd.s32 v7, v4;
	s13 =	simm.s32 $0x40  }
.LBB2_40:
0x200: {  	p2 =	sne.s32 s13, $0xA80;
	v6 =	vld [tilespmem:s14+$0x13310];
	_ =	sdelay $0x4  }
0x201: {  	v7 =	vshrl.u32 v6, $0x7  }
0x202: {  	v7 =	vand.u32 $0x1F, v7  }
0x203: {  	vm0 =	veq.s32 v7, v1  }
0x204: {  	v7 =	vadd.s32 v2, v4;
	v8 =	vsel vm0, $0x1, v3;
	v5 =	vsel vm0, v6, v5  }
.Ltmp21:
0x205: {  	v4 =	vadd.s32 v8, v4;
	(pc) =	sbr.rel @p2 .LBB2_40-.Ltmp21, $2  }
0x206: {  	_ =	sdelay $0x2  }
0x207: {  	s14 =	sshra.s32 s13, $0x2;
	s13 =	sadd.s32 $0x40, s13;
	[tilespmem:v7+s2+$0x0] =	vst.idx.msk vm0, v6  }
0x208: {  	v6 =	vld [tilespmem:s14+$0x13310];
	_ =	sdelay $0x4  }
0x209: {  	v7 =	vshrl.u32 v6, $0x7  }
0x20a: {  	v7 =	vand.u32 $0x1F, v7  }
0x20b: {  	vm0 =	veq.s32 v7, v1  }
0x20c: {  	v7 =	vadd.s32 v2, v4;
	_ =	sdelay $0x4  }
0x20d: {  	[tilespmem:v7+s2+$0x0] =	vst.idx.msk vm0, v6  }
0x20e: {  	_ =	swait.ge [sflag:s7], $0x4000  }
0x20f: {  	s15 =	sld [smem:$0x7FD]  }
0x210: {  	[sflag:s7] =	ssyncset.done $0x0  }
0x211: {  	s13 =	simm.s32 $0x0;
	[sflag:s7] =	ssyncadd.s32 $0xFFFFC000  }
0x212: {  	[tilespmem:s13], [sflag:$0x5] =	stream.linear.gather [hbm4b:s15+s13], $0x4000, $0x38;
	[tilespmem:$0x18900] =	vst v63  }
0x213: {  	_ =	swait.ge [sflag:s31], $0x4000  }
0x214: {  	[sflag:s31] =	ssyncset.done $0x0  }
0x215: {  	[sflag:s31] =	ssyncadd.s32 $0xFFFFC000  }
0x216: {  	v7 =	vsel vm0, $0x1, v3;
	[hbm4b:s16+s13] =	stream.linear.scatter [tilespmem:s13], [sflag:$0x1], $0x4000, $0x38;
	[tilespmem:$0x18900] =	vst v63  }
0x217: {  	s14 =	simm.s32 $0x0;
	v5 =	vsel vm0, v6, v5;
	v4 =	vadd.s32 v7, v4;
	s13 =	simm.s32 $0x40  }
.LBB2_42:
0x218: {  	p2 =	sne.s32 s13, $0xA80;
	v6 =	vld [tilespmem:s14+$0x135C0];
	_ =	sdelay $0x4  }
0x219: {  	v7 =	vshrl.u32 v6, $0x7  }
0x21a: {  	v7 =	vand.u32 $0x1F, v7  }
0x21b: {  	vm0 =	veq.s32 v7, v1  }
0x21c: {  	v7 =	vadd.s32 v2, v4;
	v8 =	vsel vm0, $0x1, v3;
	v5 =	vsel vm0, v6, v5  }
.Ltmp22:
0x21d: {  	v4 =	vadd.s32 v8, v4;
	(pc) =	sbr.rel @p2 .LBB2_42-.Ltmp22, $2  }
0x21e: {  	_ =	sdelay $0x2  }
0x21f: {  	s14 =	sshra.s32 s13, $0x2;
	s13 =	sadd.s32 $0x40, s13;
	[tilespmem:v7+s2+$0x0] =	vst.idx.msk vm0, v6  }
0x220: {  	v6 =	vld [tilespmem:s14+$0x135C0];
	_ =	sdelay $0x4  }
0x221: {  	v7 =	vshrl.u32 v6, $0x7  }
0x222: {  	v7 =	vand.u32 $0x1F, v7  }
0x223: {  	vm0 =	veq.s32 v7, v1  }
0x224: {  	v7 =	vadd.s32 v2, v4;
	_ =	sdelay $0x4  }
0x225: {  	[tilespmem:v7+s2+$0x0] =	vst.idx.msk vm0, v6  }
0x226: {  	_ =	swait.ge [sflag:s8], $0x4000  }
0x227: {  	[sflag:s8] =	ssyncset.done $0x0  }
0x228: {  	s13 =	simm.s32 $0x0;
	[sflag:s8] =	ssyncadd.s32 $0xFFFFC000  }
0x229: {  	[tilespmem:s1], [sflag:$0x5] =	stream.linear.gather [hbm4b:s17+s13], $0x4000, $0x38;
	[tilespmem:$0x18900] =	vst v63  }
0x22a: {  	_ =	swait.ge [sflag:s31], $0x4000  }
0x22b: {  	[sflag:s31] =	ssyncset.done $0x0  }
0x22c: {  	[sflag:s31] =	ssyncadd.s32 $0xFFFFC000  }
0x22d: {  	v7 =	vsel vm0, $0x1, v3;
	[hbm4b:s18+s13] =	stream.linear.scatter [tilespmem:s1], [sflag:$0x2], $0x4000, $0x38;
	[tilespmem:$0x18900] =	vst v63  }
0x22e: {  	s14 =	simm.s32 $0x0;
	v5 =	vsel vm0, v6, v5;
	v4 =	vadd.s32 v7, v4;
	s13 =	simm.s32 $0x40  }
.LBB2_44:
0x22f: {  	p2 =	sne.s32 s13, $0xA80;
	v6 =	vld [tilespmem:s14+$0x13870];
	_ =	sdelay $0x4  }
0x230: {  	v7 =	vshrl.u32 v6, $0x7  }
0x231: {  	v7 =	vand.u32 $0x1F, v7  }
0x232: {  	vm0 =	veq.s32 v7, v1  }
0x233: {  	v7 =	vadd.s32 v2, v4;
	v8 =	vsel vm0, $0x1, v3;
	v5 =	vsel vm0, v6, v5  }
.Ltmp23:
0x234: {  	v4 =	vadd.s32 v8, v4;
	(pc) =	sbr.rel @p2 .LBB2_44-.Ltmp23, $2  }
0x235: {  	_ =	sdelay $0x2  }
0x236: {  	s14 =	sshra.s32 s13, $0x2;
	s13 =	sadd.s32 $0x40, s13;
	[tilespmem:v7+s2+$0x0] =	vst.idx.msk vm0, v6  }
0x237: {  	v6 =	vld [tilespmem:s14+$0x13870];
	_ =	sdelay $0x4  }
0x238: {  	v7 =	vshrl.u32 v6, $0x7  }
0x239: {  	v7 =	vand.u32 $0x1F, v7  }
0x23a: {  	vm0 =	veq.s32 v7, v1  }
0x23b: {  	v7 =	vadd.s32 v2, v4;
	_ =	sdelay $0x4  }
0x23c: {  	[tilespmem:v7+s2+$0x0] =	vst.idx.msk vm0, v6  }
0x23d: {  	_ =	swait.ge [sflag:s9], $0x4000  }
0x23e: {  	[sflag:s9] =	ssyncset.done $0x0  }
0x23f: {  	s13 =	simm.s32 $0x0;
	[sflag:s9] =	ssyncadd.s32 $0xFFFFC000  }
0x240: {  	[tilespmem:s5], [sflag:$0x5] =	stream.linear.gather [hbm4b:s19+s13], $0x4000, $0x38;
	[tilespmem:$0x18900] =	vst v63  }
0x241: {  	_ =	swait.ge [sflag:s31], $0x4000  }
0x242: {  	[sflag:s31] =	ssyncset.done $0x0  }
0x243: {  	[sflag:s31] =	ssyncadd.s32 $0xFFFFC000  }
0x244: {  	v7 =	vsel vm0, $0x1, v3;
	[hbm4b:s20+s13] =	stream.linear.scatter [tilespmem:s5], [sflag:$0x3], $0x4000, $0x38;
	[tilespmem:$0x18900] =	vst v63  }
0x245: {  	s14 =	simm.s32 $0x0;
	v5 =	vsel vm0, v6, v5;
	v4 =	vadd.s32 v7, v4;
	s13 =	simm.s32 $0x40  }
.LBB2_46:
0x246: {  	p2 =	sne.s32 s13, $0xA80;
	v6 =	vld [tilespmem:s14+$0x13B20];
	_ =	sdelay $0x4  }
0x247: {  	v7 =	vshrl.u32 v6, $0x7  }
0x248: {  	v7 =	vand.u32 $0x1F, v7  }
0x249: {  	vm0 =	veq.s32 v7, v1  }
0x24a: {  	v7 =	vadd.s32 v2, v4;
	v8 =	vsel vm0, $0x1, v3;
	v5 =	vsel vm0, v6, v5  }
.Ltmp24:
0x24b: {  	v4 =	vadd.s32 v8, v4;
	(pc) =	sbr.rel @p2 .LBB2_46-.Ltmp24, $2  }
0x24c: {  	_ =	sdelay $0x2  }
0x24d: {  	s14 =	sshra.s32 s13, $0x2;
	s13 =	sadd.s32 $0x40, s13;
	[tilespmem:v7+s2+$0x0] =	vst.idx.msk vm0, v6  }
0x24e: {  	v6 =	vld [tilespmem:s14+$0x13B20];
	_ =	sdelay $0x4  }
0x24f: {  	v7 =	vshrl.u32 v6, $0x7  }
0x250: {  	v7 =	vand.u32 $0x1F, v7  }
0x251: {  	vm0 =	veq.s32 v7, v1  }
0x252: {  	v7 =	vadd.s32 v2, v4;
	_ =	sdelay $0x4  }
0x253: {  	[tilespmem:v7+s2+$0x0] =	vst.idx.msk vm0, v6  }
0x254: {  	_ =	swait.ge [sflag:s10], $0x4000  }
0x255: {  	[sflag:s10] =	ssyncset.done $0x0  }
0x256: {  	s13 =	simm.s32 $0x0;
	[sflag:s10] =	ssyncadd.s32 $0xFFFFC000  }
0x257: {  	[tilespmem:s6], [sflag:$0x5] =	stream.linear.gather [hbm4b:s21+s13], $0x4000, $0x38;
	[tilespmem:$0x18900] =	vst v63  }
0x258: {  	_ =	swait.ge [sflag:s31], $0x4000  }
0x259: {  	[sflag:s31] =	ssyncset.done $0x0  }
0x25a: {  	[sflag:s31] =	ssyncadd.s32 $0xFFFFC000  }
0x25b: {  	v7 =	vsel vm0, $0x1, v3;
	[hbm4b:s22+s13] =	stream.linear.scatter [tilespmem:s6], [sflag:$0x4], $0x4000, $0x38;
	[tilespmem:$0x18900] =	vst v63  }
0x25c: {  	s14 =	simm.s32 $0x0;
	v5 =	vsel vm0, v6, v5;
	v4 =	vadd.s32 v7, v4;
	s13 =	simm.s32 $0x40  }
.LBB2_48:
0x25d: {  	p2 =	sne.s32 s13, $0x880;
	v6 =	vld [tilespmem:s14+$0x13DD0];
	_ =	sdelay $0x4  }
0x25e: {  	v7 =	vshrl.u32 v6, $0x7  }
0x25f: {  	v7 =	vand.u32 $0x1F, v7  }
0x260: {  	vm0 =	veq.s32 v7, v1  }
0x261: {  	v7 =	vadd.s32 v2, v4;
	v8 =	vsel vm0, $0x1, v3;
	v5 =	vsel vm0, v6, v5  }
.Ltmp25:
0x262: {  	v4 =	vadd.s32 v8, v4;
	(pc) =	sbr.rel @p2 .LBB2_48-.Ltmp25, $2  }
0x263: {  	_ =	sdelay $0x2  }
0x264: {  	s14 =	sshra.s32 s13, $0x2;
	s13 =	sadd.s32 $0x40, s13;
	[tilespmem:v7+s2+$0x0] =	vst.idx.msk vm0, v6  }
0x265: {  	v6 =	vld [tilespmem:s14+$0x13DD0];
	_ =	sdelay $0x4  }
0x266: {  	v7 =	vshrl.u32 v6, $0x7  }
0x267: {  	v7 =	vand.u32 $0x1F, v7  }
0x268: {  	vm0 =	veq.s32 v7, v1  }
0x269: {  	v7 =	vadd.s32 v2, v4;
	_ =	sdelay $0x4  }
0x26a: {  	[tilespmem:v7+s2+$0x0] =	vst.idx.msk vm0, v6  }
0x26b: {  	_ =	swait.ge [sflag:s7], $0x4000  }
0x26c: {  	[sflag:s7] =	ssyncset.done $0x0  }
0x26d: {  	[sflag:s7] =	ssyncadd.s32 $0xFFFFC000  }
0x26e: {  	_ =	swait.ge [sflag:s8], $0x4000  }
0x26f: {  	[sflag:s8] =	ssyncset.done $0x0  }
0x270: {  	[sflag:s8] =	ssyncadd.s32 $0xFFFFC000  }
0x271: {  	_ =	swait.ge [sflag:s9], $0x4000  }
0x272: {  	[sflag:s9] =	ssyncset.done $0x0  }
0x273: {  	[sflag:s9] =	ssyncadd.s32 $0xFFFFC000  }
0x274: {  	_ =	swait.ge [sflag:s10], $0x4000  }
0x275: {  	s13 =	simm.s32 @!p1 $0x0;
	[sflag:s10] =	ssyncset.done $0x0  }
0x276: {  	s14 =	simm.s32 @!p1 $0x4000;
	s15 =	simm.s32 @!p1 $0x5;
	[sflag:s10] =	ssyncadd.s32 $0xFFFFC000  }
0x277: {  	[tilespmem:s14], [sflag:$0x5] =	stream.linear.gather @!p1 [hbm4b:s25+s13], $0x1000, $0x38;
	[tilespmem:$0x18900] =	vst v63  }
0x278: {  	_ =	swait.ge @!p1 [sflag:s15], $0x1000  }
0x279: {  	[sflag:s15] =	ssyncset.done @!p1 $0x0  }
0x27a: {  	[sflag:s15] =	ssyncadd.s32 @!p1 $0xFFFFF000  }
0x27b: {  	[hbm4b:s30+s13] =	stream.linear.scatter @!p1 [tilespmem:s14], [sflag:$0x5], $0x1000, $0x38;
	[tilespmem:$0x18900] =	vst v63  }
0x27c: {  	_ =	swait.ge @!p1 [sflag:s15], $0x1000  }
0x27d: {  	[sflag:s15] =	ssyncset.done @!p1 $0x0  }
0x27e: {  	s13 =	simm.s32 @!p0 $0x0;
	[sflag:s15] =	ssyncadd.s32 @!p1 $0xFFFFF000;
	s15 =	simm.s32 @!p0 $0x5  }
0x27f: {  	[tilespmem:s13], [sflag:$0x5] =	stream.linear.gather @!p0 [hbm4b:s26+s13], $0x4000, $0x38;
	[tilespmem:$0x18900] =	vst v63  }
0x280: {  	_ =	swait.ge @!p0 [sflag:s15], $0x4000  }
0x281: {  	[sflag:s15] =	ssyncset.done @!p0 $0x0  }
0x282: {  	[sflag:s15] =	ssyncadd.s32 @!p0 $0xFFFFC000  }
0x283: {  	v7 =	vsel vm0, $0x1, v3;
	[hbm4b:s28+s13] =	stream.linear.scatter @!p0 [tilespmem:s13], [sflag:$0x5], $0x4000, $0x38;
	[tilespmem:$0x18900] =	vst v63  }
0x284: {  	v4 =	vadd.s32 v7, v4;
	_ =	swait.ge @!p0 [sflag:s15], $0x4000  }
0x285: {  	(v2sf) =	vpush v4, $0x0;
	_ =	sdelay $0xe  }
0x286: {  	s14 =	spop (v2sf)  }
0x287: {  	v7 =	vbroadcast v4, $0x0;
	s13 =	sadd.s32 $0xF, s14  }
0x288: {  	s14 =	sshrl.u32 s13, $0x4  }
0x289: {  	v7 =	vadd.s32 v0, v7;
	p2 =	seq.s32 s14, $0x0  }
.Ltmp26:
0x28a: {  	_ = 	snop;
	(pc) =	sbr.rel @p2 .LBB2_53-.Ltmp26, $4  }
0x28b: {  	v5 =	vsel vm0, v6, v5  }
0x28c: {  	v6 =	vbroadcast v5, $0x0;
	[sflag:s15] =	ssyncset.done @!p0 $0x0  }
0x28d: {  	[sflag:s15] =	ssyncadd.s32 @!p0 $0xFFFFC000;
	s13 =	simm.s32 $0x14000  }
0x28e: {  	[tilespmem:v7+s13+$0x0] =	vst.idx.msk $0xffff, v6  }
0x28f: {  	p2 =	sne.s32 s14, $0x1  }
.Ltmp27:
0x290: {  	_ = 	snop;
	(pc) =	sbr.rel @!p2 .LBB2_52-.Ltmp27, $4  }
0x291: {  	_ = 	snop  }
0x292: {  	[hbm4b:s3+s11] =	stream.indirect.scatter [tilespmem:s0], [sflag:$0x5], $0x80, s13, s11, $0xb8;
	[tilespmem:$0x18900] =	vst v63  }
0x293: {  	_ =	swait.ge [sflag:s31], $0x800  }
0x294: {  	s14 =	sadd.s32 $0xFFFFFFFF, s14;
	[sflag:s31] =	ssyncset.done $0x0  }
.LBB2_51:
0x295: {  	p2 =	sne.s32 s14, $0x1;
	[sflag:s31] =	ssyncadd.s32 $0xFFFFF800;
	s13 =	sadd.s32 $0x10, s13  }
.Ltmp28:
0x296: {  	s14 =	sadd.s32 $0xFFFFFFFF, s14;
	(pc) =	sbr.rel @p2 .LBB2_51-.Ltmp28, $4  }
0x297: {  	_ = 	snop  }
0x298: {  	[hbm4b:s3+s11] =	stream.indirect.scatter [tilespmem:s0], [sflag:$0x5], $0x80, s13, s11, $0xb8;
	[tilespmem:$0x18900] =	vst v63  }
0x299: {  	_ =	swait.ge [sflag:s31], $0x800  }
0x29a: {  	[sflag:s31] =	ssyncset.done $0x0  }
.LBB2_52:
0x29b: {  	[sflag:s31] =	ssyncadd.s32 $0xFFFFF800  }
.LBB2_53:
0x29c: {  	(v2sf) =	vpush v4, $0x1;
	_ =	sdelay $0xe  }
0x29d: {  	s13 =	spop (v2sf)  }
0x29e: {  	s14 =	sadd.s32 $0x410, s13;
	s13 =	sadd.s32 $0xF, s13  }
0x29f: {  	v6 =	vadd.s32 s14, v0;
	s14 =	sshrl.u32 s13, $0x4  }
0x2a0: {  	p2 =	seq.s32 s14, $0x0  }
.Ltmp29:
0x2a1: {  	_ = 	snop;
	(pc) =	sbr.rel @p2 .LBB2_57-.Ltmp29, $3  }
0x2a2: {  	_ = 	snop  }
0x2a3: {  	v7 =	vbroadcast v5, $0x1;
	_ =	sdelay $0x1  }
0x2a4: {  	s13 =	simm.s32 $0x14410;
	[tilespmem:v6+s2+$0x0] =	vst.idx.msk $0xffff, v7  }
0x2a5: {  	p2 =	sne.s32 s14, $0x1  }
.Ltmp30:
0x2a6: {  	_ = 	snop;
	(pc) =	sbr.rel @!p2 .LBB2_56-.Ltmp30, $4  }
0x2a7: {  	_ = 	snop  }
0x2a8: {  	[hbm4b:s3+s11] =	stream.indirect.scatter [tilespmem:s0], [sflag:$0x5], $0x80, s13, s11, $0xb8;
	[tilespmem:$0x18900] =	vst v63  }
0x2a9: {  	_ =	swait.ge [sflag:s31], $0x800  }
0x2aa: {  	s14 =	sadd.s32 $0xFFFFFFFF, s14;
	[sflag:s31] =	ssyncset.done $0x0  }
.LBB2_55:
0x2ab: {  	p2 =	sne.s32 s14, $0x1;
	[sflag:s31] =	ssyncadd.s32 $0xFFFFF800;
	s13 =	sadd.s32 $0x10, s13  }
.Ltmp31:
0x2ac: {  	s14 =	sadd.s32 $0xFFFFFFFF, s14;
	(pc) =	sbr.rel @p2 .LBB2_55-.Ltmp31, $4  }
0x2ad: {  	_ = 	snop  }
0x2ae: {  	[hbm4b:s3+s11] =	stream.indirect.scatter [tilespmem:s0], [sflag:$0x5], $0x80, s13, s11, $0xb8;
	[tilespmem:$0x18900] =	vst v63  }
0x2af: {  	_ =	swait.ge [sflag:s31], $0x800  }
0x2b0: {  	[sflag:s31] =	ssyncset.done $0x0  }
.LBB2_56:
0x2b1: {  	[sflag:s31] =	ssyncadd.s32 $0xFFFFF800  }
.LBB2_57:
0x2b2: {  	(v2sf) =	vpush v4, $0x2;
	_ =	sdelay $0xe  }
0x2b3: {  	s13 =	spop (v2sf)  }
0x2b4: {  	s14 =	sadd.s32 $0x820, s13;
	s13 =	sadd.s32 $0xF, s13  }
0x2b5: {  	v6 =	vadd.s32 s14, v0;
	s14 =	sshrl.u32 s13, $0x4  }
0x2b6: {  	p2 =	seq.s32 s14, $0x0  }
.Ltmp32:
0x2b7: {  	_ = 	snop;
	(pc) =	sbr.rel @p2 .LBB2_61-.Ltmp32, $3  }
0x2b8: {  	_ = 	snop  }
0x2b9: {  	v7 =	vbroadcast v5, $0x2;
	_ =	sdelay $0x1  }
0x2ba: {  	s13 =	simm.s32 $0x14820;
	[tilespmem:v6+s2+$0x0] =	vst.idx.msk $0xffff, v7  }
0x2bb: {  	p2 =	sne.s32 s14, $0x1  }
.Ltmp33:
0x2bc: {  	_ = 	snop;
	(pc) =	sbr.rel @!p2 .LBB2_60-.Ltmp33, $4  }
0x2bd: {  	_ = 	snop  }
0x2be: {  	[hbm4b:s3+s11] =	stream.indirect.scatter [tilespmem:s0], [sflag:$0x5], $0x80, s13, s11, $0xb8;
	[tilespmem:$0x18900] =	vst v63  }
0x2bf: {  	_ =	swait.ge [sflag:s31], $0x800  }
0x2c0: {  	s14 =	sadd.s32 $0xFFFFFFFF, s14;
	[sflag:s31] =	ssyncset.done $0x0  }
.LBB2_59:
0x2c1: {  	p2 =	sne.s32 s14, $0x1;
	[sflag:s31] =	ssyncadd.s32 $0xFFFFF800;
	s13 =	sadd.s32 $0x10, s13  }
.Ltmp34:
0x2c2: {  	s14 =	sadd.s32 $0xFFFFFFFF, s14;
	(pc) =	sbr.rel @p2 .LBB2_59-.Ltmp34, $4  }
0x2c3: {  	_ = 	snop  }
0x2c4: {  	[hbm4b:s3+s11] =	stream.indirect.scatter [tilespmem:s0], [sflag:$0x5], $0x80, s13, s11, $0xb8;
	[tilespmem:$0x18900] =	vst v63  }
0x2c5: {  	_ =	swait.ge [sflag:s31], $0x800  }
0x2c6: {  	[sflag:s31] =	ssyncset.done $0x0  }
.LBB2_60:
0x2c7: {  	[sflag:s31] =	ssyncadd.s32 $0xFFFFF800  }
.LBB2_61:
0x2c8: {  	(v2sf) =	vpush v4, $0x3;
	_ =	sdelay $0xe  }
0x2c9: {  	s13 =	spop (v2sf)  }
0x2ca: {  	s14 =	sadd.s32 $0xC30, s13;
	s13 =	sadd.s32 $0xF, s13  }
0x2cb: {  	v6 =	vadd.s32 s14, v0;
	s14 =	sshrl.u32 s13, $0x4  }
0x2cc: {  	p2 =	seq.s32 s14, $0x0  }
.Ltmp35:
0x2cd: {  	_ = 	snop;
	(pc) =	sbr.rel @p2 .LBB2_65-.Ltmp35, $3  }
0x2ce: {  	_ = 	snop  }
0x2cf: {  	v7 =	vbroadcast v5, $0x3;
	_ =	sdelay $0x1  }
0x2d0: {  	s13 =	simm.s32 $0x14C30;
	[tilespmem:v6+s2+$0x0] =	vst.idx.msk $0xffff, v7  }
0x2d1: {  	p2 =	sne.s32 s14, $0x1  }
.Ltmp36:
0x2d2: {  	_ = 	snop;
	(pc) =	sbr.rel @!p2 .LBB2_64-.Ltmp36, $4  }
0x2d3: {  	_ = 	snop  }
0x2d4: {  	[hbm4b:s3+s11] =	stream.indirect.scatter [tilespmem:s0], [sflag:$0x5], $0x80, s13, s11, $0xb8;
	[tilespmem:$0x18900] =	vst v63  }
0x2d5: {  	_ =	swait.ge [sflag:s31], $0x800  }
0x2d6: {  	s14 =	sadd.s32 $0xFFFFFFFF, s14;
	[sflag:s31] =	ssyncset.done $0x0  }
.LBB2_63:
0x2d7: {  	p2 =	sne.s32 s14, $0x1;
	[sflag:s31] =	ssyncadd.s32 $0xFFFFF800;
	s13 =	sadd.s32 $0x10, s13  }
.Ltmp37:
0x2d8: {  	s14 =	sadd.s32 $0xFFFFFFFF, s14;
	(pc) =	sbr.rel @p2 .LBB2_63-.Ltmp37, $4  }
0x2d9: {  	_ = 	snop  }
0x2da: {  	[hbm4b:s3+s11] =	stream.indirect.scatter [tilespmem:s0], [sflag:$0x5], $0x80, s13, s11, $0xb8;
	[tilespmem:$0x18900] =	vst v63  }
0x2db: {  	_ =	swait.ge [sflag:s31], $0x800  }
0x2dc: {  	[sflag:s31] =	ssyncset.done $0x0  }
.LBB2_64:
0x2dd: {  	[sflag:s31] =	ssyncadd.s32 $0xFFFFF800  }
.LBB2_65:
0x2de: {  	(v2sf) =	vpush v4, $0x4;
	_ =	sdelay $0xe  }
0x2df: {  	s13 =	spop (v2sf)  }
0x2e0: {  	s14 =	sadd.s32 $0x1040, s13;
	s13 =	sadd.s32 $0xF, s13  }
0x2e1: {  	v6 =	vadd.s32 s14, v0;
	s14 =	sshrl.u32 s13, $0x4  }
0x2e2: {  	p2 =	seq.s32 s14, $0x0  }
.Ltmp38:
0x2e3: {  	_ = 	snop;
	(pc) =	sbr.rel @p2 .LBB2_69-.Ltmp38, $3  }
0x2e4: {  	_ = 	snop  }
0x2e5: {  	v7 =	vbroadcast v5, $0x4;
	_ =	sdelay $0x1  }
0x2e6: {  	s13 =	simm.s32 $0x15040;
	[tilespmem:v6+s2+$0x0] =	vst.idx.msk $0xffff, v7  }
0x2e7: {  	p2 =	sne.s32 s14, $0x1  }
.Ltmp39:
0x2e8: {  	_ = 	snop;
	(pc) =	sbr.rel @!p2 .LBB2_68-.Ltmp39, $4  }
0x2e9: {  	_ = 	snop  }
0x2ea: {  	[hbm4b:s3+s11] =	stream.indirect.scatter [tilespmem:s0], [sflag:$0x5], $0x80, s13, s11, $0xb8;
	[tilespmem:$0x18900] =	vst v63  }
0x2eb: {  	_ =	swait.ge [sflag:s31], $0x800  }
0x2ec: {  	s14 =	sadd.s32 $0xFFFFFFFF, s14;
	[sflag:s31] =	ssyncset.done $0x0  }
.LBB2_67:
0x2ed: {  	p2 =	sne.s32 s14, $0x1;
	[sflag:s31] =	ssyncadd.s32 $0xFFFFF800;
	s13 =	sadd.s32 $0x10, s13  }
.Ltmp40:
0x2ee: {  	s14 =	sadd.s32 $0xFFFFFFFF, s14;
	(pc) =	sbr.rel @p2 .LBB2_67-.Ltmp40, $4  }
0x2ef: {  	_ = 	snop  }
0x2f0: {  	[hbm4b:s3+s11] =	stream.indirect.scatter [tilespmem:s0], [sflag:$0x5], $0x80, s13, s11, $0xb8;
	[tilespmem:$0x18900] =	vst v63  }
0x2f1: {  	_ =	swait.ge [sflag:s31], $0x800  }
0x2f2: {  	[sflag:s31] =	ssyncset.done $0x0  }
.LBB2_68:
0x2f3: {  	[sflag:s31] =	ssyncadd.s32 $0xFFFFF800  }
.LBB2_69:
0x2f4: {  	(v2sf) =	vpush v4, $0x5;
	_ =	sdelay $0xe  }
0x2f5: {  	s13 =	spop (v2sf)  }
0x2f6: {  	s14 =	sadd.s32 $0x1450, s13;
	s13 =	sadd.s32 $0xF, s13  }
0x2f7: {  	v6 =	vadd.s32 s14, v0;
	s14 =	sshrl.u32 s13, $0x4  }
0x2f8: {  	p2 =	seq.s32 s14, $0x0  }
.Ltmp41:
0x2f9: {  	_ = 	snop;
	(pc) =	sbr.rel @p2 .LBB2_73-.Ltmp41, $3  }
0x2fa: {  	_ = 	snop  }
0x2fb: {  	v7 =	vbroadcast v5, $0x5;
	_ =	sdelay $0x1  }
0x2fc: {  	s13 =	simm.s32 $0x15450;
	[tilespmem:v6+s2+$0x0] =	vst.idx.msk $0xffff, v7  }
0x2fd: {  	p2 =	sne.s32 s14, $0x1  }
.Ltmp42:
0x2fe: {  	_ = 	snop;
	(pc) =	sbr.rel @!p2 .LBB2_72-.Ltmp42, $4  }
0x2ff: {  	_ = 	snop  }
0x300: {  	[hbm4b:s3+s11] =	stream.indirect.scatter [tilespmem:s0], [sflag:$0x5], $0x80, s13, s11, $0xb8;
	[tilespmem:$0x18900] =	vst v63  }
0x301: {  	_ =	swait.ge [sflag:s31], $0x800  }
0x302: {  	s14 =	sadd.s32 $0xFFFFFFFF, s14;
	[sflag:s31] =	ssyncset.done $0x0  }
.LBB2_71:
0x303: {  	p2 =	sne.s32 s14, $0x1;
	[sflag:s31] =	ssyncadd.s32 $0xFFFFF800;
	s13 =	sadd.s32 $0x10, s13  }
.Ltmp43:
0x304: {  	s14 =	sadd.s32 $0xFFFFFFFF, s14;
	(pc) =	sbr.rel @p2 .LBB2_71-.Ltmp43, $4  }
0x305: {  	_ = 	snop  }
0x306: {  	[hbm4b:s3+s11] =	stream.indirect.scatter [tilespmem:s0], [sflag:$0x5], $0x80, s13, s11, $0xb8;
	[tilespmem:$0x18900] =	vst v63  }
0x307: {  	_ =	swait.ge [sflag:s31], $0x800  }
0x308: {  	[sflag:s31] =	ssyncset.done $0x0  }
.LBB2_72:
0x309: {  	[sflag:s31] =	ssyncadd.s32 $0xFFFFF800  }
.LBB2_73:
0x30a: {  	(v2sf) =	vpush v4, $0x6;
	_ =	sdelay $0xe  }
0x30b: {  	s13 =	spop (v2sf)  }
0x30c: {  	s14 =	sadd.s32 $0x1860, s13;
	s13 =	sadd.s32 $0xF, s13  }
0x30d: {  	v6 =	vadd.s32 s14, v0;
	s14 =	sshrl.u32 s13, $0x4  }
0x30e: {  	p2 =	seq.s32 s14, $0x0  }
.Ltmp44:
0x30f: {  	_ = 	snop;
	(pc) =	sbr.rel @p2 .LBB2_77-.Ltmp44, $3  }
0x310: {  	_ = 	snop  }
0x311: {  	v7 =	vbroadcast v5, $0x6;
	_ =	sdelay $0x1  }
0x312: {  	s13 =	simm.s32 $0x15860;
	[tilespmem:v6+s2+$0x0] =	vst.idx.msk $0xffff, v7  }
0x313: {  	p2 =	sne.s32 s14, $0x1  }
.Ltmp45:
0x314: {  	_ = 	snop;
	(pc) =	sbr.rel @!p2 .LBB2_76-.Ltmp45, $4  }
0x315: {  	_ = 	snop  }
0x316: {  	[hbm4b:s3+s11] =	stream.indirect.scatter [tilespmem:s0], [sflag:$0x5], $0x80, s13, s11, $0xb8;
	[tilespmem:$0x18900] =	vst v63  }
0x317: {  	_ =	swait.ge [sflag:s31], $0x800  }
0x318: {  	s14 =	sadd.s32 $0xFFFFFFFF, s14;
	[sflag:s31] =	ssyncset.done $0x0  }
.LBB2_75:
0x319: {  	p2 =	sne.s32 s14, $0x1;
	[sflag:s31] =	ssyncadd.s32 $0xFFFFF800;
	s13 =	sadd.s32 $0x10, s13  }
.Ltmp46:
0x31a: {  	s14 =	sadd.s32 $0xFFFFFFFF, s14;
	(pc) =	sbr.rel @p2 .LBB2_75-.Ltmp46, $4  }
0x31b: {  	_ = 	snop  }
0x31c: {  	[hbm4b:s3+s11] =	stream.indirect.scatter [tilespmem:s0], [sflag:$0x5], $0x80, s13, s11, $0xb8;
	[tilespmem:$0x18900] =	vst v63  }
0x31d: {  	_ =	swait.ge [sflag:s31], $0x800  }
0x31e: {  	[sflag:s31] =	ssyncset.done $0x0  }
.LBB2_76:
0x31f: {  	[sflag:s31] =	ssyncadd.s32 $0xFFFFF800  }
.LBB2_77:
0x320: {  	(v2sf) =	vpush v4, $0x7;
	_ =	sdelay $0xe  }
0x321: {  	s13 =	spop (v2sf)  }
0x322: {  	s14 =	sadd.s32 $0x1C70, s13;
	s13 =	sadd.s32 $0xF, s13  }
0x323: {  	v6 =	vadd.s32 s14, v0;
	s14 =	sshrl.u32 s13, $0x4  }
0x324: {  	p2 =	seq.s32 s14, $0x0  }
.Ltmp47:
0x325: {  	_ = 	snop;
	(pc) =	sbr.rel @p2 .LBB2_81-.Ltmp47, $3  }
0x326: {  	_ = 	snop  }
0x327: {  	v7 =	vbroadcast v5, $0x7;
	_ =	sdelay $0x1  }
0x328: {  	s13 =	simm.s32 $0x15C70;
	[tilespmem:v6+s2+$0x0] =	vst.idx.msk $0xffff, v7  }
0x329: {  	p2 =	sne.s32 s14, $0x1  }
.Ltmp48:
0x32a: {  	_ = 	snop;
	(pc) =	sbr.rel @!p2 .LBB2_80-.Ltmp48, $4  }
0x32b: {  	_ = 	snop  }
0x32c: {  	[hbm4b:s3+s11] =	stream.indirect.scatter [tilespmem:s0], [sflag:$0x5], $0x80, s13, s11, $0xb8;
	[tilespmem:$0x18900] =	vst v63  }
0x32d: {  	_ =	swait.ge [sflag:s31], $0x800  }
0x32e: {  	s14 =	sadd.s32 $0xFFFFFFFF, s14;
	[sflag:s31] =	ssyncset.done $0x0  }
.LBB2_79:
0x32f: {  	p2 =	sne.s32 s14, $0x1;
	[sflag:s31] =	ssyncadd.s32 $0xFFFFF800;
	s13 =	sadd.s32 $0x10, s13  }
.Ltmp49:
0x330: {  	s14 =	sadd.s32 $0xFFFFFFFF, s14;
	(pc) =	sbr.rel @p2 .LBB2_79-.Ltmp49, $4  }
0x331: {  	_ = 	snop  }
0x332: {  	[hbm4b:s3+s11] =	stream.indirect.scatter [tilespmem:s0], [sflag:$0x5], $0x80, s13, s11, $0xb8;
	[tilespmem:$0x18900] =	vst v63  }
0x333: {  	_ =	swait.ge [sflag:s31], $0x800  }
0x334: {  	[sflag:s31] =	ssyncset.done $0x0  }
.LBB2_80:
0x335: {  	[sflag:s31] =	ssyncadd.s32 $0xFFFFF800  }
.LBB2_81:
0x336: {  	(v2sf) =	vpush v4, $0x8;
	_ =	sdelay $0xe  }
0x337: {  	s13 =	spop (v2sf)  }
0x338: {  	s14 =	sadd.s32 $0x2080, s13;
	s13 =	sadd.s32 $0xF, s13  }
0x339: {  	v6 =	vadd.s32 s14, v0;
	s14 =	sshrl.u32 s13, $0x4  }
0x33a: {  	p2 =	seq.s32 s14, $0x0  }
.Ltmp50:
0x33b: {  	_ = 	snop;
	(pc) =	sbr.rel @p2 .LBB2_85-.Ltmp50, $3  }
0x33c: {  	_ = 	snop  }
0x33d: {  	v7 =	vbroadcast v5, $0x8;
	_ =	sdelay $0x1  }
0x33e: {  	s13 =	simm.s32 $0x16080;
	[tilespmem:v6+s2+$0x0] =	vst.idx.msk $0xffff, v7  }
0x33f: {  	p2 =	sne.s32 s14, $0x1  }
.Ltmp51:
0x340: {  	_ = 	snop;
	(pc) =	sbr.rel @!p2 .LBB2_84-.Ltmp51, $4  }
0x341: {  	_ = 	snop  }
0x342: {  	[hbm4b:s3+s11] =	stream.indirect.scatter [tilespmem:s0], [sflag:$0x5], $0x80, s13, s11, $0xb8;
	[tilespmem:$0x18900] =	vst v63  }
0x343: {  	_ =	swait.ge [sflag:s31], $0x800  }
0x344: {  	s14 =	sadd.s32 $0xFFFFFFFF, s14;
	[sflag:s31] =	ssyncset.done $0x0  }
.LBB2_83:
0x345: {  	p2 =	sne.s32 s14, $0x1;
	[sflag:s31] =	ssyncadd.s32 $0xFFFFF800;
	s13 =	sadd.s32 $0x10, s13  }
.Ltmp52:
0x346: {  	s14 =	sadd.s32 $0xFFFFFFFF, s14;
	(pc) =	sbr.rel @p2 .LBB2_83-.Ltmp52, $4  }
0x347: {  	_ = 	snop  }
0x348: {  	[hbm4b:s3+s11] =	stream.indirect.scatter [tilespmem:s0], [sflag:$0x5], $0x80, s13, s11, $0xb8;
	[tilespmem:$0x18900] =	vst v63  }
0x349: {  	_ =	swait.ge [sflag:s31], $0x800  }
0x34a: {  	[sflag:s31] =	ssyncset.done $0x0  }
.LBB2_84:
0x34b: {  	[sflag:s31] =	ssyncadd.s32 $0xFFFFF800  }
.LBB2_85:
0x34c: {  	(v2sf) =	vpush v4, $0x9;
	_ =	sdelay $0xe  }
0x34d: {  	s13 =	spop (v2sf)  }
0x34e: {  	s14 =	sadd.s32 $0x2490, s13;
	s13 =	sadd.s32 $0xF, s13  }
0x34f: {  	v6 =	vadd.s32 s14, v0;
	s14 =	sshrl.u32 s13, $0x4  }
0x350: {  	p2 =	seq.s32 s14, $0x0  }
.Ltmp53:
0x351: {  	_ = 	snop;
	(pc) =	sbr.rel @p2 .LBB2_89-.Ltmp53, $3  }
0x352: {  	_ = 	snop  }
0x353: {  	v7 =	vbroadcast v5, $0x9;
	_ =	sdelay $0x1  }
0x354: {  	s13 =	simm.s32 $0x16490;
	[tilespmem:v6+s2+$0x0] =	vst.idx.msk $0xffff, v7  }
0x355: {  	p2 =	sne.s32 s14, $0x1  }
.Ltmp54:
0x356: {  	_ = 	snop;
	(pc) =	sbr.rel @!p2 .LBB2_88-.Ltmp54, $4  }
0x357: {  	_ = 	snop  }
0x358: {  	[hbm4b:s3+s11] =	stream.indirect.scatter [tilespmem:s0], [sflag:$0x5], $0x80, s13, s11, $0xb8;
	[tilespmem:$0x18900] =	vst v63  }
0x359: {  	_ =	swait.ge [sflag:s31], $0x800  }
0x35a: {  	s14 =	sadd.s32 $0xFFFFFFFF, s14;
	[sflag:s31] =	ssyncset.done $0x0  }
.LBB2_87:
0x35b: {  	p2 =	sne.s32 s14, $0x1;
	[sflag:s31] =	ssyncadd.s32 $0xFFFFF800;
	s13 =	sadd.s32 $0x10, s13  }
.Ltmp55:
0x35c: {  	s14 =	sadd.s32 $0xFFFFFFFF, s14;
	(pc) =	sbr.rel @p2 .LBB2_87-.Ltmp55, $4  }
0x35d: {  	_ = 	snop  }
0x35e: {  	[hbm4b:s3+s11] =	stream.indirect.scatter [tilespmem:s0], [sflag:$0x5], $0x80, s13, s11, $0xb8;
	[tilespmem:$0x18900] =	vst v63  }
0x35f: {  	_ =	swait.ge [sflag:s31], $0x800  }
0x360: {  	[sflag:s31] =	ssyncset.done $0x0  }
.LBB2_88:
0x361: {  	[sflag:s31] =	ssyncadd.s32 $0xFFFFF800  }
.LBB2_89:
0x362: {  	(v2sf) =	vpush v4, $0xA;
	_ =	sdelay $0xe  }
0x363: {  	s13 =	spop (v2sf)  }
0x364: {  	s14 =	sadd.s32 $0x28A0, s13;
	s13 =	sadd.s32 $0xF, s13  }
0x365: {  	v6 =	vadd.s32 s14, v0;
	s14 =	sshrl.u32 s13, $0x4  }
0x366: {  	p2 =	seq.s32 s14, $0x0  }
.Ltmp56:
0x367: {  	_ = 	snop;
	(pc) =	sbr.rel @p2 .LBB2_93-.Ltmp56, $3  }
0x368: {  	_ = 	snop  }
0x369: {  	v7 =	vbroadcast v5, $0xA;
	_ =	sdelay $0x1  }
0x36a: {  	s13 =	simm.s32 $0x168A0;
	[tilespmem:v6+s2+$0x0] =	vst.idx.msk $0xffff, v7  }
0x36b: {  	p2 =	sne.s32 s14, $0x1  }
.Ltmp57:
0x36c: {  	_ = 	snop;
	(pc) =	sbr.rel @!p2 .LBB2_92-.Ltmp57, $4  }
0x36d: {  	_ = 	snop  }
0x36e: {  	[hbm4b:s3+s11] =	stream.indirect.scatter [tilespmem:s0], [sflag:$0x5], $0x80, s13, s11, $0xb8;
	[tilespmem:$0x18900] =	vst v63  }
0x36f: {  	_ =	swait.ge [sflag:s31], $0x800  }
0x370: {  	s14 =	sadd.s32 $0xFFFFFFFF, s14;
	[sflag:s31] =	ssyncset.done $0x0  }
.LBB2_91:
0x371: {  	p2 =	sne.s32 s14, $0x1;
	[sflag:s31] =	ssyncadd.s32 $0xFFFFF800;
	s13 =	sadd.s32 $0x10, s13  }
.Ltmp58:
0x372: {  	s14 =	sadd.s32 $0xFFFFFFFF, s14;
	(pc) =	sbr.rel @p2 .LBB2_91-.Ltmp58, $4  }
0x373: {  	_ = 	snop  }
0x374: {  	[hbm4b:s3+s11] =	stream.indirect.scatter [tilespmem:s0], [sflag:$0x5], $0x80, s13, s11, $0xb8;
	[tilespmem:$0x18900] =	vst v63  }
0x375: {  	_ =	swait.ge [sflag:s31], $0x800  }
0x376: {  	[sflag:s31] =	ssyncset.done $0x0  }
.LBB2_92:
0x377: {  	[sflag:s31] =	ssyncadd.s32 $0xFFFFF800  }
.LBB2_93:
0x378: {  	(v2sf) =	vpush v4, $0xB;
	_ =	sdelay $0xe  }
0x379: {  	s13 =	spop (v2sf)  }
0x37a: {  	s14 =	sadd.s32 $0x2CB0, s13;
	s13 =	sadd.s32 $0xF, s13  }
0x37b: {  	v6 =	vadd.s32 s14, v0;
	s14 =	sshrl.u32 s13, $0x4  }
0x37c: {  	p2 =	seq.s32 s14, $0x0  }
.Ltmp59:
0x37d: {  	_ = 	snop;
	(pc) =	sbr.rel @p2 .LBB2_97-.Ltmp59, $3  }
0x37e: {  	_ = 	snop  }
0x37f: {  	v7 =	vbroadcast v5, $0xB;
	_ =	sdelay $0x1  }
0x380: {  	s13 =	simm.s32 $0x16CB0;
	[tilespmem:v6+s2+$0x0] =	vst.idx.msk $0xffff, v7  }
0x381: {  	p2 =	sne.s32 s14, $0x1  }
.Ltmp60:
0x382: {  	_ = 	snop;
	(pc) =	sbr.rel @!p2 .LBB2_96-.Ltmp60, $4  }
0x383: {  	_ = 	snop  }
0x384: {  	[hbm4b:s3+s11] =	stream.indirect.scatter [tilespmem:s0], [sflag:$0x5], $0x80, s13, s11, $0xb8;
	[tilespmem:$0x18900] =	vst v63  }
0x385: {  	_ =	swait.ge [sflag:s31], $0x800  }
0x386: {  	s14 =	sadd.s32 $0xFFFFFFFF, s14;
	[sflag:s31] =	ssyncset.done $0x0  }
.LBB2_95:
0x387: {  	p2 =	sne.s32 s14, $0x1;
	[sflag:s31] =	ssyncadd.s32 $0xFFFFF800;
	s13 =	sadd.s32 $0x10, s13  }
.Ltmp61:
0x388: {  	s14 =	sadd.s32 $0xFFFFFFFF, s14;
	(pc) =	sbr.rel @p2 .LBB2_95-.Ltmp61, $4  }
0x389: {  	_ = 	snop  }
0x38a: {  	[hbm4b:s3+s11] =	stream.indirect.scatter [tilespmem:s0], [sflag:$0x5], $0x80, s13, s11, $0xb8;
	[tilespmem:$0x18900] =	vst v63  }
0x38b: {  	_ =	swait.ge [sflag:s31], $0x800  }
0x38c: {  	[sflag:s31] =	ssyncset.done $0x0  }
.LBB2_96:
0x38d: {  	[sflag:s31] =	ssyncadd.s32 $0xFFFFF800  }
.LBB2_97:
0x38e: {  	(v2sf) =	vpush v4, $0xC;
	_ =	sdelay $0xe  }
0x38f: {  	s13 =	spop (v2sf)  }
0x390: {  	s14 =	sadd.s32 $0x30C0, s13;
	s13 =	sadd.s32 $0xF, s13  }
0x391: {  	v6 =	vadd.s32 s14, v0;
	s14 =	sshrl.u32 s13, $0x4  }
0x392: {  	p2 =	seq.s32 s14, $0x0  }
.Ltmp62:
0x393: {  	_ = 	snop;
	(pc) =	sbr.rel @p2 .LBB2_101-.Ltmp62, $3  }
0x394: {  	_ = 	snop  }
0x395: {  	v7 =	vbroadcast v5, $0xC;
	_ =	sdelay $0x1  }
0x396: {  	s13 =	simm.s32 $0x170C0;
	[tilespmem:v6+s2+$0x0] =	vst.idx.msk $0xffff, v7  }
0x397: {  	p2 =	sne.s32 s14, $0x1  }
.Ltmp63:
0x398: {  	_ = 	snop;
	(pc) =	sbr.rel @!p2 .LBB2_100-.Ltmp63, $4  }
0x399: {  	_ = 	snop  }
0x39a: {  	[hbm4b:s3+s11] =	stream.indirect.scatter [tilespmem:s0], [sflag:$0x5], $0x80, s13, s11, $0xb8;
	[tilespmem:$0x18900] =	vst v63  }
0x39b: {  	_ =	swait.ge [sflag:s31], $0x800  }
0x39c: {  	s14 =	sadd.s32 $0xFFFFFFFF, s14;
	[sflag:s31] =	ssyncset.done $0x0  }
.LBB2_99:
0x39d: {  	p2 =	sne.s32 s14, $0x1;
	[sflag:s31] =	ssyncadd.s32 $0xFFFFF800;
	s13 =	sadd.s32 $0x10, s13  }
.Ltmp64:
0x39e: {  	s14 =	sadd.s32 $0xFFFFFFFF, s14;
	(pc) =	sbr.rel @p2 .LBB2_99-.Ltmp64, $4  }
0x39f: {  	_ = 	snop  }
0x3a0: {  	[hbm4b:s3+s11] =	stream.indirect.scatter [tilespmem:s0], [sflag:$0x5], $0x80, s13, s11, $0xb8;
	[tilespmem:$0x18900] =	vst v63  }
0x3a1: {  	_ =	swait.ge [sflag:s31], $0x800  }
0x3a2: {  	[sflag:s31] =	ssyncset.done $0x0  }
.LBB2_100:
0x3a3: {  	[sflag:s31] =	ssyncadd.s32 $0xFFFFF800  }
.LBB2_101:
0x3a4: {  	(v2sf) =	vpush v4, $0xD;
	_ =	sdelay $0xe  }
0x3a5: {  	s13 =	spop (v2sf)  }
0x3a6: {  	s14 =	sadd.s32 $0x34D0, s13;
	s13 =	sadd.s32 $0xF, s13  }
0x3a7: {  	v6 =	vadd.s32 s14, v0;
	s14 =	sshrl.u32 s13, $0x4  }
0x3a8: {  	p2 =	seq.s32 s14, $0x0  }
.Ltmp65:
0x3a9: {  	_ = 	snop;
	(pc) =	sbr.rel @p2 .LBB2_105-.Ltmp65, $3  }
0x3aa: {  	_ = 	snop  }
0x3ab: {  	v7 =	vbroadcast v5, $0xD;
	_ =	sdelay $0x1  }
0x3ac: {  	s13 =	simm.s32 $0x174D0;
	[tilespmem:v6+s2+$0x0] =	vst.idx.msk $0xffff, v7  }
0x3ad: {  	p2 =	sne.s32 s14, $0x1  }
.Ltmp66:
0x3ae: {  	_ = 	snop;
	(pc) =	sbr.rel @!p2 .LBB2_104-.Ltmp66, $4  }
0x3af: {  	_ = 	snop  }
0x3b0: {  	[hbm4b:s3+s11] =	stream.indirect.scatter [tilespmem:s0], [sflag:$0x5], $0x80, s13, s11, $0xb8;
	[tilespmem:$0x18900] =	vst v63  }
0x3b1: {  	_ =	swait.ge [sflag:s31], $0x800  }
0x3b2: {  	s14 =	sadd.s32 $0xFFFFFFFF, s14;
	[sflag:s31] =	ssyncset.done $0x0  }
.LBB2_103:
0x3b3: {  	p2 =	sne.s32 s14, $0x1;
	[sflag:s31] =	ssyncadd.s32 $0xFFFFF800;
	s13 =	sadd.s32 $0x10, s13  }
.Ltmp67:
0x3b4: {  	s14 =	sadd.s32 $0xFFFFFFFF, s14;
	(pc) =	sbr.rel @p2 .LBB2_103-.Ltmp67, $4  }
0x3b5: {  	_ = 	snop  }
0x3b6: {  	[hbm4b:s3+s11] =	stream.indirect.scatter [tilespmem:s0], [sflag:$0x5], $0x80, s13, s11, $0xb8;
	[tilespmem:$0x18900] =	vst v63  }
0x3b7: {  	_ =	swait.ge [sflag:s31], $0x800  }
0x3b8: {  	[sflag:s31] =	ssyncset.done $0x0  }
.LBB2_104:
0x3b9: {  	[sflag:s31] =	ssyncadd.s32 $0xFFFFF800  }
.LBB2_105:
0x3ba: {  	(v2sf) =	vpush v4, $0xE;
	_ =	sdelay $0xe  }
0x3bb: {  	s13 =	spop (v2sf)  }
0x3bc: {  	s14 =	sadd.s32 $0x38E0, s13;
	s13 =	sadd.s32 $0xF, s13  }
0x3bd: {  	v6 =	vadd.s32 s14, v0;
	s14 =	sshrl.u32 s13, $0x4  }
0x3be: {  	p2 =	seq.s32 s14, $0x0  }
.Ltmp68:
0x3bf: {  	_ = 	snop;
	(pc) =	sbr.rel @p2 .LBB2_109-.Ltmp68, $3  }
0x3c0: {  	_ = 	snop  }
0x3c1: {  	v7 =	vbroadcast v5, $0xE;
	_ =	sdelay $0x1  }
0x3c2: {  	s13 =	simm.s32 $0x178E0;
	[tilespmem:v6+s2+$0x0] =	vst.idx.msk $0xffff, v7  }
0x3c3: {  	p2 =	sne.s32 s14, $0x1  }
.Ltmp69:
0x3c4: {  	_ = 	snop;
	(pc) =	sbr.rel @!p2 .LBB2_108-.Ltmp69, $4  }
0x3c5: {  	_ = 	snop  }
0x3c6: {  	[hbm4b:s3+s11] =	stream.indirect.scatter [tilespmem:s0], [sflag:$0x5], $0x80, s13, s11, $0xb8;
	[tilespmem:$0x18900] =	vst v63  }
0x3c7: {  	_ =	swait.ge [sflag:s31], $0x800  }
0x3c8: {  	s14 =	sadd.s32 $0xFFFFFFFF, s14;
	[sflag:s31] =	ssyncset.done $0x0  }
.LBB2_107:
0x3c9: {  	p2 =	sne.s32 s14, $0x1;
	[sflag:s31] =	ssyncadd.s32 $0xFFFFF800;
	s13 =	sadd.s32 $0x10, s13  }
.Ltmp70:
0x3ca: {  	s14 =	sadd.s32 $0xFFFFFFFF, s14;
	(pc) =	sbr.rel @p2 .LBB2_107-.Ltmp70, $4  }
0x3cb: {  	_ = 	snop  }
0x3cc: {  	[hbm4b:s3+s11] =	stream.indirect.scatter [tilespmem:s0], [sflag:$0x5], $0x80, s13, s11, $0xb8;
	[tilespmem:$0x18900] =	vst v63  }
0x3cd: {  	_ =	swait.ge [sflag:s31], $0x800  }
0x3ce: {  	[sflag:s31] =	ssyncset.done $0x0  }
.LBB2_108:
0x3cf: {  	[sflag:s31] =	ssyncadd.s32 $0xFFFFF800  }
.LBB2_109:
0x3d0: {  	(v2sf) =	vpush v4, $0xF;
	_ =	sdelay $0xe  }
0x3d1: {  	s13 =	spop (v2sf)  }
0x3d2: {  	s14 =	sadd.s32 $0x3CF0, s13;
	s13 =	sadd.s32 $0xF, s13  }
0x3d3: {  	v4 =	vadd.s32 s14, v0;
	s14 =	sshrl.u32 s13, $0x4  }
0x3d4: {  	p2 =	seq.s32 s14, $0x0  }
.Ltmp71:
0x3d5: {  	_ = 	snop;
	(pc) =	sbr.rel @p2 .LBB2_113-.Ltmp71, $3  }
0x3d6: {  	_ = 	snop  }
0x3d7: {  	v5 =	vbroadcast v5, $0xF;
	_ =	sdelay $0x1  }
0x3d8: {  	s13 =	simm.s32 $0x17CF0;
	[tilespmem:v4+s2+$0x0] =	vst.idx.msk $0xffff, v5  }
0x3d9: {  	p2 =	sne.s32 s14, $0x1  }
.Ltmp72:
0x3da: {  	_ = 	snop;
	(pc) =	sbr.rel @!p2 .LBB2_112-.Ltmp72, $4  }
0x3db: {  	_ = 	snop  }
0x3dc: {  	[hbm4b:s3+s11] =	stream.indirect.scatter [tilespmem:s0], [sflag:$0x5], $0x80, s13, s11, $0xb8;
	[tilespmem:$0x18900] =	vst v63  }
0x3dd: {  	_ =	swait.ge [sflag:s31], $0x800  }
0x3de: {  	s14 =	sadd.s32 $0xFFFFFFFF, s14;
	[sflag:s31] =	ssyncset.done $0x0  }
.LBB2_111:
0x3df: {  	p2 =	sne.s32 s14, $0x1;
	[sflag:s31] =	ssyncadd.s32 $0xFFFFF800;
	s13 =	sadd.s32 $0x10, s13  }
.Ltmp73:
0x3e0: {  	s14 =	sadd.s32 $0xFFFFFFFF, s14;
	(pc) =	sbr.rel @p2 .LBB2_111-.Ltmp73, $4  }
0x3e1: {  	_ = 	snop  }
0x3e2: {  	[hbm4b:s3+s11] =	stream.indirect.scatter [tilespmem:s0], [sflag:$0x5], $0x80, s13, s11, $0xb8;
	[tilespmem:$0x18900] =	vst v63  }
0x3e3: {  	_ =	swait.ge [sflag:s31], $0x800  }
0x3e4: {  	[sflag:s31] =	ssyncset.done $0x0  }
.Ltmp74:
0x3e5: {  	_ = 	snop;
	(pc) =	sbr.rel .LBB2_112-.Ltmp74, $1  }
0x3e6: {  	_ =	sdelay $0x3  }
.LBB2_114:
0x3e7: {  	_ =	sfence.sel $0x180000  }
0x3e8: {  	[bflag:$0x0] =	sbarrier.arrive $0xFFFF  }
0x3e9: {  	_ =	strace $0x90000047  }
0x3ea: {  	s0 =	stileid.u32;
	[bflag:$0x2] =	sbarrier.arrive $0xFFFF  }
0x3eb: {  	p0 =	sne.s32 s0, $0x0;
	s0 =	rddreg [dreg:$0x4]  }
0x3ec: {  	s0 =	sadd.s32 @!p0 $0x100000, s0  }
0x3ed: {  	[sflag:s0] =	ssyncadd.tile.s32 @!p0 $0x1;
	_ =	shalt  }
.Lfunc_end2:
_tile_overlayer_lowered:
.L_overlay_start_2:
0x3ee: {  	(tag) =	ssettag $0x2  }
0x3ef: {  	s0 =	rddreg [dreg:$0x0];
	s2 =	stileid.u32  }
0x3f0: {  	s1 =	rddreg [dreg:$0x1];
	p0 =	sne.s32 s2, $0x0  }
0x3f1: {  	s3 =	rddreg [dreg:$0x2];
	[bflag:$0x3] =	sbarrier.arrive $0xFFFF;
	s2 =	simm.s32 @!p0 $0x1C05  }
0x3f2: {  	[timem:s3], [sflag:s2] =	dma.local @!p0 [hbm:s0], s1  }
0x3f3: {  	s0 =	simm.s32 @!p0 $0x5  }
0x3f4: {  	_ =	swait.ge @!p0 [sflag:s0], s1  }
0x3f5: {  	s1 =	ssub.s32 @!p0 $0x0, s1;
	[sflag:s0] =	ssyncset.done @!p0 $0x0  }
0x3f6: {  	[sflag:s0] =	ssyncadd.s32 @!p0 s1  }
0x3f7: {  	[bflag:$0x3] =	sbarrier.arrive $0xFFFF  }
0x3f8: {  	_ =	shalt  }

</sc_bundles>
